<compile_context>
chip_gen: v7x
topology: tpu7x:2x2x1
jax: 0.10.2.dev20260603
libtpu: 0.0.44.dev20260713+nightly
codegen_flags: <defaults>
</compile_context>

<pallas_src>
import functools

import jax
import jax.numpy as jnp
from jax import lax
from jax.experimental import pallas as pl
from jax.experimental.pallas import tpu as pltpu
from jax.experimental.pallas import tpu_sc as plsc

N = 10000
D = 128
E = 320000
NC = 2
NS = 16
NW = NC * NS
NPAD = 10112
TRASH = 10048
CH = 96
KC = 108
EPW = KC * CH
EPAD = NW * EPW
RPT = NPAD // NS
RB = 400
GRID = N // RB



def _deg_body(dst_hbm, zeros_hbm, ones_hbm, out_hbm, idx_v, ones_v, acc_sh,
              s0, s1):
    sems = (s0, s1)
    cid = lax.axis_index("c")
    sid = lax.axis_index("s")
    wid = cid * NS + sid

    pltpu.sync_copy(zeros_hbm.at[pl.ds(sid * RPT, RPT)],
                    acc_sh.at[pl.ds(sid * RPT, RPT)])

    pltpu.sync_copy(ones_hbm, ones_v)
    pltpu.sync_copy(dst_hbm.at[wid], idx_v)
    plsc.subcore_barrier()

    def group(jj, _):
        j0 = jj * 2
        for b in range(2):
            j = j0 + b

            @pl.when(j >= 2)
            def _():
                pltpu.make_async_copy(
                    ones_v, acc_sh.at[idx_v.at[j - 2]], sems[b]).wait()

            pltpu.async_copy(ones_v, acc_sh.at[idx_v.at[j]], sems[b], add=True)
        return 0
    lax.fori_loop(0, KC // 2, group, 0)
    for b in range(2):
        pltpu.make_async_copy(
            ones_v, acc_sh.at[idx_v.at[KC - 2 + b]], sems[b]).wait()

    plsc.subcore_barrier()
    pltpu.sync_copy(acc_sh.at[pl.ds(sid * RPT, RPT)],
                    out_hbm.at[cid, pl.ds(sid * RPT, RPT)])


def _seg_body(g_hbm, idx_hbm, zeros_hbm, out_hbm,
              i0, i1, i2, i3, rows0, rows1, rows2, acc_sh,
              q0, q1, q2, q3, g0, g1, g2):
    islot = (i0, i1, i2, i3)
    isem = (q0, q1, q2, q3)
    rows = (rows0, rows1, rows2)
    gsem = (g0, g1, g2)
    cid = lax.axis_index("c")
    sid = lax.axis_index("s")
    wid = cid * NS + sid

    pltpu.sync_copy(zeros_hbm.at[pl.ds(sid * RPT, RPT)],
                    acc_sh.at[pl.ds(sid * RPT, RPT)])

    for r in range(4):
        pltpu.async_copy(idx_hbm.at[wid, r], islot[r], isem[r])
    for r in range(2):
        pltpu.make_async_copy(idx_hbm.at[wid, r], islot[r], isem[r]).wait()
        pltpu.async_copy(g_hbm.at[islot[r].at[0]], rows[r], gsem[r])
    plsc.subcore_barrier()

    def group(jj, _):
        j0 = jj * 12
        for b12 in range(12):
            j = j0 + b12
            b = b12 % 3
            s = b12 % 4
            pltpu.make_async_copy(
                g_hbm.at[islot[s].at[0]], rows[b], gsem[b]).wait()

            @pl.when(j + 2 < KC)
            def _():
                pltpu.make_async_copy(
                    idx_hbm.at[wid, j + 2], islot[(s + 2) % 4],
                    isem[(s + 2) % 4]).wait()
                pltpu.async_copy(
                    g_hbm.at[islot[(s + 2) % 4].at[0]], rows[(b + 2) % 3],
                    gsem[(b + 2) % 3])

            pltpu.sync_copy(rows[b], acc_sh.at[islot[s].at[1]], add=True)

            @pl.when(j + 4 < KC)
            def _():
                pltpu.async_copy(idx_hbm.at[wid, j + 4], islot[s], isem[s])
        return 0
    lax.fori_loop(0, KC // 12, group, 0)

    plsc.subcore_barrier()
    pltpu.sync_copy(acc_sh.at[pl.ds(sid * RPT, RPT)],
                    out_hbm.at[cid, pl.ds(sid * RPT, RPT)])


@functools.lru_cache(maxsize=None)
def _sc_kernels():
    mesh = plsc.VectorSubcoreMesh(core_axis_name="c", subcore_axis_name="s")
    deg = pl.kernel(
        _deg_body,
        out_type=jax.ShapeDtypeStruct((NC, NPAD, D), jnp.float32),
        mesh=mesh,
        scratch_types=[
            pltpu.VMEM((KC, CH), jnp.int32),
            pltpu.VMEM((CH, D), jnp.float32),
            pltpu.VMEM_SHARED((NPAD, D), jnp.float32),
            pltpu.SemaphoreType.DMA,
            pltpu.SemaphoreType.DMA,
        ],
    )
    seg = pl.kernel(
        _seg_body,
        out_type=jax.ShapeDtypeStruct((NC, NPAD, D), jnp.float32),
        mesh=mesh,
        scratch_types=(
            [pltpu.VMEM((2, CH), jnp.int32)] * 4
            + [pltpu.VMEM((CH, D), jnp.float32)] * 3
            + [pltpu.VMEM_SHARED((NPAD, D), jnp.float32)]
            + [pltpu.SemaphoreType.DMA] * 7
        ),
    )
    return deg, seg



def _mm_body(x_ref, w_ref, o_ref):
    o_ref[:, :] = jnp.dot(x_ref[:, :], w_ref[:, :],
                          preferred_element_type=jnp.float32)


def _scale_body(h_ref, degp_ref, g_ref, dinvb_ref):
    deg = degp_ref[0, :, 0:1] + degp_ref[1, :, 0:1]
    dinv = lax.rsqrt(jnp.maximum(deg, 1e-12))
    dinvb = jnp.broadcast_to(dinv, (RB, D))
    dinvb_ref[:, :] = dinvb
    g_ref[:, :] = h_ref[:, :] * dinvb


def _comb_mm2_body(acc_ref, dinvb_ref, prev_ref, tau_ref, b_ref, w_ref,
                   emb_ref, g2_ref):
    dinv = dinvb_ref[:, :]
    s = acc_ref[0] + acc_ref[1]
    h = jnp.maximum(s * dinv + b_ref[:, :], 0.0)
    tau = tau_ref[0, 0]
    emb = tau * prev_ref[:, :] + (1.0 - tau) * h
    emb_ref[:, :] = emb
    g2_ref[:, :] = jnp.dot(emb, w_ref[:, :],
                           preferred_element_type=jnp.float32) * dinv


def _comb_body(acc_ref, dinvb_ref, prev_ref, tau_ref, b_ref, emb_ref):
    dinv = dinvb_ref[:, :]
    s = acc_ref[0] + acc_ref[1]
    h = jnp.maximum(s * dinv + b_ref[:, :], 0.0)
    tau = tau_ref[0, 0]
    emb_ref[:, :] = tau * prev_ref[:, :] + (1.0 - tau) * h


_spec_rows = pl.BlockSpec((RB, D), lambda i: (i, 0))
_spec_w = pl.BlockSpec((D, D), lambda i: (0, 0))
_spec_degp = pl.BlockSpec((NC, RB, D), lambda i: (0, i, 0))
_spec_acc = pl.BlockSpec((NC, RB, D), lambda i: (0, i, 0))
_spec_tau = pl.BlockSpec((1, 1), lambda i: (0, 0))
_spec_b = pl.BlockSpec((1, D), lambda i: (0, 0))
_shape_out = jax.ShapeDtypeStruct((N, D), jnp.float32)

_mm = pl.pallas_call(
    _mm_body,
    grid=(GRID,),
    in_specs=[_spec_rows, _spec_w],
    out_specs=_spec_rows,
    out_shape=_shape_out,
)

_scale = pl.pallas_call(
    _scale_body,
    grid=(GRID,),
    in_specs=[_spec_rows, _spec_degp],
    out_specs=(_spec_rows, _spec_rows),
    out_shape=(_shape_out, _shape_out),
)

_comb_mm2 = pl.pallas_call(
    _comb_mm2_body,
    grid=(GRID,),
    in_specs=[_spec_acc, _spec_rows, _spec_rows, _spec_tau, _spec_b, _spec_w],
    out_specs=(_spec_rows, _spec_rows),
    out_shape=(_shape_out, _shape_out),
)

_comb = pl.pallas_call(
    _comb_body,
    grid=(GRID,),
    in_specs=[_spec_acc, _spec_rows, _spec_rows, _spec_tau, _spec_b],
    out_specs=_spec_rows,
    out_shape=_shape_out,
)



def kernel(x, edge_index, W1, b1, W2, b2, tau, prev0, prev1):
    deg_k, seg_k = _sc_kernels()

    loop = jnp.arange(N, dtype=jnp.int32)
    npad_e = EPAD - E - N
    pad_i = jnp.arange(npad_e, dtype=jnp.int32)
    src3 = jnp.concatenate(
        [edge_index[0], loop, pad_i % N]
    ).reshape(NW, KC, CH)
    dst3 = jnp.concatenate(
        [edge_index[1], loop, N + pad_i % (NPAD - N)]
    ).reshape(NW, KC, CH)
    idx4 = jnp.stack([src3, dst3], axis=2)

    ones_rows = jnp.ones((CH, D), jnp.float32)
    zerosD = jnp.zeros((NPAD, D), jnp.float32)
    tau2 = tau.reshape(1, 1)
    b1r = b1.reshape(1, D)
    b2r = b2.reshape(1, D)

    h1 = _mm(x, W1)
    degp = deg_k(dst3, zerosD, ones_rows)
    g1, dinvb = _scale(h1, degp)
    acc1 = seg_k(g1, idx4, zerosD)
    emb0, g2 = _comb_mm2(acc1, dinvb, prev0, tau2, b1r, W2)
    acc2 = seg_k(g2, idx4, zerosD)
    emb1 = _comb(acc2, dinvb, prev1, tau2, b2r)
    return (emb0, emb1)

# --- scband reference (transcript-rebuilt; emitter-appended) ---
"""Pipeline reference for scband-roland-3994319585327 (READ-ONLY COPY).

The authoritative reference and input builder live on the scoring server;
editing this copy changes nothing except your own understanding.
"""

import jax, jax.numpy as jnp
import numpy as np

NUM_NODES = 10000
IN_CH = 128
OUT_CH = 128
NUM_EDGES = 320000


def gcn_conv(x, edge_index, W, b):
    # Faithful GCNConv: add self-loops, symmetric normalization, linear, scatter-add, bias.
    n = x.shape[0]
    src = edge_index[0]
    dst = edge_index[1]
    loop = jnp.arange(n, dtype=src.dtype)
    src = jnp.concatenate([src, loop])
    dst = jnp.concatenate([dst, loop])
    deg = jnp.zeros((n,), dtype=x.dtype).at[dst].add(1.0)
    deg_inv_sqrt = jnp.where(deg > 0, jax.lax.rsqrt(jnp.maximum(deg, 1e-12)), 0.0)
    norm = deg_inv_sqrt[src] * deg_inv_sqrt[dst]
    h = x @ W
    msg = jnp.take(h, src, axis=0) * norm[:, None]
    out = jax.ops.segment_sum(msg, dst, num_segments=n)
    return out + b


def setup_inputs(seed: int = 0) -> dict:
    key = jax.random.key(seed)
    k1, k2, k3, k4 = jax.random.split(key, 4)
    x = jax.random.normal(k1, (NUM_NODES, IN_CH), dtype=jnp.float32)
    edge_index = jax.random.randint(k2, (2, NUM_EDGES), 0, NUM_NODES, dtype=jnp.int32)
    # GCNConv learned params (glorot-style init), bias zeros like PyG default reset
    lim1 = float(np.sqrt(6.0 / (IN_CH + OUT_CH)))
    W1 = jax.random.uniform(k3, (IN_CH, OUT_CH), dtype=jnp.float32, minval=-lim1, maxval=lim1)
    b1 = jnp.zeros((OUT_CH,), dtype=jnp.float32)
    lim2 = float(np.sqrt(6.0 / (OUT_CH + OUT_CH)))
    W2 = jax.random.uniform(k4, (OUT_CH, OUT_CH), dtype=jnp.float32, minval=-lim2, maxval=lim2)
    b2 = jnp.zeros((OUT_CH,), dtype=jnp.float32)
    # update='learnable': tau is a Parameter initialized from torch.Tensor([0]) -> [0.0]
    tau = jnp.zeros((1,), dtype=jnp.float32)
    # previous_embeddings default to zeros [num_nodes, out_channel] (two layers)
    prev0 = jnp.zeros((NUM_NODES, OUT_CH), dtype=jnp.float32)
    prev1 = jnp.zeros((NUM_NODES, OUT_CH), dtype=jnp.float32)
    return {"x": x, "edge_index": edge_index, "W1": W1, "b1": b1, "W2": W2, "b2": b2, "tau": tau, "prev0": prev0, "prev1": prev1}


def reference(x, edge_index, W1, b1, W2, b2, tau, prev0, prev1):
    # layer 1
    h = gcn_conv(x, edge_index, W1, b1)
    h = jax.nn.relu(h)
    # dropout p=0.0 -> identity
    # learnable update: h = tau*prev + (1-tau)*h, then .detach() in torch
    h = jax.lax.stop_gradient(tau * prev0 + (1.0 - tau) * h)
    emb0 = h
    # layer 2
    h2 = gcn_conv(h, edge_index, W2, b2)
    h2 = jax.nn.relu(h2)
    h2 = jax.lax.stop_gradient(tau * prev1 + (1.0 - tau) * h2)
    emb1 = h2
    return (emb0, emb1)

if __name__ == "__main__":
    import jax
    _d = setup_inputs()
    print(jax.jit(kernel)(*tuple(_d.values())))

</pallas_src>

<mosaic_0001>
#map = affine_map<(d0, d1) -> (0, 0)>
#map1 = affine_map<(d0, d1) -> (0, 0, 0, 0)>
#map2 = affine_map<(d0, d1) -> (0, 0, 0)>
module attributes {stable_mosaic.version = 14 : i64} {
  func.func @_seg_body(%arg0: i32, %arg1: i32, %arg2: memref<10000x128xf32, #tpu.memory_space<hbm>>, %arg3: memref<32x108x2x96xi32, #tpu.memory_space<hbm>>, %arg4: memref<10112x128xf32, #tpu.memory_space<hbm>>, %arg5: memref<2x10112x128xf32, #tpu.memory_space<hbm>>, %arg6: memref<2x96xi32, #tpu.memory_space<vmem>>, %arg7: memref<2x96xi32, #tpu.memory_space<vmem>>, %arg8: memref<2x96xi32, #tpu.memory_space<vmem>>, %arg9: memref<2x96xi32, #tpu.memory_space<vmem>>, %arg10: memref<96x128xf32, #tpu.memory_space<vmem>>, %arg11: memref<96x128xf32, #tpu.memory_space<vmem>>, %arg12: memref<96x128xf32, #tpu.memory_space<vmem>>, %arg13: memref<10112x128xf32, #tpu.memory_space<vmem_shared>>, %arg14: memref<!tpu.dma_semaphore, #tpu.memory_space<semaphore_mem>>, %arg15: memref<!tpu.dma_semaphore, #tpu.memory_space<semaphore_mem>>, %arg16: memref<!tpu.dma_semaphore, #tpu.memory_space<semaphore_mem>>, %arg17: memref<!tpu.dma_semaphore, #tpu.memory_space<semaphore_mem>>, %arg18: memref<!tpu.dma_semaphore, #tpu.memory_space<semaphore_mem>>, %arg19: memref<!tpu.dma_semaphore, #tpu.memory_space<semaphore_mem>>, %arg20: memref<!tpu.dma_semaphore, #tpu.memory_space<semaphore_mem>>) attributes {dimension_semantics = [#tpu.dimension_semantics<core_parallel>, #tpu.dimension_semantics<subcore_parallel>], iteration_bounds = array<i64: 2, 16>, scalar_prefetch = 0 : i64, scratch_operands = 15 : i64, tpu.core_type = #tpu.core_type<sc_vector_subcore>, window_params = [{transform_indices = #map}, {transform_indices = #map1}, {transform_indices = #map}, {transform_indices = #map2}]} {
    %mul3A = arith.constant 16 : i32
    %mul3A_0 = arith.muli %arg0, %mul3A : i32
    %add3A = arith.addi %mul3A_0, %arg1 : i32
    %mul3A_1 = arith.constant 632 : i32
    %mul3A_2 = arith.muli %arg1, %mul3A_1 : i32
    %mul3A_3 = arith.constant 632 : i32
    %mul3A_4 = arith.muli %arg1, %mul3A_3 : i32
    "tpu.region"() ({
      %run_scoped3A = tpu.sem_alloc : memref<!tpu.dma_semaphore, #tpu.memory_space<semaphore_mem>>
      %dma_start3A_82 = arith.constant 0 : i32
      %dma_start3A_83 = tpu.memref_slice %arg13[%mul3A_4, %dma_start3A_82] : memref<10112x128xf32, #tpu.memory_space<vmem_shared>> -> memref<632x128xf32, #tpu.memory_space<vmem_shared>>
      %dma_start3A_84 = arith.constant 0 : i32
      %dma_start3A_85 = tpu.memref_slice %arg4[%mul3A_2, %dma_start3A_84] : memref<10112x128xf32, #tpu.memory_space<hbm>> -> memref<632x128xf32, #tpu.memory_space<hbm>>
      tpu.enqueue_dma source(%dma_start3A_85 : memref<632x128xf32, #tpu.memory_space<hbm>>) target(%dma_start3A_83 : memref<632x128xf32, #tpu.memory_space<vmem_shared>>) target_semaphore(%run_scoped3A : memref<!tpu.dma_semaphore, #tpu.memory_space<semaphore_mem>>)
      %dma_wait3A_86 = arith.constant 0 : i32
      %dma_wait3A_87 = tpu.memref_slice %arg13[%mul3A_4, %dma_wait3A_86] : memref<10112x128xf32, #tpu.memory_space<vmem_shared>> -> memref<632x128xf32, #tpu.memory_space<vmem_shared>>
      %dma_wait3A_88 = arith.constant 0 : i32
      %dma_wait3A_89 = tpu.memref_slice %arg4[%mul3A_2, %dma_wait3A_88] : memref<10112x128xf32, #tpu.memory_space<hbm>> -> memref<632x128xf32, #tpu.memory_space<hbm>>
      tpu.wait_dma2 semaphore(%run_scoped3A : memref<!tpu.dma_semaphore, #tpu.memory_space<semaphore_mem>>) src(%dma_wait3A_89 : memref<632x128xf32, #tpu.memory_space<hbm>>) dst(%dma_wait3A_87 : memref<632x128xf32, #tpu.memory_space<vmem_shared>>)
      tpu.yield
    }) : () -> ()
    %dma_start3A = arith.constant 0 : i32
    %dma_start3A_5 = arith.constant 0 : i32
    %dma_start3A_6 = arith.constant 0 : i32
    %dma_start3A_7 = tpu.memref_slice %arg3[%add3A, %dma_start3A, %dma_start3A_5, %dma_start3A_6] : memref<32x108x2x96xi32, #tpu.memory_space<hbm>> -> memref<1x1x2x96xi32, #tpu.memory_space<hbm>>
    %dma_start3A_8 = tpu.memref_squeeze %dma_start3A_7 : memref<1x1x2x96xi32, #tpu.memory_space<hbm>> -> memref<2x96xi32, #tpu.memory_space<hbm>>
    %dma_start3A_9 = arith.constant 0 : i32
    %dma_start3A_10 = arith.constant 0 : i32
    %dma_start3A_11 = tpu.memref_slice %arg3[%add3A, %dma_start3A, %dma_start3A_9, %dma_start3A_10] : memref<32x108x2x96xi32, #tpu.memory_space<hbm>> -> memref<1x1x2x96xi32, #tpu.memory_space<hbm>>
    %dma_start3A_12 = tpu.memref_squeeze %dma_start3A_11 : memref<1x1x2x96xi32, #tpu.memory_space<hbm>> -> memref<2x96xi32, #tpu.memory_space<hbm>>
    tpu.enqueue_dma source(%dma_start3A_12 : memref<2x96xi32, #tpu.memory_space<hbm>>) target(%arg6 : memref<2x96xi32, #tpu.memory_space<vmem>>) target_semaphore(%arg14 : memref<!tpu.dma_semaphore, #tpu.memory_space<semaphore_mem>>)
    %dma_start3A_13 = arith.constant 1 : i32
    %dma_start3A_14 = arith.constant 0 : i32
    %dma_start3A_15 = arith.constant 0 : i32
    %dma_start3A_16 = tpu.memref_slice %arg3[%add3A, %dma_start3A_13, %dma_start3A_14, %dma_start3A_15] : memref<32x108x2x96xi32, #tpu.memory_space<hbm>> -> memref<1x1x2x96xi32, #tpu.memory_space<hbm>>
    %dma_start3A_17 = tpu.memref_squeeze %dma_start3A_16 : memref<1x1x2x96xi32, #tpu.memory_space<hbm>> -> memref<2x96xi32, #tpu.memory_space<hbm>>
    %dma_start3A_18 = arith.constant 0 : i32
    %dma_start3A_19 = arith.constant 0 : i32
    %dma_start3A_20 = tpu.memref_slice %arg3[%add3A, %dma_start3A_13, %dma_start3A_18, %dma_start3A_19] : memref<32x108x2x96xi32, #tpu.memory_space<hbm>> -> memref<1x1x2x96xi32, #tpu.memory_space<hbm>>
    %dma_start3A_21 = tpu.memref_squeeze %dma_start3A_20 : memref<1x1x2x96xi32, #tpu.memory_space<hbm>> -> memref<2x96xi32, #tpu.memory_space<hbm>>
    tpu.enqueue_dma source(%dma_start3A_21 : memref<2x96xi32, #tpu.memory_space<hbm>>) target(%arg7 : memref<2x96xi32, #tpu.memory_space<vmem>>) target_semaphore(%arg15 : memref<!tpu.dma_semaphore, #tpu.memory_space<semaphore_mem>>)
    %dma_start3A_22 = arith.constant 2 : i32
    %dma_start3A_23 = arith.constant 0 : i32
    %dma_start3A_24 = arith.constant 0 : i32
    %dma_start3A_25 = tpu.memref_slice %arg3[%add3A, %dma_start3A_22, %dma_start3A_23, %dma_start3A_24] : memref<32x108x2x96xi32, #tpu.memory_space<hbm>> -> memref<1x1x2x96xi32, #tpu.memory_space<hbm>>
    %dma_start3A_26 = tpu.memref_squeeze %dma_start3A_25 : memref<1x1x2x96xi32, #tpu.memory_space<hbm>> -> memref<2x96xi32, #tpu.memory_space<hbm>>
    %dma_start3A_27 = arith.constant 0 : i32
    %dma_start3A_28 = arith.constant 0 : i32
    %dma_start3A_29 = tpu.memref_slice %arg3[%add3A, %dma_start3A_22, %dma_start3A_27, %dma_start3A_28] : memref<32x108x2x96xi32, #tpu.memory_space<hbm>> -> memref<1x1x2x96xi32, #tpu.memory_space<hbm>>
    %dma_start3A_30 = tpu.memref_squeeze %dma_start3A_29 : memref<1x1x2x96xi32, #tpu.memory_space<hbm>> -> memref<2x96xi32, #tpu.memory_space<hbm>>
    tpu.enqueue_dma source(%dma_start3A_30 : memref<2x96xi32, #tpu.memory_space<hbm>>) target(%arg8 : memref<2x96xi32, #tpu.memory_space<vmem>>) target_semaphore(%arg16 : memref<!tpu.dma_semaphore, #tpu.memory_space<semaphore_mem>>)
    %dma_start3A_31 = arith.constant 3 : i32
    %dma_start3A_32 = arith.constant 0 : i32
    %dma_start3A_33 = arith.constant 0 : i32
    %dma_start3A_34 = tpu.memref_slice %arg3[%add3A, %dma_start3A_31, %dma_start3A_32, %dma_start3A_33] : memref<32x108x2x96xi32, #tpu.memory_space<hbm>> -> memref<1x1x2x96xi32, #tpu.memory_space<hbm>>
    %dma_start3A_35 = tpu.memref_squeeze %dma_start3A_34 : memref<1x1x2x96xi32, #tpu.memory_space<hbm>> -> memref<2x96xi32, #tpu.memory_space<hbm>>
    %dma_start3A_36 = arith.constant 0 : i32
    %dma_start3A_37 = arith.constant 0 : i32
    %dma_start3A_38 = tpu.memref_slice %arg3[%add3A, %dma_start3A_31, %dma_start3A_36, %dma_start3A_37] : memref<32x108x2x96xi32, #tpu.memory_space<hbm>> -> memref<1x1x2x96xi32, #tpu.memory_space<hbm>>
    %dma_start3A_39 = tpu.memref_squeeze %dma_start3A_38 : memref<1x1x2x96xi32, #tpu.memory_space<hbm>> -> memref<2x96xi32, #tpu.memory_space<hbm>>
    tpu.enqueue_dma source(%dma_start3A_39 : memref<2x96xi32, #tpu.memory_space<hbm>>) target(%arg9 : memref<2x96xi32, #tpu.memory_space<vmem>>) target_semaphore(%arg17 : memref<!tpu.dma_semaphore, #tpu.memory_space<semaphore_mem>>)
    %dma_wait3A = arith.constant 0 : i32
    %dma_wait3A_40 = arith.constant 0 : i32
    %dma_wait3A_41 = arith.constant 0 : i32
    %dma_wait3A_42 = tpu.memref_slice %arg3[%add3A, %dma_wait3A, %dma_wait3A_40, %dma_wait3A_41] : memref<32x108x2x96xi32, #tpu.memory_space<hbm>> -> memref<1x1x2x96xi32, #tpu.memory_space<hbm>>
    %dma_wait3A_43 = tpu.memref_squeeze %dma_wait3A_42 : memref<1x1x2x96xi32, #tpu.memory_space<hbm>> -> memref<2x96xi32, #tpu.memory_space<hbm>>
    %dma_wait3A_44 = arith.constant 0 : i32
    %dma_wait3A_45 = arith.constant 0 : i32
    %dma_wait3A_46 = tpu.memref_slice %arg3[%add3A, %dma_wait3A, %dma_wait3A_44, %dma_wait3A_45] : memref<32x108x2x96xi32, #tpu.memory_space<hbm>> -> memref<1x1x2x96xi32, #tpu.memory_space<hbm>>
    %dma_wait3A_47 = tpu.memref_squeeze %dma_wait3A_46 : memref<1x1x2x96xi32, #tpu.memory_space<hbm>> -> memref<2x96xi32, #tpu.memory_space<hbm>>
    tpu.wait_dma2 semaphore(%arg14 : memref<!tpu.dma_semaphore, #tpu.memory_space<semaphore_mem>>) src(%dma_wait3A_47 : memref<2x96xi32, #tpu.memory_space<hbm>>) dst(%arg6 : memref<2x96xi32, #tpu.memory_space<vmem>>)
    %dma_start3A_48 = arith.constant 0 : i32
    %dma_start3A_49 = arith.constant 0 : i32
    %dma_start3A_50 = tpu.memref_slice %arg6[%dma_start3A_48, %dma_start3A_49] : memref<2x96xi32, #tpu.memory_space<vmem>> -> memref<1x96xi32, #tpu.memory_space<vmem>>
    %dma_start3A_51 = tpu.memref_squeeze %dma_start3A_50 : memref<1x96xi32, #tpu.memory_space<vmem>> -> memref<96xi32, #tpu.memory_space<vmem>>
    %dma_start3A_52 = arith.constant 0 : i32
    %dma_start3A_53 = arith.constant 0 : i32
    %dma_start3A_54 = tpu.memref_slice %arg2[%dma_start3A_52, %dma_start3A_53] : memref<10000x128xf32, #tpu.memory_space<hbm>> -> memref<10000x128xf32, #tpu.memory_space<hbm>>
    tpu.enqueue_indirect_dma source(%dma_start3A_54 : memref<10000x128xf32, #tpu.memory_space<hbm>>) target(%arg10 : memref<96x128xf32, #tpu.memory_space<vmem>>) offsets(%dma_start3A_51 : memref<96xi32, #tpu.memory_space<vmem>>) semaphore(%arg18 : memref<!tpu.dma_semaphore, #tpu.memory_space<semaphore_mem>>)
    %dma_wait3A_55 = arith.constant 1 : i32
    %dma_wait3A_56 = arith.constant 0 : i32
    %dma_wait3A_57 = arith.constant 0 : i32
    %dma_wait3A_58 = tpu.memref_slice %arg3[%add3A, %dma_wait3A_55, %dma_wait3A_56, %dma_wait3A_57] : memref<32x108x2x96xi32, #tpu.memory_space<hbm>> -> memref<1x1x2x96xi32, #tpu.memory_space<hbm>>
    %dma_wait3A_59 = tpu.memref_squeeze %dma_wait3A_58 : memref<1x1x2x96xi32, #tpu.memory_space<hbm>> -> memref<2x96xi32, #tpu.memory_space<hbm>>
    %dma_wait3A_60 = arith.constant 0 : i32
    %dma_wait3A_61 = arith.constant 0 : i32
    %dma_wait3A_62 = tpu.memref_slice %arg3[%add3A, %dma_wait3A_55, %dma_wait3A_60, %dma_wait3A_61] : memref<32x108x2x96xi32, #tpu.memory_space<hbm>> -> memref<1x1x2x96xi32, #tpu.memory_space<hbm>>
    %dma_wait3A_63 = tpu.memref_squeeze %dma_wait3A_62 : memref<1x1x2x96xi32, #tpu.memory_space<hbm>> -> memref<2x96xi32, #tpu.memory_space<hbm>>
    tpu.wait_dma2 semaphore(%arg15 : memref<!tpu.dma_semaphore, #tpu.memory_space<semaphore_mem>>) src(%dma_wait3A_63 : memref<2x96xi32, #tpu.memory_space<hbm>>) dst(%arg7 : memref<2x96xi32, #tpu.memory_space<vmem>>)
    %dma_start3A_64 = arith.constant 0 : i32
    %dma_start3A_65 = arith.constant 0 : i32
    %dma_start3A_66 = tpu.memref_slice %arg7[%dma_start3A_64, %dma_start3A_65] : memref<2x96xi32, #tpu.memory_space<vmem>> -> memref<1x96xi32, #tpu.memory_space<vmem>>
    %dma_start3A_67 = tpu.memref_squeeze %dma_start3A_66 : memref<1x96xi32, #tpu.memory_space<vmem>> -> memref<96xi32, #tpu.memory_space<vmem>>
    %dma_start3A_68 = arith.constant 0 : i32
    %dma_start3A_69 = arith.constant 0 : i32
    %dma_start3A_70 = tpu.memref_slice %arg2[%dma_start3A_68, %dma_start3A_69] : memref<10000x128xf32, #tpu.memory_space<hbm>> -> memref<10000x128xf32, #tpu.memory_space<hbm>>
    tpu.enqueue_indirect_dma source(%dma_start3A_70 : memref<10000x128xf32, #tpu.memory_space<hbm>>) target(%arg11 : memref<96x128xf32, #tpu.memory_space<vmem>>) offsets(%dma_start3A_67 : memref<96xi32, #tpu.memory_space<vmem>>) semaphore(%arg19 : memref<!tpu.dma_semaphore, #tpu.memory_space<semaphore_mem>>)
    %barrier3A = arith.constant 0 : index
    tpu.barrier barrier_id(%barrier3A)
    %scan3A = arith.constant 0 : i32
    %scan3A_71 = arith.constant 0 : i32
    %scan3A_72 = arith.constant 9 : i32
    %scan3A_73 = arith.addi %scan3A_71, %scan3A_72 : i32
    %scan3A_74 = arith.constant 1 : i32
    %scan3A_75 = scf.for %scan3A_82 = %scan3A_71 to %scan3A_73 step %scan3A_74 iter_args(%scan3A_83 = %scan3A) -> (i32)  : i32 {
      %mul3A_84 = arith.constant 12 : i32
      %mul3A_85 = arith.muli %scan3A_82, %mul3A_84 : i32
      %add3A_86 = arith.constant 0 : i32
      %add3A_87 = arith.addi %mul3A_85, %add3A_86 : i32
      %dma_wait3A_88 = arith.constant 0 : i32
      %dma_wait3A_89 = arith.constant 0 : i32
      %dma_wait3A_90 = tpu.memref_slice %arg6[%dma_wait3A_88, %dma_wait3A_89] : memref<2x96xi32, #tpu.memory_space<vmem>> -> memref<1x96xi32, #tpu.memory_space<vmem>>
      %dma_wait3A_91 = tpu.memref_squeeze %dma_wait3A_90 : memref<1x96xi32, #tpu.memory_space<vmem>> -> memref<96xi32, #tpu.memory_space<vmem>>
      %dma_wait3A_92 = arith.constant 0 : i32
      %dma_wait3A_93 = arith.constant 0 : i32
      %dma_wait3A_94 = tpu.memref_slice %arg2[%dma_wait3A_92, %dma_wait3A_93] : memref<10000x128xf32, #tpu.memory_space<hbm>> -> memref<10000x128xf32, #tpu.memory_space<hbm>>
      tpu.wait_indirect_dma semaphore(%arg18 : memref<!tpu.dma_semaphore, #tpu.memory_space<semaphore_mem>>) src(%dma_wait3A_94 : memref<10000x128xf32, #tpu.memory_space<hbm>>) dst(%arg10 : memref<96x128xf32, #tpu.memory_space<vmem>>)
      %add3A_95 = arith.constant 2 : i32
      %add3A_96 = arith.addi %add3A_87, %add3A_95 : i32
      %lt3A = arith.constant 108 : i32
      %lt3A_97 = arith.cmpi slt, %add3A_96, %lt3A : i32
      %convert_element_type3A = arith.extui %lt3A_97 : i1 to i32
      %cond3A = arith.constant 0 : i32
      %cond3A_98 = arith.cmpi ne, %convert_element_type3A, %cond3A : i32
      scf.if %cond3A_98 {
        %add3A_371 = arith.constant 2 : i32
        %add3A_372 = arith.addi %add3A_87, %add3A_371 : i32
        %dma_wait3A_373 = arith.constant 0 : i32
        %dma_wait3A_374 = arith.constant 0 : i32
        %dma_wait3A_375 = tpu.memref_slice %arg3[%add3A, %add3A_372, %dma_wait3A_373, %dma_wait3A_374] : memref<32x108x2x96xi32, #tpu.memory_space<hbm>> -> memref<1x1x2x96xi32, #tpu.memory_space<hbm>>
        %dma_wait3A_376 = tpu.memref_squeeze %dma_wait3A_375 : memref<1x1x2x96xi32, #tpu.memory_space<hbm>> -> memref<2x96xi32, #tpu.memory_space<hbm>>
        %dma_wait3A_377 = arith.constant 0 : i32
        %dma_wait3A_378 = arith.constant 0 : i32
        %dma_wait3A_379 = tpu.memref_slice %arg3[%add3A, %add3A_372, %dma_wait3A_377, %dma_wait3A_378] : memref<32x108x2x96xi32, #tpu.memory_space<hbm>> -> memref<1x1x2x96xi32, #tpu.memory_space<hbm>>
        %dma_wait3A_380 = tpu.memref_squeeze %dma_wait3A_379 : memref<1x1x2x96xi32, #tpu.memory_space<hbm>> -> memref<2x96xi32, #tpu.memory_space<hbm>>
        tpu.wait_dma2 semaphore(%arg16 : memref<!tpu.dma_semaphore, #tpu.memory_space<semaphore_mem>>) src(%dma_wait3A_380 : memref<2x96xi32, #tpu.memory_space<hbm>>) dst(%arg8 : memref<2x96xi32, #tpu.memory_space<vmem>>)
        %dma_start3A_381 = arith.constant 0 : i32
        %dma_start3A_382 = arith.constant 0 : i32
        %dma_start3A_383 = tpu.memref_slice %arg8[%dma_start3A_381, %dma_start3A_382] : memref<2x96xi32, #tpu.memory_space<vmem>> -> memref<1x96xi32, #tpu.memory_space<vmem>>
        %dma_start3A_384 = tpu.memref_squeeze %dma_start3A_383 : memref<1x96xi32, #tpu.memory_space<vmem>> -> memref<96xi32, #tpu.memory_space<vmem>>
        %dma_start3A_385 = arith.constant 0 : i32
        %dma_start3A_386 = arith.constant 0 : i32
        %dma_start3A_387 = tpu.memref_slice %arg2[%dma_start3A_385, %dma_start3A_386] : memref<10000x128xf32, #tpu.memory_space<hbm>> -> memref<10000x128xf32, #tpu.memory_space<hbm>>
        tpu.enqueue_indirect_dma source(%dma_start3A_387 : memref<10000x128xf32, #tpu.memory_space<hbm>>) target(%arg12 : memref<96x128xf32, #tpu.memory_space<vmem>>) offsets(%dma_start3A_384 : memref<96xi32, #tpu.memory_space<vmem>>) semaphore(%arg20 : memref<!tpu.dma_semaphore, #tpu.memory_space<semaphore_mem>>)
      } else {
      }
      %run_scoped3A = arith.constant 1 : i32
      "tpu.region"() ({
        %run_scoped3A_371 = tpu.sem_alloc : memref<!tpu.dma_semaphore, #tpu.memory_space<semaphore_mem>>
        %dma_start3A_372 = arith.constant 0 : i32
        %dma_start3A_373 = tpu.memref_slice %arg6[%run_scoped3A, %dma_start3A_372] : memref<2x96xi32, #tpu.memory_space<vmem>> -> memref<1x96xi32, #tpu.memory_space<vmem>>
        %dma_start3A_374 = tpu.memref_squeeze %dma_start3A_373 : memref<1x96xi32, #tpu.memory_space<vmem>> -> memref<96xi32, #tpu.memory_space<vmem>>
        %dma_start3A_375 = arith.constant 0 : i32
        %dma_start3A_376 = arith.constant 0 : i32
        %dma_start3A_377 = tpu.memref_slice %arg13[%dma_start3A_375, %dma_start3A_376] : memref<10112x128xf32, #tpu.memory_space<vmem_shared>> -> memref<10112x128xf32, #tpu.memory_space<vmem_shared>>
        tpu.enqueue_indirect_dma source(%arg10 : memref<96x128xf32, #tpu.memory_space<vmem>>) target(%dma_start3A_377 : memref<10112x128xf32, #tpu.memory_space<vmem_shared>>) offsets(%dma_start3A_374 : memref<96xi32, #tpu.memory_space<vmem>>) semaphore(%run_scoped3A_371 : memref<!tpu.dma_semaphore, #tpu.memory_space<semaphore_mem>>) {add = true}
        %dma_wait3A_378 = arith.constant 0 : i32
        %dma_wait3A_379 = tpu.memref_slice %arg6[%run_scoped3A, %dma_wait3A_378] : memref<2x96xi32, #tpu.memory_space<vmem>> -> memref<1x96xi32, #tpu.memory_space<vmem>>
        %dma_wait3A_380 = tpu.memref_squeeze %dma_wait3A_379 : memref<1x96xi32, #tpu.memory_space<vmem>> -> memref<96xi32, #tpu.memory_space<vmem>>
        %dma_wait3A_381 = arith.constant 0 : i32
        %dma_wait3A_382 = arith.constant 0 : i32
        %dma_wait3A_383 = tpu.memref_slice %arg13[%dma_wait3A_381, %dma_wait3A_382] : memref<10112x128xf32, #tpu.memory_space<vmem_shared>> -> memref<10112x128xf32, #tpu.memory_space<vmem_shared>>
        tpu.wait_indirect_dma semaphore(%run_scoped3A_371 : memref<!tpu.dma_semaphore, #tpu.memory_space<semaphore_mem>>) src(%arg10 : memref<96x128xf32, #tpu.memory_space<vmem>>) dst(%dma_wait3A_383 : memref<10112x128xf32, #tpu.memory_space<vmem_shared>>)
        tpu.yield
      }) : () -> ()
      %add3A_99 = arith.constant 4 : i32
      %add3A_100 = arith.addi %add3A_87, %add3A_99 : i32
      %lt3A_101 = arith.constant 108 : i32
      %lt3A_102 = arith.cmpi slt, %add3A_100, %lt3A_101 : i32
      %convert_element_type3A_103 = arith.extui %lt3A_102 : i1 to i32
      %cond3A_104 = arith.constant 0 : i32
      %cond3A_105 = arith.cmpi ne, %convert_element_type3A_103, %cond3A_104 : i32
      scf.if %cond3A_105 {
        %add3A_371 = arith.constant 4 : i32
        %add3A_372 = arith.addi %add3A_87, %add3A_371 : i32
        %dma_start3A_373 = arith.constant 0 : i32
        %dma_start3A_374 = arith.constant 0 : i32
        %dma_start3A_375 = tpu.memref_slice %arg3[%add3A, %add3A_372, %dma_start3A_373, %dma_start3A_374] : memref<32x108x2x96xi32, #tpu.memory_space<hbm>> -> memref<1x1x2x96xi32, #tpu.memory_space<hbm>>
        %dma_start3A_376 = tpu.memref_squeeze %dma_start3A_375 : memref<1x1x2x96xi32, #tpu.memory_space<hbm>> -> memref<2x96xi32, #tpu.memory_space<hbm>>
        %dma_start3A_377 = arith.constant 0 : i32
        %dma_start3A_378 = arith.constant 0 : i32
        %dma_start3A_379 = tpu.memref_slice %arg3[%add3A, %add3A_372, %dma_start3A_377, %dma_start3A_378] : memref<32x108x2x96xi32, #tpu.memory_space<hbm>> -> memref<1x1x2x96xi32, #tpu.memory_space<hbm>>
        %dma_start3A_380 = tpu.memref_squeeze %dma_start3A_379 : memref<1x1x2x96xi32, #tpu.memory_space<hbm>> -> memref<2x96xi32, #tpu.memory_space<hbm>>
        tpu.enqueue_dma source(%dma_start3A_380 : memref<2x96xi32, #tpu.memory_space<hbm>>) target(%arg6 : memref<2x96xi32, #tpu.memory_space<vmem>>) target_semaphore(%arg14 : memref<!tpu.dma_semaphore, #tpu.memory_space<semaphore_mem>>)
      } else {
      }
      %add3A_106 = arith.constant 1 : i32
      %add3A_107 = arith.addi %mul3A_85, %add3A_106 : i32
      %dma_wait3A_108 = arith.constant 0 : i32
      %dma_wait3A_109 = arith.constant 0 : i32
      %dma_wait3A_110 = tpu.memref_slice %arg7[%dma_wait3A_108, %dma_wait3A_109] : memref<2x96xi32, #tpu.memory_space<vmem>> -> memref<1x96xi32, #tpu.memory_space<vmem>>
      %dma_wait3A_111 = tpu.memref_squeeze %dma_wait3A_110 : memref<1x96xi32, #tpu.memory_space<vmem>> -> memref<96xi32, #tpu.memory_space<vmem>>
      %dma_wait3A_112 = arith.constant 0 : i32
      %dma_wait3A_113 = arith.constant 0 : i32
      %dma_wait3A_114 = tpu.memref_slice %arg2[%dma_wait3A_112, %dma_wait3A_113] : memref<10000x128xf32, #tpu.memory_space<hbm>> -> memref<10000x128xf32, #tpu.memory_space<hbm>>
      tpu.wait_indirect_dma semaphore(%arg19 : memref<!tpu.dma_semaphore, #tpu.memory_space<semaphore_mem>>) src(%dma_wait3A_114 : memref<10000x128xf32, #tpu.memory_space<hbm>>) dst(%arg11 : memref<96x128xf32, #tpu.memory_space<vmem>>)
      %add3A_115 = arith.constant 2 : i32
      %add3A_116 = arith.addi %add3A_107, %add3A_115 : i32
      %lt3A_117 = arith.constant 108 : i32
      %lt3A_118 = arith.cmpi slt, %add3A_116, %lt3A_117 : i32
      %convert_element_type3A_119 = arith.extui %lt3A_118 : i1 to i32
      %cond3A_120 = arith.constant 0 : i32
      %cond3A_121 = arith.cmpi ne, %convert_element_type3A_119, %cond3A_120 : i32
      scf.if %cond3A_121 {
        %add3A_371 = arith.constant 2 : i32
        %add3A_372 = arith.addi %add3A_107, %add3A_371 : i32
        %dma_wait3A_373 = arith.constant 0 : i32
        %dma_wait3A_374 = arith.constant 0 : i32
        %dma_wait3A_375 = tpu.memref_slice %arg3[%add3A, %add3A_372, %dma_wait3A_373, %dma_wait3A_374] : memref<32x108x2x96xi32, #tpu.memory_space<hbm>> -> memref<1x1x2x96xi32, #tpu.memory_space<hbm>>
        %dma_wait3A_376 = tpu.memref_squeeze %dma_wait3A_375 : memref<1x1x2x96xi32, #tpu.memory_space<hbm>> -> memref<2x96xi32, #tpu.memory_space<hbm>>
        %dma_wait3A_377 = arith.constant 0 : i32
        %dma_wait3A_378 = arith.constant 0 : i32
        %dma_wait3A_379 = tpu.memref_slice %arg3[%add3A, %add3A_372, %dma_wait3A_377, %dma_wait3A_378] : memref<32x108x2x96xi32, #tpu.memory_space<hbm>> -> memref<1x1x2x96xi32, #tpu.memory_space<hbm>>
        %dma_wait3A_380 = tpu.memref_squeeze %dma_wait3A_379 : memref<1x1x2x96xi32, #tpu.memory_space<hbm>> -> memref<2x96xi32, #tpu.memory_space<hbm>>
        tpu.wait_dma2 semaphore(%arg17 : memref<!tpu.dma_semaphore, #tpu.memory_space<semaphore_mem>>) src(%dma_wait3A_380 : memref<2x96xi32, #tpu.memory_space<hbm>>) dst(%arg9 : memref<2x96xi32, #tpu.memory_space<vmem>>)
        %dma_start3A_381 = arith.constant 0 : i32
        %dma_start3A_382 = arith.constant 0 : i32
        %dma_start3A_383 = tpu.memref_slice %arg9[%dma_start3A_381, %dma_start3A_382] : memref<2x96xi32, #tpu.memory_space<vmem>> -> memref<1x96xi32, #tpu.memory_space<vmem>>
        %dma_start3A_384 = tpu.memref_squeeze %dma_start3A_383 : memref<1x96xi32, #tpu.memory_space<vmem>> -> memref<96xi32, #tpu.memory_space<vmem>>
        %dma_start3A_385 = arith.constant 0 : i32
        %dma_start3A_386 = arith.constant 0 : i32
        %dma_start3A_387 = tpu.memref_slice %arg2[%dma_start3A_385, %dma_start3A_386] : memref<10000x128xf32, #tpu.memory_space<hbm>> -> memref<10000x128xf32, #tpu.memory_space<hbm>>
        tpu.enqueue_indirect_dma source(%dma_start3A_387 : memref<10000x128xf32, #tpu.memory_space<hbm>>) target(%arg10 : memref<96x128xf32, #tpu.memory_space<vmem>>) offsets(%dma_start3A_384 : memref<96xi32, #tpu.memory_space<vmem>>) semaphore(%arg18 : memref<!tpu.dma_semaphore, #tpu.memory_space<semaphore_mem>>)
      } else {
      }
      %run_scoped3A_122 = arith.constant 1 : i32
      "tpu.region"() ({
        %run_scoped3A_371 = tpu.sem_alloc : memref<!tpu.dma_semaphore, #tpu.memory_space<semaphore_mem>>
        %dma_start3A_372 = arith.constant 0 : i32
        %dma_start3A_373 = tpu.memref_slice %arg7[%run_scoped3A_122, %dma_start3A_372] : memref<2x96xi32, #tpu.memory_space<vmem>> -> memref<1x96xi32, #tpu.memory_space<vmem>>
        %dma_start3A_374 = tpu.memref_squeeze %dma_start3A_373 : memref<1x96xi32, #tpu.memory_space<vmem>> -> memref<96xi32, #tpu.memory_space<vmem>>
        %dma_start3A_375 = arith.constant 0 : i32
        %dma_start3A_376 = arith.constant 0 : i32
        %dma_start3A_377 = tpu.memref_slice %arg13[%dma_start3A_375, %dma_start3A_376] : memref<10112x128xf32, #tpu.memory_space<vmem_shared>> -> memref<10112x128xf32, #tpu.memory_space<vmem_shared>>
        tpu.enqueue_indirect_dma source(%arg11 : memref<96x128xf32, #tpu.memory_space<vmem>>) target(%dma_start3A_377 : memref<10112x128xf32, #tpu.memory_space<vmem_shared>>) offsets(%dma_start3A_374 : memref<96xi32, #tpu.memory_space<vmem>>) semaphore(%run_scoped3A_371 : memref<!tpu.dma_semaphore, #tpu.memory_space<semaphore_mem>>) {add = true}
        %dma_wait3A_378 = arith.constant 0 : i32
        %dma_wait3A_379 = tpu.memref_slice %arg7[%run_scoped3A_122, %dma_wait3A_378] : memref<2x96xi32, #tpu.memory_space<vmem>> -> memref<1x96xi32, #tpu.memory_space<vmem>>
        %dma_wait3A_380 = tpu.memref_squeeze %dma_wait3A_379 : memref<1x96xi32, #tpu.memory_space<vmem>> -> memref<96xi32, #tpu.memory_space<vmem>>
        %dma_wait3A_381 = arith.constant 0 : i32
        %dma_wait3A_382 = arith.constant 0 : i32
        %dma_wait3A_383 = tpu.memref_slice %arg13[%dma_wait3A_381, %dma_wait3A_382] : memref<10112x128xf32, #tpu.memory_space<vmem_shared>> -> memref<10112x128xf32, #tpu.memory_space<vmem_shared>>
        tpu.wait_indirect_dma semaphore(%run_scoped3A_371 : memref<!tpu.dma_semaphore, #tpu.memory_space<semaphore_mem>>) src(%arg11 : memref<96x128xf32, #tpu.memory_space<vmem>>) dst(%dma_wait3A_383 : memref<10112x128xf32, #tpu.memory_space<vmem_shared>>)
        tpu.yield
      }) : () -> ()
      %add3A_123 = arith.constant 4 : i32
      %add3A_124 = arith.addi %add3A_107, %add3A_123 : i32
      %lt3A_125 = arith.constant 108 : i32
      %lt3A_126 = arith.cmpi slt, %add3A_124, %lt3A_125 : i32
      %convert_element_type3A_127 = arith.extui %lt3A_126 : i1 to i32
      %cond3A_128 = arith.constant 0 : i32
      %cond3A_129 = arith.cmpi ne, %convert_element_type3A_127, %cond3A_128 : i32
      scf.if %cond3A_129 {
        %add3A_371 = arith.constant 4 : i32
        %add3A_372 = arith.addi %add3A_107, %add3A_371 : i32
        %dma_start3A_373 = arith.constant 0 : i32
        %dma_start3A_374 = arith.constant 0 : i32
        %dma_start3A_375 = tpu.memref_slice %arg3[%add3A, %add3A_372, %dma_start3A_373, %dma_start3A_374] : memref<32x108x2x96xi32, #tpu.memory_space<hbm>> -> memref<1x1x2x96xi32, #tpu.memory_space<hbm>>
        %dma_start3A_376 = tpu.memref_squeeze %dma_start3A_375 : memref<1x1x2x96xi32, #tpu.memory_space<hbm>> -> memref<2x96xi32, #tpu.memory_space<hbm>>
        %dma_start3A_377 = arith.constant 0 : i32
        %dma_start3A_378 = arith.constant 0 : i32
        %dma_start3A_379 = tpu.memref_slice %arg3[%add3A, %add3A_372, %dma_start3A_377, %dma_start3A_378] : memref<32x108x2x96xi32, #tpu.memory_space<hbm>> -> memref<1x1x2x96xi32, #tpu.memory_space<hbm>>
        %dma_start3A_380 = tpu.memref_squeeze %dma_start3A_379 : memref<1x1x2x96xi32, #tpu.memory_space<hbm>> -> memref<2x96xi32, #tpu.memory_space<hbm>>
        tpu.enqueue_dma source(%dma_start3A_380 : memref<2x96xi32, #tpu.memory_space<hbm>>) target(%arg7 : memref<2x96xi32, #tpu.memory_space<vmem>>) target_semaphore(%arg15 : memref<!tpu.dma_semaphore, #tpu.memory_space<semaphore_mem>>)
      } else {
      }
      %add3A_130 = arith.constant 2 : i32
      %add3A_131 = arith.addi %mul3A_85, %add3A_130 : i32
      %dma_wait3A_132 = arith.constant 0 : i32
      %dma_wait3A_133 = arith.constant 0 : i32
      %dma_wait3A_134 = tpu.memref_slice %arg8[%dma_wait3A_132, %dma_wait3A_133] : memref<2x96xi32, #tpu.memory_space<vmem>> -> memref<1x96xi32, #tpu.memory_space<vmem>>
      %dma_wait3A_135 = tpu.memref_squeeze %dma_wait3A_134 : memref<1x96xi32, #tpu.memory_space<vmem>> -> memref<96xi32, #tpu.memory_space<vmem>>
      %dma_wait3A_136 = arith.constant 0 : i32
      %dma_wait3A_137 = arith.constant 0 : i32
      %dma_wait3A_138 = tpu.memref_slice %arg2[%dma_wait3A_136, %dma_wait3A_137] : memref<10000x128xf32, #tpu.memory_space<hbm>> -> memref<10000x128xf32, #tpu.memory_space<hbm>>
      tpu.wait_indirect_dma semaphore(%arg20 : memref<!tpu.dma_semaphore, #tpu.memory_space<semaphore_mem>>) src(%dma_wait3A_138 : memref<10000x128xf32, #tpu.memory_space<hbm>>) dst(%arg12 : memref<96x128xf32, #tpu.memory_space<vmem>>)
      %add3A_139 = arith.constant 2 : i32
      %add3A_140 = arith.addi %add3A_131, %add3A_139 : i32
      %lt3A_141 = arith.constant 108 : i32
      %lt3A_142 = arith.cmpi slt, %add3A_140, %lt3A_141 : i32
      %convert_element_type3A_143 = arith.extui %lt3A_142 : i1 to i32
      %cond3A_144 = arith.constant 0 : i32
      %cond3A_145 = arith.cmpi ne, %convert_element_type3A_143, %cond3A_144 : i32
      scf.if %cond3A_145 {
        %add3A_371 = arith.constant 2 : i32
        %add3A_372 = arith.addi %add3A_131, %add3A_371 : i32
        %dma_wait3A_373 = arith.constant 0 : i32
        %dma_wait3A_374 = arith.constant 0 : i32
        %dma_wait3A_375 = tpu.memref_slice %arg3[%add3A, %add3A_372, %dma_wait3A_373, %dma_wait3A_374] : memref<32x108x2x96xi32, #tpu.memory_space<hbm>> -> memref<1x1x2x96xi32, #tpu.memory_space<hbm>>
        %dma_wait3A_376 = tpu.memref_squeeze %dma_wait3A_375 : memref<1x1x2x96xi32, #tpu.memory_space<hbm>> -> memref<2x96xi32, #tpu.memory_space<hbm>>
        %dma_wait3A_377 = arith.constant 0 : i32
        %dma_wait3A_378 = arith.constant 0 : i32
        %dma_wait3A_379 = tpu.memref_slice %arg3[%add3A, %add3A_372, %dma_wait3A_377, %dma_wait3A_378] : memref<32x108x2x96xi32, #tpu.memory_space<hbm>> -> memref<1x1x2x96xi32, #tpu.memory_space<hbm>>
        %dma_wait3A_380 = tpu.memref_squeeze %dma_wait3A_379 : memref<1x1x2x96xi32, #tpu.memory_space<hbm>> -> memref<2x96xi32, #tpu.memory_space<hbm>>
        tpu.wait_dma2 semaphore(%arg14 : memref<!tpu.dma_semaphore, #tpu.memory_space<semaphore_mem>>) src(%dma_wait3A_380 : memref<2x96xi32, #tpu.memory_space<hbm>>) dst(%arg6 : memref<2x96xi32, #tpu.memory_space<vmem>>)
        %dma_start3A_381 = arith.constant 0 : i32
        %dma_start3A_382 = arith.constant 0 : i32
        %dma_start3A_383 = tpu.memref_slice %arg6[%dma_start3A_381, %dma_start3A_382] : memref<2x96xi32, #tpu.memory_space<vmem>> -> memref<1x96xi32, #tpu.memory_space<vmem>>
        %dma_start3A_384 = tpu.memref_squeeze %dma_start3A_383 : memref<1x96xi32, #tpu.memory_space<vmem>> -> memref<96xi32, #tpu.memory_space<vmem>>
        %dma_start3A_385 = arith.constant 0 : i32
        %dma_start3A_386 = arith.constant 0 : i32
        %dma_start3A_387 = tpu.memref_slice %arg2[%dma_start3A_385, %dma_start3A_386] : memref<10000x128xf32, #tpu.memory_space<hbm>> -> memref<10000x128xf32, #tpu.memory_space<hbm>>
        tpu.enqueue_indirect_dma source(%dma_start3A_387 : memref<10000x128xf32, #tpu.memory_space<hbm>>) target(%arg11 : memref<96x128xf32, #tpu.memory_space<vmem>>) offsets(%dma_start3A_384 : memref<96xi32, #tpu.memory_space<vmem>>) semaphore(%arg19 : memref<!tpu.dma_semaphore, #tpu.memory_space<semaphore_mem>>)
      } else {
      }
      %run_scoped3A_146 = arith.constant 1 : i32
      "tpu.region"() ({
        %run_scoped3A_371 = tpu.sem_alloc : memref<!tpu.dma_semaphore, #tpu.memory_space<semaphore_mem>>
        %dma_start3A_372 = arith.constant 0 : i32
        %dma_start3A_373 = tpu.memref_slice %arg8[%run_scoped3A_146, %dma_start3A_372] : memref<2x96xi32, #tpu.memory_space<vmem>> -> memref<1x96xi32, #tpu.memory_space<vmem>>
        %dma_start3A_374 = tpu.memref_squeeze %dma_start3A_373 : memref<1x96xi32, #tpu.memory_space<vmem>> -> memref<96xi32, #tpu.memory_space<vmem>>
        %dma_start3A_375 = arith.constant 0 : i32
        %dma_start3A_376 = arith.constant 0 : i32
        %dma_start3A_377 = tpu.memref_slice %arg13[%dma_start3A_375, %dma_start3A_376] : memref<10112x128xf32, #tpu.memory_space<vmem_shared>> -> memref<10112x128xf32, #tpu.memory_space<vmem_shared>>
        tpu.enqueue_indirect_dma source(%arg12 : memref<96x128xf32, #tpu.memory_space<vmem>>) target(%dma_start3A_377 : memref<10112x128xf32, #tpu.memory_space<vmem_shared>>) offsets(%dma_start3A_374 : memref<96xi32, #tpu.memory_space<vmem>>) semaphore(%run_scoped3A_371 : memref<!tpu.dma_semaphore, #tpu.memory_space<semaphore_mem>>) {add = true}
        %dma_wait3A_378 = arith.constant 0 : i32
        %dma_wait3A_379 = tpu.memref_slice %arg8[%run_scoped3A_146, %dma_wait3A_378] : memref<2x96xi32, #tpu.memory_space<vmem>> -> memref<1x96xi32, #tpu.memory_space<vmem>>
        %dma_wait3A_380 = tpu.memref_squeeze %dma_wait3A_379 : memref<1x96xi32, #tpu.memory_space<vmem>> -> memref<96xi32, #tpu.memory_space<vmem>>
        %dma_wait3A_381 = arith.constant 0 : i32
        %dma_wait3A_382 = arith.constant 0 : i32
        %dma_wait3A_383 = tpu.memref_slice %arg13[%dma_wait3A_381, %dma_wait3A_382] : memref<10112x128xf32, #tpu.memory_space<vmem_shared>> -> memref<10112x128xf32, #tpu.memory_space<vmem_shared>>
        tpu.wait_indirect_dma semaphore(%run_scoped3A_371 : memref<!tpu.dma_semaphore, #tpu.memory_space<semaphore_mem>>) src(%arg12 : memref<96x128xf32, #tpu.memory_space<vmem>>) dst(%dma_wait3A_383 : memref<10112x128xf32, #tpu.memory_space<vmem_shared>>)
        tpu.yield
      }) : () -> ()
      %add3A_147 = arith.constant 4 : i32
      %add3A_148 = arith.addi %add3A_131, %add3A_147 : i32
      %lt3A_149 = arith.constant 108 : i32
      %lt3A_150 = arith.cmpi slt, %add3A_148, %lt3A_149 : i32
      %convert_element_type3A_151 = arith.extui %lt3A_150 : i1 to i32
      %cond3A_152 = arith.constant 0 : i32
      %cond3A_153 = arith.cmpi ne, %convert_element_type3A_151, %cond3A_152 : i32
      scf.if %cond3A_153 {
        %add3A_371 = arith.constant 4 : i32
        %add3A_372 = arith.addi %add3A_131, %add3A_371 : i32
        %dma_start3A_373 = arith.constant 0 : i32
        %dma_start3A_374 = arith.constant 0 : i32
        %dma_start3A_375 = tpu.memref_slice %arg3[%add3A, %add3A_372, %dma_start3A_373, %dma_start3A_374] : memref<32x108x2x96xi32, #tpu.memory_space<hbm>> -> memref<1x1x2x96xi32, #tpu.memory_space<hbm>>
        %dma_start3A_376 = tpu.memref_squeeze %dma_start3A_375 : memref<1x1x2x96xi32, #tpu.memory_space<hbm>> -> memref<2x96xi32, #tpu.memory_space<hbm>>
        %dma_start3A_377 = arith.constant 0 : i32
        %dma_start3A_378 = arith.constant 0 : i32
        %dma_start3A_379 = tpu.memref_slice %arg3[%add3A, %add3A_372, %dma_start3A_377, %dma_start3A_378] : memref<32x108x2x96xi32, #tpu.memory_space<hbm>> -> memref<1x1x2x96xi32, #tpu.memory_space<hbm>>
        %dma_start3A_380 = tpu.memref_squeeze %dma_start3A_379 : memref<1x1x2x96xi32, #tpu.memory_space<hbm>> -> memref<2x96xi32, #tpu.memory_space<hbm>>
        tpu.enqueue_dma source(%dma_start3A_380 : memref<2x96xi32, #tpu.memory_space<hbm>>) target(%arg8 : memref<2x96xi32, #tpu.memory_space<vmem>>) target_semaphore(%arg16 : memref<!tpu.dma_semaphore, #tpu.memory_space<semaphore_mem>>)
      } else {
      }
      %add3A_154 = arith.constant 3 : i32
      %add3A_155 = arith.addi %mul3A_85, %add3A_154 : i32
      %dma_wait3A_156 = arith.constant 0 : i32
      %dma_wait3A_157 = arith.constant 0 : i32
      %dma_wait3A_158 = tpu.memref_slice %arg9[%dma_wait3A_156, %dma_wait3A_157] : memref<2x96xi32, #tpu.memory_space<vmem>> -> memref<1x96xi32, #tpu.memory_space<vmem>>
      %dma_wait3A_159 = tpu.memref_squeeze %dma_wait3A_158 : memref<1x96xi32, #tpu.memory_space<vmem>> -> memref<96xi32, #tpu.memory_space<vmem>>
      %dma_wait3A_160 = arith.constant 0 : i32
      %dma_wait3A_161 = arith.constant 0 : i32
      %dma_wait3A_162 = tpu.memref_slice %arg2[%dma_wait3A_160, %dma_wait3A_161] : memref<10000x128xf32, #tpu.memory_space<hbm>> -> memref<10000x128xf32, #tpu.memory_space<hbm>>
      tpu.wait_indirect_dma semaphore(%arg18 : memref<!tpu.dma_semaphore, #tpu.memory_space<semaphore_mem>>) src(%dma_wait3A_162 : memref<10000x128xf32, #tpu.memory_space<hbm>>) dst(%arg10 : memref<96x128xf32, #tpu.memory_space<vmem>>)
      %add3A_163 = arith.constant 2 : i32
      %add3A_164 = arith.addi %add3A_155, %add3A_163 : i32
      %lt3A_165 = arith.constant 108 : i32
      %lt3A_166 = arith.cmpi slt, %add3A_164, %lt3A_165 : i32
      %convert_element_type3A_167 = arith.extui %lt3A_166 : i1 to i32
      %cond3A_168 = arith.constant 0 : i32
      %cond3A_169 = arith.cmpi ne, %convert_element_type3A_167, %cond3A_168 : i32
      scf.if %cond3A_169 {
        %add3A_371 = arith.constant 2 : i32
        %add3A_372 = arith.addi %add3A_155, %add3A_371 : i32
        %dma_wait3A_373 = arith.constant 0 : i32
        %dma_wait3A_374 = arith.constant 0 : i32
        %dma_wait3A_375 = tpu.memref_slice %arg3[%add3A, %add3A_372, %dma_wait3A_373, %dma_wait3A_374] : memref<32x108x2x96xi32, #tpu.memory_space<hbm>> -> memref<1x1x2x96xi32, #tpu.memory_space<hbm>>
        %dma_wait3A_376 = tpu.memref_squeeze %dma_wait3A_375 : memref<1x1x2x96xi32, #tpu.memory_space<hbm>> -> memref<2x96xi32, #tpu.memory_space<hbm>>
        %dma_wait3A_377 = arith.constant 0 : i32
        %dma_wait3A_378 = arith.constant 0 : i32
        %dma_wait3A_379 = tpu.memref_slice %arg3[%add3A, %add3A_372, %dma_wait3A_377, %dma_wait3A_378] : memref<32x108x2x96xi32, #tpu.memory_space<hbm>> -> memref<1x1x2x96xi32, #tpu.memory_space<hbm>>
        %dma_wait3A_380 = tpu.memref_squeeze %dma_wait3A_379 : memref<1x1x2x96xi32, #tpu.memory_space<hbm>> -> memref<2x96xi32, #tpu.memory_space<hbm>>
        tpu.wait_dma2 semaphore(%arg15 : memref<!tpu.dma_semaphore, #tpu.memory_space<semaphore_mem>>) src(%dma_wait3A_380 : memref<2x96xi32, #tpu.memory_space<hbm>>) dst(%arg7 : memref<2x96xi32, #tpu.memory_space<vmem>>)
        %dma_start3A_381 = arith.constant 0 : i32
        %dma_start3A_382 = arith.constant 0 : i32
        %dma_start3A_383 = tpu.memref_slice %arg7[%dma_start3A_381, %dma_start3A_382] : memref<2x96xi32, #tpu.memory_space<vmem>> -> memref<1x96xi32, #tpu.memory_space<vmem>>
        %dma_start3A_384 = tpu.memref_squeeze %dma_start3A_383 : memref<1x96xi32, #tpu.memory_space<vmem>> -> memref<96xi32, #tpu.memory_space<vmem>>
        %dma_start3A_385 = arith.constant 0 : i32
        %dma_start3A_386 = arith.constant 0 : i32
        %dma_start3A_387 = tpu.memref_slice %arg2[%dma_start3A_385, %dma_start3A_386] : memref<10000x128xf32, #tpu.memory_space<hbm>> -> memref<10000x128xf32, #tpu.memory_space<hbm>>
        tpu.enqueue_indirect_dma source(%dma_start3A_387 : memref<10000x128xf32, #tpu.memory_space<hbm>>) target(%arg12 : memref<96x128xf32, #tpu.memory_space<vmem>>) offsets(%dma_start3A_384 : memref<96xi32, #tpu.memory_space<vmem>>) semaphore(%arg20 : memref<!tpu.dma_semaphore, #tpu.memory_space<semaphore_mem>>)
      } else {
      }
      %run_scoped3A_170 = arith.constant 1 : i32
      "tpu.region"() ({
        %run_scoped3A_371 = tpu.sem_alloc : memref<!tpu.dma_semaphore, #tpu.memory_space<semaphore_mem>>
        %dma_start3A_372 = arith.constant 0 : i32
        %dma_start3A_373 = tpu.memref_slice %arg9[%run_scoped3A_170, %dma_start3A_372] : memref<2x96xi32, #tpu.memory_space<vmem>> -> memref<1x96xi32, #tpu.memory_space<vmem>>
        %dma_start3A_374 = tpu.memref_squeeze %dma_start3A_373 : memref<1x96xi32, #tpu.memory_space<vmem>> -> memref<96xi32, #tpu.memory_space<vmem>>
        %dma_start3A_375 = arith.constant 0 : i32
        %dma_start3A_376 = arith.constant 0 : i32
        %dma_start3A_377 = tpu.memref_slice %arg13[%dma_start3A_375, %dma_start3A_376] : memref<10112x128xf32, #tpu.memory_space<vmem_shared>> -> memref<10112x128xf32, #tpu.memory_space<vmem_shared>>
        tpu.enqueue_indirect_dma source(%arg10 : memref<96x128xf32, #tpu.memory_space<vmem>>) target(%dma_start3A_377 : memref<10112x128xf32, #tpu.memory_space<vmem_shared>>) offsets(%dma_start3A_374 : memref<96xi32, #tpu.memory_space<vmem>>) semaphore(%run_scoped3A_371 : memref<!tpu.dma_semaphore, #tpu.memory_space<semaphore_mem>>) {add = true}
        %dma_wait3A_378 = arith.constant 0 : i32
        %dma_wait3A_379 = tpu.memref_slice %arg9[%run_scoped3A_170, %dma_wait3A_378] : memref<2x96xi32, #tpu.memory_space<vmem>> -> memref<1x96xi32, #tpu.memory_space<vmem>>
        %dma_wait3A_380 = tpu.memref_squeeze %dma_wait3A_379 : memref<1x96xi32, #tpu.memory_space<vmem>> -> memref<96xi32, #tpu.memory_space<vmem>>
        %dma_wait3A_381 = arith.constant 0 : i32
        %dma_wait3A_382 = arith.constant 0 : i32
        %dma_wait3A_383 = tpu.memref_slice %arg13[%dma_wait3A_381, %dma_wait3A_382] : memref<10112x128xf32, #tpu.memory_space<vmem_shared>> -> memref<10112x128xf32, #tpu.memory_space<vmem_shared>>
        tpu.wait_indirect_dma semaphore(%run_scoped3A_371 : memref<!tpu.dma_semaphore, #tpu.memory_space<semaphore_mem>>) src(%arg10 : memref<96x128xf32, #tpu.memory_space<vmem>>) dst(%dma_wait3A_383 : memref<10112x128xf32, #tpu.memory_space<vmem_shared>>)
        tpu.yield
      }) : () -> ()
      %add3A_171 = arith.constant 4 : i32
      %add3A_172 = arith.addi %add3A_155, %add3A_171 : i32
      %lt3A_173 = arith.constant 108 : i32
      %lt3A_174 = arith.cmpi slt, %add3A_172, %lt3A_173 : i32
      %convert_element_type3A_175 = arith.extui %lt3A_174 : i1 to i32
      %cond3A_176 = arith.constant 0 : i32
      %cond3A_177 = arith.cmpi ne, %convert_element_type3A_175, %cond3A_176 : i32
      scf.if %cond3A_177 {
        %add3A_371 = arith.constant 4 : i32
        %add3A_372 = arith.addi %add3A_155, %add3A_371 : i32
        %dma_start3A_373 = arith.constant 0 : i32
        %dma_start3A_374 = arith.constant 0 : i32
        %dma_start3A_375 = tpu.memref_slice %arg3[%add3A, %add3A_372, %dma_start3A_373, %dma_start3A_374] : memref<32x108x2x96xi32, #tpu.memory_space<hbm>> -> memref<1x1x2x96xi32, #tpu.memory_space<hbm>>
        %dma_start3A_376 = tpu.memref_squeeze %dma_start3A_375 : memref<1x1x2x96xi32, #tpu.memory_space<hbm>> -> memref<2x96xi32, #tpu.memory_space<hbm>>
        %dma_start3A_377 = arith.constant 0 : i32
        %dma_start3A_378 = arith.constant 0 : i32
        %dma_start3A_379 = tpu.memref_slice %arg3[%add3A, %add3A_372, %dma_start3A_377, %dma_start3A_378] : memref<32x108x2x96xi32, #tpu.memory_space<hbm>> -> memref<1x1x2x96xi32, #tpu.memory_space<hbm>>
        %dma_start3A_380 = tpu.memref_squeeze %dma_start3A_379 : memref<1x1x2x96xi32, #tpu.memory_space<hbm>> -> memref<2x96xi32, #tpu.memory_space<hbm>>
        tpu.enqueue_dma source(%dma_start3A_380 : memref<2x96xi32, #tpu.memory_space<hbm>>) target(%arg9 : memref<2x96xi32, #tpu.memory_space<vmem>>) target_semaphore(%arg17 : memref<!tpu.dma_semaphore, #tpu.memory_space<semaphore_mem>>)
      } else {
      }
      %add3A_178 = arith.constant 4 : i32
      %add3A_179 = arith.addi %mul3A_85, %add3A_178 : i32
      %dma_wait3A_180 = arith.constant 0 : i32
      %dma_wait3A_181 = arith.constant 0 : i32
      %dma_wait3A_182 = tpu.memref_slice %arg6[%dma_wait3A_180, %dma_wait3A_181] : memref<2x96xi32, #tpu.memory_space<vmem>> -> memref<1x96xi32, #tpu.memory_space<vmem>>
      %dma_wait3A_183 = tpu.memref_squeeze %dma_wait3A_182 : memref<1x96xi32, #tpu.memory_space<vmem>> -> memref<96xi32, #tpu.memory_space<vmem>>
      %dma_wait3A_184 = arith.constant 0 : i32
      %dma_wait3A_185 = arith.constant 0 : i32
      %dma_wait3A_186 = tpu.memref_slice %arg2[%dma_wait3A_184, %dma_wait3A_185] : memref<10000x128xf32, #tpu.memory_space<hbm>> -> memref<10000x128xf32, #tpu.memory_space<hbm>>
      tpu.wait_indirect_dma semaphore(%arg19 : memref<!tpu.dma_semaphore, #tpu.memory_space<semaphore_mem>>) src(%dma_wait3A_186 : memref<10000x128xf32, #tpu.memory_space<hbm>>) dst(%arg11 : memref<96x128xf32, #tpu.memory_space<vmem>>)
      %add3A_187 = arith.constant 2 : i32
      %add3A_188 = arith.addi %add3A_179, %add3A_187 : i32
      %lt3A_189 = arith.constant 108 : i32
      %lt3A_190 = arith.cmpi slt, %add3A_188, %lt3A_189 : i32
      %convert_element_type3A_191 = arith.extui %lt3A_190 : i1 to i32
      %cond3A_192 = arith.constant 0 : i32
      %cond3A_193 = arith.cmpi ne, %convert_element_type3A_191, %cond3A_192 : i32
      scf.if %cond3A_193 {
        %add3A_371 = arith.constant 2 : i32
        %add3A_372 = arith.addi %add3A_179, %add3A_371 : i32
        %dma_wait3A_373 = arith.constant 0 : i32
        %dma_wait3A_374 = arith.constant 0 : i32
        %dma_wait3A_375 = tpu.memref_slice %arg3[%add3A, %add3A_372, %dma_wait3A_373, %dma_wait3A_374] : memref<32x108x2x96xi32, #tpu.memory_space<hbm>> -> memref<1x1x2x96xi32, #tpu.memory_space<hbm>>
        %dma_wait3A_376 = tpu.memref_squeeze %dma_wait3A_375 : memref<1x1x2x96xi32, #tpu.memory_space<hbm>> -> memref<2x96xi32, #tpu.memory_space<hbm>>
        %dma_wait3A_377 = arith.constant 0 : i32
        %dma_wait3A_378 = arith.constant 0 : i32
        %dma_wait3A_379 = tpu.memref_slice %arg3[%add3A, %add3A_372, %dma_wait3A_377, %dma_wait3A_378] : memref<32x108x2x96xi32, #tpu.memory_space<hbm>> -> memref<1x1x2x96xi32, #tpu.memory_space<hbm>>
        %dma_wait3A_380 = tpu.memref_squeeze %dma_wait3A_379 : memref<1x1x2x96xi32, #tpu.memory_space<hbm>> -> memref<2x96xi32, #tpu.memory_space<hbm>>
        tpu.wait_dma2 semaphore(%arg16 : memref<!tpu.dma_semaphore, #tpu.memory_space<semaphore_mem>>) src(%dma_wait3A_380 : memref<2x96xi32, #tpu.memory_space<hbm>>) dst(%arg8 : memref<2x96xi32, #tpu.memory_space<vmem>>)
        %dma_start3A_381 = arith.constant 0 : i32
        %dma_start3A_382 = arith.constant 0 : i32
        %dma_start3A_383 = tpu.memref_slice %arg8[%dma_start3A_381, %dma_start3A_382] : memref<2x96xi32, #tpu.memory_space<vmem>> -> memref<1x96xi32, #tpu.memory_space<vmem>>
        %dma_start3A_384 = tpu.memref_squeeze %dma_start3A_383 : memref<1x96xi32, #tpu.memory_space<vmem>> -> memref<96xi32, #tpu.memory_space<vmem>>
        %dma_start3A_385 = arith.constant 0 : i32
        %dma_start3A_386 = arith.constant 0 : i32
        %dma_start3A_387 = tpu.memref_slice %arg2[%dma_start3A_385, %dma_start3A_386] : memref<10000x128xf32, #tpu.memory_space<hbm>> -> memref<10000x128xf32, #tpu.memory_space<hbm>>
        tpu.enqueue_indirect_dma source(%dma_start3A_387 : memref<10000x128xf32, #tpu.memory_space<hbm>>) target(%arg10 : memref<96x128xf32, #tpu.memory_space<vmem>>) offsets(%dma_start3A_384 : memref<96xi32, #tpu.memory_space<vmem>>) semaphore(%arg18 : memref<!tpu.dma_semaphore, #tpu.memory_space<semaphore_mem>>)
      } else {
      }
      %run_scoped3A_194 = arith.constant 1 : i32
      "tpu.region"() ({
        %run_scoped3A_371 = tpu.sem_alloc : memref<!tpu.dma_semaphore, #tpu.memory_space<semaphore_mem>>
        %dma_start3A_372 = arith.constant 0 : i32
        %dma_start3A_373 = tpu.memref_slice %arg6[%run_scoped3A_194, %dma_start3A_372] : memref<2x96xi32, #tpu.memory_space<vmem>> -> memref<1x96xi32, #tpu.memory_space<vmem>>
        %dma_start3A_374 = tpu.memref_squeeze %dma_start3A_373 : memref<1x96xi32, #tpu.memory_space<vmem>> -> memref<96xi32, #tpu.memory_space<vmem>>
        %dma_start3A_375 = arith.constant 0 : i32
        %dma_start3A_376 = arith.constant 0 : i32
        %dma_start3A_377 = tpu.memref_slice %arg13[%dma_start3A_375, %dma_start3A_376] : memref<10112x128xf32, #tpu.memory_space<vmem_shared>> -> memref<10112x128xf32, #tpu.memory_space<vmem_shared>>
        tpu.enqueue_indirect_dma source(%arg11 : memref<96x128xf32, #tpu.memory_space<vmem>>) target(%dma_start3A_377 : memref<10112x128xf32, #tpu.memory_space<vmem_shared>>) offsets(%dma_start3A_374 : memref<96xi32, #tpu.memory_space<vmem>>) semaphore(%run_scoped3A_371 : memref<!tpu.dma_semaphore, #tpu.memory_space<semaphore_mem>>) {add = true}
        %dma_wait3A_378 = arith.constant 0 : i32
        %dma_wait3A_379 = tpu.memref_slice %arg6[%run_scoped3A_194, %dma_wait3A_378] : memref<2x96xi32, #tpu.memory_space<vmem>> -> memref<1x96xi32, #tpu.memory_space<vmem>>
        %dma_wait3A_380 = tpu.memref_squeeze %dma_wait3A_379 : memref<1x96xi32, #tpu.memory_space<vmem>> -> memref<96xi32, #tpu.memory_space<vmem>>
        %dma_wait3A_381 = arith.constant 0 : i32
        %dma_wait3A_382 = arith.constant 0 : i32
        %dma_wait3A_383 = tpu.memref_slice %arg13[%dma_wait3A_381, %dma_wait3A_382] : memref<10112x128xf32, #tpu.memory_space<vmem_shared>> -> memref<10112x128xf32, #tpu.memory_space<vmem_shared>>
        tpu.wait_indirect_dma semaphore(%run_scoped3A_371 : memref<!tpu.dma_semaphore, #tpu.memory_space<semaphore_mem>>) src(%arg11 : memref<96x128xf32, #tpu.memory_space<vmem>>) dst(%dma_wait3A_383 : memref<10112x128xf32, #tpu.memory_space<vmem_shared>>)
        tpu.yield
      }) : () -> ()
      %add3A_195 = arith.constant 4 : i32
      %add3A_196 = arith.addi %add3A_179, %add3A_195 : i32
      %lt3A_197 = arith.constant 108 : i32
      %lt3A_198 = arith.cmpi slt, %add3A_196, %lt3A_197 : i32
      %convert_element_type3A_199 = arith.extui %lt3A_198 : i1 to i32
      %cond3A_200 = arith.constant 0 : i32
      %cond3A_201 = arith.cmpi ne, %convert_element_type3A_199, %cond3A_200 : i32
      scf.if %cond3A_201 {
        %add3A_371 = arith.constant 4 : i32
        %add3A_372 = arith.addi %add3A_179, %add3A_371 : i32
        %dma_start3A_373 = arith.constant 0 : i32
        %dma_start3A_374 = arith.constant 0 : i32
        %dma_start3A_375 = tpu.memref_slice %arg3[%add3A, %add3A_372, %dma_start3A_373, %dma_start3A_374] : memref<32x108x2x96xi32, #tpu.memory_space<hbm>> -> memref<1x1x2x96xi32, #tpu.memory_space<hbm>>
        %dma_start3A_376 = tpu.memref_squeeze %dma_start3A_375 : memref<1x1x2x96xi32, #tpu.memory_space<hbm>> -> memref<2x96xi32, #tpu.memory_space<hbm>>
        %dma_start3A_377 = arith.constant 0 : i32
        %dma_start3A_378 = arith.constant 0 : i32
        %dma_start3A_379 = tpu.memref_slice %arg3[%add3A, %add3A_372, %dma_start3A_377, %dma_start3A_378] : memref<32x108x2x96xi32, #tpu.memory_space<hbm>> -> memref<1x1x2x96xi32, #tpu.memory_space<hbm>>
        %dma_start3A_380 = tpu.memref_squeeze %dma_start3A_379 : memref<1x1x2x96xi32, #tpu.memory_space<hbm>> -> memref<2x96xi32, #tpu.memory_space<hbm>>
        tpu.enqueue_dma source(%dma_start3A_380 : memref<2x96xi32, #tpu.memory_space<hbm>>) target(%arg6 : memref<2x96xi32, #tpu.memory_space<vmem>>) target_semaphore(%arg14 : memref<!tpu.dma_semaphore, #tpu.memory_space<semaphore_mem>>)
      } else {
      }
      %add3A_202 = arith.constant 5 : i32
      %add3A_203 = arith.addi %mul3A_85, %add3A_202 : i32
      %dma_wait3A_204 = arith.constant 0 : i32
      %dma_wait3A_205 = arith.constant 0 : i32
      %dma_wait3A_206 = tpu.memref_slice %arg7[%dma_wait3A_204, %dma_wait3A_205] : memref<2x96xi32, #tpu.memory_space<vmem>> -> memref<1x96xi32, #tpu.memory_space<vmem>>
      %dma_wait3A_207 = tpu.memref_squeeze %dma_wait3A_206 : memref<1x96xi32, #tpu.memory_space<vmem>> -> memref<96xi32, #tpu.memory_space<vmem>>
      %dma_wait3A_208 = arith.constant 0 : i32
      %dma_wait3A_209 = arith.constant 0 : i32
      %dma_wait3A_210 = tpu.memref_slice %arg2[%dma_wait3A_208, %dma_wait3A_209] : memref<10000x128xf32, #tpu.memory_space<hbm>> -> memref<10000x128xf32, #tpu.memory_space<hbm>>
      tpu.wait_indirect_dma semaphore(%arg20 : memref<!tpu.dma_semaphore, #tpu.memory_space<semaphore_mem>>) src(%dma_wait3A_210 : memref<10000x128xf32, #tpu.memory_space<hbm>>) dst(%arg12 : memref<96x128xf32, #tpu.memory_space<vmem>>)
      %add3A_211 = arith.constant 2 : i32
      %add3A_212 = arith.addi %add3A_203, %add3A_211 : i32
      %lt3A_213 = arith.constant 108 : i32
      %lt3A_214 = arith.cmpi slt, %add3A_212, %lt3A_213 : i32
      %convert_element_type3A_215 = arith.extui %lt3A_214 : i1 to i32
      %cond3A_216 = arith.constant 0 : i32
      %cond3A_217 = arith.cmpi ne, %convert_element_type3A_215, %cond3A_216 : i32
      scf.if %cond3A_217 {
        %add3A_371 = arith.constant 2 : i32
        %add3A_372 = arith.addi %add3A_203, %add3A_371 : i32
        %dma_wait3A_373 = arith.constant 0 : i32
        %dma_wait3A_374 = arith.constant 0 : i32
        %dma_wait3A_375 = tpu.memref_slice %arg3[%add3A, %add3A_372, %dma_wait3A_373, %dma_wait3A_374] : memref<32x108x2x96xi32, #tpu.memory_space<hbm>> -> memref<1x1x2x96xi32, #tpu.memory_space<hbm>>
        %dma_wait3A_376 = tpu.memref_squeeze %dma_wait3A_375 : memref<1x1x2x96xi32, #tpu.memory_space<hbm>> -> memref<2x96xi32, #tpu.memory_space<hbm>>
        %dma_wait3A_377 = arith.constant 0 : i32
        %dma_wait3A_378 = arith.constant 0 : i32
        %dma_wait3A_379 = tpu.memref_slice %arg3[%add3A, %add3A_372, %dma_wait3A_377, %dma_wait3A_378] : memref<32x108x2x96xi32, #tpu.memory_space<hbm>> -> memref<1x1x2x96xi32, #tpu.memory_space<hbm>>
        %dma_wait3A_380 = tpu.memref_squeeze %dma_wait3A_379 : memref<1x1x2x96xi32, #tpu.memory_space<hbm>> -> memref<2x96xi32, #tpu.memory_space<hbm>>
        tpu.wait_dma2 semaphore(%arg17 : memref<!tpu.dma_semaphore, #tpu.memory_space<semaphore_mem>>) src(%dma_wait3A_380 : memref<2x96xi32, #tpu.memory_space<hbm>>) dst(%arg9 : memref<2x96xi32, #tpu.memory_space<vmem>>)
        %dma_start3A_381 = arith.constant 0 : i32
        %dma_start3A_382 = arith.constant 0 : i32
        %dma_start3A_383 = tpu.memref_slice %arg9[%dma_start3A_381, %dma_start3A_382] : memref<2x96xi32, #tpu.memory_space<vmem>> -> memref<1x96xi32, #tpu.memory_space<vmem>>
        %dma_start3A_384 = tpu.memref_squeeze %dma_start3A_383 : memref<1x96xi32, #tpu.memory_space<vmem>> -> memref<96xi32, #tpu.memory_space<vmem>>
        %dma_start3A_385 = arith.constant 0 : i32
        %dma_start3A_386 = arith.constant 0 : i32
        %dma_start3A_387 = tpu.memref_slice %arg2[%dma_start3A_385, %dma_start3A_386] : memref<10000x128xf32, #tpu.memory_space<hbm>> -> memref<10000x128xf32, #tpu.memory_space<hbm>>
        tpu.enqueue_indirect_dma source(%dma_start3A_387 : memref<10000x128xf32, #tpu.memory_space<hbm>>) target(%arg11 : memref<96x128xf32, #tpu.memory_space<vmem>>) offsets(%dma_start3A_384 : memref<96xi32, #tpu.memory_space<vmem>>) semaphore(%arg19 : memref<!tpu.dma_semaphore, #tpu.memory_space<semaphore_mem>>)
      } else {
      }
      %run_scoped3A_218 = arith.constant 1 : i32
      "tpu.region"() ({
        %run_scoped3A_371 = tpu.sem_alloc : memref<!tpu.dma_semaphore, #tpu.memory_space<semaphore_mem>>
        %dma_start3A_372 = arith.constant 0 : i32
        %dma_start3A_373 = tpu.memref_slice %arg7[%run_scoped3A_218, %dma_start3A_372] : memref<2x96xi32, #tpu.memory_space<vmem>> -> memref<1x96xi32, #tpu.memory_space<vmem>>
        %dma_start3A_374 = tpu.memref_squeeze %dma_start3A_373 : memref<1x96xi32, #tpu.memory_space<vmem>> -> memref<96xi32, #tpu.memory_space<vmem>>
        %dma_start3A_375 = arith.constant 0 : i32
        %dma_start3A_376 = arith.constant 0 : i32
        %dma_start3A_377 = tpu.memref_slice %arg13[%dma_start3A_375, %dma_start3A_376] : memref<10112x128xf32, #tpu.memory_space<vmem_shared>> -> memref<10112x128xf32, #tpu.memory_space<vmem_shared>>
        tpu.enqueue_indirect_dma source(%arg12 : memref<96x128xf32, #tpu.memory_space<vmem>>) target(%dma_start3A_377 : memref<10112x128xf32, #tpu.memory_space<vmem_shared>>) offsets(%dma_start3A_374 : memref<96xi32, #tpu.memory_space<vmem>>) semaphore(%run_scoped3A_371 : memref<!tpu.dma_semaphore, #tpu.memory_space<semaphore_mem>>) {add = true}
        %dma_wait3A_378 = arith.constant 0 : i32
        %dma_wait3A_379 = tpu.memref_slice %arg7[%run_scoped3A_218, %dma_wait3A_378] : memref<2x96xi32, #tpu.memory_space<vmem>> -> memref<1x96xi32, #tpu.memory_space<vmem>>
        %dma_wait3A_380 = tpu.memref_squeeze %dma_wait3A_379 : memref<1x96xi32, #tpu.memory_space<vmem>> -> memref<96xi32, #tpu.memory_space<vmem>>
        %dma_wait3A_381 = arith.constant 0 : i32
        %dma_wait3A_382 = arith.constant 0 : i32
        %dma_wait3A_383 = tpu.memref_slice %arg13[%dma_wait3A_381, %dma_wait3A_382] : memref<10112x128xf32, #tpu.memory_space<vmem_shared>> -> memref<10112x128xf32, #tpu.memory_space<vmem_shared>>
        tpu.wait_indirect_dma semaphore(%run_scoped3A_371 : memref<!tpu.dma_semaphore, #tpu.memory_space<semaphore_mem>>) src(%arg12 : memref<96x128xf32, #tpu.memory_space<vmem>>) dst(%dma_wait3A_383 : memref<10112x128xf32, #tpu.memory_space<vmem_shared>>)
        tpu.yield
      }) : () -> ()
      %add3A_219 = arith.constant 4 : i32
      %add3A_220 = arith.addi %add3A_203, %add3A_219 : i32
      %lt3A_221 = arith.constant 108 : i32
      %lt3A_222 = arith.cmpi slt, %add3A_220, %lt3A_221 : i32
      %convert_element_type3A_223 = arith.extui %lt3A_222 : i1 to i32
      %cond3A_224 = arith.constant 0 : i32
      %cond3A_225 = arith.cmpi ne, %convert_element_type3A_223, %cond3A_224 : i32
      scf.if %cond3A_225 {
        %add3A_371 = arith.constant 4 : i32
        %add3A_372 = arith.addi %add3A_203, %add3A_371 : i32
        %dma_start3A_373 = arith.constant 0 : i32
        %dma_start3A_374 = arith.constant 0 : i32
        %dma_start3A_375 = tpu.memref_slice %arg3[%add3A, %add3A_372, %dma_start3A_373, %dma_start3A_374] : memref<32x108x2x96xi32, #tpu.memory_space<hbm>> -> memref<1x1x2x96xi32, #tpu.memory_space<hbm>>
        %dma_start3A_376 = tpu.memref_squeeze %dma_start3A_375 : memref<1x1x2x96xi32, #tpu.memory_space<hbm>> -> memref<2x96xi32, #tpu.memory_space<hbm>>
        %dma_start3A_377 = arith.constant 0 : i32
        %dma_start3A_378 = arith.constant 0 : i32
        %dma_start3A_379 = tpu.memref_slice %arg3[%add3A, %add3A_372, %dma_start3A_377, %dma_start3A_378] : memref<32x108x2x96xi32, #tpu.memory_space<hbm>> -> memref<1x1x2x96xi32, #tpu.memory_space<hbm>>
        %dma_start3A_380 = tpu.memref_squeeze %dma_start3A_379 : memref<1x1x2x96xi32, #tpu.memory_space<hbm>> -> memref<2x96xi32, #tpu.memory_space<hbm>>
        tpu.enqueue_dma source(%dma_start3A_380 : memref<2x96xi32, #tpu.memory_space<hbm>>) target(%arg7 : memref<2x96xi32, #tpu.memory_space<vmem>>) target_semaphore(%arg15 : memref<!tpu.dma_semaphore, #tpu.memory_space<semaphore_mem>>)
      } else {
      }
      %add3A_226 = arith.constant 6 : i32
      %add3A_227 = arith.addi %mul3A_85, %add3A_226 : i32
      %dma_wait3A_228 = arith.constant 0 : i32
      %dma_wait3A_229 = arith.constant 0 : i32
      %dma_wait3A_230 = tpu.memref_slice %arg8[%dma_wait3A_228, %dma_wait3A_229] : memref<2x96xi32, #tpu.memory_space<vmem>> -> memref<1x96xi32, #tpu.memory_space<vmem>>
      %dma_wait3A_231 = tpu.memref_squeeze %dma_wait3A_230 : memref<1x96xi32, #tpu.memory_space<vmem>> -> memref<96xi32, #tpu.memory_space<vmem>>
      %dma_wait3A_232 = arith.constant 0 : i32
      %dma_wait3A_233 = arith.constant 0 : i32
      %dma_wait3A_234 = tpu.memref_slice %arg2[%dma_wait3A_232, %dma_wait3A_233] : memref<10000x128xf32, #tpu.memory_space<hbm>> -> memref<10000x128xf32, #tpu.memory_space<hbm>>
      tpu.wait_indirect_dma semaphore(%arg18 : memref<!tpu.dma_semaphore, #tpu.memory_space<semaphore_mem>>) src(%dma_wait3A_234 : memref<10000x128xf32, #tpu.memory_space<hbm>>) dst(%arg10 : memref<96x128xf32, #tpu.memory_space<vmem>>)
      %add3A_235 = arith.constant 2 : i32
      %add3A_236 = arith.addi %add3A_227, %add3A_235 : i32
      %lt3A_237 = arith.constant 108 : i32
      %lt3A_238 = arith.cmpi slt, %add3A_236, %lt3A_237 : i32
      %convert_element_type3A_239 = arith.extui %lt3A_238 : i1 to i32
      %cond3A_240 = arith.constant 0 : i32
      %cond3A_241 = arith.cmpi ne, %convert_element_type3A_239, %cond3A_240 : i32
      scf.if %cond3A_241 {
        %add3A_371 = arith.constant 2 : i32
        %add3A_372 = arith.addi %add3A_227, %add3A_371 : i32
        %dma_wait3A_373 = arith.constant 0 : i32
        %dma_wait3A_374 = arith.constant 0 : i32
        %dma_wait3A_375 = tpu.memref_slice %arg3[%add3A, %add3A_372, %dma_wait3A_373, %dma_wait3A_374] : memref<32x108x2x96xi32, #tpu.memory_space<hbm>> -> memref<1x1x2x96xi32, #tpu.memory_space<hbm>>
        %dma_wait3A_376 = tpu.memref_squeeze %dma_wait3A_375 : memref<1x1x2x96xi32, #tpu.memory_space<hbm>> -> memref<2x96xi32, #tpu.memory_space<hbm>>
        %dma_wait3A_377 = arith.constant 0 : i32
        %dma_wait3A_378 = arith.constant 0 : i32
        %dma_wait3A_379 = tpu.memref_slice %arg3[%add3A, %add3A_372, %dma_wait3A_377, %dma_wait3A_378] : memref<32x108x2x96xi32, #tpu.memory_space<hbm>> -> memref<1x1x2x96xi32, #tpu.memory_space<hbm>>
        %dma_wait3A_380 = tpu.memref_squeeze %dma_wait3A_379 : memref<1x1x2x96xi32, #tpu.memory_space<hbm>> -> memref<2x96xi32, #tpu.memory_space<hbm>>
        tpu.wait_dma2 semaphore(%arg14 : memref<!tpu.dma_semaphore, #tpu.memory_space<semaphore_mem>>) src(%dma_wait3A_380 : memref<2x96xi32, #tpu.memory_space<hbm>>) dst(%arg6 : memref<2x96xi32, #tpu.memory_space<vmem>>)
        %dma_start3A_381 = arith.constant 0 : i32
        %dma_start3A_382 = arith.constant 0 : i32
        %dma_start3A_383 = tpu.memref_slice %arg6[%dma_start3A_381, %dma_start3A_382] : memref<2x96xi32, #tpu.memory_space<vmem>> -> memref<1x96xi32, #tpu.memory_space<vmem>>
        %dma_start3A_384 = tpu.memref_squeeze %dma_start3A_383 : memref<1x96xi32, #tpu.memory_space<vmem>> -> memref<96xi32, #tpu.memory_space<vmem>>
        %dma_start3A_385 = arith.constant 0 : i32
        %dma_start3A_386 = arith.constant 0 : i32
        %dma_start3A_387 = tpu.memref_slice %arg2[%dma_start3A_385, %dma_start3A_386] : memref<10000x128xf32, #tpu.memory_space<hbm>> -> memref<10000x128xf32, #tpu.memory_space<hbm>>
        tpu.enqueue_indirect_dma source(%dma_start3A_387 : memref<10000x128xf32, #tpu.memory_space<hbm>>) target(%arg12 : memref<96x128xf32, #tpu.memory_space<vmem>>) offsets(%dma_start3A_384 : memref<96xi32, #tpu.memory_space<vmem>>) semaphore(%arg20 : memref<!tpu.dma_semaphore, #tpu.memory_space<semaphore_mem>>)
      } else {
      }
      %run_scoped3A_242 = arith.constant 1 : i32
      "tpu.region"() ({
        %run_scoped3A_371 = tpu.sem_alloc : memref<!tpu.dma_semaphore, #tpu.memory_space<semaphore_mem>>
        %dma_start3A_372 = arith.constant 0 : i32
        %dma_start3A_373 = tpu.memref_slice %arg8[%run_scoped3A_242, %dma_start3A_372] : memref<2x96xi32, #tpu.memory_space<vmem>> -> memref<1x96xi32, #tpu.memory_space<vmem>>
        %dma_start3A_374 = tpu.memref_squeeze %dma_start3A_373 : memref<1x96xi32, #tpu.memory_space<vmem>> -> memref<96xi32, #tpu.memory_space<vmem>>
        %dma_start3A_375 = arith.constant 0 : i32
        %dma_start3A_376 = arith.constant 0 : i32
        %dma_start3A_377 = tpu.memref_slice %arg13[%dma_start3A_375, %dma_start3A_376] : memref<10112x128xf32, #tpu.memory_space<vmem_shared>> -> memref<10112x128xf32, #tpu.memory_space<vmem_shared>>
        tpu.enqueue_indirect_dma source(%arg10 : memref<96x128xf32, #tpu.memory_space<vmem>>) target(%dma_start3A_377 : memref<10112x128xf32, #tpu.memory_space<vmem_shared>>) offsets(%dma_start3A_374 : memref<96xi32, #tpu.memory_space<vmem>>) semaphore(%run_scoped3A_371 : memref<!tpu.dma_semaphore, #tpu.memory_space<semaphore_mem>>) {add = true}
        %dma_wait3A_378 = arith.constant 0 : i32
        %dma_wait3A_379 = tpu.memref_slice %arg8[%run_scoped3A_242, %dma_wait3A_378] : memref<2x96xi32, #tpu.memory_space<vmem>> -> memref<1x96xi32, #tpu.memory_space<vmem>>
        %dma_wait3A_380 = tpu.memref_squeeze %dma_wait3A_379 : memref<1x96xi32, #tpu.memory_space<vmem>> -> memref<96xi32, #tpu.memory_space<vmem>>
        %dma_wait3A_381 = arith.constant 0 : i32
        %dma_wait3A_382 = arith.constant 0 : i32
        %dma_wait3A_383 = tpu.memref_slice %arg13[%dma_wait3A_381, %dma_wait3A_382] : memref<10112x128xf32, #tpu.memory_space<vmem_shared>> -> memref<10112x128xf32, #tpu.memory_space<vmem_shared>>
        tpu.wait_indirect_dma semaphore(%run_scoped3A_371 : memref<!tpu.dma_semaphore, #tpu.memory_space<semaphore_mem>>) src(%arg10 : memref<96x128xf32, #tpu.memory_space<vmem>>) dst(%dma_wait3A_383 : memref<10112x128xf32, #tpu.memory_space<vmem_shared>>)
        tpu.yield
      }) : () -> ()
      %add3A_243 = arith.constant 4 : i32
      %add3A_244 = arith.addi %add3A_227, %add3A_243 : i32
      %lt3A_245 = arith.constant 108 : i32
      %lt3A_246 = arith.cmpi slt, %add3A_244, %lt3A_245 : i32
      %convert_element_type3A_247 = arith.extui %lt3A_246 : i1 to i32
      %cond3A_248 = arith.constant 0 : i32
      %cond3A_249 = arith.cmpi ne, %convert_element_type3A_247, %cond3A_248 : i32
      scf.if %cond3A_249 {
        %add3A_371 = arith.constant 4 : i32
        %add3A_372 = arith.addi %add3A_227, %add3A_371 : i32
        %dma_start3A_373 = arith.constant 0 : i32
        %dma_start3A_374 = arith.constant 0 : i32
        %dma_start3A_375 = tpu.memref_slice %arg3[%add3A, %add3A_372, %dma_start3A_373, %dma_start3A_374] : memref<32x108x2x96xi32, #tpu.memory_space<hbm>> -> memref<1x1x2x96xi32, #tpu.memory_space<hbm>>
        %dma_start3A_376 = tpu.memref_squeeze %dma_start3A_375 : memref<1x1x2x96xi32, #tpu.memory_space<hbm>> -> memref<2x96xi32, #tpu.memory_space<hbm>>
        %dma_start3A_377 = arith.constant 0 : i32
        %dma_start3A_378 = arith.constant 0 : i32
        %dma_start3A_379 = tpu.memref_slice %arg3[%add3A, %add3A_372, %dma_start3A_377, %dma_start3A_378] : memref<32x108x2x96xi32, #tpu.memory_space<hbm>> -> memref<1x1x2x96xi32, #tpu.memory_space<hbm>>
        %dma_start3A_380 = tpu.memref_squeeze %dma_start3A_379 : memref<1x1x2x96xi32, #tpu.memory_space<hbm>> -> memref<2x96xi32, #tpu.memory_space<hbm>>
        tpu.enqueue_dma source(%dma_start3A_380 : memref<2x96xi32, #tpu.memory_space<hbm>>) target(%arg8 : memref<2x96xi32, #tpu.memory_space<vmem>>) target_semaphore(%arg16 : memref<!tpu.dma_semaphore, #tpu.memory_space<semaphore_mem>>)
      } else {
      }
      %add3A_250 = arith.constant 7 : i32
      %add3A_251 = arith.addi %mul3A_85, %add3A_250 : i32
      %dma_wait3A_252 = arith.constant 0 : i32
      %dma_wait3A_253 = arith.constant 0 : i32
      %dma_wait3A_254 = tpu.memref_slice %arg9[%dma_wait3A_252, %dma_wait3A_253] : memref<2x96xi32, #tpu.memory_space<vmem>> -> memref<1x96xi32, #tpu.memory_space<vmem>>
      %dma_wait3A_255 = tpu.memref_squeeze %dma_wait3A_254 : memref<1x96xi32, #tpu.memory_space<vmem>> -> memref<96xi32, #tpu.memory_space<vmem>>
      %dma_wait3A_256 = arith.constant 0 : i32
      %dma_wait3A_257 = arith.constant 0 : i32
      %dma_wait3A_258 = tpu.memref_slice %arg2[%dma_wait3A_256, %dma_wait3A_257] : memref<10000x128xf32, #tpu.memory_space<hbm>> -> memref<10000x128xf32, #tpu.memory_space<hbm>>
      tpu.wait_indirect_dma semaphore(%arg19 : memref<!tpu.dma_semaphore, #tpu.memory_space<semaphore_mem>>) src(%dma_wait3A_258 : memref<10000x128xf32, #tpu.memory_space<hbm>>) dst(%arg11 : memref<96x128xf32, #tpu.memory_space<vmem>>)
      %add3A_259 = arith.constant 2 : i32
      %add3A_260 = arith.addi %add3A_251, %add3A_259 : i32
      %lt3A_261 = arith.constant 108 : i32
      %lt3A_262 = arith.cmpi slt, %add3A_260, %lt3A_261 : i32
      %convert_element_type3A_263 = arith.extui %lt3A_262 : i1 to i32
      %cond3A_264 = arith.constant 0 : i32
      %cond3A_265 = arith.cmpi ne, %convert_element_type3A_263, %cond3A_264 : i32
      scf.if %cond3A_265 {
        %add3A_371 = arith.constant 2 : i32
        %add3A_372 = arith.addi %add3A_251, %add3A_371 : i32
        %dma_wait3A_373 = arith.constant 0 : i32
        %dma_wait3A_374 = arith.constant 0 : i32
        %dma_wait3A_375 = tpu.memref_slice %arg3[%add3A, %add3A_372, %dma_wait3A_373, %dma_wait3A_374] : memref<32x108x2x96xi32, #tpu.memory_space<hbm>> -> memref<1x1x2x96xi32, #tpu.memory_space<hbm>>
        %dma_wait3A_376 = tpu.memref_squeeze %dma_wait3A_375 : memref<1x1x2x96xi32, #tpu.memory_space<hbm>> -> memref<2x96xi32, #tpu.memory_space<hbm>>
        %dma_wait3A_377 = arith.constant 0 : i32
        %dma_wait3A_378 = arith.constant 0 : i32
        %dma_wait3A_379 = tpu.memref_slice %arg3[%add3A, %add3A_372, %dma_wait3A_377, %dma_wait3A_378] : memref<32x108x2x96xi32, #tpu.memory_space<hbm>> -> memref<1x1x2x96xi32, #tpu.memory_space<hbm>>
        %dma_wait3A_380 = tpu.memref_squeeze %dma_wait3A_379 : memref<1x1x2x96xi32, #tpu.memory_space<hbm>> -> memref<2x96xi32, #tpu.memory_space<hbm>>
        tpu.wait_dma2 semaphore(%arg15 : memref<!tpu.dma_semaphore, #tpu.memory_space<semaphore_mem>>) src(%dma_wait3A_380 : memref<2x96xi32, #tpu.memory_space<hbm>>) dst(%arg7 : memref<2x96xi32, #tpu.memory_space<vmem>>)
        %dma_start3A_381 = arith.constant 0 : i32
        %dma_start3A_382 = arith.constant 0 : i32
        %dma_start3A_383 = tpu.memref_slice %arg7[%dma_start3A_381, %dma_start3A_382] : memref<2x96xi32, #tpu.memory_space<vmem>> -> memref<1x96xi32, #tpu.memory_space<vmem>>
        %dma_start3A_384 = tpu.memref_squeeze %dma_start3A_383 : memref<1x96xi32, #tpu.memory_space<vmem>> -> memref<96xi32, #tpu.memory_space<vmem>>
        %dma_start3A_385 = arith.constant 0 : i32
        %dma_start3A_386 = arith.constant 0 : i32
        %dma_start3A_387 = tpu.memref_slice %arg2[%dma_start3A_385, %dma_start3A_386] : memref<10000x128xf32, #tpu.memory_space<hbm>> -> memref<10000x128xf32, #tpu.memory_space<hbm>>
        tpu.enqueue_indirect_dma source(%dma_start3A_387 : memref<10000x128xf32, #tpu.memory_space<hbm>>) target(%arg10 : memref<96x128xf32, #tpu.memory_space<vmem>>) offsets(%dma_start3A_384 : memref<96xi32, #tpu.memory_space<vmem>>) semaphore(%arg18 : memref<!tpu.dma_semaphore, #tpu.memory_space<semaphore_mem>>)
      } else {
      }
      %run_scoped3A_266 = arith.constant 1 : i32
      "tpu.region"() ({
        %run_scoped3A_371 = tpu.sem_alloc : memref<!tpu.dma_semaphore, #tpu.memory_space<semaphore_mem>>
        %dma_start3A_372 = arith.constant 0 : i32
        %dma_start3A_373 = tpu.memref_slice %arg9[%run_scoped3A_266, %dma_start3A_372] : memref<2x96xi32, #tpu.memory_space<vmem>> -> memref<1x96xi32, #tpu.memory_space<vmem>>
        %dma_start3A_374 = tpu.memref_squeeze %dma_start3A_373 : memref<1x96xi32, #tpu.memory_space<vmem>> -> memref<96xi32, #tpu.memory_space<vmem>>
        %dma_start3A_375 = arith.constant 0 : i32
        %dma_start3A_376 = arith.constant 0 : i32
        %dma_start3A_377 = tpu.memref_slice %arg13[%dma_start3A_375, %dma_start3A_376] : memref<10112x128xf32, #tpu.memory_space<vmem_shared>> -> memref<10112x128xf32, #tpu.memory_space<vmem_shared>>
        tpu.enqueue_indirect_dma source(%arg11 : memref<96x128xf32, #tpu.memory_space<vmem>>) target(%dma_start3A_377 : memref<10112x128xf32, #tpu.memory_space<vmem_shared>>) offsets(%dma_start3A_374 : memref<96xi32, #tpu.memory_space<vmem>>) semaphore(%run_scoped3A_371 : memref<!tpu.dma_semaphore, #tpu.memory_space<semaphore_mem>>) {add = true}
        %dma_wait3A_378 = arith.constant 0 : i32
        %dma_wait3A_379 = tpu.memref_slice %arg9[%run_scoped3A_266, %dma_wait3A_378] : memref<2x96xi32, #tpu.memory_space<vmem>> -> memref<1x96xi32, #tpu.memory_space<vmem>>
        %dma_wait3A_380 = tpu.memref_squeeze %dma_wait3A_379 : memref<1x96xi32, #tpu.memory_space<vmem>> -> memref<96xi32, #tpu.memory_space<vmem>>
        %dma_wait3A_381 = arith.constant 0 : i32
        %dma_wait3A_382 = arith.constant 0 : i32
        %dma_wait3A_383 = tpu.memref_slice %arg13[%dma_wait3A_381, %dma_wait3A_382] : memref<10112x128xf32, #tpu.memory_space<vmem_shared>> -> memref<10112x128xf32, #tpu.memory_space<vmem_shared>>
        tpu.wait_indirect_dma semaphore(%run_scoped3A_371 : memref<!tpu.dma_semaphore, #tpu.memory_space<semaphore_mem>>) src(%arg11 : memref<96x128xf32, #tpu.memory_space<vmem>>) dst(%dma_wait3A_383 : memref<10112x128xf32, #tpu.memory_space<vmem_shared>>)
        tpu.yield
      }) : () -> ()
      %add3A_267 = arith.constant 4 : i32
      %add3A_268 = arith.addi %add3A_251, %add3A_267 : i32
      %lt3A_269 = arith.constant 108 : i32
      %lt3A_270 = arith.cmpi slt, %add3A_268, %lt3A_269 : i32
      %convert_element_type3A_271 = arith.extui %lt3A_270 : i1 to i32
      %cond3A_272 = arith.constant 0 : i32
      %cond3A_273 = arith.cmpi ne, %convert_element_type3A_271, %cond3A_272 : i32
      scf.if %cond3A_273 {
        %add3A_371 = arith.constant 4 : i32
        %add3A_372 = arith.addi %add3A_251, %add3A_371 : i32
        %dma_start3A_373 = arith.constant 0 : i32
        %dma_start3A_374 = arith.constant 0 : i32
        %dma_start3A_375 = tpu.memref_slice %arg3[%add3A, %add3A_372, %dma_start3A_373, %dma_start3A_374] : memref<32x108x2x96xi32, #tpu.memory_space<hbm>> -> memref<1x1x2x96xi32, #tpu.memory_space<hbm>>
        %dma_start3A_376 = tpu.memref_squeeze %dma_start3A_375 : memref<1x1x2x96xi32, #tpu.memory_space<hbm>> -> memref<2x96xi32, #tpu.memory_space<hbm>>
        %dma_start3A_377 = arith.constant 0 : i32
        %dma_start3A_378 = arith.constant 0 : i32
        %dma_start3A_379 = tpu.memref_slice %arg3[%add3A, %add3A_372, %dma_start3A_377, %dma_start3A_378] : memref<32x108x2x96xi32, #tpu.memory_space<hbm>> -> memref<1x1x2x96xi32, #tpu.memory_space<hbm>>
        %dma_start3A_380 = tpu.memref_squeeze %dma_start3A_379 : memref<1x1x2x96xi32, #tpu.memory_space<hbm>> -> memref<2x96xi32, #tpu.memory_space<hbm>>
        tpu.enqueue_dma source(%dma_start3A_380 : memref<2x96xi32, #tpu.memory_space<hbm>>) target(%arg9 : memref<2x96xi32, #tpu.memory_space<vmem>>) target_semaphore(%arg17 : memref<!tpu.dma_semaphore, #tpu.memory_space<semaphore_mem>>)
      } else {
      }
      %add3A_274 = arith.constant 8 : i32
      %add3A_275 = arith.addi %mul3A_85, %add3A_274 : i32
      %dma_wait3A_276 = arith.constant 0 : i32
      %dma_wait3A_277 = arith.constant 0 : i32
      %dma_wait3A_278 = tpu.memref_slice %arg6[%dma_wait3A_276, %dma_wait3A_277] : memref<2x96xi32, #tpu.memory_space<vmem>> -> memref<1x96xi32, #tpu.memory_space<vmem>>
      %dma_wait3A_279 = tpu.memref_squeeze %dma_wait3A_278 : memref<1x96xi32, #tpu.memory_space<vmem>> -> memref<96xi32, #tpu.memory_space<vmem>>
      %dma_wait3A_280 = arith.constant 0 : i32
      %dma_wait3A_281 = arith.constant 0 : i32
      %dma_wait3A_282 = tpu.memref_slice %arg2[%dma_wait3A_280, %dma_wait3A_281] : memref<10000x128xf32, #tpu.memory_space<hbm>> -> memref<10000x128xf32, #tpu.memory_space<hbm>>
      tpu.wait_indirect_dma semaphore(%arg20 : memref<!tpu.dma_semaphore, #tpu.memory_space<semaphore_mem>>) src(%dma_wait3A_282 : memref<10000x128xf32, #tpu.memory_space<hbm>>) dst(%arg12 : memref<96x128xf32, #tpu.memory_space<vmem>>)
      %add3A_283 = arith.constant 2 : i32
      %add3A_284 = arith.addi %add3A_275, %add3A_283 : i32
      %lt3A_285 = arith.constant 108 : i32
      %lt3A_286 = arith.cmpi slt, %add3A_284, %lt3A_285 : i32
      %convert_element_type3A_287 = arith.extui %lt3A_286 : i1 to i32
      %cond3A_288 = arith.constant 0 : i32
      %cond3A_289 = arith.cmpi ne, %convert_element_type3A_287, %cond3A_288 : i32
      scf.if %cond3A_289 {
        %add3A_371 = arith.constant 2 : i32
        %add3A_372 = arith.addi %add3A_275, %add3A_371 : i32
        %dma_wait3A_373 = arith.constant 0 : i32
        %dma_wait3A_374 = arith.constant 0 : i32
        %dma_wait3A_375 = tpu.memref_slice %arg3[%add3A, %add3A_372, %dma_wait3A_373, %dma_wait3A_374] : memref<32x108x2x96xi32, #tpu.memory_space<hbm>> -> memref<1x1x2x96xi32, #tpu.memory_space<hbm>>
        %dma_wait3A_376 = tpu.memref_squeeze %dma_wait3A_375 : memref<1x1x2x96xi32, #tpu.memory_space<hbm>> -> memref<2x96xi32, #tpu.memory_space<hbm>>
        %dma_wait3A_377 = arith.constant 0 : i32
        %dma_wait3A_378 = arith.constant 0 : i32
        %dma_wait3A_379 = tpu.memref_slice %arg3[%add3A, %add3A_372, %dma_wait3A_377, %dma_wait3A_378] : memref<32x108x2x96xi32, #tpu.memory_space<hbm>> -> memref<1x1x2x96xi32, #tpu.memory_space<hbm>>
        %dma_wait3A_380 = tpu.memref_squeeze %dma_wait3A_379 : memref<1x1x2x96xi32, #tpu.memory_space<hbm>> -> memref<2x96xi32, #tpu.memory_space<hbm>>
        tpu.wait_dma2 semaphore(%arg16 : memref<!tpu.dma_semaphore, #tpu.memory_space<semaphore_mem>>) src(%dma_wait3A_380 : memref<2x96xi32, #tpu.memory_space<hbm>>) dst(%arg8 : memref<2x96xi32, #tpu.memory_space<vmem>>)
        %dma_start3A_381 = arith.constant 0 : i32
        %dma_start3A_382 = arith.constant 0 : i32
        %dma_start3A_383 = tpu.memref_slice %arg8[%dma_start3A_381, %dma_start3A_382] : memref<2x96xi32, #tpu.memory_space<vmem>> -> memref<1x96xi32, #tpu.memory_space<vmem>>
        %dma_start3A_384 = tpu.memref_squeeze %dma_start3A_383 : memref<1x96xi32, #tpu.memory_space<vmem>> -> memref<96xi32, #tpu.memory_space<vmem>>
        %dma_start3A_385 = arith.constant 0 : i32
        %dma_start3A_386 = arith.constant 0 : i32
        %dma_start3A_387 = tpu.memref_slice %arg2[%dma_start3A_385, %dma_start3A_386] : memref<10000x128xf32, #tpu.memory_space<hbm>> -> memref<10000x128xf32, #tpu.memory_space<hbm>>
        tpu.enqueue_indirect_dma source(%dma_start3A_387 : memref<10000x128xf32, #tpu.memory_space<hbm>>) target(%arg11 : memref<96x128xf32, #tpu.memory_space<vmem>>) offsets(%dma_start3A_384 : memref<96xi32, #tpu.memory_space<vmem>>) semaphore(%arg19 : memref<!tpu.dma_semaphore, #tpu.memory_space<semaphore_mem>>)
      } else {
      }
      %run_scoped3A_290 = arith.constant 1 : i32
      "tpu.region"() ({
        %run_scoped3A_371 = tpu.sem_alloc : memref<!tpu.dma_semaphore, #tpu.memory_space<semaphore_mem>>
        %dma_start3A_372 = arith.constant 0 : i32
        %dma_start3A_373 = tpu.memref_slice %arg6[%run_scoped3A_290, %dma_start3A_372] : memref<2x96xi32, #tpu.memory_space<vmem>> -> memref<1x96xi32, #tpu.memory_space<vmem>>
        %dma_start3A_374 = tpu.memref_squeeze %dma_start3A_373 : memref<1x96xi32, #tpu.memory_space<vmem>> -> memref<96xi32, #tpu.memory_space<vmem>>
        %dma_start3A_375 = arith.constant 0 : i32
        %dma_start3A_376 = arith.constant 0 : i32
        %dma_start3A_377 = tpu.memref_slice %arg13[%dma_start3A_375, %dma_start3A_376] : memref<10112x128xf32, #tpu.memory_space<vmem_shared>> -> memref<10112x128xf32, #tpu.memory_space<vmem_shared>>
        tpu.enqueue_indirect_dma source(%arg12 : memref<96x128xf32, #tpu.memory_space<vmem>>) target(%dma_start3A_377 : memref<10112x128xf32, #tpu.memory_space<vmem_shared>>) offsets(%dma_start3A_374 : memref<96xi32, #tpu.memory_space<vmem>>) semaphore(%run_scoped3A_371 : memref<!tpu.dma_semaphore, #tpu.memory_space<semaphore_mem>>) {add = true}
        %dma_wait3A_378 = arith.constant 0 : i32
        %dma_wait3A_379 = tpu.memref_slice %arg6[%run_scoped3A_290, %dma_wait3A_378] : memref<2x96xi32, #tpu.memory_space<vmem>> -> memref<1x96xi32, #tpu.memory_space<vmem>>
        %dma_wait3A_380 = tpu.memref_squeeze %dma_wait3A_379 : memref<1x96xi32, #tpu.memory_space<vmem>> -> memref<96xi32, #tpu.memory_space<vmem>>
        %dma_wait3A_381 = arith.constant 0 : i32
        %dma_wait3A_382 = arith.constant 0 : i32
        %dma_wait3A_383 = tpu.memref_slice %arg13[%dma_wait3A_381, %dma_wait3A_382] : memref<10112x128xf32, #tpu.memory_space<vmem_shared>> -> memref<10112x128xf32, #tpu.memory_space<vmem_shared>>
        tpu.wait_indirect_dma semaphore(%run_scoped3A_371 : memref<!tpu.dma_semaphore, #tpu.memory_space<semaphore_mem>>) src(%arg12 : memref<96x128xf32, #tpu.memory_space<vmem>>) dst(%dma_wait3A_383 : memref<10112x128xf32, #tpu.memory_space<vmem_shared>>)
        tpu.yield
      }) : () -> ()
      %add3A_291 = arith.constant 4 : i32
      %add3A_292 = arith.addi %add3A_275, %add3A_291 : i32
      %lt3A_293 = arith.constant 108 : i32
      %lt3A_294 = arith.cmpi slt, %add3A_292, %lt3A_293 : i32
      %convert_element_type3A_295 = arith.extui %lt3A_294 : i1 to i32
      %cond3A_296 = arith.constant 0 : i32
      %cond3A_297 = arith.cmpi ne, %convert_element_type3A_295, %cond3A_296 : i32
      scf.if %cond3A_297 {
        %add3A_371 = arith.constant 4 : i32
        %add3A_372 = arith.addi %add3A_275, %add3A_371 : i32
        %dma_start3A_373 = arith.constant 0 : i32
        %dma_start3A_374 = arith.constant 0 : i32
        %dma_start3A_375 = tpu.memref_slice %arg3[%add3A, %add3A_372, %dma_start3A_373, %dma_start3A_374] : memref<32x108x2x96xi32, #tpu.memory_space<hbm>> -> memref<1x1x2x96xi32, #tpu.memory_space<hbm>>
        %dma_start3A_376 = tpu.memref_squeeze %dma_start3A_375 : memref<1x1x2x96xi32, #tpu.memory_space<hbm>> -> memref<2x96xi32, #tpu.memory_space<hbm>>
        %dma_start3A_377 = arith.constant 0 : i32
        %dma_start3A_378 = arith.constant 0 : i32
        %dma_start3A_379 = tpu.memref_slice %arg3[%add3A, %add3A_372, %dma_start3A_377, %dma_start3A_378] : memref<32x108x2x96xi32, #tpu.memory_space<hbm>> -> memref<1x1x2x96xi32, #tpu.memory_space<hbm>>
        %dma_start3A_380 = tpu.memref_squeeze %dma_start3A_379 : memref<1x1x2x96xi32, #tpu.memory_space<hbm>> -> memref<2x96xi32, #tpu.memory_space<hbm>>
        tpu.enqueue_dma source(%dma_start3A_380 : memref<2x96xi32, #tpu.memory_space<hbm>>) target(%arg6 : memref<2x96xi32, #tpu.memory_space<vmem>>) target_semaphore(%arg14 : memref<!tpu.dma_semaphore, #tpu.memory_space<semaphore_mem>>)
      } else {
      }
      %add3A_298 = arith.constant 9 : i32
      %add3A_299 = arith.addi %mul3A_85, %add3A_298 : i32
      %dma_wait3A_300 = arith.constant 0 : i32
      %dma_wait3A_301 = arith.constant 0 : i32
      %dma_wait3A_302 = tpu.memref_slice %arg7[%dma_wait3A_300, %dma_wait3A_301] : memref<2x96xi32, #tpu.memory_space<vmem>> -> memref<1x96xi32, #tpu.memory_space<vmem>>
      %dma_wait3A_303 = tpu.memref_squeeze %dma_wait3A_302 : memref<1x96xi32, #tpu.memory_space<vmem>> -> memref<96xi32, #tpu.memory_space<vmem>>
      %dma_wait3A_304 = arith.constant 0 : i32
      %dma_wait3A_305 = arith.constant 0 : i32
      %dma_wait3A_306 = tpu.memref_slice %arg2[%dma_wait3A_304, %dma_wait3A_305] : memref<10000x128xf32, #tpu.memory_space<hbm>> -> memref<10000x128xf32, #tpu.memory_space<hbm>>
      tpu.wait_indirect_dma semaphore(%arg18 : memref<!tpu.dma_semaphore, #tpu.memory_space<semaphore_mem>>) src(%dma_wait3A_306 : memref<10000x128xf32, #tpu.memory_space<hbm>>) dst(%arg10 : memref<96x128xf32, #tpu.memory_space<vmem>>)
      %add3A_307 = arith.constant 2 : i32
      %add3A_308 = arith.addi %add3A_299, %add3A_307 : i32
      %lt3A_309 = arith.constant 108 : i32
      %lt3A_310 = arith.cmpi slt, %add3A_308, %lt3A_309 : i32
      %convert_element_type3A_311 = arith.extui %lt3A_310 : i1 to i32
      %cond3A_312 = arith.constant 0 : i32
      %cond3A_313 = arith.cmpi ne, %convert_element_type3A_311, %cond3A_312 : i32
      scf.if %cond3A_313 {
        %add3A_371 = arith.constant 2 : i32
        %add3A_372 = arith.addi %add3A_299, %add3A_371 : i32
        %dma_wait3A_373 = arith.constant 0 : i32
        %dma_wait3A_374 = arith.constant 0 : i32
        %dma_wait3A_375 = tpu.memref_slice %arg3[%add3A, %add3A_372, %dma_wait3A_373, %dma_wait3A_374] : memref<32x108x2x96xi32, #tpu.memory_space<hbm>> -> memref<1x1x2x96xi32, #tpu.memory_space<hbm>>
        %dma_wait3A_376 = tpu.memref_squeeze %dma_wait3A_375 : memref<1x1x2x96xi32, #tpu.memory_space<hbm>> -> memref<2x96xi32, #tpu.memory_space<hbm>>
        %dma_wait3A_377 = arith.constant 0 : i32
        %dma_wait3A_378 = arith.constant 0 : i32
        %dma_wait3A_379 = tpu.memref_slice %arg3[%add3A, %add3A_372, %dma_wait3A_377, %dma_wait3A_378] : memref<32x108x2x96xi32, #tpu.memory_space<hbm>> -> memref<1x1x2x96xi32, #tpu.memory_space<hbm>>
        %dma_wait3A_380 = tpu.memref_squeeze %dma_wait3A_379 : memref<1x1x2x96xi32, #tpu.memory_space<hbm>> -> memref<2x96xi32, #tpu.memory_space<hbm>>
        tpu.wait_dma2 semaphore(%arg17 : memref<!tpu.dma_semaphore, #tpu.memory_space<semaphore_mem>>) src(%dma_wait3A_380 : memref<2x96xi32, #tpu.memory_space<hbm>>) dst(%arg9 : memref<2x96xi32, #tpu.memory_space<vmem>>)
        %dma_start3A_381 = arith.constant 0 : i32
        %dma_start3A_382 = arith.constant 0 : i32
        %dma_start3A_383 = tpu.memref_slice %arg9[%dma_start3A_381, %dma_start3A_382] : memref<2x96xi32, #tpu.memory_space<vmem>> -> memref<1x96xi32, #tpu.memory_space<vmem>>
        %dma_start3A_384 = tpu.memref_squeeze %dma_start3A_383 : memref<1x96xi32, #tpu.memory_space<vmem>> -> memref<96xi32, #tpu.memory_space<vmem>>
        %dma_start3A_385 = arith.constant 0 : i32
        %dma_start3A_386 = arith.constant 0 : i32
        %dma_start3A_387 = tpu.memref_slice %arg2[%dma_start3A_385, %dma_start3A_386] : memref<10000x128xf32, #tpu.memory_space<hbm>> -> memref<10000x128xf32, #tpu.memory_space<hbm>>
        tpu.enqueue_indirect_dma source(%dma_start3A_387 : memref<10000x128xf32, #tpu.memory_space<hbm>>) target(%arg12 : memref<96x128xf32, #tpu.memory_space<vmem>>) offsets(%dma_start3A_384 : memref<96xi32, #tpu.memory_space<vmem>>) semaphore(%arg20 : memref<!tpu.dma_semaphore, #tpu.memory_space<semaphore_mem>>)
      } else {
      }
      %run_scoped3A_314 = arith.constant 1 : i32
      "tpu.region"() ({
        %run_scoped3A_371 = tpu.sem_alloc : memref<!tpu.dma_semaphore, #tpu.memory_space<semaphore_mem>>
        %dma_start3A_372 = arith.constant 0 : i32
        %dma_start3A_373 = tpu.memref_slice %arg7[%run_scoped3A_314, %dma_start3A_372] : memref<2x96xi32, #tpu.memory_space<vmem>> -> memref<1x96xi32, #tpu.memory_space<vmem>>
        %dma_start3A_374 = tpu.memref_squeeze %dma_start3A_373 : memref<1x96xi32, #tpu.memory_space<vmem>> -> memref<96xi32, #tpu.memory_space<vmem>>
        %dma_start3A_375 = arith.constant 0 : i32
        %dma_start3A_376 = arith.constant 0 : i32
        %dma_start3A_377 = tpu.memref_slice %arg13[%dma_start3A_375, %dma_start3A_376] : memref<10112x128xf32, #tpu.memory_space<vmem_shared>> -> memref<10112x128xf32, #tpu.memory_space<vmem_shared>>
        tpu.enqueue_indirect_dma source(%arg10 : memref<96x128xf32, #tpu.memory_space<vmem>>) target(%dma_start3A_377 : memref<10112x128xf32, #tpu.memory_space<vmem_shared>>) offsets(%dma_start3A_374 : memref<96xi32, #tpu.memory_space<vmem>>) semaphore(%run_scoped3A_371 : memref<!tpu.dma_semaphore, #tpu.memory_space<semaphore_mem>>) {add = true}
        %dma_wait3A_378 = arith.constant 0 : i32
        %dma_wait3A_379 = tpu.memref_slice %arg7[%run_scoped3A_314, %dma_wait3A_378] : memref<2x96xi32, #tpu.memory_space<vmem>> -> memref<1x96xi32, #tpu.memory_space<vmem>>
        %dma_wait3A_380 = tpu.memref_squeeze %dma_wait3A_379 : memref<1x96xi32, #tpu.memory_space<vmem>> -> memref<96xi32, #tpu.memory_space<vmem>>
        %dma_wait3A_381 = arith.constant 0 : i32
        %dma_wait3A_382 = arith.constant 0 : i32
        %dma_wait3A_383 = tpu.memref_slice %arg13[%dma_wait3A_381, %dma_wait3A_382] : memref<10112x128xf32, #tpu.memory_space<vmem_shared>> -> memref<10112x128xf32, #tpu.memory_space<vmem_shared>>
        tpu.wait_indirect_dma semaphore(%run_scoped3A_371 : memref<!tpu.dma_semaphore, #tpu.memory_space<semaphore_mem>>) src(%arg10 : memref<96x128xf32, #tpu.memory_space<vmem>>) dst(%dma_wait3A_383 : memref<10112x128xf32, #tpu.memory_space<vmem_shared>>)
        tpu.yield
      }) : () -> ()
      %add3A_315 = arith.constant 4 : i32
      %add3A_316 = arith.addi %add3A_299, %add3A_315 : i32
      %lt3A_317 = arith.constant 108 : i32
      %lt3A_318 = arith.cmpi slt, %add3A_316, %lt3A_317 : i32
      %convert_element_type3A_319 = arith.extui %lt3A_318 : i1 to i32
      %cond3A_320 = arith.constant 0 : i32
      %cond3A_321 = arith.cmpi ne, %convert_element_type3A_319, %cond3A_320 : i32
      scf.if %cond3A_321 {
        %add3A_371 = arith.constant 4 : i32
        %add3A_372 = arith.addi %add3A_299, %add3A_371 : i32
        %dma_start3A_373 = arith.constant 0 : i32
        %dma_start3A_374 = arith.constant 0 : i32
        %dma_start3A_375 = tpu.memref_slice %arg3[%add3A, %add3A_372, %dma_start3A_373, %dma_start3A_374] : memref<32x108x2x96xi32, #tpu.memory_space<hbm>> -> memref<1x1x2x96xi32, #tpu.memory_space<hbm>>
        %dma_start3A_376 = tpu.memref_squeeze %dma_start3A_375 : memref<1x1x2x96xi32, #tpu.memory_space<hbm>> -> memref<2x96xi32, #tpu.memory_space<hbm>>
        %dma_start3A_377 = arith.constant 0 : i32
        %dma_start3A_378 = arith.constant 0 : i32
        %dma_start3A_379 = tpu.memref_slice %arg3[%add3A, %add3A_372, %dma_start3A_377, %dma_start3A_378] : memref<32x108x2x96xi32, #tpu.memory_space<hbm>> -> memref<1x1x2x96xi32, #tpu.memory_space<hbm>>
        %dma_start3A_380 = tpu.memref_squeeze %dma_start3A_379 : memref<1x1x2x96xi32, #tpu.memory_space<hbm>> -> memref<2x96xi32, #tpu.memory_space<hbm>>
        tpu.enqueue_dma source(%dma_start3A_380 : memref<2x96xi32, #tpu.memory_space<hbm>>) target(%arg7 : memref<2x96xi32, #tpu.memory_space<vmem>>) target_semaphore(%arg15 : memref<!tpu.dma_semaphore, #tpu.memory_space<semaphore_mem>>)
      } else {
      }
      %add3A_322 = arith.constant 10 : i32
      %add3A_323 = arith.addi %mul3A_85, %add3A_322 : i32
      %dma_wait3A_324 = arith.constant 0 : i32
      %dma_wait3A_325 = arith.constant 0 : i32
      %dma_wait3A_326 = tpu.memref_slice %arg8[%dma_wait3A_324, %dma_wait3A_325] : memref<2x96xi32, #tpu.memory_space<vmem>> -> memref<1x96xi32, #tpu.memory_space<vmem>>
      %dma_wait3A_327 = tpu.memref_squeeze %dma_wait3A_326 : memref<1x96xi32, #tpu.memory_space<vmem>> -> memref<96xi32, #tpu.memory_space<vmem>>
      %dma_wait3A_328 = arith.constant 0 : i32
      %dma_wait3A_329 = arith.constant 0 : i32
      %dma_wait3A_330 = tpu.memref_slice %arg2[%dma_wait3A_328, %dma_wait3A_329] : memref<10000x128xf32, #tpu.memory_space<hbm>> -> memref<10000x128xf32, #tpu.memory_space<hbm>>
      tpu.wait_indirect_dma semaphore(%arg19 : memref<!tpu.dma_semaphore, #tpu.memory_space<semaphore_mem>>) src(%dma_wait3A_330 : memref<10000x128xf32, #tpu.memory_space<hbm>>) dst(%arg11 : memref<96x128xf32, #tpu.memory_space<vmem>>)
      %add3A_331 = arith.constant 2 : i32
      %add3A_332 = arith.addi %add3A_323, %add3A_331 : i32
      %lt3A_333 = arith.constant 108 : i32
      %lt3A_334 = arith.cmpi slt, %add3A_332, %lt3A_333 : i32
      %convert_element_type3A_335 = arith.extui %lt3A_334 : i1 to i32
      %cond3A_336 = arith.constant 0 : i32
      %cond3A_337 = arith.cmpi ne, %convert_element_type3A_335, %cond3A_336 : i32
      scf.if %cond3A_337 {
        %add3A_371 = arith.constant 2 : i32
        %add3A_372 = arith.addi %add3A_323, %add3A_371 : i32
        %dma_wait3A_373 = arith.constant 0 : i32
        %dma_wait3A_374 = arith.constant 0 : i32
        %dma_wait3A_375 = tpu.memref_slice %arg3[%add3A, %add3A_372, %dma_wait3A_373, %dma_wait3A_374] : memref<32x108x2x96xi32, #tpu.memory_space<hbm>> -> memref<1x1x2x96xi32, #tpu.memory_space<hbm>>
        %dma_wait3A_376 = tpu.memref_squeeze %dma_wait3A_375 : memref<1x1x2x96xi32, #tpu.memory_space<hbm>> -> memref<2x96xi32, #tpu.memory_space<hbm>>
        %dma_wait3A_377 = arith.constant 0 : i32
        %dma_wait3A_378 = arith.constant 0 : i32
        %dma_wait3A_379 = tpu.memref_slice %arg3[%add3A, %add3A_372, %dma_wait3A_377, %dma_wait3A_378] : memref<32x108x2x96xi32, #tpu.memory_space<hbm>> -> memref<1x1x2x96xi32, #tpu.memory_space<hbm>>
        %dma_wait3A_380 = tpu.memref_squeeze %dma_wait3A_379 : memref<1x1x2x96xi32, #tpu.memory_space<hbm>> -> memref<2x96xi32, #tpu.memory_space<hbm>>
        tpu.wait_dma2 semaphore(%arg14 : memref<!tpu.dma_semaphore, #tpu.memory_space<semaphore_mem>>) src(%dma_wait3A_380 : memref<2x96xi32, #tpu.memory_space<hbm>>) dst(%arg6 : memref<2x96xi32, #tpu.memory_space<vmem>>)
        %dma_start3A_381 = arith.constant 0 : i32
        %dma_start3A_382 = arith.constant 0 : i32
        %dma_start3A_383 = tpu.memref_slice %arg6[%dma_start3A_381, %dma_start3A_382] : memref<2x96xi32, #tpu.memory_space<vmem>> -> memref<1x96xi32, #tpu.memory_space<vmem>>
        %dma_start3A_384 = tpu.memref_squeeze %dma_start3A_383 : memref<1x96xi32, #tpu.memory_space<vmem>> -> memref<96xi32, #tpu.memory_space<vmem>>
        %dma_start3A_385 = arith.constant 0 : i32
        %dma_start3A_386 = arith.constant 0 : i32
        %dma_start3A_387 = tpu.memref_slice %arg2[%dma_start3A_385, %dma_start3A_386] : memref<10000x128xf32, #tpu.memory_space<hbm>> -> memref<10000x128xf32, #tpu.memory_space<hbm>>
        tpu.enqueue_indirect_dma source(%dma_start3A_387 : memref<10000x128xf32, #tpu.memory_space<hbm>>) target(%arg10 : memref<96x128xf32, #tpu.memory_space<vmem>>) offsets(%dma_start3A_384 : memref<96xi32, #tpu.memory_space<vmem>>) semaphore(%arg18 : memref<!tpu.dma_semaphore, #tpu.memory_space<semaphore_mem>>)
      } else {
      }
      %run_scoped3A_338 = arith.constant 1 : i32
      "tpu.region"() ({
        %run_scoped3A_371 = tpu.sem_alloc : memref<!tpu.dma_semaphore, #tpu.memory_space<semaphore_mem>>
        %dma_start3A_372 = arith.constant 0 : i32
        %dma_start3A_373 = tpu.memref_slice %arg8[%run_scoped3A_338, %dma_start3A_372] : memref<2x96xi32, #tpu.memory_space<vmem>> -> memref<1x96xi32, #tpu.memory_space<vmem>>
        %dma_start3A_374 = tpu.memref_squeeze %dma_start3A_373 : memref<1x96xi32, #tpu.memory_space<vmem>> -> memref<96xi32, #tpu.memory_space<vmem>>
        %dma_start3A_375 = arith.constant 0 : i32
        %dma_start3A_376 = arith.constant 0 : i32
        %dma_start3A_377 = tpu.memref_slice %arg13[%dma_start3A_375, %dma_start3A_376] : memref<10112x128xf32, #tpu.memory_space<vmem_shared>> -> memref<10112x128xf32, #tpu.memory_space<vmem_shared>>
        tpu.enqueue_indirect_dma source(%arg11 : memref<96x128xf32, #tpu.memory_space<vmem>>) target(%dma_start3A_377 : memref<10112x128xf32, #tpu.memory_space<vmem_shared>>) offsets(%dma_start3A_374 : memref<96xi32, #tpu.memory_space<vmem>>) semaphore(%run_scoped3A_371 : memref<!tpu.dma_semaphore, #tpu.memory_space<semaphore_mem>>) {add = true}
        %dma_wait3A_378 = arith.constant 0 : i32
        %dma_wait3A_379 = tpu.memref_slice %arg8[%run_scoped3A_338, %dma_wait3A_378] : memref<2x96xi32, #tpu.memory_space<vmem>> -> memref<1x96xi32, #tpu.memory_space<vmem>>
        %dma_wait3A_380 = tpu.memref_squeeze %dma_wait3A_379 : memref<1x96xi32, #tpu.memory_space<vmem>> -> memref<96xi32, #tpu.memory_space<vmem>>
        %dma_wait3A_381 = arith.constant 0 : i32
        %dma_wait3A_382 = arith.constant 0 : i32
        %dma_wait3A_383 = tpu.memref_slice %arg13[%dma_wait3A_381, %dma_wait3A_382] : memref<10112x128xf32, #tpu.memory_space<vmem_shared>> -> memref<10112x128xf32, #tpu.memory_space<vmem_shared>>
        tpu.wait_indirect_dma semaphore(%run_scoped3A_371 : memref<!tpu.dma_semaphore, #tpu.memory_space<semaphore_mem>>) src(%arg11 : memref<96x128xf32, #tpu.memory_space<vmem>>) dst(%dma_wait3A_383 : memref<10112x128xf32, #tpu.memory_space<vmem_shared>>)
        tpu.yield
      }) : () -> ()
      %add3A_339 = arith.constant 4 : i32
      %add3A_340 = arith.addi %add3A_323, %add3A_339 : i32
      %lt3A_341 = arith.constant 108 : i32
      %lt3A_342 = arith.cmpi slt, %add3A_340, %lt3A_341 : i32
      %convert_element_type3A_343 = arith.extui %lt3A_342 : i1 to i32
      %cond3A_344 = arith.constant 0 : i32
      %cond3A_345 = arith.cmpi ne, %convert_element_type3A_343, %cond3A_344 : i32
      scf.if %cond3A_345 {
        %add3A_371 = arith.constant 4 : i32
        %add3A_372 = arith.addi %add3A_323, %add3A_371 : i32
        %dma_start3A_373 = arith.constant 0 : i32
        %dma_start3A_374 = arith.constant 0 : i32
        %dma_start3A_375 = tpu.memref_slice %arg3[%add3A, %add3A_372, %dma_start3A_373, %dma_start3A_374] : memref<32x108x2x96xi32, #tpu.memory_space<hbm>> -> memref<1x1x2x96xi32, #tpu.memory_space<hbm>>
        %dma_start3A_376 = tpu.memref_squeeze %dma_start3A_375 : memref<1x1x2x96xi32, #tpu.memory_space<hbm>> -> memref<2x96xi32, #tpu.memory_space<hbm>>
        %dma_start3A_377 = arith.constant 0 : i32
        %dma_start3A_378 = arith.constant 0 : i32
        %dma_start3A_379 = tpu.memref_slice %arg3[%add3A, %add3A_372, %dma_start3A_377, %dma_start3A_378] : memref<32x108x2x96xi32, #tpu.memory_space<hbm>> -> memref<1x1x2x96xi32, #tpu.memory_space<hbm>>
        %dma_start3A_380 = tpu.memref_squeeze %dma_start3A_379 : memref<1x1x2x96xi32, #tpu.memory_space<hbm>> -> memref<2x96xi32, #tpu.memory_space<hbm>>
        tpu.enqueue_dma source(%dma_start3A_380 : memref<2x96xi32, #tpu.memory_space<hbm>>) target(%arg8 : memref<2x96xi32, #tpu.memory_space<vmem>>) target_semaphore(%arg16 : memref<!tpu.dma_semaphore, #tpu.memory_space<semaphore_mem>>)
      } else {
      }
      %add3A_346 = arith.constant 11 : i32
      %add3A_347 = arith.addi %mul3A_85, %add3A_346 : i32
      %dma_wait3A_348 = arith.constant 0 : i32
      %dma_wait3A_349 = arith.constant 0 : i32
      %dma_wait3A_350 = tpu.memref_slice %arg9[%dma_wait3A_348, %dma_wait3A_349] : memref<2x96xi32, #tpu.memory_space<vmem>> -> memref<1x96xi32, #tpu.memory_space<vmem>>
      %dma_wait3A_351 = tpu.memref_squeeze %dma_wait3A_350 : memref<1x96xi32, #tpu.memory_space<vmem>> -> memref<96xi32, #tpu.memory_space<vmem>>
      %dma_wait3A_352 = arith.constant 0 : i32
      %dma_wait3A_353 = arith.constant 0 : i32
      %dma_wait3A_354 = tpu.memref_slice %arg2[%dma_wait3A_352, %dma_wait3A_353] : memref<10000x128xf32, #tpu.memory_space<hbm>> -> memref<10000x128xf32, #tpu.memory_space<hbm>>
      tpu.wait_indirect_dma semaphore(%arg20 : memref<!tpu.dma_semaphore, #tpu.memory_space<semaphore_mem>>) src(%dma_wait3A_354 : memref<10000x128xf32, #tpu.memory_space<hbm>>) dst(%arg12 : memref<96x128xf32, #tpu.memory_space<vmem>>)
      %add3A_355 = arith.constant 2 : i32
      %add3A_356 = arith.addi %add3A_347, %add3A_355 : i32
      %lt3A_357 = arith.constant 108 : i32
      %lt3A_358 = arith.cmpi slt, %add3A_356, %lt3A_357 : i32
      %convert_element_type3A_359 = arith.extui %lt3A_358 : i1 to i32
      %cond3A_360 = arith.constant 0 : i32
      %cond3A_361 = arith.cmpi ne, %convert_element_type3A_359, %cond3A_360 : i32
      scf.if %cond3A_361 {
        %add3A_371 = arith.constant 2 : i32
        %add3A_372 = arith.addi %add3A_347, %add3A_371 : i32
        %dma_wait3A_373 = arith.constant 0 : i32
        %dma_wait3A_374 = arith.constant 0 : i32
        %dma_wait3A_375 = tpu.memref_slice %arg3[%add3A, %add3A_372, %dma_wait3A_373, %dma_wait3A_374] : memref<32x108x2x96xi32, #tpu.memory_space<hbm>> -> memref<1x1x2x96xi32, #tpu.memory_space<hbm>>
        %dma_wait3A_376 = tpu.memref_squeeze %dma_wait3A_375 : memref<1x1x2x96xi32, #tpu.memory_space<hbm>> -> memref<2x96xi32, #tpu.memory_space<hbm>>
        %dma_wait3A_377 = arith.constant 0 : i32
        %dma_wait3A_378 = arith.constant 0 : i32
        %dma_wait3A_379 = tpu.memref_slice %arg3[%add3A, %add3A_372, %dma_wait3A_377, %dma_wait3A_378] : memref<32x108x2x96xi32, #tpu.memory_space<hbm>> -> memref<1x1x2x96xi32, #tpu.memory_space<hbm>>
        %dma_wait3A_380 = tpu.memref_squeeze %dma_wait3A_379 : memref<1x1x2x96xi32, #tpu.memory_space<hbm>> -> memref<2x96xi32, #tpu.memory_space<hbm>>
        tpu.wait_dma2 semaphore(%arg15 : memref<!tpu.dma_semaphore, #tpu.memory_space<semaphore_mem>>) src(%dma_wait3A_380 : memref<2x96xi32, #tpu.memory_space<hbm>>) dst(%arg7 : memref<2x96xi32, #tpu.memory_space<vmem>>)
        %dma_start3A_381 = arith.constant 0 : i32
        %dma_start3A_382 = arith.constant 0 : i32
        %dma_start3A_383 = tpu.memref_slice %arg7[%dma_start3A_381, %dma_start3A_382] : memref<2x96xi32, #tpu.memory_space<vmem>> -> memref<1x96xi32, #tpu.memory_space<vmem>>
        %dma_start3A_384 = tpu.memref_squeeze %dma_start3A_383 : memref<1x96xi32, #tpu.memory_space<vmem>> -> memref<96xi32, #tpu.memory_space<vmem>>
        %dma_start3A_385 = arith.constant 0 : i32
        %dma_start3A_386 = arith.constant 0 : i32
        %dma_start3A_387 = tpu.memref_slice %arg2[%dma_start3A_385, %dma_start3A_386] : memref<10000x128xf32, #tpu.memory_space<hbm>> -> memref<10000x128xf32, #tpu.memory_space<hbm>>
        tpu.enqueue_indirect_dma source(%dma_start3A_387 : memref<10000x128xf32, #tpu.memory_space<hbm>>) target(%arg11 : memref<96x128xf32, #tpu.memory_space<vmem>>) offsets(%dma_start3A_384 : memref<96xi32, #tpu.memory_space<vmem>>) semaphore(%arg19 : memref<!tpu.dma_semaphore, #tpu.memory_space<semaphore_mem>>)
      } else {
      }
      %run_scoped3A_362 = arith.constant 1 : i32
      "tpu.region"() ({
        %run_scoped3A_371 = tpu.sem_alloc : memref<!tpu.dma_semaphore, #tpu.memory_space<semaphore_mem>>
        %dma_start3A_372 = arith.constant 0 : i32
        %dma_start3A_373 = tpu.memref_slice %arg9[%run_scoped3A_362, %dma_start3A_372] : memref<2x96xi32, #tpu.memory_space<vmem>> -> memref<1x96xi32, #tpu.memory_space<vmem>>
        %dma_start3A_374 = tpu.memref_squeeze %dma_start3A_373 : memref<1x96xi32, #tpu.memory_space<vmem>> -> memref<96xi32, #tpu.memory_space<vmem>>
        %dma_start3A_375 = arith.constant 0 : i32
        %dma_start3A_376 = arith.constant 0 : i32
        %dma_start3A_377 = tpu.memref_slice %arg13[%dma_start3A_375, %dma_start3A_376] : memref<10112x128xf32, #tpu.memory_space<vmem_shared>> -> memref<10112x128xf32, #tpu.memory_space<vmem_shared>>
        tpu.enqueue_indirect_dma source(%arg12 : memref<96x128xf32, #tpu.memory_space<vmem>>) target(%dma_start3A_377 : memref<10112x128xf32, #tpu.memory_space<vmem_shared>>) offsets(%dma_start3A_374 : memref<96xi32, #tpu.memory_space<vmem>>) semaphore(%run_scoped3A_371 : memref<!tpu.dma_semaphore, #tpu.memory_space<semaphore_mem>>) {add = true}
        %dma_wait3A_378 = arith.constant 0 : i32
        %dma_wait3A_379 = tpu.memref_slice %arg9[%run_scoped3A_362, %dma_wait3A_378] : memref<2x96xi32, #tpu.memory_space<vmem>> -> memref<1x96xi32, #tpu.memory_space<vmem>>
        %dma_wait3A_380 = tpu.memref_squeeze %dma_wait3A_379 : memref<1x96xi32, #tpu.memory_space<vmem>> -> memref<96xi32, #tpu.memory_space<vmem>>
        %dma_wait3A_381 = arith.constant 0 : i32
        %dma_wait3A_382 = arith.constant 0 : i32
        %dma_wait3A_383 = tpu.memref_slice %arg13[%dma_wait3A_381, %dma_wait3A_382] : memref<10112x128xf32, #tpu.memory_space<vmem_shared>> -> memref<10112x128xf32, #tpu.memory_space<vmem_shared>>
        tpu.wait_indirect_dma semaphore(%run_scoped3A_371 : memref<!tpu.dma_semaphore, #tpu.memory_space<semaphore_mem>>) src(%arg12 : memref<96x128xf32, #tpu.memory_space<vmem>>) dst(%dma_wait3A_383 : memref<10112x128xf32, #tpu.memory_space<vmem_shared>>)
        tpu.yield
      }) : () -> ()
      %add3A_363 = arith.constant 4 : i32
      %add3A_364 = arith.addi %add3A_347, %add3A_363 : i32
      %lt3A_365 = arith.constant 108 : i32
      %lt3A_366 = arith.cmpi slt, %add3A_364, %lt3A_365 : i32
      %convert_element_type3A_367 = arith.extui %lt3A_366 : i1 to i32
      %cond3A_368 = arith.constant 0 : i32
      %cond3A_369 = arith.cmpi ne, %convert_element_type3A_367, %cond3A_368 : i32
      scf.if %cond3A_369 {
        %add3A_371 = arith.constant 4 : i32
        %add3A_372 = arith.addi %add3A_347, %add3A_371 : i32
        %dma_start3A_373 = arith.constant 0 : i32
        %dma_start3A_374 = arith.constant 0 : i32
        %dma_start3A_375 = tpu.memref_slice %arg3[%add3A, %add3A_372, %dma_start3A_373, %dma_start3A_374] : memref<32x108x2x96xi32, #tpu.memory_space<hbm>> -> memref<1x1x2x96xi32, #tpu.memory_space<hbm>>
        %dma_start3A_376 = tpu.memref_squeeze %dma_start3A_375 : memref<1x1x2x96xi32, #tpu.memory_space<hbm>> -> memref<2x96xi32, #tpu.memory_space<hbm>>
        %dma_start3A_377 = arith.constant 0 : i32
        %dma_start3A_378 = arith.constant 0 : i32
        %dma_start3A_379 = tpu.memref_slice %arg3[%add3A, %add3A_372, %dma_start3A_377, %dma_start3A_378] : memref<32x108x2x96xi32, #tpu.memory_space<hbm>> -> memref<1x1x2x96xi32, #tpu.memory_space<hbm>>
        %dma_start3A_380 = tpu.memref_squeeze %dma_start3A_379 : memref<1x1x2x96xi32, #tpu.memory_space<hbm>> -> memref<2x96xi32, #tpu.memory_space<hbm>>
        tpu.enqueue_dma source(%dma_start3A_380 : memref<2x96xi32, #tpu.memory_space<hbm>>) target(%arg9 : memref<2x96xi32, #tpu.memory_space<vmem>>) target_semaphore(%arg17 : memref<!tpu.dma_semaphore, #tpu.memory_space<semaphore_mem>>)
      } else {
      }
      %scan3A_370 = arith.constant 0 : i32
      scf.yield %scan3A_370 : i32
    }
    %scan3A_76 = arith.constant 9 : i32
    %barrier3A_77 = arith.constant 0 : index
    tpu.barrier barrier_id(%barrier3A_77)
    %mul3A_78 = arith.constant 632 : i32
    %mul3A_79 = arith.muli %arg1, %mul3A_78 : i32
    %mul3A_80 = arith.constant 632 : i32
    %mul3A_81 = arith.muli %arg1, %mul3A_80 : i32
    "tpu.region"() ({
      %run_scoped3A = tpu.sem_alloc : memref<!tpu.dma_semaphore, #tpu.memory_space<semaphore_mem>>
      %dma_start3A_82 = arith.constant 0 : i32
      %dma_start3A_83 = tpu.memref_slice %arg5[%arg0, %mul3A_81, %dma_start3A_82] : memref<2x10112x128xf32, #tpu.memory_space<hbm>> -> memref<1x632x128xf32, #tpu.memory_space<hbm>>
      %dma_start3A_84 = tpu.memref_squeeze %dma_start3A_83 : memref<1x632x128xf32, #tpu.memory_space<hbm>> -> memref<632x128xf32, #tpu.memory_space<hbm>>
      %dma_start3A_85 = arith.constant 0 : i32
      %dma_start3A_86 = tpu.memref_slice %arg13[%mul3A_79, %dma_start3A_85] : memref<10112x128xf32, #tpu.memory_space<vmem_shared>> -> memref<632x128xf32, #tpu.memory_space<vmem_shared>>
      tpu.enqueue_dma source(%dma_start3A_86 : memref<632x128xf32, #tpu.memory_space<vmem_shared>>) target(%dma_start3A_84 : memref<632x128xf32, #tpu.memory_space<hbm>>) target_semaphore(%run_scoped3A : memref<!tpu.dma_semaphore, #tpu.memory_space<semaphore_mem>>)
      %dma_wait3A_87 = arith.constant 0 : i32
      %dma_wait3A_88 = tpu.memref_slice %arg5[%arg0, %mul3A_81, %dma_wait3A_87] : memref<2x10112x128xf32, #tpu.memory_space<hbm>> -> memref<1x632x128xf32, #tpu.memory_space<hbm>>
      %dma_wait3A_89 = tpu.memref_squeeze %dma_wait3A_88 : memref<1x632x128xf32, #tpu.memory_space<hbm>> -> memref<632x128xf32, #tpu.memory_space<hbm>>
      %dma_wait3A_90 = arith.constant 0 : i32
      %dma_wait3A_91 = tpu.memref_slice %arg13[%mul3A_79, %dma_wait3A_90] : memref<10112x128xf32, #tpu.memory_space<vmem_shared>> -> memref<632x128xf32, #tpu.memory_space<vmem_shared>>
      tpu.wait_dma2 semaphore(%run_scoped3A : memref<!tpu.dma_semaphore, #tpu.memory_space<semaphore_mem>>) src(%dma_wait3A_91 : memref<632x128xf32, #tpu.memory_space<vmem_shared>>) dst(%dma_wait3A_89 : memref<632x128xf32, #tpu.memory_space<hbm>>)
      tpu.yield
    }) : () -> ()
    return
  }
}

#map = affine_map<(d0, d1) -> (0, 0, 0)>
#map1 = affine_map<(d0, d1) -> (0, 0)>
module attributes {stable_mosaic.version = 14 : i64} {
  func.func @_deg_body(%arg0: i32, %arg1: i32, %arg2: memref<32x108x96xi32, #tpu.memory_space<hbm>>, %arg3: memref<10112x128xf32, #tpu.memory_space<hbm>>, %arg4: memref<96x128xf32, #tpu.memory_space<hbm>>, %arg5: memref<2x10112x128xf32, #tpu.memory_space<hbm>>, %arg6: memref<108x96xi32, #tpu.memory_space<vmem>>, %arg7: memref<96x128xf32, #tpu.memory_space<vmem>>, %arg8: memref<10112x128xf32, #tpu.memory_space<vmem_shared>>, %arg9: memref<!tpu.dma_semaphore, #tpu.memory_space<semaphore_mem>>, %arg10: memref<!tpu.dma_semaphore, #tpu.memory_space<semaphore_mem>>) attributes {dimension_semantics = [#tpu.dimension_semantics<core_parallel>, #tpu.dimension_semantics<subcore_parallel>], iteration_bounds = array<i64: 2, 16>, scalar_prefetch = 0 : i64, scratch_operands = 5 : i64, tpu.core_type = #tpu.core_type<sc_vector_subcore>, window_params = [{transform_indices = #map}, {transform_indices = #map1}, {transform_indices = #map1}, {transform_indices = #map}]} {
    %mul3A = arith.constant 16 : i32
    %mul3A_0 = arith.muli %arg0, %mul3A : i32
    %add3A = arith.addi %mul3A_0, %arg1 : i32
    %mul3A_1 = arith.constant 632 : i32
    %mul3A_2 = arith.muli %arg1, %mul3A_1 : i32
    %mul3A_3 = arith.constant 632 : i32
    %mul3A_4 = arith.muli %arg1, %mul3A_3 : i32
    "tpu.region"() ({
      %run_scoped3A = tpu.sem_alloc : memref<!tpu.dma_semaphore, #tpu.memory_space<semaphore_mem>>
      %dma_start3A = arith.constant 0 : i32
      %dma_start3A_29 = tpu.memref_slice %arg8[%mul3A_4, %dma_start3A] : memref<10112x128xf32, #tpu.memory_space<vmem_shared>> -> memref<632x128xf32, #tpu.memory_space<vmem_shared>>
      %dma_start3A_30 = arith.constant 0 : i32
      %dma_start3A_31 = tpu.memref_slice %arg3[%mul3A_2, %dma_start3A_30] : memref<10112x128xf32, #tpu.memory_space<hbm>> -> memref<632x128xf32, #tpu.memory_space<hbm>>
      tpu.enqueue_dma source(%dma_start3A_31 : memref<632x128xf32, #tpu.memory_space<hbm>>) target(%dma_start3A_29 : memref<632x128xf32, #tpu.memory_space<vmem_shared>>) target_semaphore(%run_scoped3A : memref<!tpu.dma_semaphore, #tpu.memory_space<semaphore_mem>>)
      %dma_wait3A_32 = arith.constant 0 : i32
      %dma_wait3A_33 = tpu.memref_slice %arg8[%mul3A_4, %dma_wait3A_32] : memref<10112x128xf32, #tpu.memory_space<vmem_shared>> -> memref<632x128xf32, #tpu.memory_space<vmem_shared>>
      %dma_wait3A_34 = arith.constant 0 : i32
      %dma_wait3A_35 = tpu.memref_slice %arg3[%mul3A_2, %dma_wait3A_34] : memref<10112x128xf32, #tpu.memory_space<hbm>> -> memref<632x128xf32, #tpu.memory_space<hbm>>
      tpu.wait_dma2 semaphore(%run_scoped3A : memref<!tpu.dma_semaphore, #tpu.memory_space<semaphore_mem>>) src(%dma_wait3A_35 : memref<632x128xf32, #tpu.memory_space<hbm>>) dst(%dma_wait3A_33 : memref<632x128xf32, #tpu.memory_space<vmem_shared>>)
      tpu.yield
    }) : () -> ()
    "tpu.region"() ({
      %run_scoped3A = tpu.sem_alloc : memref<!tpu.dma_semaphore, #tpu.memory_space<semaphore_mem>>
      tpu.enqueue_dma source(%arg4 : memref<96x128xf32, #tpu.memory_space<hbm>>) target(%arg7 : memref<96x128xf32, #tpu.memory_space<vmem>>) target_semaphore(%run_scoped3A : memref<!tpu.dma_semaphore, #tpu.memory_space<semaphore_mem>>)
      tpu.wait_dma2 semaphore(%run_scoped3A : memref<!tpu.dma_semaphore, #tpu.memory_space<semaphore_mem>>) src(%arg4 : memref<96x128xf32, #tpu.memory_space<hbm>>) dst(%arg7 : memref<96x128xf32, #tpu.memory_space<vmem>>)
      tpu.yield
    }) : () -> ()
    "tpu.region"() ({
      %run_scoped3A = tpu.sem_alloc : memref<!tpu.dma_semaphore, #tpu.memory_space<semaphore_mem>>
      %dma_start3A = arith.constant 0 : i32
      %dma_start3A_29 = arith.constant 0 : i32
      %dma_start3A_30 = tpu.memref_slice %arg2[%add3A, %dma_start3A, %dma_start3A_29] : memref<32x108x96xi32, #tpu.memory_space<hbm>> -> memref<1x108x96xi32, #tpu.memory_space<hbm>>
      %dma_start3A_31 = tpu.memref_squeeze %dma_start3A_30 : memref<1x108x96xi32, #tpu.memory_space<hbm>> -> memref<108x96xi32, #tpu.memory_space<hbm>>
      %dma_start3A_32 = arith.constant 0 : i32
      %dma_start3A_33 = arith.constant 0 : i32
      %dma_start3A_34 = tpu.memref_slice %arg2[%add3A, %dma_start3A_32, %dma_start3A_33] : memref<32x108x96xi32, #tpu.memory_space<hbm>> -> memref<1x108x96xi32, #tpu.memory_space<hbm>>
      %dma_start3A_35 = tpu.memref_squeeze %dma_start3A_34 : memref<1x108x96xi32, #tpu.memory_space<hbm>> -> memref<108x96xi32, #tpu.memory_space<hbm>>
      tpu.enqueue_dma source(%dma_start3A_35 : memref<108x96xi32, #tpu.memory_space<hbm>>) target(%arg6 : memref<108x96xi32, #tpu.memory_space<vmem>>) target_semaphore(%run_scoped3A : memref<!tpu.dma_semaphore, #tpu.memory_space<semaphore_mem>>)
      %dma_wait3A_36 = arith.constant 0 : i32
      %dma_wait3A_37 = arith.constant 0 : i32
      %dma_wait3A_38 = tpu.memref_slice %arg2[%add3A, %dma_wait3A_36, %dma_wait3A_37] : memref<32x108x96xi32, #tpu.memory_space<hbm>> -> memref<1x108x96xi32, #tpu.memory_space<hbm>>
      %dma_wait3A_39 = tpu.memref_squeeze %dma_wait3A_38 : memref<1x108x96xi32, #tpu.memory_space<hbm>> -> memref<108x96xi32, #tpu.memory_space<hbm>>
      %dma_wait3A_40 = arith.constant 0 : i32
      %dma_wait3A_41 = arith.constant 0 : i32
      %dma_wait3A_42 = tpu.memref_slice %arg2[%add3A, %dma_wait3A_40, %dma_wait3A_41] : memref<32x108x96xi32, #tpu.memory_space<hbm>> -> memref<1x108x96xi32, #tpu.memory_space<hbm>>
      %dma_wait3A_43 = tpu.memref_squeeze %dma_wait3A_42 : memref<1x108x96xi32, #tpu.memory_space<hbm>> -> memref<108x96xi32, #tpu.memory_space<hbm>>
      tpu.wait_dma2 semaphore(%run_scoped3A : memref<!tpu.dma_semaphore, #tpu.memory_space<semaphore_mem>>) src(%dma_wait3A_43 : memref<108x96xi32, #tpu.memory_space<hbm>>) dst(%arg6 : memref<108x96xi32, #tpu.memory_space<vmem>>)
      tpu.yield
    }) : () -> ()
    %barrier3A = arith.constant 0 : index
    tpu.barrier barrier_id(%barrier3A)
    %scan3A = arith.constant 0 : i32
    %scan3A_5 = arith.constant 0 : i32
    %scan3A_6 = arith.constant 54 : i32
    %scan3A_7 = arith.addi %scan3A_5, %scan3A_6 : i32
    %scan3A_8 = arith.constant 1 : i32
    %scan3A_9 = scf.for %scan3A_29 = %scan3A_5 to %scan3A_7 step %scan3A_8 iter_args(%scan3A_30 = %scan3A) -> (i32)  : i32 {
      %mul3A_31 = arith.constant 2 : i32
      %mul3A_32 = arith.muli %scan3A_29, %mul3A_31 : i32
      %add3A_33 = arith.constant 0 : i32
      %add3A_34 = arith.addi %mul3A_32, %add3A_33 : i32
      %ge3A = arith.constant 2 : i32
      %ge3A_35 = arith.cmpi sge, %add3A_34, %ge3A : i32
      %convert_element_type3A = arith.extui %ge3A_35 : i1 to i32
      %cond3A = arith.constant 0 : i32
      %cond3A_36 = arith.cmpi ne, %convert_element_type3A, %cond3A : i32
      scf.if %cond3A_36 {
        %sub3A = arith.constant 2 : i32
        %sub3A_56 = arith.subi %add3A_34, %sub3A : i32
        %dma_wait3A_57 = arith.constant 0 : i32
        %dma_wait3A_58 = tpu.memref_slice %arg6[%sub3A_56, %dma_wait3A_57] : memref<108x96xi32, #tpu.memory_space<vmem>> -> memref<1x96xi32, #tpu.memory_space<vmem>>
        %dma_wait3A_59 = tpu.memref_squeeze %dma_wait3A_58 : memref<1x96xi32, #tpu.memory_space<vmem>> -> memref<96xi32, #tpu.memory_space<vmem>>
        %dma_wait3A_60 = arith.constant 0 : i32
        %dma_wait3A_61 = arith.constant 0 : i32
        %dma_wait3A_62 = tpu.memref_slice %arg8[%dma_wait3A_60, %dma_wait3A_61] : memref<10112x128xf32, #tpu.memory_space<vmem_shared>> -> memref<10112x128xf32, #tpu.memory_space<vmem_shared>>
        tpu.wait_indirect_dma semaphore(%arg9 : memref<!tpu.dma_semaphore, #tpu.memory_space<semaphore_mem>>) src(%arg7 : memref<96x128xf32, #tpu.memory_space<vmem>>) dst(%dma_wait3A_62 : memref<10112x128xf32, #tpu.memory_space<vmem_shared>>)
      } else {
      }
      %dma_start3A = arith.constant 0 : i32
      %dma_start3A_37 = tpu.memref_slice %arg6[%add3A_34, %dma_start3A] : memref<108x96xi32, #tpu.memory_space<vmem>> -> memref<1x96xi32, #tpu.memory_space<vmem>>
      %dma_start3A_38 = tpu.memref_squeeze %dma_start3A_37 : memref<1x96xi32, #tpu.memory_space<vmem>> -> memref<96xi32, #tpu.memory_space<vmem>>
      %dma_start3A_39 = arith.constant 0 : i32
      %dma_start3A_40 = arith.constant 0 : i32
      %dma_start3A_41 = tpu.memref_slice %arg8[%dma_start3A_39, %dma_start3A_40] : memref<10112x128xf32, #tpu.memory_space<vmem_shared>> -> memref<10112x128xf32, #tpu.memory_space<vmem_shared>>
      tpu.enqueue_indirect_dma source(%arg7 : memref<96x128xf32, #tpu.memory_space<vmem>>) target(%dma_start3A_41 : memref<10112x128xf32, #tpu.memory_space<vmem_shared>>) offsets(%dma_start3A_38 : memref<96xi32, #tpu.memory_space<vmem>>) semaphore(%arg9 : memref<!tpu.dma_semaphore, #tpu.memory_space<semaphore_mem>>) {add = true}
      %add3A_42 = arith.constant 1 : i32
      %add3A_43 = arith.addi %mul3A_32, %add3A_42 : i32
      %ge3A_44 = arith.constant 2 : i32
      %ge3A_45 = arith.cmpi sge, %add3A_43, %ge3A_44 : i32
      %convert_element_type3A_46 = arith.extui %ge3A_45 : i1 to i32
      %cond3A_47 = arith.constant 0 : i32
      %cond3A_48 = arith.cmpi ne, %convert_element_type3A_46, %cond3A_47 : i32
      scf.if %cond3A_48 {
        %sub3A = arith.constant 2 : i32
        %sub3A_56 = arith.subi %add3A_43, %sub3A : i32
        %dma_wait3A_57 = arith.constant 0 : i32
        %dma_wait3A_58 = tpu.memref_slice %arg6[%sub3A_56, %dma_wait3A_57] : memref<108x96xi32, #tpu.memory_space<vmem>> -> memref<1x96xi32, #tpu.memory_space<vmem>>
        %dma_wait3A_59 = tpu.memref_squeeze %dma_wait3A_58 : memref<1x96xi32, #tpu.memory_space<vmem>> -> memref<96xi32, #tpu.memory_space<vmem>>
        %dma_wait3A_60 = arith.constant 0 : i32
        %dma_wait3A_61 = arith.constant 0 : i32
        %dma_wait3A_62 = tpu.memref_slice %arg8[%dma_wait3A_60, %dma_wait3A_61] : memref<10112x128xf32, #tpu.memory_space<vmem_shared>> -> memref<10112x128xf32, #tpu.memory_space<vmem_shared>>
        tpu.wait_indirect_dma semaphore(%arg10 : memref<!tpu.dma_semaphore, #tpu.memory_space<semaphore_mem>>) src(%arg7 : memref<96x128xf32, #tpu.memory_space<vmem>>) dst(%dma_wait3A_62 : memref<10112x128xf32, #tpu.memory_space<vmem_shared>>)
      } else {
      }
      %dma_start3A_49 = arith.constant 0 : i32
      %dma_start3A_50 = tpu.memref_slice %arg6[%add3A_43, %dma_start3A_49] : memref<108x96xi32, #tpu.memory_space<vmem>> -> memref<1x96xi32, #tpu.memory_space<vmem>>
      %dma_start3A_51 = tpu.memref_squeeze %dma_start3A_50 : memref<1x96xi32, #tpu.memory_space<vmem>> -> memref<96xi32, #tpu.memory_space<vmem>>
      %dma_start3A_52 = arith.constant 0 : i32
      %dma_start3A_53 = arith.constant 0 : i32
      %dma_start3A_54 = tpu.memref_slice %arg8[%dma_start3A_52, %dma_start3A_53] : memref<10112x128xf32, #tpu.memory_space<vmem_shared>> -> memref<10112x128xf32, #tpu.memory_space<vmem_shared>>
      tpu.enqueue_indirect_dma source(%arg7 : memref<96x128xf32, #tpu.memory_space<vmem>>) target(%dma_start3A_54 : memref<10112x128xf32, #tpu.memory_space<vmem_shared>>) offsets(%dma_start3A_51 : memref<96xi32, #tpu.memory_space<vmem>>) semaphore(%arg10 : memref<!tpu.dma_semaphore, #tpu.memory_space<semaphore_mem>>) {add = true}
      %scan3A_55 = arith.constant 0 : i32
      scf.yield %scan3A_55 : i32
    }
    %scan3A_10 = arith.constant 54 : i32
    %dma_wait3A = arith.constant 106 : i32
    %dma_wait3A_11 = arith.constant 0 : i32
    %dma_wait3A_12 = tpu.memref_slice %arg6[%dma_wait3A, %dma_wait3A_11] : memref<108x96xi32, #tpu.memory_space<vmem>> -> memref<1x96xi32, #tpu.memory_space<vmem>>
    %dma_wait3A_13 = tpu.memref_squeeze %dma_wait3A_12 : memref<1x96xi32, #tpu.memory_space<vmem>> -> memref<96xi32, #tpu.memory_space<vmem>>
    %dma_wait3A_14 = arith.constant 0 : i32
    %dma_wait3A_15 = arith.constant 0 : i32
    %dma_wait3A_16 = tpu.memref_slice %arg8[%dma_wait3A_14, %dma_wait3A_15] : memref<10112x128xf32, #tpu.memory_space<vmem_shared>> -> memref<10112x128xf32, #tpu.memory_space<vmem_shared>>
    tpu.wait_indirect_dma semaphore(%arg9 : memref<!tpu.dma_semaphore, #tpu.memory_space<semaphore_mem>>) src(%arg7 : memref<96x128xf32, #tpu.memory_space<vmem>>) dst(%dma_wait3A_16 : memref<10112x128xf32, #tpu.memory_space<vmem_shared>>)
    %dma_wait3A_17 = arith.constant 107 : i32
    %dma_wait3A_18 = arith.constant 0 : i32
    %dma_wait3A_19 = tpu.memref_slice %arg6[%dma_wait3A_17, %dma_wait3A_18] : memref<108x96xi32, #tpu.memory_space<vmem>> -> memref<1x96xi32, #tpu.memory_space<vmem>>
    %dma_wait3A_20 = tpu.memref_squeeze %dma_wait3A_19 : memref<1x96xi32, #tpu.memory_space<vmem>> -> memref<96xi32, #tpu.memory_space<vmem>>
    %dma_wait3A_21 = arith.constant 0 : i32
    %dma_wait3A_22 = arith.constant 0 : i32
    %dma_wait3A_23 = tpu.memref_slice %arg8[%dma_wait3A_21, %dma_wait3A_22] : memref<10112x128xf32, #tpu.memory_space<vmem_shared>> -> memref<10112x128xf32, #tpu.memory_space<vmem_shared>>
    tpu.wait_indirect_dma semaphore(%arg10 : memref<!tpu.dma_semaphore, #tpu.memory_space<semaphore_mem>>) src(%arg7 : memref<96x128xf32, #tpu.memory_space<vmem>>) dst(%dma_wait3A_23 : memref<10112x128xf32, #tpu.memory_space<vmem_shared>>)
    %barrier3A_24 = arith.constant 0 : index
    tpu.barrier barrier_id(%barrier3A_24)
    %mul3A_25 = arith.constant 632 : i32
    %mul3A_26 = arith.muli %arg1, %mul3A_25 : i32
    %mul3A_27 = arith.constant 632 : i32
    %mul3A_28 = arith.muli %arg1, %mul3A_27 : i32
    "tpu.region"() ({
      %run_scoped3A = tpu.sem_alloc : memref<!tpu.dma_semaphore, #tpu.memory_space<semaphore_mem>>
      %dma_start3A = arith.constant 0 : i32
      %dma_start3A_29 = tpu.memref_slice %arg5[%arg0, %mul3A_28, %dma_start3A] : memref<2x10112x128xf32, #tpu.memory_space<hbm>> -> memref<1x632x128xf32, #tpu.memory_space<hbm>>
      %dma_start3A_30 = tpu.memref_squeeze %dma_start3A_29 : memref<1x632x128xf32, #tpu.memory_space<hbm>> -> memref<632x128xf32, #tpu.memory_space<hbm>>
      %dma_start3A_31 = arith.constant 0 : i32
      %dma_start3A_32 = tpu.memref_slice %arg8[%mul3A_26, %dma_start3A_31] : memref<10112x128xf32, #tpu.memory_space<vmem_shared>> -> memref<632x128xf32, #tpu.memory_space<vmem_shared>>
      tpu.enqueue_dma source(%dma_start3A_32 : memref<632x128xf32, #tpu.memory_space<vmem_shared>>) target(%dma_start3A_30 : memref<632x128xf32, #tpu.memory_space<hbm>>) target_semaphore(%run_scoped3A : memref<!tpu.dma_semaphore, #tpu.memory_space<semaphore_mem>>)
      %dma_wait3A_33 = arith.constant 0 : i32
      %dma_wait3A_34 = tpu.memref_slice %arg5[%arg0, %mul3A_28, %dma_wait3A_33] : memref<2x10112x128xf32, #tpu.memory_space<hbm>> -> memref<1x632x128xf32, #tpu.memory_space<hbm>>
      %dma_wait3A_35 = tpu.memref_squeeze %dma_wait3A_34 : memref<1x632x128xf32, #tpu.memory_space<hbm>> -> memref<632x128xf32, #tpu.memory_space<hbm>>
      %dma_wait3A_36 = arith.constant 0 : i32
      %dma_wait3A_37 = tpu.memref_slice %arg8[%mul3A_26, %dma_wait3A_36] : memref<10112x128xf32, #tpu.memory_space<vmem_shared>> -> memref<632x128xf32, #tpu.memory_space<vmem_shared>>
      tpu.wait_dma2 semaphore(%run_scoped3A : memref<!tpu.dma_semaphore, #tpu.memory_space<semaphore_mem>>) src(%dma_wait3A_37 : memref<632x128xf32, #tpu.memory_space<vmem_shared>>) dst(%dma_wait3A_35 : memref<632x128xf32, #tpu.memory_space<hbm>>)
      tpu.yield
    }) : () -> ()
    return
  }
}

#map = affine_map<(d0, d1) -> (0, 0)>
#map1 = affine_map<(d0, d1) -> (0, 0, 0, 0)>
#map2 = affine_map<(d0, d1) -> (0, 0, 0)>
module attributes {stable_mosaic.version = 14 : i64} {
  func.func @_seg_body(%arg0: i32, %arg1: i32, %arg2: memref<10000x128xf32, #tpu.memory_space<hbm>>, %arg3: memref<32x108x2x96xi32, #tpu.memory_space<hbm>>, %arg4: memref<10112x128xf32, #tpu.memory_space<hbm>>, %arg5: memref<2x10112x128xf32, #tpu.memory_space<hbm>>, %arg6: memref<2x96xi32, #tpu.memory_space<vmem>>, %arg7: memref<2x96xi32, #tpu.memory_space<vmem>>, %arg8: memref<2x96xi32, #tpu.memory_space<vmem>>, %arg9: memref<2x96xi32, #tpu.memory_space<vmem>>, %arg10: memref<96x128xf32, #tpu.memory_space<vmem>>, %arg11: memref<96x128xf32, #tpu.memory_space<vmem>>, %arg12: memref<96x128xf32, #tpu.memory_space<vmem>>, %arg13: memref<10112x128xf32, #tpu.memory_space<vmem_shared>>, %arg14: memref<!tpu.dma_semaphore, #tpu.memory_space<semaphore_mem>>, %arg15: memref<!tpu.dma_semaphore, #tpu.memory_space<semaphore_mem>>, %arg16: memref<!tpu.dma_semaphore, #tpu.memory_space<semaphore_mem>>, %arg17: memref<!tpu.dma_semaphore, #tpu.memory_space<semaphore_mem>>, %arg18: memref<!tpu.dma_semaphore, #tpu.memory_space<semaphore_mem>>, %arg19: memref<!tpu.dma_semaphore, #tpu.memory_space<semaphore_mem>>, %arg20: memref<!tpu.dma_semaphore, #tpu.memory_space<semaphore_mem>>) attributes {dimension_semantics = [#tpu.dimension_semantics<core_parallel>, #tpu.dimension_semantics<subcore_parallel>], iteration_bounds = array<i64: 2, 16>, scalar_prefetch = 0 : i64, scratch_operands = 15 : i64, tpu.core_type = #tpu.core_type<sc_vector_subcore>, window_params = [{transform_indices = #map}, {transform_indices = #map1}, {transform_indices = #map}, {transform_indices = #map2}]} {
    %mul3A = arith.constant 16 : i32
    %mul3A_0 = arith.muli %arg0, %mul3A : i32
    %add3A = arith.addi %mul3A_0, %arg1 : i32
    %mul3A_1 = arith.constant 632 : i32
    %mul3A_2 = arith.muli %arg1, %mul3A_1 : i32
    %mul3A_3 = arith.constant 632 : i32
    %mul3A_4 = arith.muli %arg1, %mul3A_3 : i32
    "tpu.region"() ({
      %run_scoped3A = tpu.sem_alloc : memref<!tpu.dma_semaphore, #tpu.memory_space<semaphore_mem>>
      %dma_start3A_82 = arith.constant 0 : i32
      %dma_start3A_83 = tpu.memref_slice %arg13[%mul3A_4, %dma_start3A_82] : memref<10112x128xf32, #tpu.memory_space<vmem_shared>> -> memref<632x128xf32, #tpu.memory_space<vmem_shared>>
      %dma_start3A_84 = arith.constant 0 : i32
      %dma_start3A_85 = tpu.memref_slice %arg4[%mul3A_2, %dma_start3A_84] : memref<10112x128xf32, #tpu.memory_space<hbm>> -> memref<632x128xf32, #tpu.memory_space<hbm>>
      tpu.enqueue_dma source(%dma_start3A_85 : memref<632x128xf32, #tpu.memory_space<hbm>>) target(%dma_start3A_83 : memref<632x128xf32, #tpu.memory_space<vmem_shared>>) target_semaphore(%run_scoped3A : memref<!tpu.dma_semaphore, #tpu.memory_space<semaphore_mem>>)
      %dma_wait3A_86 = arith.constant 0 : i32
      %dma_wait3A_87 = tpu.memref_slice %arg13[%mul3A_4, %dma_wait3A_86] : memref<10112x128xf32, #tpu.memory_space<vmem_shared>> -> memref<632x128xf32, #tpu.memory_space<vmem_shared>>
      %dma_wait3A_88 = arith.constant 0 : i32
      %dma_wait3A_89 = tpu.memref_slice %arg4[%mul3A_2, %dma_wait3A_88] : memref<10112x128xf32, #tpu.memory_space<hbm>> -> memref<632x128xf32, #tpu.memory_space<hbm>>
      tpu.wait_dma2 semaphore(%run_scoped3A : memref<!tpu.dma_semaphore, #tpu.memory_space<semaphore_mem>>) src(%dma_wait3A_89 : memref<632x128xf32, #tpu.memory_space<hbm>>) dst(%dma_wait3A_87 : memref<632x128xf32, #tpu.memory_space<vmem_shared>>)
      tpu.yield
    }) : () -> ()
    %dma_start3A = arith.constant 0 : i32
    %dma_start3A_5 = arith.constant 0 : i32
    %dma_start3A_6 = arith.constant 0 : i32
    %dma_start3A_7 = tpu.memref_slice %arg3[%add3A, %dma_start3A, %dma_start3A_5, %dma_start3A_6] : memref<32x108x2x96xi32, #tpu.memory_space<hbm>> -> memref<1x1x2x96xi32, #tpu.memory_space<hbm>>
    %dma_start3A_8 = tpu.memref_squeeze %dma_start3A_7 : memref<1x1x2x96xi32, #tpu.memory_space<hbm>> -> memref<2x96xi32, #tpu.memory_space<hbm>>
    %dma_start3A_9 = arith.constant 0 : i32
    %dma_start3A_10 = arith.constant 0 : i32
    %dma_start3A_11 = tpu.memref_slice %arg3[%add3A, %dma_start3A, %dma_start3A_9, %dma_start3A_10] : memref<32x108x2x96xi32, #tpu.memory_space<hbm>> -> memref<1x1x2x96xi32, #tpu.memory_space<hbm>>
    %dma_start3A_12 = tpu.memref_squeeze %dma_start3A_11 : memref<1x1x2x96xi32, #tpu.memory_space<hbm>> -> memref<2x96xi32, #tpu.memory_space<hbm>>
    tpu.enqueue_dma source(%dma_start3A_12 : memref<2x96xi32, #tpu.memory_space<hbm>>) target(%arg6 : memref<2x96xi32, #tpu.memory_space<vmem>>) target_semaphore(%arg14 : memref<!tpu.dma_semaphore, #tpu.memory_space<semaphore_mem>>)
    %dma_start3A_13 = arith.constant 1 : i32
    %dma_start3A_14 = arith.constant 0 : i32
    %dma_start3A_15 = arith.constant 0 : i32
    %dma_start3A_16 = tpu.memref_slice %arg3[%add3A, %dma_start3A_13, %dma_start3A_14, %dma_start3A_15] : memref<32x108x2x96xi32, #tpu.memory_space<hbm>> -> memref<1x1x2x96xi32, #tpu.memory_space<hbm>>
    %dma_start3A_17 = tpu.memref_squeeze %dma_start3A_16 : memref<1x1x2x96xi32, #tpu.memory_space<hbm>> -> memref<2x96xi32, #tpu.memory_space<hbm>>
    %dma_start3A_18 = arith.constant 0 : i32
    %dma_start3A_19 = arith.constant 0 : i32
    %dma_start3A_20 = tpu.memref_slice %arg3[%add3A, %dma_start3A_13, %dma_start3A_18, %dma_start3A_19] : memref<32x108x2x96xi32, #tpu.memory_space<hbm>> -> memref<1x1x2x96xi32, #tpu.memory_space<hbm>>
    %dma_start3A_21 = tpu.memref_squeeze %dma_start3A_20 : memref<1x1x2x96xi32, #tpu.memory_space<hbm>> -> memref<2x96xi32, #tpu.memory_space<hbm>>
    tpu.enqueue_dma source(%dma_start3A_21 : memref<2x96xi32, #tpu.memory_space<hbm>>) target(%arg7 : memref<2x96xi32, #tpu.memory_space<vmem>>) target_semaphore(%arg15 : memref<!tpu.dma_semaphore, #tpu.memory_space<semaphore_mem>>)
    %dma_start3A_22 = arith.constant 2 : i32
    %dma_start3A_23 = arith.constant 0 : i32
    %dma_start3A_24 = arith.constant 0 : i32
    %dma_start3A_25 = tpu.memref_slice %arg3[%add3A, %dma_start3A_22, %dma_start3A_23, %dma_start3A_24] : memref<32x108x2x96xi32, #tpu.memory_space<hbm>> -> memref<1x1x2x96xi32, #tpu.memory_space<hbm>>
    %dma_start3A_26 = tpu.memref_squeeze %dma_start3A_25 : memref<1x1x2x96xi32, #tpu.memory_space<hbm>> -> memref<2x96xi32, #tpu.memory_space<hbm>>
    %dma_start3A_27 = arith.constant 0 : i32
    %dma_start3A_28 = arith.constant 0 : i32
    %dma_start3A_29 = tpu.memref_slice %arg3[%add3A, %dma_start3A_22, %dma_start3A_27, %dma_start3A_28] : memref<32x108x2x96xi32, #tpu.memory_space<hbm>> -> memref<1x1x2x96xi32, #tpu.memory_space<hbm>>
    %dma_start3A_30 = tpu.memref_squeeze %dma_start3A_29 : memref<1x1x2x96xi32, #tpu.memory_space<hbm>> -> memref<2x96xi32, #tpu.memory_space<hbm>>
    tpu.enqueue_dma source(%dma_start3A_30 : memref<2x96xi32, #tpu.memory_space<hbm>>) target(%arg8 : memref<2x96xi32, #tpu.memory_space<vmem>>) target_semaphore(%arg16 : memref<!tpu.dma_semaphore, #tpu.memory_space<semaphore_mem>>)
    %dma_start3A_31 = arith.constant 3 : i32
    %dma_start3A_32 = arith.constant 0 : i32
    %dma_start3A_33 = arith.constant 0 : i32
    %dma_start3A_34 = tpu.memref_slice %arg3[%add3A, %dma_start3A_31, %dma_start3A_32, %dma_start3A_33] : memref<32x108x2x96xi32, #tpu.memory_space<hbm>> -> memref<1x1x2x96xi32, #tpu.memory_space<hbm>>
    %dma_start3A_35 = tpu.memref_squeeze %dma_start3A_34 : memref<1x1x2x96xi32, #tpu.memory_space<hbm>> -> memref<2x96xi32, #tpu.memory_space<hbm>>
    %dma_start3A_36 = arith.constant 0 : i32
    %dma_start3A_37 = arith.constant 0 : i32
    %dma_start3A_38 = tpu.memref_slice %arg3[%add3A, %dma_start3A_31, %dma_start3A_36, %dma_start3A_37] : memref<32x108x2x96xi32, #tpu.memory_space<hbm>> -> memref<1x1x2x96xi32, #tpu.memory_space<hbm>>
    %dma_start3A_39 = tpu.memref_squeeze %dma_start3A_38 : memref<1x1x2x96xi32, #tpu.memory_space<hbm>> -> memref<2x96xi32, #tpu.memory_space<hbm>>
    tpu.enqueue_dma source(%dma_start3A_39 : memref<2x96xi32, #tpu.memory_space<hbm>>) target(%arg9 : memref<2x96xi32, #tpu.memory_space<vmem>>) target_semaphore(%arg17 : memref<!tpu.dma_semaphore, #tpu.memory_space<semaphore_mem>>)
    %dma_wait3A = arith.constant 0 : i32
    %dma_wait3A_40 = arith.constant 0 : i32
    %dma_wait3A_41 = arith.constant 0 : i32
    %dma_wait3A_42 = tpu.memref_slice %arg3[%add3A, %dma_wait3A, %dma_wait3A_40, %dma_wait3A_41] : memref<32x108x2x96xi32, #tpu.memory_space<hbm>> -> memref<1x1x2x96xi32, #tpu.memory_space<hbm>>
    %dma_wait3A_43 = tpu.memref_squeeze %dma_wait3A_42 : memref<1x1x2x96xi32, #tpu.memory_space<hbm>> -> memref<2x96xi32, #tpu.memory_space<hbm>>
    %dma_wait3A_44 = arith.constant 0 : i32
    %dma_wait3A_45 = arith.constant 0 : i32
    %dma_wait3A_46 = tpu.memref_slice %arg3[%add3A, %dma_wait3A, %dma_wait3A_44, %dma_wait3A_45] : memref<32x108x2x96xi32, #tpu.memory_space<hbm>> -> memref<1x1x2x96xi32, #tpu.memory_space<hbm>>
    %dma_wait3A_47 = tpu.memref_squeeze %dma_wait3A_46 : memref<1x1x2x96xi32, #tpu.memory_space<hbm>> -> memref<2x96xi32, #tpu.memory_space<hbm>>
    tpu.wait_dma2 semaphore(%arg14 : memref<!tpu.dma_semaphore, #tpu.memory_space<semaphore_mem>>) src(%dma_wait3A_47 : memref<2x96xi32, #tpu.memory_space<hbm>>) dst(%arg6 : memref<2x96xi32, #tpu.memory_space<vmem>>)
    %dma_start3A_48 = arith.constant 0 : i32
    %dma_start3A_49 = arith.constant 0 : i32
    %dma_start3A_50 = tpu.memref_slice %arg6[%dma_start3A_48, %dma_start3A_49] : memref<2x96xi32, #tpu.memory_space<vmem>> -> memref<1x96xi32, #tpu.memory_space<vmem>>
    %dma_start3A_51 = tpu.memref_squeeze %dma_start3A_50 : memref<1x96xi32, #tpu.memory_space<vmem>> -> memref<96xi32, #tpu.memory_space<vmem>>
    %dma_start3A_52 = arith.constant 0 : i32
    %dma_start3A_53 = arith.constant 0 : i32
    %dma_start3A_54 = tpu.memref_slice %arg2[%dma_start3A_52, %dma_start3A_53] : memref<10000x128xf32, #tpu.memory_space<hbm>> -> memref<10000x128xf32, #tpu.memory_space<hbm>>
    tpu.enqueue_indirect_dma source(%dma_start3A_54 : memref<10000x128xf32, #tpu.memory_space<hbm>>) target(%arg10 : memref<96x128xf32, #tpu.memory_space<vmem>>) offsets(%dma_start3A_51 : memref<96xi32, #tpu.memory_space<vmem>>) semaphore(%arg18 : memref<!tpu.dma_semaphore, #tpu.memory_space<semaphore_mem>>)
    %dma_wait3A_55 = arith.constant 1 : i32
    %dma_wait3A_56 = arith.constant 0 : i32
    %dma_wait3A_57 = arith.constant 0 : i32
    %dma_wait3A_58 = tpu.memref_slice %arg3[%add3A, %dma_wait3A_55, %dma_wait3A_56, %dma_wait3A_57] : memref<32x108x2x96xi32, #tpu.memory_space<hbm>> -> memref<1x1x2x96xi32, #tpu.memory_space<hbm>>
    %dma_wait3A_59 = tpu.memref_squeeze %dma_wait3A_58 : memref<1x1x2x96xi32, #tpu.memory_space<hbm>> -> memref<2x96xi32, #tpu.memory_space<hbm>>
    %dma_wait3A_60 = arith.constant 0 : i32
    %dma_wait3A_61 = arith.constant 0 : i32
    %dma_wait3A_62 = tpu.memref_slice %arg3[%add3A, %dma_wait3A_55, %dma_wait3A_60, %dma_wait3A_61] : memref<32x108x2x96xi32, #tpu.memory_space<hbm>> -> memref<1x1x2x96xi32, #tpu.memory_space<hbm>>
    %dma_wait3A_63 = tpu.memref_squeeze %dma_wait3A_62 : memref<1x1x2x96xi32, #tpu.memory_space<hbm>> -> memref<2x96xi32, #tpu.memory_space<hbm>>
    tpu.wait_dma2 semaphore(%arg15 : memref<!tpu.dma_semaphore, #tpu.memory_space<semaphore_mem>>) src(%dma_wait3A_63 : memref<2x96xi32, #tpu.memory_space<hbm>>) dst(%arg7 : memref<2x96xi32, #tpu.memory_space<vmem>>)
    %dma_start3A_64 = arith.constant 0 : i32
    %dma_start3A_65 = arith.constant 0 : i32
    %dma_start3A_66 = tpu.memref_slice %arg7[%dma_start3A_64, %dma_start3A_65] : memref<2x96xi32, #tpu.memory_space<vmem>> -> memref<1x96xi32, #tpu.memory_space<vmem>>
    %dma_start3A_67 = tpu.memref_squeeze %dma_start3A_66 : memref<1x96xi32, #tpu.memory_space<vmem>> -> memref<96xi32, #tpu.memory_space<vmem>>
    %dma_start3A_68 = arith.constant 0 : i32
    %dma_start3A_69 = arith.constant 0 : i32
    %dma_start3A_70 = tpu.memref_slice %arg2[%dma_start3A_68, %dma_start3A_69] : memref<10000x128xf32, #tpu.memory_space<hbm>> -> memref<10000x128xf32, #tpu.memory_space<hbm>>
    tpu.enqueue_indirect_dma source(%dma_start3A_70 : memref<10000x128xf32, #tpu.memory_space<hbm>>) target(%arg11 : memref<96x128xf32, #tpu.memory_space<vmem>>) offsets(%dma_start3A_67 : memref<96xi32, #tpu.memory_space<vmem>>) semaphore(%arg19 : memref<!tpu.dma_semaphore, #tpu.memory_space<semaphore_mem>>)
    %barrier3A = arith.constant 0 : index
    tpu.barrier barrier_id(%barrier3A)
    %scan3A = arith.constant 0 : i32
    %scan3A_71 = arith.constant 0 : i32
    %scan3A_72 = arith.constant 9 : i32
    %scan3A_73 = arith.addi %scan3A_71, %scan3A_72 : i32
    %scan3A_74 = arith.constant 1 : i32
    %scan3A_75 = scf.for %scan3A_82 = %scan3A_71 to %scan3A_73 step %scan3A_74 iter_args(%scan3A_83 = %scan3A) -> (i32)  : i32 {
      %mul3A_84 = arith.constant 12 : i32
      %mul3A_85 = arith.muli %scan3A_82, %mul3A_84 : i32
      %add3A_86 = arith.constant 0 : i32
      %add3A_87 = arith.addi %mul3A_85, %add3A_86 : i32
      %dma_wait3A_88 = arith.constant 0 : i32
      %dma_wait3A_89 = arith.constant 0 : i32
      %dma_wait3A_90 = tpu.memref_slice %arg6[%dma_wait3A_88, %dma_wait3A_89] : memref<2x96xi32, #tpu.memory_space<vmem>> -> memref<1x96xi32, #tpu.memory_space<vmem>>
      %dma_wait3A_91 = tpu.memref_squeeze %dma_wait3A_90 : memref<1x96xi32, #tpu.memory_space<vmem>> -> memref<96xi32, #tpu.memory_space<vmem>>
      %dma_wait3A_92 = arith.constant 0 : i32
      %dma_wait3A_93 = arith.constant 0 : i32
      %dma_wait3A_94 = tpu.memref_slice %arg2[%dma_wait3A_92, %dma_wait3A_93] : memref<10000x128xf32, #tpu.memory_space<hbm>> -> memref<10000x128xf32, #tpu.memory_space<hbm>>
      tpu.wait_indirect_dma semaphore(%arg18 : memref<!tpu.dma_semaphore, #tpu.memory_space<semaphore_mem>>) src(%dma_wait3A_94 : memref<10000x128xf32, #tpu.memory_space<hbm>>) dst(%arg10 : memref<96x128xf32, #tpu.memory_space<vmem>>)
      %add3A_95 = arith.constant 2 : i32
      %add3A_96 = arith.addi %add3A_87, %add3A_95 : i32
      %lt3A = arith.constant 108 : i32
      %lt3A_97 = arith.cmpi slt, %add3A_96, %lt3A : i32
      %convert_element_type3A = arith.extui %lt3A_97 : i1 to i32
      %cond3A = arith.constant 0 : i32
      %cond3A_98 = arith.cmpi ne, %convert_element_type3A, %cond3A : i32
      scf.if %cond3A_98 {
        %add3A_371 = arith.constant 2 : i32
        %add3A_372 = arith.addi %add3A_87, %add3A_371 : i32
        %dma_wait3A_373 = arith.constant 0 : i32
        %dma_wait3A_374 = arith.constant 0 : i32
        %dma_wait3A_375 = tpu.memref_slice %arg3[%add3A, %add3A_372, %dma_wait3A_373, %dma_wait3A_374] : memref<32x108x2x96xi32, #tpu.memory_space<hbm>> -> memref<1x1x2x96xi32, #tpu.memory_space<hbm>>
        %dma_wait3A_376 = tpu.memref_squeeze %dma_wait3A_375 : memref<1x1x2x96xi32, #tpu.memory_space<hbm>> -> memref<2x96xi32, #tpu.memory_space<hbm>>
        %dma_wait3A_377 = arith.constant 0 : i32
        %dma_wait3A_378 = arith.constant 0 : i32
        %dma_wait3A_379 = tpu.memref_slice %arg3[%add3A, %add3A_372, %dma_wait3A_377, %dma_wait3A_378] : memref<32x108x2x96xi32, #tpu.memory_space<hbm>> -> memref<1x1x2x96xi32, #tpu.memory_space<hbm>>
        %dma_wait3A_380 = tpu.memref_squeeze %dma_wait3A_379 : memref<1x1x2x96xi32, #tpu.memory_space<hbm>> -> memref<2x96xi32, #tpu.memory_space<hbm>>
        tpu.wait_dma2 semaphore(%arg16 : memref<!tpu.dma_semaphore, #tpu.memory_space<semaphore_mem>>) src(%dma_wait3A_380 : memref<2x96xi32, #tpu.memory_space<hbm>>) dst(%arg8 : memref<2x96xi32, #tpu.memory_space<vmem>>)
        %dma_start3A_381 = arith.constant 0 : i32
        %dma_start3A_382 = arith.constant 0 : i32
        %dma_start3A_383 = tpu.memref_slice %arg8[%dma_start3A_381, %dma_start3A_382] : memref<2x96xi32, #tpu.memory_space<vmem>> -> memref<1x96xi32, #tpu.memory_space<vmem>>
        %dma_start3A_384 = tpu.memref_squeeze %dma_start3A_383 : memref<1x96xi32, #tpu.memory_space<vmem>> -> memref<96xi32, #tpu.memory_space<vmem>>
        %dma_start3A_385 = arith.constant 0 : i32
        %dma_start3A_386 = arith.constant 0 : i32
        %dma_start3A_387 = tpu.memref_slice %arg2[%dma_start3A_385, %dma_start3A_386] : memref<10000x128xf32, #tpu.memory_space<hbm>> -> memref<10000x128xf32, #tpu.memory_space<hbm>>
        tpu.enqueue_indirect_dma source(%dma_start3A_387 : memref<10000x128xf32, #tpu.memory_space<hbm>>) target(%arg12 : memref<96x128xf32, #tpu.memory_space<vmem>>) offsets(%dma_start3A_384 : memref<96xi32, #tpu.memory_space<vmem>>) semaphore(%arg20 : memref<!tpu.dma_semaphore, #tpu.memory_space<semaphore_mem>>)
      } else {
      }
      %run_scoped3A = arith.constant 1 : i32
      "tpu.region"() ({
        %run_scoped3A_371 = tpu.sem_alloc : memref<!tpu.dma_semaphore, #tpu.memory_space<semaphore_mem>>
        %dma_start3A_372 = arith.constant 0 : i32
        %dma_start3A_373 = tpu.memref_slice %arg6[%run_scoped3A, %dma_start3A_372] : memref<2x96xi32, #tpu.memory_space<vmem>> -> memref<1x96xi32, #tpu.memory_space<vmem>>
        %dma_start3A_374 = tpu.memref_squeeze %dma_start3A_373 : memref<1x96xi32, #tpu.memory_space<vmem>> -> memref<96xi32, #tpu.memory_space<vmem>>
        %dma_start3A_375 = arith.constant 0 : i32
        %dma_start3A_376 = arith.constant 0 : i32
        %dma_start3A_377 = tpu.memref_slice %arg13[%dma_start3A_375, %dma_start3A_376] : memref<10112x128xf32, #tpu.memory_space<vmem_shared>> -> memref<10112x128xf32, #tpu.memory_space<vmem_shared>>
        tpu.enqueue_indirect_dma source(%arg10 : memref<96x128xf32, #tpu.memory_space<vmem>>) target(%dma_start3A_377 : memref<10112x128xf32, #tpu.memory_space<vmem_shared>>) offsets(%dma_start3A_374 : memref<96xi32, #tpu.memory_space<vmem>>) semaphore(%run_scoped3A_371 : memref<!tpu.dma_semaphore, #tpu.memory_space<semaphore_mem>>) {add = true}
        %dma_wait3A_378 = arith.constant 0 : i32
        %dma_wait3A_379 = tpu.memref_slice %arg6[%run_scoped3A, %dma_wait3A_378] : memref<2x96xi32, #tpu.memory_space<vmem>> -> memref<1x96xi32, #tpu.memory_space<vmem>>
        %dma_wait3A_380 = tpu.memref_squeeze %dma_wait3A_379 : memref<1x96xi32, #tpu.memory_space<vmem>> -> memref<96xi32, #tpu.memory_space<vmem>>
        %dma_wait3A_381 = arith.constant 0 : i32
        %dma_wait3A_382 = arith.constant 0 : i32
        %dma_wait3A_383 = tpu.memref_slice %arg13[%dma_wait3A_381, %dma_wait3A_382] : memref<10112x128xf32, #tpu.memory_space<vmem_shared>> -> memref<10112x128xf32, #tpu.memory_space<vmem_shared>>
        tpu.wait_indirect_dma semaphore(%run_scoped3A_371 : memref<!tpu.dma_semaphore, #tpu.memory_space<semaphore_mem>>) src(%arg10 : memref<96x128xf32, #tpu.memory_space<vmem>>) dst(%dma_wait3A_383 : memref<10112x128xf32, #tpu.memory_space<vmem_shared>>)
        tpu.yield
      }) : () -> ()
      %add3A_99 = arith.constant 4 : i32
      %add3A_100 = arith.addi %add3A_87, %add3A_99 : i32
      %lt3A_101 = arith.constant 108 : i32
      %lt3A_102 = arith.cmpi slt, %add3A_100, %lt3A_101 : i32
      %convert_element_type3A_103 = arith.extui %lt3A_102 : i1 to i32
      %cond3A_104 = arith.constant 0 : i32
      %cond3A_105 = arith.cmpi ne, %convert_element_type3A_103, %cond3A_104 : i32
      scf.if %cond3A_105 {
        %add3A_371 = arith.constant 4 : i32
        %add3A_372 = arith.addi %add3A_87, %add3A_371 : i32
        %dma_start3A_373 = arith.constant 0 : i32
        %dma_start3A_374 = arith.constant 0 : i32
        %dma_start3A_375 = tpu.memref_slice %arg3[%add3A, %add3A_372, %dma_start3A_373, %dma_start3A_374] : memref<32x108x2x96xi32, #tpu.memory_space<hbm>> -> memref<1x1x2x96xi32, #tpu.memory_space<hbm>>
        %dma_start3A_376 = tpu.memref_squeeze %dma_start3A_375 : memref<1x1x2x96xi32, #tpu.memory_space<hbm>> -> memref<2x96xi32, #tpu.memory_space<hbm>>
        %dma_start3A_377 = arith.constant 0 : i32
        %dma_start3A_378 = arith.constant 0 : i32
        %dma_start3A_379 = tpu.memref_slice %arg3[%add3A, %add3A_372, %dma_start3A_377, %dma_start3A_378] : memref<32x108x2x96xi32, #tpu.memory_space<hbm>> -> memref<1x1x2x96xi32, #tpu.memory_space<hbm>>
        %dma_start3A_380 = tpu.memref_squeeze %dma_start3A_379 : memref<1x1x2x96xi32, #tpu.memory_space<hbm>> -> memref<2x96xi32, #tpu.memory_space<hbm>>
        tpu.enqueue_dma source(%dma_start3A_380 : memref<2x96xi32, #tpu.memory_space<hbm>>) target(%arg6 : memref<2x96xi32, #tpu.memory_space<vmem>>) target_semaphore(%arg14 : memref<!tpu.dma_semaphore, #tpu.memory_space<semaphore_mem>>)
      } else {
      }
      %add3A_106 = arith.constant 1 : i32
      %add3A_107 = arith.addi %mul3A_85, %add3A_106 : i32
      %dma_wait3A_108 = arith.constant 0 : i32
      %dma_wait3A_109 = arith.constant 0 : i32
      %dma_wait3A_110 = tpu.memref_slice %arg7[%dma_wait3A_108, %dma_wait3A_109] : memref<2x96xi32, #tpu.memory_space<vmem>> -> memref<1x96xi32, #tpu.memory_space<vmem>>
      %dma_wait3A_111 = tpu.memref_squeeze %dma_wait3A_110 : memref<1x96xi32, #tpu.memory_space<vmem>> -> memref<96xi32, #tpu.memory_space<vmem>>
      %dma_wait3A_112 = arith.constant 0 : i32
      %dma_wait3A_113 = arith.constant 0 : i32
      %dma_wait3A_114 = tpu.memref_slice %arg2[%dma_wait3A_112, %dma_wait3A_113] : memref<10000x128xf32, #tpu.memory_space<hbm>> -> memref<10000x128xf32, #tpu.memory_space<hbm>>
      tpu.wait_indirect_dma semaphore(%arg19 : memref<!tpu.dma_semaphore, #tpu.memory_space<semaphore_mem>>) src(%dma_wait3A_114 : memref<10000x128xf32, #tpu.memory_space<hbm>>) dst(%arg11 : memref<96x128xf32, #tpu.memory_space<vmem>>)
      %add3A_115 = arith.constant 2 : i32
      %add3A_116 = arith.addi %add3A_107, %add3A_115 : i32
      %lt3A_117 = arith.constant 108 : i32
      %lt3A_118 = arith.cmpi slt, %add3A_116, %lt3A_117 : i32
      %convert_element_type3A_119 = arith.extui %lt3A_118 : i1 to i32
      %cond3A_120 = arith.constant 0 : i32
      %cond3A_121 = arith.cmpi ne, %convert_element_type3A_119, %cond3A_120 : i32
      scf.if %cond3A_121 {
        %add3A_371 = arith.constant 2 : i32
        %add3A_372 = arith.addi %add3A_107, %add3A_371 : i32
        %dma_wait3A_373 = arith.constant 0 : i32
        %dma_wait3A_374 = arith.constant 0 : i32
        %dma_wait3A_375 = tpu.memref_slice %arg3[%add3A, %add3A_372, %dma_wait3A_373, %dma_wait3A_374] : memref<32x108x2x96xi32, #tpu.memory_space<hbm>> -> memref<1x1x2x96xi32, #tpu.memory_space<hbm>>
        %dma_wait3A_376 = tpu.memref_squeeze %dma_wait3A_375 : memref<1x1x2x96xi32, #tpu.memory_space<hbm>> -> memref<2x96xi32, #tpu.memory_space<hbm>>
        %dma_wait3A_377 = arith.constant 0 : i32
        %dma_wait3A_378 = arith.constant 0 : i32
        %dma_wait3A_379 = tpu.memref_slice %arg3[%add3A, %add3A_372, %dma_wait3A_377, %dma_wait3A_378] : memref<32x108x2x96xi32, #tpu.memory_space<hbm>> -> memref<1x1x2x96xi32, #tpu.memory_space<hbm>>
        %dma_wait3A_380 = tpu.memref_squeeze %dma_wait3A_379 : memref<1x1x2x96xi32, #tpu.memory_space<hbm>> -> memref<2x96xi32, #tpu.memory_space<hbm>>
        tpu.wait_dma2 semaphore(%arg17 : memref<!tpu.dma_semaphore, #tpu.memory_space<semaphore_mem>>) src(%dma_wait3A_380 : memref<2x96xi32, #tpu.memory_space<hbm>>) dst(%arg9 : memref<2x96xi32, #tpu.memory_space<vmem>>)
        %dma_start3A_381 = arith.constant 0 : i32
        %dma_start3A_382 = arith.constant 0 : i32
        %dma_start3A_383 = tpu.memref_slice %arg9[%dma_start3A_381, %dma_start3A_382] : memref<2x96xi32, #tpu.memory_space<vmem>> -> memref<1x96xi32, #tpu.memory_space<vmem>>
        %dma_start3A_384 = tpu.memref_squeeze %dma_start3A_383 : memref<1x96xi32, #tpu.memory_space<vmem>> -> memref<96xi32, #tpu.memory_space<vmem>>
        %dma_start3A_385 = arith.constant 0 : i32
        %dma_start3A_386 = arith.constant 0 : i32
        %dma_start3A_387 = tpu.memref_slice %arg2[%dma_start3A_385, %dma_start3A_386] : memref<10000x128xf32, #tpu.memory_space<hbm>> -> memref<10000x128xf32, #tpu.memory_space<hbm>>
        tpu.enqueue_indirect_dma source(%dma_start3A_387 : memref<10000x128xf32, #tpu.memory_space<hbm>>) target(%arg10 : memref<96x128xf32, #tpu.memory_space<vmem>>) offsets(%dma_start3A_384 : memref<96xi32, #tpu.memory_space<vmem>>) semaphore(%arg18 : memref<!tpu.dma_semaphore, #tpu.memory_space<semaphore_mem>>)
      } else {
      }
      %run_scoped3A_122 = arith.constant 1 : i32
      "tpu.region"() ({
        %run_scoped3A_371 = tpu.sem_alloc : memref<!tpu.dma_semaphore, #tpu.memory_space<semaphore_mem>>
        %dma_start3A_372 = arith.constant 0 : i32
        %dma_start3A_373 = tpu.memref_slice %arg7[%run_scoped3A_122, %dma_start3A_372] : memref<2x96xi32, #tpu.memory_space<vmem>> -> memref<1x96xi32, #tpu.memory_space<vmem>>
        %dma_start3A_374 = tpu.memref_squeeze %dma_start3A_373 : memref<1x96xi32, #tpu.memory_space<vmem>> -> memref<96xi32, #tpu.memory_space<vmem>>
        %dma_start3A_375 = arith.constant 0 : i32
        %dma_start3A_376 = arith.constant 0 : i32
        %dma_start3A_377 = tpu.memref_slice %arg13[%dma_start3A_375, %dma_start3A_376] : memref<10112x128xf32, #tpu.memory_space<vmem_shared>> -> memref<10112x128xf32, #tpu.memory_space<vmem_shared>>
        tpu.enqueue_indirect_dma source(%arg11 : memref<96x128xf32, #tpu.memory_space<vmem>>) target(%dma_start3A_377 : memref<10112x128xf32, #tpu.memory_space<vmem_shared>>) offsets(%dma_start3A_374 : memref<96xi32, #tpu.memory_space<vmem>>) semaphore(%run_scoped3A_371 : memref<!tpu.dma_semaphore, #tpu.memory_space<semaphore_mem>>) {add = true}
        %dma_wait3A_378 = arith.constant 0 : i32
        %dma_wait3A_379 = tpu.memref_slice %arg7[%run_scoped3A_122, %dma_wait3A_378] : memref<2x96xi32, #tpu.memory_space<vmem>> -> memref<1x96xi32, #tpu.memory_space<vmem>>
        %dma_wait3A_380 = tpu.memref_squeeze %dma_wait3A_379 : memref<1x96xi32, #tpu.memory_space<vmem>> -> memref<96xi32, #tpu.memory_space<vmem>>
        %dma_wait3A_381 = arith.constant 0 : i32
        %dma_wait3A_382 = arith.constant 0 : i32
        %dma_wait3A_383 = tpu.memref_slice %arg13[%dma_wait3A_381, %dma_wait3A_382] : memref<10112x128xf32, #tpu.memory_space<vmem_shared>> -> memref<10112x128xf32, #tpu.memory_space<vmem_shared>>
        tpu.wait_indirect_dma semaphore(%run_scoped3A_371 : memref<!tpu.dma_semaphore, #tpu.memory_space<semaphore_mem>>) src(%arg11 : memref<96x128xf32, #tpu.memory_space<vmem>>) dst(%dma_wait3A_383 : memref<10112x128xf32, #tpu.memory_space<vmem_shared>>)
        tpu.yield
      }) : () -> ()
      %add3A_123 = arith.constant 4 : i32
      %add3A_124 = arith.addi %add3A_107, %add3A_123 : i32
      %lt3A_125 = arith.constant 108 : i32
      %lt3A_126 = arith.cmpi slt, %add3A_124, %lt3A_125 : i32
      %convert_element_type3A_127 = arith.extui %lt3A_126 : i1 to i32
      %cond3A_128 = arith.constant 0 : i32
      %cond3A_129 = arith.cmpi ne, %convert_element_type3A_127, %cond3A_128 : i32
      scf.if %cond3A_129 {
        %add3A_371 = arith.constant 4 : i32
        %add3A_372 = arith.addi %add3A_107, %add3A_371 : i32
        %dma_start3A_373 = arith.constant 0 : i32
        %dma_start3A_374 = arith.constant 0 : i32
        %dma_start3A_375 = tpu.memref_slice %arg3[%add3A, %add3A_372, %dma_start3A_373, %dma_start3A_374] : memref<32x108x2x96xi32, #tpu.memory_space<hbm>> -> memref<1x1x2x96xi32, #tpu.memory_space<hbm>>
        %dma_start3A_376 = tpu.memref_squeeze %dma_start3A_375 : memref<1x1x2x96xi32, #tpu.memory_space<hbm>> -> memref<2x96xi32, #tpu.memory_space<hbm>>
        %dma_start3A_377 = arith.constant 0 : i32
        %dma_start3A_378 = arith.constant 0 : i32
        %dma_start3A_379 = tpu.memref_slice %arg3[%add3A, %add3A_372, %dma_start3A_377, %dma_start3A_378] : memref<32x108x2x96xi32, #tpu.memory_space<hbm>> -> memref<1x1x2x96xi32, #tpu.memory_space<hbm>>
        %dma_start3A_380 = tpu.memref_squeeze %dma_start3A_379 : memref<1x1x2x96xi32, #tpu.memory_space<hbm>> -> memref<2x96xi32, #tpu.memory_space<hbm>>
        tpu.enqueue_dma source(%dma_start3A_380 : memref<2x96xi32, #tpu.memory_space<hbm>>) target(%arg7 : memref<2x96xi32, #tpu.memory_space<vmem>>) target_semaphore(%arg15 : memref<!tpu.dma_semaphore, #tpu.memory_space<semaphore_mem>>)
      } else {
      }
      %add3A_130 = arith.constant 2 : i32
      %add3A_131 = arith.addi %mul3A_85, %add3A_130 : i32
      %dma_wait3A_132 = arith.constant 0 : i32
      %dma_wait3A_133 = arith.constant 0 : i32
      %dma_wait3A_134 = tpu.memref_slice %arg8[%dma_wait3A_132, %dma_wait3A_133] : memref<2x96xi32, #tpu.memory_space<vmem>> -> memref<1x96xi32, #tpu.memory_space<vmem>>
      %dma_wait3A_135 = tpu.memref_squeeze %dma_wait3A_134 : memref<1x96xi32, #tpu.memory_space<vmem>> -> memref<96xi32, #tpu.memory_space<vmem>>
      %dma_wait3A_136 = arith.constant 0 : i32
      %dma_wait3A_137 = arith.constant 0 : i32
      %dma_wait3A_138 = tpu.memref_slice %arg2[%dma_wait3A_136, %dma_wait3A_137] : memref<10000x128xf32, #tpu.memory_space<hbm>> -> memref<10000x128xf32, #tpu.memory_space<hbm>>
      tpu.wait_indirect_dma semaphore(%arg20 : memref<!tpu.dma_semaphore, #tpu.memory_space<semaphore_mem>>) src(%dma_wait3A_138 : memref<10000x128xf32, #tpu.memory_space<hbm>>) dst(%arg12 : memref<96x128xf32, #tpu.memory_space<vmem>>)
      %add3A_139 = arith.constant 2 : i32
      %add3A_140 = arith.addi %add3A_131, %add3A_139 : i32
      %lt3A_141 = arith.constant 108 : i32
      %lt3A_142 = arith.cmpi slt, %add3A_140, %lt3A_141 : i32
      %convert_element_type3A_143 = arith.extui %lt3A_142 : i1 to i32
      %cond3A_144 = arith.constant 0 : i32
      %cond3A_145 = arith.cmpi ne, %convert_element_type3A_143, %cond3A_144 : i32
      scf.if %cond3A_145 {
        %add3A_371 = arith.constant 2 : i32
        %add3A_372 = arith.addi %add3A_131, %add3A_371 : i32
        %dma_wait3A_373 = arith.constant 0 : i32
        %dma_wait3A_374 = arith.constant 0 : i32
        %dma_wait3A_375 = tpu.memref_slice %arg3[%add3A, %add3A_372, %dma_wait3A_373, %dma_wait3A_374] : memref<32x108x2x96xi32, #tpu.memory_space<hbm>> -> memref<1x1x2x96xi32, #tpu.memory_space<hbm>>
        %dma_wait3A_376 = tpu.memref_squeeze %dma_wait3A_375 : memref<1x1x2x96xi32, #tpu.memory_space<hbm>> -> memref<2x96xi32, #tpu.memory_space<hbm>>
        %dma_wait3A_377 = arith.constant 0 : i32
        %dma_wait3A_378 = arith.constant 0 : i32
        %dma_wait3A_379 = tpu.memref_slice %arg3[%add3A, %add3A_372, %dma_wait3A_377, %dma_wait3A_378] : memref<32x108x2x96xi32, #tpu.memory_space<hbm>> -> memref<1x1x2x96xi32, #tpu.memory_space<hbm>>
        %dma_wait3A_380 = tpu.memref_squeeze %dma_wait3A_379 : memref<1x1x2x96xi32, #tpu.memory_space<hbm>> -> memref<2x96xi32, #tpu.memory_space<hbm>>
        tpu.wait_dma2 semaphore(%arg14 : memref<!tpu.dma_semaphore, #tpu.memory_space<semaphore_mem>>) src(%dma_wait3A_380 : memref<2x96xi32, #tpu.memory_space<hbm>>) dst(%arg6 : memref<2x96xi32, #tpu.memory_space<vmem>>)
        %dma_start3A_381 = arith.constant 0 : i32
        %dma_start3A_382 = arith.constant 0 : i32
        %dma_start3A_383 = tpu.memref_slice %arg6[%dma_start3A_381, %dma_start3A_382] : memref<2x96xi32, #tpu.memory_space<vmem>> -> memref<1x96xi32, #tpu.memory_space<vmem>>
        %dma_start3A_384 = tpu.memref_squeeze %dma_start3A_383 : memref<1x96xi32, #tpu.memory_space<vmem>> -> memref<96xi32, #tpu.memory_space<vmem>>
        %dma_start3A_385 = arith.constant 0 : i32
        %dma_start3A_386 = arith.constant 0 : i32
        %dma_start3A_387 = tpu.memref_slice %arg2[%dma_start3A_385, %dma_start3A_386] : memref<10000x128xf32, #tpu.memory_space<hbm>> -> memref<10000x128xf32, #tpu.memory_space<hbm>>
        tpu.enqueue_indirect_dma source(%dma_start3A_387 : memref<10000x128xf32, #tpu.memory_space<hbm>>) target(%arg11 : memref<96x128xf32, #tpu.memory_space<vmem>>) offsets(%dma_start3A_384 : memref<96xi32, #tpu.memory_space<vmem>>) semaphore(%arg19 : memref<!tpu.dma_semaphore, #tpu.memory_space<semaphore_mem>>)
      } else {
      }
      %run_scoped3A_146 = arith.constant 1 : i32
      "tpu.region"() ({
        %run_scoped3A_371 = tpu.sem_alloc : memref<!tpu.dma_semaphore, #tpu.memory_space<semaphore_mem>>
        %dma_start3A_372 = arith.constant 0 : i32
        %dma_start3A_373 = tpu.memref_slice %arg8[%run_scoped3A_146, %dma_start3A_372] : memref<2x96xi32, #tpu.memory_space<vmem>> -> memref<1x96xi32, #tpu.memory_space<vmem>>
        %dma_start3A_374 = tpu.memref_squeeze %dma_start3A_373 : memref<1x96xi32, #tpu.memory_space<vmem>> -> memref<96xi32, #tpu.memory_space<vmem>>
        %dma_start3A_375 = arith.constant 0 : i32
        %dma_start3A_376 = arith.constant 0 : i32
        %dma_start3A_377 = tpu.memref_slice %arg13[%dma_start3A_375, %dma_start3A_376] : memref<10112x128xf32, #tpu.memory_space<vmem_shared>> -> memref<10112x128xf32, #tpu.memory_space<vmem_shared>>
        tpu.enqueue_indirect_dma source(%arg12 : memref<96x128xf32, #tpu.memory_space<vmem>>) target(%dma_start3A_377 : memref<10112x128xf32, #tpu.memory_space<vmem_shared>>) offsets(%dma_start3A_374 : memref<96xi32, #tpu.memory_space<vmem>>) semaphore(%run_scoped3A_371 : memref<!tpu.dma_semaphore, #tpu.memory_space<semaphore_mem>>) {add = true}
        %dma_wait3A_378 = arith.constant 0 : i32
        %dma_wait3A_379 = tpu.memref_slice %arg8[%run_scoped3A_146, %dma_wait3A_378] : memref<2x96xi32, #tpu.memory_space<vmem>> -> memref<1x96xi32, #tpu.memory_space<vmem>>
        %dma_wait3A_380 = tpu.memref_squeeze %dma_wait3A_379 : memref<1x96xi32, #tpu.memory_space<vmem>> -> memref<96xi32, #tpu.memory_space<vmem>>
        %dma_wait3A_381 = arith.constant 0 : i32
        %dma_wait3A_382 = arith.constant 0 : i32
        %dma_wait3A_383 = tpu.memref_slice %arg13[%dma_wait3A_381, %dma_wait3A_382] : memref<10112x128xf32, #tpu.memory_space<vmem_shared>> -> memref<10112x128xf32, #tpu.memory_space<vmem_shared>>
        tpu.wait_indirect_dma semaphore(%run_scoped3A_371 : memref<!tpu.dma_semaphore, #tpu.memory_space<semaphore_mem>>) src(%arg12 : memref<96x128xf32, #tpu.memory_space<vmem>>) dst(%dma_wait3A_383 : memref<10112x128xf32, #tpu.memory_space<vmem_shared>>)
        tpu.yield
      }) : () -> ()
      %add3A_147 = arith.constant 4 : i32
      %add3A_148 = arith.addi %add3A_131, %add3A_147 : i32
      %lt3A_149 = arith.constant 108 : i32
      %lt3A_150 = arith.cmpi slt, %add3A_148, %lt3A_149 : i32
      %convert_element_type3A_151 = arith.extui %lt3A_150 : i1 to i32
      %cond3A_152 = arith.constant 0 : i32
      %cond3A_153 = arith.cmpi ne, %convert_element_type3A_151, %cond3A_152 : i32
      scf.if %cond3A_153 {
        %add3A_371 = arith.constant 4 : i32
        %add3A_372 = arith.addi %add3A_131, %add3A_371 : i32
        %dma_start3A_373 = arith.constant 0 : i32
        %dma_start3A_374 = arith.constant 0 : i32
        %dma_start3A_375 = tpu.memref_slice %arg3[%add3A, %add3A_372, %dma_start3A_373, %dma_start3A_374] : memref<32x108x2x96xi32, #tpu.memory_space<hbm>> -> memref<1x1x2x96xi32, #tpu.memory_space<hbm>>
        %dma_start3A_376 = tpu.memref_squeeze %dma_start3A_375 : memref<1x1x2x96xi32, #tpu.memory_space<hbm>> -> memref<2x96xi32, #tpu.memory_space<hbm>>
        %dma_start3A_377 = arith.constant 0 : i32
        %dma_start3A_378 = arith.constant 0 : i32
        %dma_start3A_379 = tpu.memref_slice %arg3[%add3A, %add3A_372, %dma_start3A_377, %dma_start3A_378] : memref<32x108x2x96xi32, #tpu.memory_space<hbm>> -> memref<1x1x2x96xi32, #tpu.memory_space<hbm>>
        %dma_start3A_380 = tpu.memref_squeeze %dma_start3A_379 : memref<1x1x2x96xi32, #tpu.memory_space<hbm>> -> memref<2x96xi32, #tpu.memory_space<hbm>>
        tpu.enqueue_dma source(%dma_start3A_380 : memref<2x96xi32, #tpu.memory_space<hbm>>) target(%arg8 : memref<2x96xi32, #tpu.memory_space<vmem>>) target_semaphore(%arg16 : memref<!tpu.dma_semaphore, #tpu.memory_space<semaphore_mem>>)
      } else {
      }
      %add3A_154 = arith.constant 3 : i32
      %add3A_155 = arith.addi %mul3A_85, %add3A_154 : i32
      %dma_wait3A_156 = arith.constant 0 : i32
      %dma_wait3A_157 = arith.constant 0 : i32
      %dma_wait3A_158 = tpu.memref_slice %arg9[%dma_wait3A_156, %dma_wait3A_157] : memref<2x96xi32, #tpu.memory_space<vmem>> -> memref<1x96xi32, #tpu.memory_space<vmem>>
      %dma_wait3A_159 = tpu.memref_squeeze %dma_wait3A_158 : memref<1x96xi32, #tpu.memory_space<vmem>> -> memref<96xi32, #tpu.memory_space<vmem>>
      %dma_wait3A_160 = arith.constant 0 : i32
      %dma_wait3A_161 = arith.constant 0 : i32
      %dma_wait3A_162 = tpu.memref_slice %arg2[%dma_wait3A_160, %dma_wait3A_161] : memref<10000x128xf32, #tpu.memory_space<hbm>> -> memref<10000x128xf32, #tpu.memory_space<hbm>>
      tpu.wait_indirect_dma semaphore(%arg18 : memref<!tpu.dma_semaphore, #tpu.memory_space<semaphore_mem>>) src(%dma_wait3A_162 : memref<10000x128xf32, #tpu.memory_space<hbm>>) dst(%arg10 : memref<96x128xf32, #tpu.memory_space<vmem>>)
      %add3A_163 = arith.constant 2 : i32
      %add3A_164 = arith.addi %add3A_155, %add3A_163 : i32
      %lt3A_165 = arith.constant 108 : i32
      %lt3A_166 = arith.cmpi slt, %add3A_164, %lt3A_165 : i32
      %convert_element_type3A_167 = arith.extui %lt3A_166 : i1 to i32
      %cond3A_168 = arith.constant 0 : i32
      %cond3A_169 = arith.cmpi ne, %convert_element_type3A_167, %cond3A_168 : i32
      scf.if %cond3A_169 {
        %add3A_371 = arith.constant 2 : i32
        %add3A_372 = arith.addi %add3A_155, %add3A_371 : i32
        %dma_wait3A_373 = arith.constant 0 : i32
        %dma_wait3A_374 = arith.constant 0 : i32
        %dma_wait3A_375 = tpu.memref_slice %arg3[%add3A, %add3A_372, %dma_wait3A_373, %dma_wait3A_374] : memref<32x108x2x96xi32, #tpu.memory_space<hbm>> -> memref<1x1x2x96xi32, #tpu.memory_space<hbm>>
        %dma_wait3A_376 = tpu.memref_squeeze %dma_wait3A_375 : memref<1x1x2x96xi32, #tpu.memory_space<hbm>> -> memref<2x96xi32, #tpu.memory_space<hbm>>
        %dma_wait3A_377 = arith.constant 0 : i32
        %dma_wait3A_378 = arith.constant 0 : i32
        %dma_wait3A_379 = tpu.memref_slice %arg3[%add3A, %add3A_372, %dma_wait3A_377, %dma_wait3A_378] : memref<32x108x2x96xi32, #tpu.memory_space<hbm>> -> memref<1x1x2x96xi32, #tpu.memory_space<hbm>>
        %dma_wait3A_380 = tpu.memref_squeeze %dma_wait3A_379 : memref<1x1x2x96xi32, #tpu.memory_space<hbm>> -> memref<2x96xi32, #tpu.memory_space<hbm>>
        tpu.wait_dma2 semaphore(%arg15 : memref<!tpu.dma_semaphore, #tpu.memory_space<semaphore_mem>>) src(%dma_wait3A_380 : memref<2x96xi32, #tpu.memory_space<hbm>>) dst(%arg7 : memref<2x96xi32, #tpu.memory_space<vmem>>)
        %dma_start3A_381 = arith.constant 0 : i32
        %dma_start3A_382 = arith.constant 0 : i32
        %dma_start3A_383 = tpu.memref_slice %arg7[%dma_start3A_381, %dma_start3A_382] : memref<2x96xi32, #tpu.memory_space<vmem>> -> memref<1x96xi32, #tpu.memory_space<vmem>>
        %dma_start3A_384 = tpu.memref_squeeze %dma_start3A_383 : memref<1x96xi32, #tpu.memory_space<vmem>> -> memref<96xi32, #tpu.memory_space<vmem>>
        %dma_start3A_385 = arith.constant 0 : i32
        %dma_start3A_386 = arith.constant 0 : i32
        %dma_start3A_387 = tpu.memref_slice %arg2[%dma_start3A_385, %dma_start3A_386] : memref<10000x128xf32, #tpu.memory_space<hbm>> -> memref<10000x128xf32, #tpu.memory_space<hbm>>
        tpu.enqueue_indirect_dma source(%dma_start3A_387 : memref<10000x128xf32, #tpu.memory_space<hbm>>) target(%arg12 : memref<96x128xf32, #tpu.memory_space<vmem>>) offsets(%dma_start3A_384 : memref<96xi32, #tpu.memory_space<vmem>>) semaphore(%arg20 : memref<!tpu.dma_semaphore, #tpu.memory_space<semaphore_mem>>)
      } else {
      }
      %run_scoped3A_170 = arith.constant 1 : i32
      "tpu.region"() ({
        %run_scoped3A_371 = tpu.sem_alloc : memref<!tpu.dma_semaphore, #tpu.memory_space<semaphore_mem>>
        %dma_start3A_372 = arith.constant 0 : i32
        %dma_start3A_373 = tpu.memref_slice %arg9[%run_scoped3A_170, %dma_start3A_372] : memref<2x96xi32, #tpu.memory_space<vmem>> -> memref<1x96xi32, #tpu.memory_space<vmem>>
        %dma_start3A_374 = tpu.memref_squeeze %dma_start3A_373 : memref<1x96xi32, #tpu.memory_space<vmem>> -> memref<96xi32, #tpu.memory_space<vmem>>
        %dma_start3A_375 = arith.constant 0 : i32
        %dma_start3A_376 = arith.constant 0 : i32
        %dma_start3A_377 = tpu.memref_slice %arg13[%dma_start3A_375, %dma_start3A_376] : memref<10112x128xf32, #tpu.memory_space<vmem_shared>> -> memref<10112x128xf32, #tpu.memory_space<vmem_shared>>
        tpu.enqueue_indirect_dma source(%arg10 : memref<96x128xf32, #tpu.memory_space<vmem>>) target(%dma_start3A_377 : memref<10112x128xf32, #tpu.memory_space<vmem_shared>>) offsets(%dma_start3A_374 : memref<96xi32, #tpu.memory_space<vmem>>) semaphore(%run_scoped3A_371 : memref<!tpu.dma_semaphore, #tpu.memory_space<semaphore_mem>>) {add = true}
        %dma_wait3A_378 = arith.constant 0 : i32
        %dma_wait3A_379 = tpu.memref_slice %arg9[%run_scoped3A_170, %dma_wait3A_378] : memref<2x96xi32, #tpu.memory_space<vmem>> -> memref<1x96xi32, #tpu.memory_space<vmem>>
        %dma_wait3A_380 = tpu.memref_squeeze %dma_wait3A_379 : memref<1x96xi32, #tpu.memory_space<vmem>> -> memref<96xi32, #tpu.memory_space<vmem>>
        %dma_wait3A_381 = arith.constant 0 : i32
        %dma_wait3A_382 = arith.constant 0 : i32
        %dma_wait3A_383 = tpu.memref_slice %arg13[%dma_wait3A_381, %dma_wait3A_382] : memref<10112x128xf32, #tpu.memory_space<vmem_shared>> -> memref<10112x128xf32, #tpu.memory_space<vmem_shared>>
        tpu.wait_indirect_dma semaphore(%run_scoped3A_371 : memref<!tpu.dma_semaphore, #tpu.memory_space<semaphore_mem>>) src(%arg10 : memref<96x128xf32, #tpu.memory_space<vmem>>) dst(%dma_wait3A_383 : memref<10112x128xf32, #tpu.memory_space<vmem_shared>>)
        tpu.yield
      }) : () -> ()
      %add3A_171 = arith.constant 4 : i32
      %add3A_172 = arith.addi %add3A_155, %add3A_171 : i32
      %lt3A_173 = arith.constant 108 : i32
      %lt3A_174 = arith.cmpi slt, %add3A_172, %lt3A_173 : i32
      %convert_element_type3A_175 = arith.extui %lt3A_174 : i1 to i32
      %cond3A_176 = arith.constant 0 : i32
      %cond3A_177 = arith.cmpi ne, %convert_element_type3A_175, %cond3A_176 : i32
      scf.if %cond3A_177 {
        %add3A_371 = arith.constant 4 : i32
        %add3A_372 = arith.addi %add3A_155, %add3A_371 : i32
        %dma_start3A_373 = arith.constant 0 : i32
        %dma_start3A_374 = arith.constant 0 : i32
        %dma_start3A_375 = tpu.memref_slice %arg3[%add3A, %add3A_372, %dma_start3A_373, %dma_start3A_374] : memref<32x108x2x96xi32, #tpu.memory_space<hbm>> -> memref<1x1x2x96xi32, #tpu.memory_space<hbm>>
        %dma_start3A_376 = tpu.memref_squeeze %dma_start3A_375 : memref<1x1x2x96xi32, #tpu.memory_space<hbm>> -> memref<2x96xi32, #tpu.memory_space<hbm>>
        %dma_start3A_377 = arith.constant 0 : i32
        %dma_start3A_378 = arith.constant 0 : i32
        %dma_start3A_379 = tpu.memref_slice %arg3[%add3A, %add3A_372, %dma_start3A_377, %dma_start3A_378] : memref<32x108x2x96xi32, #tpu.memory_space<hbm>> -> memref<1x1x2x96xi32, #tpu.memory_space<hbm>>
        %dma_start3A_380 = tpu.memref_squeeze %dma_start3A_379 : memref<1x1x2x96xi32, #tpu.memory_space<hbm>> -> memref<2x96xi32, #tpu.memory_space<hbm>>
        tpu.enqueue_dma source(%dma_start3A_380 : memref<2x96xi32, #tpu.memory_space<hbm>>) target(%arg9 : memref<2x96xi32, #tpu.memory_space<vmem>>) target_semaphore(%arg17 : memref<!tpu.dma_semaphore, #tpu.memory_space<semaphore_mem>>)
      } else {
      }
      %add3A_178 = arith.constant 4 : i32
      %add3A_179 = arith.addi %mul3A_85, %add3A_178 : i32
      %dma_wait3A_180 = arith.constant 0 : i32
      %dma_wait3A_181 = arith.constant 0 : i32
      %dma_wait3A_182 = tpu.memref_slice %arg6[%dma_wait3A_180, %dma_wait3A_181] : memref<2x96xi32, #tpu.memory_space<vmem>> -> memref<1x96xi32, #tpu.memory_space<vmem>>
      %dma_wait3A_183 = tpu.memref_squeeze %dma_wait3A_182 : memref<1x96xi32, #tpu.memory_space<vmem>> -> memref<96xi32, #tpu.memory_space<vmem>>
      %dma_wait3A_184 = arith.constant 0 : i32
      %dma_wait3A_185 = arith.constant 0 : i32
      %dma_wait3A_186 = tpu.memref_slice %arg2[%dma_wait3A_184, %dma_wait3A_185] : memref<10000x128xf32, #tpu.memory_space<hbm>> -> memref<10000x128xf32, #tpu.memory_space<hbm>>
      tpu.wait_indirect_dma semaphore(%arg19 : memref<!tpu.dma_semaphore, #tpu.memory_space<semaphore_mem>>) src(%dma_wait3A_186 : memref<10000x128xf32, #tpu.memory_space<hbm>>) dst(%arg11 : memref<96x128xf32, #tpu.memory_space<vmem>>)
      %add3A_187 = arith.constant 2 : i32
      %add3A_188 = arith.addi %add3A_179, %add3A_187 : i32
      %lt3A_189 = arith.constant 108 : i32
      %lt3A_190 = arith.cmpi slt, %add3A_188, %lt3A_189 : i32
      %convert_element_type3A_191 = arith.extui %lt3A_190 : i1 to i32
      %cond3A_192 = arith.constant 0 : i32
      %cond3A_193 = arith.cmpi ne, %convert_element_type3A_191, %cond3A_192 : i32
      scf.if %cond3A_193 {
        %add3A_371 = arith.constant 2 : i32
        %add3A_372 = arith.addi %add3A_179, %add3A_371 : i32
        %dma_wait3A_373 = arith.constant 0 : i32
        %dma_wait3A_374 = arith.constant 0 : i32
        %dma_wait3A_375 = tpu.memref_slice %arg3[%add3A, %add3A_372, %dma_wait3A_373, %dma_wait3A_374] : memref<32x108x2x96xi32, #tpu.memory_space<hbm>> -> memref<1x1x2x96xi32, #tpu.memory_space<hbm>>
        %dma_wait3A_376 = tpu.memref_squeeze %dma_wait3A_375 : memref<1x1x2x96xi32, #tpu.memory_space<hbm>> -> memref<2x96xi32, #tpu.memory_space<hbm>>
        %dma_wait3A_377 = arith.constant 0 : i32
        %dma_wait3A_378 = arith.constant 0 : i32
        %dma_wait3A_379 = tpu.memref_slice %arg3[%add3A, %add3A_372, %dma_wait3A_377, %dma_wait3A_378] : memref<32x108x2x96xi32, #tpu.memory_space<hbm>> -> memref<1x1x2x96xi32, #tpu.memory_space<hbm>>
        %dma_wait3A_380 = tpu.memref_squeeze %dma_wait3A_379 : memref<1x1x2x96xi32, #tpu.memory_space<hbm>> -> memref<2x96xi32, #tpu.memory_space<hbm>>
        tpu.wait_dma2 semaphore(%arg16 : memref<!tpu.dma_semaphore, #tpu.memory_space<semaphore_mem>>) src(%dma_wait3A_380 : memref<2x96xi32, #tpu.memory_space<hbm>>) dst(%arg8 : memref<2x96xi32, #tpu.memory_space<vmem>>)
        %dma_start3A_381 = arith.constant 0 : i32
        %dma_start3A_382 = arith.constant 0 : i32
        %dma_start3A_383 = tpu.memref_slice %arg8[%dma_start3A_381, %dma_start3A_382] : memref<2x96xi32, #tpu.memory_space<vmem>> -> memref<1x96xi32, #tpu.memory_space<vmem>>
        %dma_start3A_384 = tpu.memref_squeeze %dma_start3A_383 : memref<1x96xi32, #tpu.memory_space<vmem>> -> memref<96xi32, #tpu.memory_space<vmem>>
        %dma_start3A_385 = arith.constant 0 : i32
        %dma_start3A_386 = arith.constant 0 : i32
        %dma_start3A_387 = tpu.memref_slice %arg2[%dma_start3A_385, %dma_start3A_386] : memref<10000x128xf32, #tpu.memory_space<hbm>> -> memref<10000x128xf32, #tpu.memory_space<hbm>>
        tpu.enqueue_indirect_dma source(%dma_start3A_387 : memref<10000x128xf32, #tpu.memory_space<hbm>>) target(%arg10 : memref<96x128xf32, #tpu.memory_space<vmem>>) offsets(%dma_start3A_384 : memref<96xi32, #tpu.memory_space<vmem>>) semaphore(%arg18 : memref<!tpu.dma_semaphore, #tpu.memory_space<semaphore_mem>>)
      } else {
      }
      %run_scoped3A_194 = arith.constant 1 : i32
      "tpu.region"() ({
        %run_scoped3A_371 = tpu.sem_alloc : memref<!tpu.dma_semaphore, #tpu.memory_space<semaphore_mem>>
        %dma_start3A_372 = arith.constant 0 : i32
        %dma_start3A_373 = tpu.memref_slice %arg6[%run_scoped3A_194, %dma_start3A_372] : memref<2x96xi32, #tpu.memory_space<vmem>> -> memref<1x96xi32, #tpu.memory_space<vmem>>
        %dma_start3A_374 = tpu.memref_squeeze %dma_start3A_373 : memref<1x96xi32, #tpu.memory_space<vmem>> -> memref<96xi32, #tpu.memory_space<vmem>>
        %dma_start3A_375 = arith.constant 0 : i32
        %dma_start3A_376 = arith.constant 0 : i32
        %dma_start3A_377 = tpu.memref_slice %arg13[%dma_start3A_375, %dma_start3A_376] : memref<10112x128xf32, #tpu.memory_space<vmem_shared>> -> memref<10112x128xf32, #tpu.memory_space<vmem_shared>>
        tpu.enqueue_indirect_dma source(%arg11 : memref<96x128xf32, #tpu.memory_space<vmem>>) target(%dma_start3A_377 : memref<10112x128xf32, #tpu.memory_space<vmem_shared>>) offsets(%dma_start3A_374 : memref<96xi32, #tpu.memory_space<vmem>>) semaphore(%run_scoped3A_371 : memref<!tpu.dma_semaphore, #tpu.memory_space<semaphore_mem>>) {add = true}
        %dma_wait3A_378 = arith.constant 0 : i32
        %dma_wait3A_379 = tpu.memref_slice %arg6[%run_scoped3A_194, %dma_wait3A_378] : memref<2x96xi32, #tpu.memory_space<vmem>> -> memref<1x96xi32, #tpu.memory_space<vmem>>
        %dma_wait3A_380 = tpu.memref_squeeze %dma_wait3A_379 : memref<1x96xi32, #tpu.memory_space<vmem>> -> memref<96xi32, #tpu.memory_space<vmem>>
        %dma_wait3A_381 = arith.constant 0 : i32
        %dma_wait3A_382 = arith.constant 0 : i32
        %dma_wait3A_383 = tpu.memref_slice %arg13[%dma_wait3A_381, %dma_wait3A_382] : memref<10112x128xf32, #tpu.memory_space<vmem_shared>> -> memref<10112x128xf32, #tpu.memory_space<vmem_shared>>
        tpu.wait_indirect_dma semaphore(%run_scoped3A_371 : memref<!tpu.dma_semaphore, #tpu.memory_space<semaphore_mem>>) src(%arg11 : memref<96x128xf32, #tpu.memory_space<vmem>>) dst(%dma_wait3A_383 : memref<10112x128xf32, #tpu.memory_space<vmem_shared>>)
        tpu.yield
      }) : () -> ()
      %add3A_195 = arith.constant 4 : i32
      %add3A_196 = arith.addi %add3A_179, %add3A_195 : i32
      %lt3A_197 = arith.constant 108 : i32
      %lt3A_198 = arith.cmpi slt, %add3A_196, %lt3A_197 : i32
      %convert_element_type3A_199 = arith.extui %lt3A_198 : i1 to i32
      %cond3A_200 = arith.constant 0 : i32
      %cond3A_201 = arith.cmpi ne, %convert_element_type3A_199, %cond3A_200 : i32
      scf.if %cond3A_201 {
        %add3A_371 = arith.constant 4 : i32
        %add3A_372 = arith.addi %add3A_179, %add3A_371 : i32
        %dma_start3A_373 = arith.constant 0 : i32
        %dma_start3A_374 = arith.constant 0 : i32
        %dma_start3A_375 = tpu.memref_slice %arg3[%add3A, %add3A_372, %dma_start3A_373, %dma_start3A_374] : memref<32x108x2x96xi32, #tpu.memory_space<hbm>> -> memref<1x1x2x96xi32, #tpu.memory_space<hbm>>
        %dma_start3A_376 = tpu.memref_squeeze %dma_start3A_375 : memref<1x1x2x96xi32, #tpu.memory_space<hbm>> -> memref<2x96xi32, #tpu.memory_space<hbm>>
        %dma_start3A_377 = arith.constant 0 : i32
        %dma_start3A_378 = arith.constant 0 : i32
        %dma_start3A_379 = tpu.memref_slice %arg3[%add3A, %add3A_372, %dma_start3A_377, %dma_start3A_378] : memref<32x108x2x96xi32, #tpu.memory_space<hbm>> -> memref<1x1x2x96xi32, #tpu.memory_space<hbm>>
        %dma_start3A_380 = tpu.memref_squeeze %dma_start3A_379 : memref<1x1x2x96xi32, #tpu.memory_space<hbm>> -> memref<2x96xi32, #tpu.memory_space<hbm>>
        tpu.enqueue_dma source(%dma_start3A_380 : memref<2x96xi32, #tpu.memory_space<hbm>>) target(%arg6 : memref<2x96xi32, #tpu.memory_space<vmem>>) target_semaphore(%arg14 : memref<!tpu.dma_semaphore, #tpu.memory_space<semaphore_mem>>)
      } else {
      }
      %add3A_202 = arith.constant 5 : i32
      %add3A_203 = arith.addi %mul3A_85, %add3A_202 : i32
      %dma_wait3A_204 = arith.constant 0 : i32
      %dma_wait3A_205 = arith.constant 0 : i32
      %dma_wait3A_206 = tpu.memref_slice %arg7[%dma_wait3A_204, %dma_wait3A_205] : memref<2x96xi32, #tpu.memory_space<vmem>> -> memref<1x96xi32, #tpu.memory_space<vmem>>
      %dma_wait3A_207 = tpu.memref_squeeze %dma_wait3A_206 : memref<1x96xi32, #tpu.memory_space<vmem>> -> memref<96xi32, #tpu.memory_space<vmem>>
      %dma_wait3A_208 = arith.constant 0 : i32
      %dma_wait3A_209 = arith.constant 0 : i32
      %dma_wait3A_210 = tpu.memref_slice %arg2[%dma_wait3A_208, %dma_wait3A_209] : memref<10000x128xf32, #tpu.memory_space<hbm>> -> memref<10000x128xf32, #tpu.memory_space<hbm>>
      tpu.wait_indirect_dma semaphore(%arg20 : memref<!tpu.dma_semaphore, #tpu.memory_space<semaphore_mem>>) src(%dma_wait3A_210 : memref<10000x128xf32, #tpu.memory_space<hbm>>) dst(%arg12 : memref<96x128xf32, #tpu.memory_space<vmem>>)
      %add3A_211 = arith.constant 2 : i32
      %add3A_212 = arith.addi %add3A_203, %add3A_211 : i32
      %lt3A_213 = arith.constant 108 : i32
      %lt3A_214 = arith.cmpi slt, %add3A_212, %lt3A_213 : i32
      %convert_element_type3A_215 = arith.extui %lt3A_214 : i1 to i32
      %cond3A_216 = arith.constant 0 : i32
      %cond3A_217 = arith.cmpi ne, %convert_element_type3A_215, %cond3A_216 : i32
      scf.if %cond3A_217 {
        %add3A_371 = arith.constant 2 : i32
        %add3A_372 = arith.addi %add3A_203, %add3A_371 : i32
        %dma_wait3A_373 = arith.constant 0 : i32
        %dma_wait3A_374 = arith.constant 0 : i32
        %dma_wait3A_375 = tpu.memref_slice %arg3[%add3A, %add3A_372, %dma_wait3A_373, %dma_wait3A_374] : memref<32x108x2x96xi32, #tpu.memory_space<hbm>> -> memref<1x1x2x96xi32, #tpu.memory_space<hbm>>
        %dma_wait3A_376 = tpu.memref_squeeze %dma_wait3A_375 : memref<1x1x2x96xi32, #tpu.memory_space<hbm>> -> memref<2x96xi32, #tpu.memory_space<hbm>>
        %dma_wait3A_377 = arith.constant 0 : i32
        %dma_wait3A_378 = arith.constant 0 : i32
        %dma_wait3A_379 = tpu.memref_slice %arg3[%add3A, %add3A_372, %dma_wait3A_377, %dma_wait3A_378] : memref<32x108x2x96xi32, #tpu.memory_space<hbm>> -> memref<1x1x2x96xi32, #tpu.memory_space<hbm>>
        %dma_wait3A_380 = tpu.memref_squeeze %dma_wait3A_379 : memref<1x1x2x96xi32, #tpu.memory_space<hbm>> -> memref<2x96xi32, #tpu.memory_space<hbm>>
        tpu.wait_dma2 semaphore(%arg17 : memref<!tpu.dma_semaphore, #tpu.memory_space<semaphore_mem>>) src(%dma_wait3A_380 : memref<2x96xi32, #tpu.memory_space<hbm>>) dst(%arg9 : memref<2x96xi32, #tpu.memory_space<vmem>>)
        %dma_start3A_381 = arith.constant 0 : i32
        %dma_start3A_382 = arith.constant 0 : i32
        %dma_start3A_383 = tpu.memref_slice %arg9[%dma_start3A_381, %dma_start3A_382] : memref<2x96xi32, #tpu.memory_space<vmem>> -> memref<1x96xi32, #tpu.memory_space<vmem>>
        %dma_start3A_384 = tpu.memref_squeeze %dma_start3A_383 : memref<1x96xi32, #tpu.memory_space<vmem>> -> memref<96xi32, #tpu.memory_space<vmem>>
        %dma_start3A_385 = arith.constant 0 : i32
        %dma_start3A_386 = arith.constant 0 : i32
        %dma_start3A_387 = tpu.memref_slice %arg2[%dma_start3A_385, %dma_start3A_386] : memref<10000x128xf32, #tpu.memory_space<hbm>> -> memref<10000x128xf32, #tpu.memory_space<hbm>>
        tpu.enqueue_indirect_dma source(%dma_start3A_387 : memref<10000x128xf32, #tpu.memory_space<hbm>>) target(%arg11 : memref<96x128xf32, #tpu.memory_space<vmem>>) offsets(%dma_start3A_384 : memref<96xi32, #tpu.memory_space<vmem>>) semaphore(%arg19 : memref<!tpu.dma_semaphore, #tpu.memory_space<semaphore_mem>>)
      } else {
      }
      %run_scoped3A_218 = arith.constant 1 : i32
      "tpu.region"() ({
        %run_scoped3A_371 = tpu.sem_alloc : memref<!tpu.dma_semaphore, #tpu.memory_space<semaphore_mem>>
        %dma_start3A_372 = arith.constant 0 : i32
        %dma_start3A_373 = tpu.memref_slice %arg7[%run_scoped3A_218, %dma_start3A_372] : memref<2x96xi32, #tpu.memory_space<vmem>> -> memref<1x96xi32, #tpu.memory_space<vmem>>
        %dma_start3A_374 = tpu.memref_squeeze %dma_start3A_373 : memref<1x96xi32, #tpu.memory_space<vmem>> -> memref<96xi32, #tpu.memory_space<vmem>>
        %dma_start3A_375 = arith.constant 0 : i32
        %dma_start3A_376 = arith.constant 0 : i32
        %dma_start3A_377 = tpu.memref_slice %arg13[%dma_start3A_375, %dma_start3A_376] : memref<10112x128xf32, #tpu.memory_space<vmem_shared>> -> memref<10112x128xf32, #tpu.memory_space<vmem_shared>>
        tpu.enqueue_indirect_dma source(%arg12 : memref<96x128xf32, #tpu.memory_space<vmem>>) target(%dma_start3A_377 : memref<10112x128xf32, #tpu.memory_space<vmem_shared>>) offsets(%dma_start3A_374 : memref<96xi32, #tpu.memory_space<vmem>>) semaphore(%run_scoped3A_371 : memref<!tpu.dma_semaphore, #tpu.memory_space<semaphore_mem>>) {add = true}
        %dma_wait3A_378 = arith.constant 0 : i32
        %dma_wait3A_379 = tpu.memref_slice %arg7[%run_scoped3A_218, %dma_wait3A_378] : memref<2x96xi32, #tpu.memory_space<vmem>> -> memref<1x96xi32, #tpu.memory_space<vmem>>
        %dma_wait3A_380 = tpu.memref_squeeze %dma_wait3A_379 : memref<1x96xi32, #tpu.memory_space<vmem>> -> memref<96xi32, #tpu.memory_space<vmem>>
        %dma_wait3A_381 = arith.constant 0 : i32
        %dma_wait3A_382 = arith.constant 0 : i32
        %dma_wait3A_383 = tpu.memref_slice %arg13[%dma_wait3A_381, %dma_wait3A_382] : memref<10112x128xf32, #tpu.memory_space<vmem_shared>> -> memref<10112x128xf32, #tpu.memory_space<vmem_shared>>
        tpu.wait_indirect_dma semaphore(%run_scoped3A_371 : memref<!tpu.dma_semaphore, #tpu.memory_space<semaphore_mem>>) src(%arg12 : memref<96x128xf32, #tpu.memory_space<vmem>>) dst(%dma_wait3A_383 : memref<10112x128xf32, #tpu.memory_space<vmem_shared>>)
        tpu.yield
      }) : () -> ()
      %add3A_219 = arith.constant 4 : i32
      %add3A_220 = arith.addi %add3A_203, %add3A_219 : i32
      %lt3A_221 = arith.constant 108 : i32
      %lt3A_222 = arith.cmpi slt, %add3A_220, %lt3A_221 : i32
      %convert_element_type3A_223 = arith.extui %lt3A_222 : i1 to i32
      %cond3A_224 = arith.constant 0 : i32
      %cond3A_225 = arith.cmpi ne, %convert_element_type3A_223, %cond3A_224 : i32
      scf.if %cond3A_225 {
        %add3A_371 = arith.constant 4 : i32
        %add3A_372 = arith.addi %add3A_203, %add3A_371 : i32
        %dma_start3A_373 = arith.constant 0 : i32
        %dma_start3A_374 = arith.constant 0 : i32
        %dma_start3A_375 = tpu.memref_slice %arg3[%add3A, %add3A_372, %dma_start3A_373, %dma_start3A_374] : memref<32x108x2x96xi32, #tpu.memory_space<hbm>> -> memref<1x1x2x96xi32, #tpu.memory_space<hbm>>
        %dma_start3A_376 = tpu.memref_squeeze %dma_start3A_375 : memref<1x1x2x96xi32, #tpu.memory_space<hbm>> -> memref<2x96xi32, #tpu.memory_space<hbm>>
        %dma_start3A_377 = arith.constant 0 : i32
        %dma_start3A_378 = arith.constant 0 : i32
        %dma_start3A_379 = tpu.memref_slice %arg3[%add3A, %add3A_372, %dma_start3A_377, %dma_start3A_378] : memref<32x108x2x96xi32, #tpu.memory_space<hbm>> -> memref<1x1x2x96xi32, #tpu.memory_space<hbm>>
        %dma_start3A_380 = tpu.memref_squeeze %dma_start3A_379 : memref<1x1x2x96xi32, #tpu.memory_space<hbm>> -> memref<2x96xi32, #tpu.memory_space<hbm>>
        tpu.enqueue_dma source(%dma_start3A_380 : memref<2x96xi32, #tpu.memory_space<hbm>>) target(%arg7 : memref<2x96xi32, #tpu.memory_space<vmem>>) target_semaphore(%arg15 : memref<!tpu.dma_semaphore, #tpu.memory_space<semaphore_mem>>)
      } else {
      }
      %add3A_226 = arith.constant 6 : i32
      %add3A_227 = arith.addi %mul3A_85, %add3A_226 : i32
      %dma_wait3A_228 = arith.constant 0 : i32
      %dma_wait3A_229 = arith.constant 0 : i32
      %dma_wait3A_230 = tpu.memref_slice %arg8[%dma_wait3A_228, %dma_wait3A_229] : memref<2x96xi32, #tpu.memory_space<vmem>> -> memref<1x96xi32, #tpu.memory_space<vmem>>
      %dma_wait3A_231 = tpu.memref_squeeze %dma_wait3A_230 : memref<1x96xi32, #tpu.memory_space<vmem>> -> memref<96xi32, #tpu.memory_space<vmem>>
      %dma_wait3A_232 = arith.constant 0 : i32
      %dma_wait3A_233 = arith.constant 0 : i32
      %dma_wait3A_234 = tpu.memref_slice %arg2[%dma_wait3A_232, %dma_wait3A_233] : memref<10000x128xf32, #tpu.memory_space<hbm>> -> memref<10000x128xf32, #tpu.memory_space<hbm>>
      tpu.wait_indirect_dma semaphore(%arg18 : memref<!tpu.dma_semaphore, #tpu.memory_space<semaphore_mem>>) src(%dma_wait3A_234 : memref<10000x128xf32, #tpu.memory_space<hbm>>) dst(%arg10 : memref<96x128xf32, #tpu.memory_space<vmem>>)
      %add3A_235 = arith.constant 2 : i32
      %add3A_236 = arith.addi %add3A_227, %add3A_235 : i32
      %lt3A_237 = arith.constant 108 : i32
      %lt3A_238 = arith.cmpi slt, %add3A_236, %lt3A_237 : i32
      %convert_element_type3A_239 = arith.extui %lt3A_238 : i1 to i32
      %cond3A_240 = arith.constant 0 : i32
      %cond3A_241 = arith.cmpi ne, %convert_element_type3A_239, %cond3A_240 : i32
      scf.if %cond3A_241 {
        %add3A_371 = arith.constant 2 : i32
        %add3A_372 = arith.addi %add3A_227, %add3A_371 : i32
        %dma_wait3A_373 = arith.constant 0 : i32
        %dma_wait3A_374 = arith.constant 0 : i32
        %dma_wait3A_375 = tpu.memref_slice %arg3[%add3A, %add3A_372, %dma_wait3A_373, %dma_wait3A_374] : memref<32x108x2x96xi32, #tpu.memory_space<hbm>> -> memref<1x1x2x96xi32, #tpu.memory_space<hbm>>
        %dma_wait3A_376 = tpu.memref_squeeze %dma_wait3A_375 : memref<1x1x2x96xi32, #tpu.memory_space<hbm>> -> memref<2x96xi32, #tpu.memory_space<hbm>>
        %dma_wait3A_377 = arith.constant 0 : i32
        %dma_wait3A_378 = arith.constant 0 : i32
        %dma_wait3A_379 = tpu.memref_slice %arg3[%add3A, %add3A_372, %dma_wait3A_377, %dma_wait3A_378] : memref<32x108x2x96xi32, #tpu.memory_space<hbm>> -> memref<1x1x2x96xi32, #tpu.memory_space<hbm>>
        %dma_wait3A_380 = tpu.memref_squeeze %dma_wait3A_379 : memref<1x1x2x96xi32, #tpu.memory_space<hbm>> -> memref<2x96xi32, #tpu.memory_space<hbm>>
        tpu.wait_dma2 semaphore(%arg14 : memref<!tpu.dma_semaphore, #tpu.memory_space<semaphore_mem>>) src(%dma_wait3A_380 : memref<2x96xi32, #tpu.memory_space<hbm>>) dst(%arg6 : memref<2x96xi32, #tpu.memory_space<vmem>>)
        %dma_start3A_381 = arith.constant 0 : i32
        %dma_start3A_382 = arith.constant 0 : i32
        %dma_start3A_383 = tpu.memref_slice %arg6[%dma_start3A_381, %dma_start3A_382] : memref<2x96xi32, #tpu.memory_space<vmem>> -> memref<1x96xi32, #tpu.memory_space<vmem>>
        %dma_start3A_384 = tpu.memref_squeeze %dma_start3A_383 : memref<1x96xi32, #tpu.memory_space<vmem>> -> memref<96xi32, #tpu.memory_space<vmem>>
        %dma_start3A_385 = arith.constant 0 : i32
        %dma_start3A_386 = arith.constant 0 : i32
        %dma_start3A_387 = tpu.memref_slice %arg2[%dma_start3A_385, %dma_start3A_386] : memref<10000x128xf32, #tpu.memory_space<hbm>> -> memref<10000x128xf32, #tpu.memory_space<hbm>>
        tpu.enqueue_indirect_dma source(%dma_start3A_387 : memref<10000x128xf32, #tpu.memory_space<hbm>>) target(%arg12 : memref<96x128xf32, #tpu.memory_space<vmem>>) offsets(%dma_start3A_384 : memref<96xi32, #tpu.memory_space<vmem>>) semaphore(%arg20 : memref<!tpu.dma_semaphore, #tpu.memory_space<semaphore_mem>>)
      } else {
      }
      %run_scoped3A_242 = arith.constant 1 : i32
      "tpu.region"() ({
        %run_scoped3A_371 = tpu.sem_alloc : memref<!tpu.dma_semaphore, #tpu.memory_space<semaphore_mem>>
        %dma_start3A_372 = arith.constant 0 : i32
        %dma_start3A_373 = tpu.memref_slice %arg8[%run_scoped3A_242, %dma_start3A_372] : memref<2x96xi32, #tpu.memory_space<vmem>> -> memref<1x96xi32, #tpu.memory_space<vmem>>
        %dma_start3A_374 = tpu.memref_squeeze %dma_start3A_373 : memref<1x96xi32, #tpu.memory_space<vmem>> -> memref<96xi32, #tpu.memory_space<vmem>>
        %dma_start3A_375 = arith.constant 0 : i32
        %dma_start3A_376 = arith.constant 0 : i32
        %dma_start3A_377 = tpu.memref_slice %arg13[%dma_start3A_375, %dma_start3A_376] : memref<10112x128xf32, #tpu.memory_space<vmem_shared>> -> memref<10112x128xf32, #tpu.memory_space<vmem_shared>>
        tpu.enqueue_indirect_dma source(%arg10 : memref<96x128xf32, #tpu.memory_space<vmem>>) target(%dma_start3A_377 : memref<10112x128xf32, #tpu.memory_space<vmem_shared>>) offsets(%dma_start3A_374 : memref<96xi32, #tpu.memory_space<vmem>>) semaphore(%run_scoped3A_371 : memref<!tpu.dma_semaphore, #tpu.memory_space<semaphore_mem>>) {add = true}
        %dma_wait3A_378 = arith.constant 0 : i32
        %dma_wait3A_379 = tpu.memref_slice %arg8[%run_scoped3A_242, %dma_wait3A_378] : memref<2x96xi32, #tpu.memory_space<vmem>> -> memref<1x96xi32, #tpu.memory_space<vmem>>
        %dma_wait3A_380 = tpu.memref_squeeze %dma_wait3A_379 : memref<1x96xi32, #tpu.memory_space<vmem>> -> memref<96xi32, #tpu.memory_space<vmem>>
        %dma_wait3A_381 = arith.constant 0 : i32
        %dma_wait3A_382 = arith.constant 0 : i32
        %dma_wait3A_383 = tpu.memref_slice %arg13[%dma_wait3A_381, %dma_wait3A_382] : memref<10112x128xf32, #tpu.memory_space<vmem_shared>> -> memref<10112x128xf32, #tpu.memory_space<vmem_shared>>
        tpu.wait_indirect_dma semaphore(%run_scoped3A_371 : memref<!tpu.dma_semaphore, #tpu.memory_space<semaphore_mem>>) src(%arg10 : memref<96x128xf32, #tpu.memory_space<vmem>>) dst(%dma_wait3A_383 : memref<10112x128xf32, #tpu.memory_space<vmem_shared>>)
        tpu.yield
      }) : () -> ()
      %add3A_243 = arith.constant 4 : i32
      %add3A_244 = arith.addi %add3A_227, %add3A_243 : i32
      %lt3A_245 = arith.constant 108 : i32
      %lt3A_246 = arith.cmpi slt, %add3A_244, %lt3A_245 : i32
      %convert_element_type3A_247 = arith.extui %lt3A_246 : i1 to i32
      %cond3A_248 = arith.constant 0 : i32
      %cond3A_249 = arith.cmpi ne, %convert_element_type3A_247, %cond3A_248 : i32
      scf.if %cond3A_249 {
        %add3A_371 = arith.constant 4 : i32
        %add3A_372 = arith.addi %add3A_227, %add3A_371 : i32
        %dma_start3A_373 = arith.constant 0 : i32
        %dma_start3A_374 = arith.constant 0 : i32
        %dma_start3A_375 = tpu.memref_slice %arg3[%add3A, %add3A_372, %dma_start3A_373, %dma_start3A_374] : memref<32x108x2x96xi32, #tpu.memory_space<hbm>> -> memref<1x1x2x96xi32, #tpu.memory_space<hbm>>
        %dma_start3A_376 = tpu.memref_squeeze %dma_start3A_375 : memref<1x1x2x96xi32, #tpu.memory_space<hbm>> -> memref<2x96xi32, #tpu.memory_space<hbm>>
        %dma_start3A_377 = arith.constant 0 : i32
        %dma_start3A_378 = arith.constant 0 : i32
        %dma_start3A_379 = tpu.memref_slice %arg3[%add3A, %add3A_372, %dma_start3A_377, %dma_start3A_378] : memref<32x108x2x96xi32, #tpu.memory_space<hbm>> -> memref<1x1x2x96xi32, #tpu.memory_space<hbm>>
        %dma_start3A_380 = tpu.memref_squeeze %dma_start3A_379 : memref<1x1x2x96xi32, #tpu.memory_space<hbm>> -> memref<2x96xi32, #tpu.memory_space<hbm>>
        tpu.enqueue_dma source(%dma_start3A_380 : memref<2x96xi32, #tpu.memory_space<hbm>>) target(%arg8 : memref<2x96xi32, #tpu.memory_space<vmem>>) target_semaphore(%arg16 : memref<!tpu.dma_semaphore, #tpu.memory_space<semaphore_mem>>)
      } else {
      }
      %add3A_250 = arith.constant 7 : i32
      %add3A_251 = arith.addi %mul3A_85, %add3A_250 : i32
      %dma_wait3A_252 = arith.constant 0 : i32
      %dma_wait3A_253 = arith.constant 0 : i32
      %dma_wait3A_254 = tpu.memref_slice %arg9[%dma_wait3A_252, %dma_wait3A_253] : memref<2x96xi32, #tpu.memory_space<vmem>> -> memref<1x96xi32, #tpu.memory_space<vmem>>
      %dma_wait3A_255 = tpu.memref_squeeze %dma_wait3A_254 : memref<1x96xi32, #tpu.memory_space<vmem>> -> memref<96xi32, #tpu.memory_space<vmem>>
      %dma_wait3A_256 = arith.constant 0 : i32
      %dma_wait3A_257 = arith.constant 0 : i32
      %dma_wait3A_258 = tpu.memref_slice %arg2[%dma_wait3A_256, %dma_wait3A_257] : memref<10000x128xf32, #tpu.memory_space<hbm>> -> memref<10000x128xf32, #tpu.memory_space<hbm>>
      tpu.wait_indirect_dma semaphore(%arg19 : memref<!tpu.dma_semaphore, #tpu.memory_space<semaphore_mem>>) src(%dma_wait3A_258 : memref<10000x128xf32, #tpu.memory_space<hbm>>) dst(%arg11 : memref<96x128xf32, #tpu.memory_space<vmem>>)
      %add3A_259 = arith.constant 2 : i32
      %add3A_260 = arith.addi %add3A_251, %add3A_259 : i32
      %lt3A_261 = arith.constant 108 : i32
      %lt3A_262 = arith.cmpi slt, %add3A_260, %lt3A_261 : i32
      %convert_element_type3A_263 = arith.extui %lt3A_262 : i1 to i32
      %cond3A_264 = arith.constant 0 : i32
      %cond3A_265 = arith.cmpi ne, %convert_element_type3A_263, %cond3A_264 : i32
      scf.if %cond3A_265 {
        %add3A_371 = arith.constant 2 : i32
        %add3A_372 = arith.addi %add3A_251, %add3A_371 : i32
        %dma_wait3A_373 = arith.constant 0 : i32
        %dma_wait3A_374 = arith.constant 0 : i32
        %dma_wait3A_375 = tpu.memref_slice %arg3[%add3A, %add3A_372, %dma_wait3A_373, %dma_wait3A_374] : memref<32x108x2x96xi32, #tpu.memory_space<hbm>> -> memref<1x1x2x96xi32, #tpu.memory_space<hbm>>
        %dma_wait3A_376 = tpu.memref_squeeze %dma_wait3A_375 : memref<1x1x2x96xi32, #tpu.memory_space<hbm>> -> memref<2x96xi32, #tpu.memory_space<hbm>>
        %dma_wait3A_377 = arith.constant 0 : i32
        %dma_wait3A_378 = arith.constant 0 : i32
        %dma_wait3A_379 = tpu.memref_slice %arg3[%add3A, %add3A_372, %dma_wait3A_377, %dma_wait3A_378] : memref<32x108x2x96xi32, #tpu.memory_space<hbm>> -> memref<1x1x2x96xi32, #tpu.memory_space<hbm>>
        %dma_wait3A_380 = tpu.memref_squeeze %dma_wait3A_379 : memref<1x1x2x96xi32, #tpu.memory_space<hbm>> -> memref<2x96xi32, #tpu.memory_space<hbm>>
        tpu.wait_dma2 semaphore(%arg15 : memref<!tpu.dma_semaphore, #tpu.memory_space<semaphore_mem>>) src(%dma_wait3A_380 : memref<2x96xi32, #tpu.memory_space<hbm>>) dst(%arg7 : memref<2x96xi32, #tpu.memory_space<vmem>>)
        %dma_start3A_381 = arith.constant 0 : i32
        %dma_start3A_382 = arith.constant 0 : i32
        %dma_start3A_383 = tpu.memref_slice %arg7[%dma_start3A_381, %dma_start3A_382] : memref<2x96xi32, #tpu.memory_space<vmem>> -> memref<1x96xi32, #tpu.memory_space<vmem>>
        %dma_start3A_384 = tpu.memref_squeeze %dma_start3A_383 : memref<1x96xi32, #tpu.memory_space<vmem>> -> memref<96xi32, #tpu.memory_space<vmem>>
        %dma_start3A_385 = arith.constant 0 : i32
        %dma_start3A_386 = arith.constant 0 : i32
        %dma_start3A_387 = tpu.memref_slice %arg2[%dma_start3A_385, %dma_start3A_386] : memref<10000x128xf32, #tpu.memory_space<hbm>> -> memref<10000x128xf32, #tpu.memory_space<hbm>>
        tpu.enqueue_indirect_dma source(%dma_start3A_387 : memref<10000x128xf32, #tpu.memory_space<hbm>>) target(%arg10 : memref<96x128xf32, #tpu.memory_space<vmem>>) offsets(%dma_start3A_384 : memref<96xi32, #tpu.memory_space<vmem>>) semaphore(%arg18 : memref<!tpu.dma_semaphore, #tpu.memory_space<semaphore_mem>>)
      } else {
      }
      %run_scoped3A_266 = arith.constant 1 : i32
      "tpu.region"() ({
        %run_scoped3A_371 = tpu.sem_alloc : memref<!tpu.dma_semaphore, #tpu.memory_space<semaphore_mem>>
        %dma_start3A_372 = arith.constant 0 : i32
        %dma_start3A_373 = tpu.memref_slice %arg9[%run_scoped3A_266, %dma_start3A_372] : memref<2x96xi32, #tpu.memory_space<vmem>> -> memref<1x96xi32, #tpu.memory_space<vmem>>
        %dma_start3A_374 = tpu.memref_squeeze %dma_start3A_373 : memref<1x96xi32, #tpu.memory_space<vmem>> -> memref<96xi32, #tpu.memory_space<vmem>>
        %dma_start3A_375 = arith.constant 0 : i32
        %dma_start3A_376 = arith.constant 0 : i32
        %dma_start3A_377 = tpu.memref_slice %arg13[%dma_start3A_375, %dma_start3A_376] : memref<10112x128xf32, #tpu.memory_space<vmem_shared>> -> memref<10112x128xf32, #tpu.memory_space<vmem_shared>>
        tpu.enqueue_indirect_dma source(%arg11 : memref<96x128xf32, #tpu.memory_space<vmem>>) target(%dma_start3A_377 : memref<10112x128xf32, #tpu.memory_space<vmem_shared>>) offsets(%dma_start3A_374 : memref<96xi32, #tpu.memory_space<vmem>>) semaphore(%run_scoped3A_371 : memref<!tpu.dma_semaphore, #tpu.memory_space<semaphore_mem>>) {add = true}
        %dma_wait3A_378 = arith.constant 0 : i32
        %dma_wait3A_379 = tpu.memref_slice %arg9[%run_scoped3A_266, %dma_wait3A_378] : memref<2x96xi32, #tpu.memory_space<vmem>> -> memref<1x96xi32, #tpu.memory_space<vmem>>
        %dma_wait3A_380 = tpu.memref_squeeze %dma_wait3A_379 : memref<1x96xi32, #tpu.memory_space<vmem>> -> memref<96xi32, #tpu.memory_space<vmem>>
        %dma_wait3A_381 = arith.constant 0 : i32
        %dma_wait3A_382 = arith.constant 0 : i32
        %dma_wait3A_383 = tpu.memref_slice %arg13[%dma_wait3A_381, %dma_wait3A_382] : memref<10112x128xf32, #tpu.memory_space<vmem_shared>> -> memref<10112x128xf32, #tpu.memory_space<vmem_shared>>
        tpu.wait_indirect_dma semaphore(%run_scoped3A_371 : memref<!tpu.dma_semaphore, #tpu.memory_space<semaphore_mem>>) src(%arg11 : memref<96x128xf32, #tpu.memory_space<vmem>>) dst(%dma_wait3A_383 : memref<10112x128xf32, #tpu.memory_space<vmem_shared>>)
        tpu.yield
      }) : () -> ()
      %add3A_267 = arith.constant 4 : i32
      %add3A_268 = arith.addi %add3A_251, %add3A_267 : i32
      %lt3A_269 = arith.constant 108 : i32
      %lt3A_270 = arith.cmpi slt, %add3A_268, %lt3A_269 : i32
      %convert_element_type3A_271 = arith.extui %lt3A_270 : i1 to i32
      %cond3A_272 = arith.constant 0 : i32
      %cond3A_273 = arith.cmpi ne, %convert_element_type3A_271, %cond3A_272 : i32
      scf.if %cond3A_273 {
        %add3A_371 = arith.constant 4 : i32
        %add3A_372 = arith.addi %add3A_251, %add3A_371 : i32
        %dma_start3A_373 = arith.constant 0 : i32
        %dma_start3A_374 = arith.constant 0 : i32
        %dma_start3A_375 = tpu.memref_slice %arg3[%add3A, %add3A_372, %dma_start3A_373, %dma_start3A_374] : memref<32x108x2x96xi32, #tpu.memory_space<hbm>> -> memref<1x1x2x96xi32, #tpu.memory_space<hbm>>
        %dma_start3A_376 = tpu.memref_squeeze %dma_start3A_375 : memref<1x1x2x96xi32, #tpu.memory_space<hbm>> -> memref<2x96xi32, #tpu.memory_space<hbm>>
        %dma_start3A_377 = arith.constant 0 : i32
        %dma_start3A_378 = arith.constant 0 : i32
        %dma_start3A_379 = tpu.memref_slice %arg3[%add3A, %add3A_372, %dma_start3A_377, %dma_start3A_378] : memref<32x108x2x96xi32, #tpu.memory_space<hbm>> -> memref<1x1x2x96xi32, #tpu.memory_space<hbm>>
        %dma_start3A_380 = tpu.memref_squeeze %dma_start3A_379 : memref<1x1x2x96xi32, #tpu.memory_space<hbm>> -> memref<2x96xi32, #tpu.memory_space<hbm>>
        tpu.enqueue_dma source(%dma_start3A_380 : memref<2x96xi32, #tpu.memory_space<hbm>>) target(%arg9 : memref<2x96xi32, #tpu.memory_space<vmem>>) target_semaphore(%arg17 : memref<!tpu.dma_semaphore, #tpu.memory_space<semaphore_mem>>)
      } else {
      }
      %add3A_274 = arith.constant 8 : i32
      %add3A_275 = arith.addi %mul3A_85, %add3A_274 : i32
      %dma_wait3A_276 = arith.constant 0 : i32
      %dma_wait3A_277 = arith.constant 0 : i32
      %dma_wait3A_278 = tpu.memref_slice %arg6[%dma_wait3A_276, %dma_wait3A_277] : memref<2x96xi32, #tpu.memory_space<vmem>> -> memref<1x96xi32, #tpu.memory_space<vmem>>
      %dma_wait3A_279 = tpu.memref_squeeze %dma_wait3A_278 : memref<1x96xi32, #tpu.memory_space<vmem>> -> memref<96xi32, #tpu.memory_space<vmem>>
      %dma_wait3A_280 = arith.constant 0 : i32
      %dma_wait3A_281 = arith.constant 0 : i32
      %dma_wait3A_282 = tpu.memref_slice %arg2[%dma_wait3A_280, %dma_wait3A_281] : memref<10000x128xf32, #tpu.memory_space<hbm>> -> memref<10000x128xf32, #tpu.memory_space<hbm>>
      tpu.wait_indirect_dma semaphore(%arg20 : memref<!tpu.dma_semaphore, #tpu.memory_space<semaphore_mem>>) src(%dma_wait3A_282 : memref<10000x128xf32, #tpu.memory_space<hbm>>) dst(%arg12 : memref<96x128xf32, #tpu.memory_space<vmem>>)
      %add3A_283 = arith.constant 2 : i32
      %add3A_284 = arith.addi %add3A_275, %add3A_283 : i32
      %lt3A_285 = arith.constant 108 : i32
      %lt3A_286 = arith.cmpi slt, %add3A_284, %lt3A_285 : i32
      %convert_element_type3A_287 = arith.extui %lt3A_286 : i1 to i32
      %cond3A_288 = arith.constant 0 : i32
      %cond3A_289 = arith.cmpi ne, %convert_element_type3A_287, %cond3A_288 : i32
      scf.if %cond3A_289 {
        %add3A_371 = arith.constant 2 : i32
        %add3A_372 = arith.addi %add3A_275, %add3A_371 : i32
        %dma_wait3A_373 = arith.constant 0 : i32
        %dma_wait3A_374 = arith.constant 0 : i32
        %dma_wait3A_375 = tpu.memref_slice %arg3[%add3A, %add3A_372, %dma_wait3A_373, %dma_wait3A_374] : memref<32x108x2x96xi32, #tpu.memory_space<hbm>> -> memref<1x1x2x96xi32, #tpu.memory_space<hbm>>
        %dma_wait3A_376 = tpu.memref_squeeze %dma_wait3A_375 : memref<1x1x2x96xi32, #tpu.memory_space<hbm>> -> memref<2x96xi32, #tpu.memory_space<hbm>>
        %dma_wait3A_377 = arith.constant 0 : i32
        %dma_wait3A_378 = arith.constant 0 : i32
        %dma_wait3A_379 = tpu.memref_slice %arg3[%add3A, %add3A_372, %dma_wait3A_377, %dma_wait3A_378] : memref<32x108x2x96xi32, #tpu.memory_space<hbm>> -> memref<1x1x2x96xi32, #tpu.memory_space<hbm>>
        %dma_wait3A_380 = tpu.memref_squeeze %dma_wait3A_379 : memref<1x1x2x96xi32, #tpu.memory_space<hbm>> -> memref<2x96xi32, #tpu.memory_space<hbm>>
        tpu.wait_dma2 semaphore(%arg16 : memref<!tpu.dma_semaphore, #tpu.memory_space<semaphore_mem>>) src(%dma_wait3A_380 : memref<2x96xi32, #tpu.memory_space<hbm>>) dst(%arg8 : memref<2x96xi32, #tpu.memory_space<vmem>>)
        %dma_start3A_381 = arith.constant 0 : i32
        %dma_start3A_382 = arith.constant 0 : i32
        %dma_start3A_383 = tpu.memref_slice %arg8[%dma_start3A_381, %dma_start3A_382] : memref<2x96xi32, #tpu.memory_space<vmem>> -> memref<1x96xi32, #tpu.memory_space<vmem>>
        %dma_start3A_384 = tpu.memref_squeeze %dma_start3A_383 : memref<1x96xi32, #tpu.memory_space<vmem>> -> memref<96xi32, #tpu.memory_space<vmem>>
        %dma_start3A_385 = arith.constant 0 : i32
        %dma_start3A_386 = arith.constant 0 : i32
        %dma_start3A_387 = tpu.memref_slice %arg2[%dma_start3A_385, %dma_start3A_386] : memref<10000x128xf32, #tpu.memory_space<hbm>> -> memref<10000x128xf32, #tpu.memory_space<hbm>>
        tpu.enqueue_indirect_dma source(%dma_start3A_387 : memref<10000x128xf32, #tpu.memory_space<hbm>>) target(%arg11 : memref<96x128xf32, #tpu.memory_space<vmem>>) offsets(%dma_start3A_384 : memref<96xi32, #tpu.memory_space<vmem>>) semaphore(%arg19 : memref<!tpu.dma_semaphore, #tpu.memory_space<semaphore_mem>>)
      } else {
      }
      %run_scoped3A_290 = arith.constant 1 : i32
      "tpu.region"() ({
        %run_scoped3A_371 = tpu.sem_alloc : memref<!tpu.dma_semaphore, #tpu.memory_space<semaphore_mem>>
        %dma_start3A_372 = arith.constant 0 : i32
        %dma_start3A_373 = tpu.memref_slice %arg6[%run_scoped3A_290, %dma_start3A_372] : memref<2x96xi32, #tpu.memory_space<vmem>> -> memref<1x96xi32, #tpu.memory_space<vmem>>
        %dma_start3A_374 = tpu.memref_squeeze %dma_start3A_373 : memref<1x96xi32, #tpu.memory_space<vmem>> -> memref<96xi32, #tpu.memory_space<vmem>>
        %dma_start3A_375 = arith.constant 0 : i32
        %dma_start3A_376 = arith.constant 0 : i32
        %dma_start3A_377 = tpu.memref_slice %arg13[%dma_start3A_375, %dma_start3A_376] : memref<10112x128xf32, #tpu.memory_space<vmem_shared>> -> memref<10112x128xf32, #tpu.memory_space<vmem_shared>>
        tpu.enqueue_indirect_dma source(%arg12 : memref<96x128xf32, #tpu.memory_space<vmem>>) target(%dma_start3A_377 : memref<10112x128xf32, #tpu.memory_space<vmem_shared>>) offsets(%dma_start3A_374 : memref<96xi32, #tpu.memory_space<vmem>>) semaphore(%run_scoped3A_371 : memref<!tpu.dma_semaphore, #tpu.memory_space<semaphore_mem>>) {add = true}
        %dma_wait3A_378 = arith.constant 0 : i32
        %dma_wait3A_379 = tpu.memref_slice %arg6[%run_scoped3A_290, %dma_wait3A_378] : memref<2x96xi32, #tpu.memory_space<vmem>> -> memref<1x96xi32, #tpu.memory_space<vmem>>
        %dma_wait3A_380 = tpu.memref_squeeze %dma_wait3A_379 : memref<1x96xi32, #tpu.memory_space<vmem>> -> memref<96xi32, #tpu.memory_space<vmem>>
        %dma_wait3A_381 = arith.constant 0 : i32
        %dma_wait3A_382 = arith.constant 0 : i32
        %dma_wait3A_383 = tpu.memref_slice %arg13[%dma_wait3A_381, %dma_wait3A_382] : memref<10112x128xf32, #tpu.memory_space<vmem_shared>> -> memref<10112x128xf32, #tpu.memory_space<vmem_shared>>
        tpu.wait_indirect_dma semaphore(%run_scoped3A_371 : memref<!tpu.dma_semaphore, #tpu.memory_space<semaphore_mem>>) src(%arg12 : memref<96x128xf32, #tpu.memory_space<vmem>>) dst(%dma_wait3A_383 : memref<10112x128xf32, #tpu.memory_space<vmem_shared>>)
        tpu.yield
      }) : () -> ()
      %add3A_291 = arith.constant 4 : i32
      %add3A_292 = arith.addi %add3A_275, %add3A_291 : i32
      %lt3A_293 = arith.constant 108 : i32
      %lt3A_294 = arith.cmpi slt, %add3A_292, %lt3A_293 : i32
      %convert_element_type3A_295 = arith.extui %lt3A_294 : i1 to i32
      %cond3A_296 = arith.constant 0 : i32
      %cond3A_297 = arith.cmpi ne, %convert_element_type3A_295, %cond3A_296 : i32
      scf.if %cond3A_297 {
        %add3A_371 = arith.constant 4 : i32
        %add3A_372 = arith.addi %add3A_275, %add3A_371 : i32
        %dma_start3A_373 = arith.constant 0 : i32
        %dma_start3A_374 = arith.constant 0 : i32
        %dma_start3A_375 = tpu.memref_slice %arg3[%add3A, %add3A_372, %dma_start3A_373, %dma_start3A_374] : memref<32x108x2x96xi32, #tpu.memory_space<hbm>> -> memref<1x1x2x96xi32, #tpu.memory_space<hbm>>
        %dma_start3A_376 = tpu.memref_squeeze %dma_start3A_375 : memref<1x1x2x96xi32, #tpu.memory_space<hbm>> -> memref<2x96xi32, #tpu.memory_space<hbm>>
        %dma_start3A_377 = arith.constant 0 : i32
        %dma_start3A_378 = arith.constant 0 : i32
        %dma_start3A_379 = tpu.memref_slice %arg3[%add3A, %add3A_372, %dma_start3A_377, %dma_start3A_378] : memref<32x108x2x96xi32, #tpu.memory_space<hbm>> -> memref<1x1x2x96xi32, #tpu.memory_space<hbm>>
        %dma_start3A_380 = tpu.memref_squeeze %dma_start3A_379 : memref<1x1x2x96xi32, #tpu.memory_space<hbm>> -> memref<2x96xi32, #tpu.memory_space<hbm>>
        tpu.enqueue_dma source(%dma_start3A_380 : memref<2x96xi32, #tpu.memory_space<hbm>>) target(%arg6 : memref<2x96xi32, #tpu.memory_space<vmem>>) target_semaphore(%arg14 : memref<!tpu.dma_semaphore, #tpu.memory_space<semaphore_mem>>)
      } else {
      }
      %add3A_298 = arith.constant 9 : i32
      %add3A_299 = arith.addi %mul3A_85, %add3A_298 : i32
      %dma_wait3A_300 = arith.constant 0 : i32
      %dma_wait3A_301 = arith.constant 0 : i32
      %dma_wait3A_302 = tpu.memref_slice %arg7[%dma_wait3A_300, %dma_wait3A_301] : memref<2x96xi32, #tpu.memory_space<vmem>> -> memref<1x96xi32, #tpu.memory_space<vmem>>
      %dma_wait3A_303 = tpu.memref_squeeze %dma_wait3A_302 : memref<1x96xi32, #tpu.memory_space<vmem>> -> memref<96xi32, #tpu.memory_space<vmem>>
      %dma_wait3A_304 = arith.constant 0 : i32
      %dma_wait3A_305 = arith.constant 0 : i32
      %dma_wait3A_306 = tpu.memref_slice %arg2[%dma_wait3A_304, %dma_wait3A_305] : memref<10000x128xf32, #tpu.memory_space<hbm>> -> memref<10000x128xf32, #tpu.memory_space<hbm>>
      tpu.wait_indirect_dma semaphore(%arg18 : memref<!tpu.dma_semaphore, #tpu.memory_space<semaphore_mem>>) src(%dma_wait3A_306 : memref<10000x128xf32, #tpu.memory_space<hbm>>) dst(%arg10 : memref<96x128xf32, #tpu.memory_space<vmem>>)
      %add3A_307 = arith.constant 2 : i32
      %add3A_308 = arith.addi %add3A_299, %add3A_307 : i32
      %lt3A_309 = arith.constant 108 : i32
      %lt3A_310 = arith.cmpi slt, %add3A_308, %lt3A_309 : i32
      %convert_element_type3A_311 = arith.extui %lt3A_310 : i1 to i32
      %cond3A_312 = arith.constant 0 : i32
      %cond3A_313 = arith.cmpi ne, %convert_element_type3A_311, %cond3A_312 : i32
      scf.if %cond3A_313 {
        %add3A_371 = arith.constant 2 : i32
        %add3A_372 = arith.addi %add3A_299, %add3A_371 : i32
        %dma_wait3A_373 = arith.constant 0 : i32
        %dma_wait3A_374 = arith.constant 0 : i32
        %dma_wait3A_375 = tpu.memref_slice %arg3[%add3A, %add3A_372, %dma_wait3A_373, %dma_wait3A_374] : memref<32x108x2x96xi32, #tpu.memory_space<hbm>> -> memref<1x1x2x96xi32, #tpu.memory_space<hbm>>
        %dma_wait3A_376 = tpu.memref_squeeze %dma_wait3A_375 : memref<1x1x2x96xi32, #tpu.memory_space<hbm>> -> memref<2x96xi32, #tpu.memory_space<hbm>>
        %dma_wait3A_377 = arith.constant 0 : i32
        %dma_wait3A_378 = arith.constant 0 : i32
        %dma_wait3A_379 = tpu.memref_slice %arg3[%add3A, %add3A_372, %dma_wait3A_377, %dma_wait3A_378] : memref<32x108x2x96xi32, #tpu.memory_space<hbm>> -> memref<1x1x2x96xi32, #tpu.memory_space<hbm>>
        %dma_wait3A_380 = tpu.memref_squeeze %dma_wait3A_379 : memref<1x1x2x96xi32, #tpu.memory_space<hbm>> -> memref<2x96xi32, #tpu.memory_space<hbm>>
        tpu.wait_dma2 semaphore(%arg17 : memref<!tpu.dma_semaphore, #tpu.memory_space<semaphore_mem>>) src(%dma_wait3A_380 : memref<2x96xi32, #tpu.memory_space<hbm>>) dst(%arg9 : memref<2x96xi32, #tpu.memory_space<vmem>>)
        %dma_start3A_381 = arith.constant 0 : i32
        %dma_start3A_382 = arith.constant 0 : i32
        %dma_start3A_383 = tpu.memref_slice %arg9[%dma_start3A_381, %dma_start3A_382] : memref<2x96xi32, #tpu.memory_space<vmem>> -> memref<1x96xi32, #tpu.memory_space<vmem>>
        %dma_start3A_384 = tpu.memref_squeeze %dma_start3A_383 : memref<1x96xi32, #tpu.memory_space<vmem>> -> memref<96xi32, #tpu.memory_space<vmem>>
        %dma_start3A_385 = arith.constant 0 : i32
        %dma_start3A_386 = arith.constant 0 : i32
        %dma_start3A_387 = tpu.memref_slice %arg2[%dma_start3A_385, %dma_start3A_386] : memref<10000x128xf32, #tpu.memory_space<hbm>> -> memref<10000x128xf32, #tpu.memory_space<hbm>>
        tpu.enqueue_indirect_dma source(%dma_start3A_387 : memref<10000x128xf32, #tpu.memory_space<hbm>>) target(%arg12 : memref<96x128xf32, #tpu.memory_space<vmem>>) offsets(%dma_start3A_384 : memref<96xi32, #tpu.memory_space<vmem>>) semaphore(%arg20 : memref<!tpu.dma_semaphore, #tpu.memory_space<semaphore_mem>>)
      } else {
      }
      %run_scoped3A_314 = arith.constant 1 : i32
      "tpu.region"() ({
        %run_scoped3A_371 = tpu.sem_alloc : memref<!tpu.dma_semaphore, #tpu.memory_space<semaphore_mem>>
        %dma_start3A_372 = arith.constant 0 : i32
        %dma_start3A_373 = tpu.memref_slice %arg7[%run_scoped3A_314, %dma_start3A_372] : memref<2x96xi32, #tpu.memory_space<vmem>> -> memref<1x96xi32, #tpu.memory_space<vmem>>
        %dma_start3A_374 = tpu.memref_squeeze %dma_start3A_373 : memref<1x96xi32, #tpu.memory_space<vmem>> -> memref<96xi32, #tpu.memory_space<vmem>>
        %dma_start3A_375 = arith.constant 0 : i32
        %dma_start3A_376 = arith.constant 0 : i32
        %dma_start3A_377 = tpu.memref_slice %arg13[%dma_start3A_375, %dma_start3A_376] : memref<10112x128xf32, #tpu.memory_space<vmem_shared>> -> memref<10112x128xf32, #tpu.memory_space<vmem_shared>>
        tpu.enqueue_indirect_dma source(%arg10 : memref<96x128xf32, #tpu.memory_space<vmem>>) target(%dma_start3A_377 : memref<10112x128xf32, #tpu.memory_space<vmem_shared>>) offsets(%dma_start3A_374 : memref<96xi32, #tpu.memory_space<vmem>>) semaphore(%run_scoped3A_371 : memref<!tpu.dma_semaphore, #tpu.memory_space<semaphore_mem>>) {add = true}
        %dma_wait3A_378 = arith.constant 0 : i32
        %dma_wait3A_379 = tpu.memref_slice %arg7[%run_scoped3A_314, %dma_wait3A_378] : memref<2x96xi32, #tpu.memory_space<vmem>> -> memref<1x96xi32, #tpu.memory_space<vmem>>
        %dma_wait3A_380 = tpu.memref_squeeze %dma_wait3A_379 : memref<1x96xi32, #tpu.memory_space<vmem>> -> memref<96xi32, #tpu.memory_space<vmem>>
        %dma_wait3A_381 = arith.constant 0 : i32
        %dma_wait3A_382 = arith.constant 0 : i32
        %dma_wait3A_383 = tpu.memref_slice %arg13[%dma_wait3A_381, %dma_wait3A_382] : memref<10112x128xf32, #tpu.memory_space<vmem_shared>> -> memref<10112x128xf32, #tpu.memory_space<vmem_shared>>
        tpu.wait_indirect_dma semaphore(%run_scoped3A_371 : memref<!tpu.dma_semaphore, #tpu.memory_space<semaphore_mem>>) src(%arg10 : memref<96x128xf32, #tpu.memory_space<vmem>>) dst(%dma_wait3A_383 : memref<10112x128xf32, #tpu.memory_space<vmem_shared>>)
        tpu.yield
      }) : () -> ()
      %add3A_315 = arith.constant 4 : i32
      %add3A_316 = arith.addi %add3A_299, %add3A_315 : i32
      %lt3A_317 = arith.constant 108 : i32
      %lt3A_318 = arith.cmpi slt, %add3A_316, %lt3A_317 : i32
      %convert_element_type3A_319 = arith.extui %lt3A_318 : i1 to i32
      %cond3A_320 = arith.constant 0 : i32
      %cond3A_321 = arith.cmpi ne, %convert_element_type3A_319, %cond3A_320 : i32
      scf.if %cond3A_321 {
        %add3A_371 = arith.constant 4 : i32
        %add3A_372 = arith.addi %add3A_299, %add3A_371 : i32
        %dma_start3A_373 = arith.constant 0 : i32
        %dma_start3A_374 = arith.constant 0 : i32
        %dma_start3A_375 = tpu.memref_slice %arg3[%add3A, %add3A_372, %dma_start3A_373, %dma_start3A_374] : memref<32x108x2x96xi32, #tpu.memory_space<hbm>> -> memref<1x1x2x96xi32, #tpu.memory_space<hbm>>
        %dma_start3A_376 = tpu.memref_squeeze %dma_start3A_375 : memref<1x1x2x96xi32, #tpu.memory_space<hbm>> -> memref<2x96xi32, #tpu.memory_space<hbm>>
        %dma_start3A_377 = arith.constant 0 : i32
        %dma_start3A_378 = arith.constant 0 : i32
        %dma_start3A_379 = tpu.memref_slice %arg3[%add3A, %add3A_372, %dma_start3A_377, %dma_start3A_378] : memref<32x108x2x96xi32, #tpu.memory_space<hbm>> -> memref<1x1x2x96xi32, #tpu.memory_space<hbm>>
        %dma_start3A_380 = tpu.memref_squeeze %dma_start3A_379 : memref<1x1x2x96xi32, #tpu.memory_space<hbm>> -> memref<2x96xi32, #tpu.memory_space<hbm>>
        tpu.enqueue_dma source(%dma_start3A_380 : memref<2x96xi32, #tpu.memory_space<hbm>>) target(%arg7 : memref<2x96xi32, #tpu.memory_space<vmem>>) target_semaphore(%arg15 : memref<!tpu.dma_semaphore, #tpu.memory_space<semaphore_mem>>)
      } else {
      }
      %add3A_322 = arith.constant 10 : i32
      %add3A_323 = arith.addi %mul3A_85, %add3A_322 : i32
      %dma_wait3A_324 = arith.constant 0 : i32
      %dma_wait3A_325 = arith.constant 0 : i32
      %dma_wait3A_326 = tpu.memref_slice %arg8[%dma_wait3A_324, %dma_wait3A_325] : memref<2x96xi32, #tpu.memory_space<vmem>> -> memref<1x96xi32, #tpu.memory_space<vmem>>
      %dma_wait3A_327 = tpu.memref_squeeze %dma_wait3A_326 : memref<1x96xi32, #tpu.memory_space<vmem>> -> memref<96xi32, #tpu.memory_space<vmem>>
      %dma_wait3A_328 = arith.constant 0 : i32
      %dma_wait3A_329 = arith.constant 0 : i32
      %dma_wait3A_330 = tpu.memref_slice %arg2[%dma_wait3A_328, %dma_wait3A_329] : memref<10000x128xf32, #tpu.memory_space<hbm>> -> memref<10000x128xf32, #tpu.memory_space<hbm>>
      tpu.wait_indirect_dma semaphore(%arg19 : memref<!tpu.dma_semaphore, #tpu.memory_space<semaphore_mem>>) src(%dma_wait3A_330 : memref<10000x128xf32, #tpu.memory_space<hbm>>) dst(%arg11 : memref<96x128xf32, #tpu.memory_space<vmem>>)
      %add3A_331 = arith.constant 2 : i32
      %add3A_332 = arith.addi %add3A_323, %add3A_331 : i32
      %lt3A_333 = arith.constant 108 : i32
      %lt3A_334 = arith.cmpi slt, %add3A_332, %lt3A_333 : i32
      %convert_element_type3A_335 = arith.extui %lt3A_334 : i1 to i32
      %cond3A_336 = arith.constant 0 : i32
      %cond3A_337 = arith.cmpi ne, %convert_element_type3A_335, %cond3A_336 : i32
      scf.if %cond3A_337 {
        %add3A_371 = arith.constant 2 : i32
        %add3A_372 = arith.addi %add3A_323, %add3A_371 : i32
        %dma_wait3A_373 = arith.constant 0 : i32
        %dma_wait3A_374 = arith.constant 0 : i32
        %dma_wait3A_375 = tpu.memref_slice %arg3[%add3A, %add3A_372, %dma_wait3A_373, %dma_wait3A_374] : memref<32x108x2x96xi32, #tpu.memory_space<hbm>> -> memref<1x1x2x96xi32, #tpu.memory_space<hbm>>
        %dma_wait3A_376 = tpu.memref_squeeze %dma_wait3A_375 : memref<1x1x2x96xi32, #tpu.memory_space<hbm>> -> memref<2x96xi32, #tpu.memory_space<hbm>>
        %dma_wait3A_377 = arith.constant 0 : i32
        %dma_wait3A_378 = arith.constant 0 : i32
        %dma_wait3A_379 = tpu.memref_slice %arg3[%add3A, %add3A_372, %dma_wait3A_377, %dma_wait3A_378] : memref<32x108x2x96xi32, #tpu.memory_space<hbm>> -> memref<1x1x2x96xi32, #tpu.memory_space<hbm>>
        %dma_wait3A_380 = tpu.memref_squeeze %dma_wait3A_379 : memref<1x1x2x96xi32, #tpu.memory_space<hbm>> -> memref<2x96xi32, #tpu.memory_space<hbm>>
        tpu.wait_dma2 semaphore(%arg14 : memref<!tpu.dma_semaphore, #tpu.memory_space<semaphore_mem>>) src(%dma_wait3A_380 : memref<2x96xi32, #tpu.memory_space<hbm>>) dst(%arg6 : memref<2x96xi32, #tpu.memory_space<vmem>>)
        %dma_start3A_381 = arith.constant 0 : i32
        %dma_start3A_382 = arith.constant 0 : i32
        %dma_start3A_383 = tpu.memref_slice %arg6[%dma_start3A_381, %dma_start3A_382] : memref<2x96xi32, #tpu.memory_space<vmem>> -> memref<1x96xi32, #tpu.memory_space<vmem>>
        %dma_start3A_384 = tpu.memref_squeeze %dma_start3A_383 : memref<1x96xi32, #tpu.memory_space<vmem>> -> memref<96xi32, #tpu.memory_space<vmem>>
        %dma_start3A_385 = arith.constant 0 : i32
        %dma_start3A_386 = arith.constant 0 : i32
        %dma_start3A_387 = tpu.memref_slice %arg2[%dma_start3A_385, %dma_start3A_386] : memref<10000x128xf32, #tpu.memory_space<hbm>> -> memref<10000x128xf32, #tpu.memory_space<hbm>>
        tpu.enqueue_indirect_dma source(%dma_start3A_387 : memref<10000x128xf32, #tpu.memory_space<hbm>>) target(%arg10 : memref<96x128xf32, #tpu.memory_space<vmem>>) offsets(%dma_start3A_384 : memref<96xi32, #tpu.memory_space<vmem>>) semaphore(%arg18 : memref<!tpu.dma_semaphore, #tpu.memory_space<semaphore_mem>>)
      } else {
      }
      %run_scoped3A_338 = arith.constant 1 : i32
      "tpu.region"() ({
        %run_scoped3A_371 = tpu.sem_alloc : memref<!tpu.dma_semaphore, #tpu.memory_space<semaphore_mem>>
        %dma_start3A_372 = arith.constant 0 : i32
        %dma_start3A_373 = tpu.memref_slice %arg8[%run_scoped3A_338, %dma_start3A_372] : memref<2x96xi32, #tpu.memory_space<vmem>> -> memref<1x96xi32, #tpu.memory_space<vmem>>
        %dma_start3A_374 = tpu.memref_squeeze %dma_start3A_373 : memref<1x96xi32, #tpu.memory_space<vmem>> -> memref<96xi32, #tpu.memory_space<vmem>>
        %dma_start3A_375 = arith.constant 0 : i32
        %dma_start3A_376 = arith.constant 0 : i32
        %dma_start3A_377 = tpu.memref_slice %arg13[%dma_start3A_375, %dma_start3A_376] : memref<10112x128xf32, #tpu.memory_space<vmem_shared>> -> memref<10112x128xf32, #tpu.memory_space<vmem_shared>>
        tpu.enqueue_indirect_dma source(%arg11 : memref<96x128xf32, #tpu.memory_space<vmem>>) target(%dma_start3A_377 : memref<10112x128xf32, #tpu.memory_space<vmem_shared>>) offsets(%dma_start3A_374 : memref<96xi32, #tpu.memory_space<vmem>>) semaphore(%run_scoped3A_371 : memref<!tpu.dma_semaphore, #tpu.memory_space<semaphore_mem>>) {add = true}
        %dma_wait3A_378 = arith.constant 0 : i32
        %dma_wait3A_379 = tpu.memref_slice %arg8[%run_scoped3A_338, %dma_wait3A_378] : memref<2x96xi32, #tpu.memory_space<vmem>> -> memref<1x96xi32, #tpu.memory_space<vmem>>
        %dma_wait3A_380 = tpu.memref_squeeze %dma_wait3A_379 : memref<1x96xi32, #tpu.memory_space<vmem>> -> memref<96xi32, #tpu.memory_space<vmem>>
        %dma_wait3A_381 = arith.constant 0 : i32
        %dma_wait3A_382 = arith.constant 0 : i32
        %dma_wait3A_383 = tpu.memref_slice %arg13[%dma_wait3A_381, %dma_wait3A_382] : memref<10112x128xf32, #tpu.memory_space<vmem_shared>> -> memref<10112x128xf32, #tpu.memory_space<vmem_shared>>
        tpu.wait_indirect_dma semaphore(%run_scoped3A_371 : memref<!tpu.dma_semaphore, #tpu.memory_space<semaphore_mem>>) src(%arg11 : memref<96x128xf32, #tpu.memory_space<vmem>>) dst(%dma_wait3A_383 : memref<10112x128xf32, #tpu.memory_space<vmem_shared>>)
        tpu.yield
      }) : () -> ()
      %add3A_339 = arith.constant 4 : i32
      %add3A_340 = arith.addi %add3A_323, %add3A_339 : i32
      %lt3A_341 = arith.constant 108 : i32
      %lt3A_342 = arith.cmpi slt, %add3A_340, %lt3A_341 : i32
      %convert_element_type3A_343 = arith.extui %lt3A_342 : i1 to i32
      %cond3A_344 = arith.constant 0 : i32
      %cond3A_345 = arith.cmpi ne, %convert_element_type3A_343, %cond3A_344 : i32
      scf.if %cond3A_345 {
        %add3A_371 = arith.constant 4 : i32
        %add3A_372 = arith.addi %add3A_323, %add3A_371 : i32
        %dma_start3A_373 = arith.constant 0 : i32
        %dma_start3A_374 = arith.constant 0 : i32
        %dma_start3A_375 = tpu.memref_slice %arg3[%add3A, %add3A_372, %dma_start3A_373, %dma_start3A_374] : memref<32x108x2x96xi32, #tpu.memory_space<hbm>> -> memref<1x1x2x96xi32, #tpu.memory_space<hbm>>
        %dma_start3A_376 = tpu.memref_squeeze %dma_start3A_375 : memref<1x1x2x96xi32, #tpu.memory_space<hbm>> -> memref<2x96xi32, #tpu.memory_space<hbm>>
        %dma_start3A_377 = arith.constant 0 : i32
        %dma_start3A_378 = arith.constant 0 : i32
        %dma_start3A_379 = tpu.memref_slice %arg3[%add3A, %add3A_372, %dma_start3A_377, %dma_start3A_378] : memref<32x108x2x96xi32, #tpu.memory_space<hbm>> -> memref<1x1x2x96xi32, #tpu.memory_space<hbm>>
        %dma_start3A_380 = tpu.memref_squeeze %dma_start3A_379 : memref<1x1x2x96xi32, #tpu.memory_space<hbm>> -> memref<2x96xi32, #tpu.memory_space<hbm>>
        tpu.enqueue_dma source(%dma_start3A_380 : memref<2x96xi32, #tpu.memory_space<hbm>>) target(%arg8 : memref<2x96xi32, #tpu.memory_space<vmem>>) target_semaphore(%arg16 : memref<!tpu.dma_semaphore, #tpu.memory_space<semaphore_mem>>)
      } else {
      }
      %add3A_346 = arith.constant 11 : i32
      %add3A_347 = arith.addi %mul3A_85, %add3A_346 : i32
      %dma_wait3A_348 = arith.constant 0 : i32
      %dma_wait3A_349 = arith.constant 0 : i32
      %dma_wait3A_350 = tpu.memref_slice %arg9[%dma_wait3A_348, %dma_wait3A_349] : memref<2x96xi32, #tpu.memory_space<vmem>> -> memref<1x96xi32, #tpu.memory_space<vmem>>
      %dma_wait3A_351 = tpu.memref_squeeze %dma_wait3A_350 : memref<1x96xi32, #tpu.memory_space<vmem>> -> memref<96xi32, #tpu.memory_space<vmem>>
      %dma_wait3A_352 = arith.constant 0 : i32
      %dma_wait3A_353 = arith.constant 0 : i32
      %dma_wait3A_354 = tpu.memref_slice %arg2[%dma_wait3A_352, %dma_wait3A_353] : memref<10000x128xf32, #tpu.memory_space<hbm>> -> memref<10000x128xf32, #tpu.memory_space<hbm>>
      tpu.wait_indirect_dma semaphore(%arg20 : memref<!tpu.dma_semaphore, #tpu.memory_space<semaphore_mem>>) src(%dma_wait3A_354 : memref<10000x128xf32, #tpu.memory_space<hbm>>) dst(%arg12 : memref<96x128xf32, #tpu.memory_space<vmem>>)
      %add3A_355 = arith.constant 2 : i32
      %add3A_356 = arith.addi %add3A_347, %add3A_355 : i32
      %lt3A_357 = arith.constant 108 : i32
      %lt3A_358 = arith.cmpi slt, %add3A_356, %lt3A_357 : i32
      %convert_element_type3A_359 = arith.extui %lt3A_358 : i1 to i32
      %cond3A_360 = arith.constant 0 : i32
      %cond3A_361 = arith.cmpi ne, %convert_element_type3A_359, %cond3A_360 : i32
      scf.if %cond3A_361 {
        %add3A_371 = arith.constant 2 : i32
        %add3A_372 = arith.addi %add3A_347, %add3A_371 : i32
        %dma_wait3A_373 = arith.constant 0 : i32
        %dma_wait3A_374 = arith.constant 0 : i32
        %dma_wait3A_375 = tpu.memref_slice %arg3[%add3A, %add3A_372, %dma_wait3A_373, %dma_wait3A_374] : memref<32x108x2x96xi32, #tpu.memory_space<hbm>> -> memref<1x1x2x96xi32, #tpu.memory_space<hbm>>
        %dma_wait3A_376 = tpu.memref_squeeze %dma_wait3A_375 : memref<1x1x2x96xi32, #tpu.memory_space<hbm>> -> memref<2x96xi32, #tpu.memory_space<hbm>>
        %dma_wait3A_377 = arith.constant 0 : i32
        %dma_wait3A_378 = arith.constant 0 : i32
        %dma_wait3A_379 = tpu.memref_slice %arg3[%add3A, %add3A_372, %dma_wait3A_377, %dma_wait3A_378] : memref<32x108x2x96xi32, #tpu.memory_space<hbm>> -> memref<1x1x2x96xi32, #tpu.memory_space<hbm>>
        %dma_wait3A_380 = tpu.memref_squeeze %dma_wait3A_379 : memref<1x1x2x96xi32, #tpu.memory_space<hbm>> -> memref<2x96xi32, #tpu.memory_space<hbm>>
        tpu.wait_dma2 semaphore(%arg15 : memref<!tpu.dma_semaphore, #tpu.memory_space<semaphore_mem>>) src(%dma_wait3A_380 : memref<2x96xi32, #tpu.memory_space<hbm>>) dst(%arg7 : memref<2x96xi32, #tpu.memory_space<vmem>>)
        %dma_start3A_381 = arith.constant 0 : i32
        %dma_start3A_382 = arith.constant 0 : i32
        %dma_start3A_383 = tpu.memref_slice %arg7[%dma_start3A_381, %dma_start3A_382] : memref<2x96xi32, #tpu.memory_space<vmem>> -> memref<1x96xi32, #tpu.memory_space<vmem>>
        %dma_start3A_384 = tpu.memref_squeeze %dma_start3A_383 : memref<1x96xi32, #tpu.memory_space<vmem>> -> memref<96xi32, #tpu.memory_space<vmem>>
        %dma_start3A_385 = arith.constant 0 : i32
        %dma_start3A_386 = arith.constant 0 : i32
        %dma_start3A_387 = tpu.memref_slice %arg2[%dma_start3A_385, %dma_start3A_386] : memref<10000x128xf32, #tpu.memory_space<hbm>> -> memref<10000x128xf32, #tpu.memory_space<hbm>>
        tpu.enqueue_indirect_dma source(%dma_start3A_387 : memref<10000x128xf32, #tpu.memory_space<hbm>>) target(%arg11 : memref<96x128xf32, #tpu.memory_space<vmem>>) offsets(%dma_start3A_384 : memref<96xi32, #tpu.memory_space<vmem>>) semaphore(%arg19 : memref<!tpu.dma_semaphore, #tpu.memory_space<semaphore_mem>>)
      } else {
      }
      %run_scoped3A_362 = arith.constant 1 : i32
      "tpu.region"() ({
        %run_scoped3A_371 = tpu.sem_alloc : memref<!tpu.dma_semaphore, #tpu.memory_space<semaphore_mem>>
        %dma_start3A_372 = arith.constant 0 : i32
        %dma_start3A_373 = tpu.memref_slice %arg9[%run_scoped3A_362, %dma_start3A_372] : memref<2x96xi32, #tpu.memory_space<vmem>> -> memref<1x96xi32, #tpu.memory_space<vmem>>
        %dma_start3A_374 = tpu.memref_squeeze %dma_start3A_373 : memref<1x96xi32, #tpu.memory_space<vmem>> -> memref<96xi32, #tpu.memory_space<vmem>>
        %dma_start3A_375 = arith.constant 0 : i32
        %dma_start3A_376 = arith.constant 0 : i32
        %dma_start3A_377 = tpu.memref_slice %arg13[%dma_start3A_375, %dma_start3A_376] : memref<10112x128xf32, #tpu.memory_space<vmem_shared>> -> memref<10112x128xf32, #tpu.memory_space<vmem_shared>>
        tpu.enqueue_indirect_dma source(%arg12 : memref<96x128xf32, #tpu.memory_space<vmem>>) target(%dma_start3A_377 : memref<10112x128xf32, #tpu.memory_space<vmem_shared>>) offsets(%dma_start3A_374 : memref<96xi32, #tpu.memory_space<vmem>>) semaphore(%run_scoped3A_371 : memref<!tpu.dma_semaphore, #tpu.memory_space<semaphore_mem>>) {add = true}
        %dma_wait3A_378 = arith.constant 0 : i32
        %dma_wait3A_379 = tpu.memref_slice %arg9[%run_scoped3A_362, %dma_wait3A_378] : memref<2x96xi32, #tpu.memory_space<vmem>> -> memref<1x96xi32, #tpu.memory_space<vmem>>
        %dma_wait3A_380 = tpu.memref_squeeze %dma_wait3A_379 : memref<1x96xi32, #tpu.memory_space<vmem>> -> memref<96xi32, #tpu.memory_space<vmem>>
        %dma_wait3A_381 = arith.constant 0 : i32
        %dma_wait3A_382 = arith.constant 0 : i32
        %dma_wait3A_383 = tpu.memref_slice %arg13[%dma_wait3A_381, %dma_wait3A_382] : memref<10112x128xf32, #tpu.memory_space<vmem_shared>> -> memref<10112x128xf32, #tpu.memory_space<vmem_shared>>
        tpu.wait_indirect_dma semaphore(%run_scoped3A_371 : memref<!tpu.dma_semaphore, #tpu.memory_space<semaphore_mem>>) src(%arg12 : memref<96x128xf32, #tpu.memory_space<vmem>>) dst(%dma_wait3A_383 : memref<10112x128xf32, #tpu.memory_space<vmem_shared>>)
        tpu.yield
      }) : () -> ()
      %add3A_363 = arith.constant 4 : i32
      %add3A_364 = arith.addi %add3A_347, %add3A_363 : i32
      %lt3A_365 = arith.constant 108 : i32
      %lt3A_366 = arith.cmpi slt, %add3A_364, %lt3A_365 : i32
      %convert_element_type3A_367 = arith.extui %lt3A_366 : i1 to i32
      %cond3A_368 = arith.constant 0 : i32
      %cond3A_369 = arith.cmpi ne, %convert_element_type3A_367, %cond3A_368 : i32
      scf.if %cond3A_369 {
        %add3A_371 = arith.constant 4 : i32
        %add3A_372 = arith.addi %add3A_347, %add3A_371 : i32
        %dma_start3A_373 = arith.constant 0 : i32
        %dma_start3A_374 = arith.constant 0 : i32
        %dma_start3A_375 = tpu.memref_slice %arg3[%add3A, %add3A_372, %dma_start3A_373, %dma_start3A_374] : memref<32x108x2x96xi32, #tpu.memory_space<hbm>> -> memref<1x1x2x96xi32, #tpu.memory_space<hbm>>
        %dma_start3A_376 = tpu.memref_squeeze %dma_start3A_375 : memref<1x1x2x96xi32, #tpu.memory_space<hbm>> -> memref<2x96xi32, #tpu.memory_space<hbm>>
        %dma_start3A_377 = arith.constant 0 : i32
        %dma_start3A_378 = arith.constant 0 : i32
        %dma_start3A_379 = tpu.memref_slice %arg3[%add3A, %add3A_372, %dma_start3A_377, %dma_start3A_378] : memref<32x108x2x96xi32, #tpu.memory_space<hbm>> -> memref<1x1x2x96xi32, #tpu.memory_space<hbm>>
        %dma_start3A_380 = tpu.memref_squeeze %dma_start3A_379 : memref<1x1x2x96xi32, #tpu.memory_space<hbm>> -> memref<2x96xi32, #tpu.memory_space<hbm>>
        tpu.enqueue_dma source(%dma_start3A_380 : memref<2x96xi32, #tpu.memory_space<hbm>>) target(%arg9 : memref<2x96xi32, #tpu.memory_space<vmem>>) target_semaphore(%arg17 : memref<!tpu.dma_semaphore, #tpu.memory_space<semaphore_mem>>)
      } else {
      }
      %scan3A_370 = arith.constant 0 : i32
      scf.yield %scan3A_370 : i32
    }
    %scan3A_76 = arith.constant 9 : i32
    %barrier3A_77 = arith.constant 0 : index
    tpu.barrier barrier_id(%barrier3A_77)
    %mul3A_78 = arith.constant 632 : i32
    %mul3A_79 = arith.muli %arg1, %mul3A_78 : i32
    %mul3A_80 = arith.constant 632 : i32
    %mul3A_81 = arith.muli %arg1, %mul3A_80 : i32
    "tpu.region"() ({
      %run_scoped3A = tpu.sem_alloc : memref<!tpu.dma_semaphore, #tpu.memory_space<semaphore_mem>>
      %dma_start3A_82 = arith.constant 0 : i32
      %dma_start3A_83 = tpu.memref_slice %arg5[%arg0, %mul3A_81, %dma_start3A_82] : memref<2x10112x128xf32, #tpu.memory_space<hbm>> -> memref<1x632x128xf32, #tpu.memory_space<hbm>>
      %dma_start3A_84 = tpu.memref_squeeze %dma_start3A_83 : memref<1x632x128xf32, #tpu.memory_space<hbm>> -> memref<632x128xf32, #tpu.memory_space<hbm>>
      %dma_start3A_85 = arith.constant 0 : i32
      %dma_start3A_86 = tpu.memref_slice %arg13[%mul3A_79, %dma_start3A_85] : memref<10112x128xf32, #tpu.memory_space<vmem_shared>> -> memref<632x128xf32, #tpu.memory_space<vmem_shared>>
      tpu.enqueue_dma source(%dma_start3A_86 : memref<632x128xf32, #tpu.memory_space<vmem_shared>>) target(%dma_start3A_84 : memref<632x128xf32, #tpu.memory_space<hbm>>) target_semaphore(%run_scoped3A : memref<!tpu.dma_semaphore, #tpu.memory_space<semaphore_mem>>)
      %dma_wait3A_87 = arith.constant 0 : i32
      %dma_wait3A_88 = tpu.memref_slice %arg5[%arg0, %mul3A_81, %dma_wait3A_87] : memref<2x10112x128xf32, #tpu.memory_space<hbm>> -> memref<1x632x128xf32, #tpu.memory_space<hbm>>
      %dma_wait3A_89 = tpu.memref_squeeze %dma_wait3A_88 : memref<1x632x128xf32, #tpu.memory_space<hbm>> -> memref<632x128xf32, #tpu.memory_space<hbm>>
      %dma_wait3A_90 = arith.constant 0 : i32
      %dma_wait3A_91 = tpu.memref_slice %arg13[%mul3A_79, %dma_wait3A_90] : memref<10112x128xf32, #tpu.memory_space<vmem_shared>> -> memref<632x128xf32, #tpu.memory_space<vmem_shared>>
      tpu.wait_dma2 semaphore(%run_scoped3A : memref<!tpu.dma_semaphore, #tpu.memory_space<semaphore_mem>>) src(%dma_wait3A_91 : memref<632x128xf32, #tpu.memory_space<vmem_shared>>) dst(%dma_wait3A_89 : memref<632x128xf32, #tpu.memory_space<hbm>>)
      tpu.yield
    }) : () -> ()
    return
  }
}

module attributes {stable_mosaic.version = 14 : i64} {
  func.func @_mm_body(%arg0: i32, %arg1: memref<400x128xf32, #tpu.memory_space<vmem>>, %arg2: memref<128x128xf32, #tpu.memory_space<vmem>>, %arg3: memref<400x128xf32, #tpu.memory_space<vmem>>) attributes {dimension_semantics = [#tpu.dimension_semantics<arbitrary>], iteration_bounds = array<i64: 25>, scalar_prefetch = 0 : i64, scratch_operands = 0 : i64, tpu.core_type = #tpu.core_type<tc>, window_params = [{transform_indices = @transform_0, window_bounds = array<i64: 400, 128>}, {pipeline_mode = #tpu.pipeline_mode<synchronous>, transform_indices = @transform_1, window_bounds = array<i64: 128, 128>}, {transform_indices = @transform_2, window_bounds = array<i64: 400, 128>}]} {
    %get3A = arith.constant 0 : index
    %get3A_0 = arith.constant 0 : index
    %get3A_1 = vector.load %arg1[%get3A, %get3A_0] : memref<400x128xf32, #tpu.memory_space<vmem>>, vector<400x128xf32>
    %get3A_2 = arith.constant 0 : index
    %get3A_3 = arith.constant 0 : index
    %get3A_4 = vector.load %arg2[%get3A_2, %get3A_3] : memref<128x128xf32, #tpu.memory_space<vmem>>, vector<128x128xf32>
    %dot_general3A = arith.constant dense<0.000000e+00> : vector<400x128xf32>
    %dot_general3A_5 = tpu.matmul %get3A_1, %get3A_4, %dot_general3A {dimension_numbers = #tpu.dot_dimension_numbers<[1], [0], [0], [1], [0, 0, 1, 1], [], []>, transpose_lhs_hint = false} : vector<400x128xf32>, vector<128x128xf32>, vector<400x128xf32> -> vector<400x128xf32>
    %swap3A = arith.constant 0 : index
    %swap3A_6 = arith.constant 0 : index
    %swap3A_7 = vector.load %arg3[%swap3A, %swap3A_6] : memref<400x128xf32, #tpu.memory_space<vmem>>, vector<400x128xf32>
    tpu.vector_store %arg3[%swap3A, %swap3A_6], %dot_general3A_5 {strides = array<i32>} : memref<400x128xf32, #tpu.memory_space<vmem>>, vector<400x128xf32>,
    return
  }
  func.func @transform_0(%arg0: i32) -> (i32, i32) {
    %c0_i32 = arith.constant 0 : i32
    %c0_i32_0 = arith.constant 0 : i32
    return %arg0, %c0_i32 : i32, i32
  }
  func.func @transform_1(%arg0: i32) -> (i32, i32) {
    %c0_i32 = arith.constant 0 : i32
    %c0_i32_0 = arith.constant 0 : i32
    %c0_i32_1 = arith.constant 0 : i32
    return %c0_i32, %c0_i32_0 : i32, i32
  }
  func.func @transform_2(%arg0: i32) -> (i32, i32) {
    %c0_i32 = arith.constant 0 : i32
    %c0_i32_0 = arith.constant 0 : i32
    return %arg0, %c0_i32 : i32, i32
  }
}

module attributes {stable_mosaic.version = 14 : i64} {
  func.func @_scale_body(%arg0: i32, %arg1: memref<400x128xf32, #tpu.memory_space<vmem>>, %arg2: memref<2x400x128xf32, #tpu.memory_space<vmem>>, %arg3: memref<400x128xf32, #tpu.memory_space<vmem>>, %arg4: memref<400x128xf32, #tpu.memory_space<vmem>>) attributes {dimension_semantics = [#tpu.dimension_semantics<arbitrary>], iteration_bounds = array<i64: 25>, scalar_prefetch = 0 : i64, scratch_operands = 0 : i64, tpu.core_type = #tpu.core_type<tc>, window_params = [{transform_indices = @transform_0, window_bounds = array<i64: 400, 128>}, {transform_indices = @transform_1, window_bounds = array<i64: 2, 400, 128>}, {transform_indices = @transform_2, window_bounds = array<i64: 400, 128>}, {transform_indices = @transform_3, window_bounds = array<i64: 400, 128>}]} {
    %get3A = arith.constant 0 : index
    %get3A_0 = arith.constant 0 : index
    %get3A_1 = arith.constant 0 : index
    %get3A_2 = vector.load %arg2[%get3A, %get3A_0, %get3A_1] : memref<2x400x128xf32, #tpu.memory_space<vmem>>, vector<1x400x1xf32>
    %get3A_3 = vector.shape_cast %get3A_2 : vector<1x400x1xf32> to vector<400x1xf32>
    %get3A_4 = arith.constant 1 : index
    %get3A_5 = arith.constant 0 : index
    %get3A_6 = arith.constant 0 : index
    %get3A_7 = vector.load %arg2[%get3A_4, %get3A_5, %get3A_6] : memref<2x400x128xf32, #tpu.memory_space<vmem>>, vector<1x400x1xf32>
    %get3A_8 = vector.shape_cast %get3A_7 : vector<1x400x1xf32> to vector<400x1xf32>
    %add3A = arith.addf %get3A_3, %get3A_8 : vector<400x1xf32>
    %max3A = arith.constant 9.99999996E-13 : f32
    %max3A_9 = vector.broadcast %max3A : f32 to vector<400x1xf32>
    %max3A_10 = arith.maximumf %add3A, %max3A_9 : vector<400x1xf32>
    %rsqrt3A = math.rsqrt %max3A_10 : vector<400x1xf32>
    %broadcast_in_dim3A = vector.shape_cast %rsqrt3A : vector<400x1xf32> to vector<400x1xf32>
    %broadcast_in_dim3A_11 = vector.broadcast %broadcast_in_dim3A : vector<400x1xf32> to vector<400x128xf32>
    %swap3A = arith.constant 0 : index
    %swap3A_12 = arith.constant 0 : index
    %swap3A_13 = vector.load %arg4[%swap3A, %swap3A_12] : memref<400x128xf32, #tpu.memory_space<vmem>>, vector<400x128xf32>
    tpu.vector_store %arg4[%swap3A, %swap3A_12], %broadcast_in_dim3A_11 {strides = array<i32>} : memref<400x128xf32, #tpu.memory_space<vmem>>, vector<400x128xf32>,
    %get3A_14 = arith.constant 0 : index
    %get3A_15 = arith.constant 0 : index
    %get3A_16 = vector.load %arg1[%get3A_14, %get3A_15] : memref<400x128xf32, #tpu.memory_space<vmem>>, vector<400x128xf32>
    %mul3A = arith.mulf %get3A_16, %broadcast_in_dim3A_11 : vector<400x128xf32>
    %swap3A_17 = arith.constant 0 : index
    %swap3A_18 = arith.constant 0 : index
    %swap3A_19 = vector.load %arg3[%swap3A_17, %swap3A_18] : memref<400x128xf32, #tpu.memory_space<vmem>>, vector<400x128xf32>
    tpu.vector_store %arg3[%swap3A_17, %swap3A_18], %mul3A {strides = array<i32>} : memref<400x128xf32, #tpu.memory_space<vmem>>, vector<400x128xf32>,
    return
  }
  func.func @transform_0(%arg0: i32) -> (i32, i32) {
    %c0_i32 = arith.constant 0 : i32
    %c0_i32_0 = arith.constant 0 : i32
    return %arg0, %c0_i32 : i32, i32
  }
  func.func @transform_1(%arg0: i32) -> (i32, i32, i32) {
    %c0_i32 = arith.constant 0 : i32
    %c0_i32_0 = arith.constant 0 : i32
    %c0_i32_1 = arith.constant 0 : i32
    return %c0_i32, %arg0, %c0_i32_0 : i32, i32, i32
  }
  func.func @transform_2(%arg0: i32) -> (i32, i32) {
    %c0_i32 = arith.constant 0 : i32
    %c0_i32_0 = arith.constant 0 : i32
    return %arg0, %c0_i32 : i32, i32
  }
  func.func @transform_3(%arg0: i32) -> (i32, i32) {
    %c0_i32 = arith.constant 0 : i32
    %c0_i32_0 = arith.constant 0 : i32
    return %arg0, %c0_i32 : i32, i32
  }
}

module attributes {stable_mosaic.version = 14 : i64} {
  func.func @_comb_mm2_body(%arg0: i32, %arg1: memref<2x400x128xf32, #tpu.memory_space<vmem>>, %arg2: memref<400x128xf32, #tpu.memory_space<vmem>>, %arg3: memref<400x128xf32, #tpu.memory_space<vmem>>, %arg4: memref<1x1xf32, #tpu.memory_space<vmem>>, %arg5: memref<1x128xf32, #tpu.memory_space<vmem>>, %arg6: memref<128x128xf32, #tpu.memory_space<vmem>>, %arg7: memref<400x128xf32, #tpu.memory_space<vmem>>, %arg8: memref<400x128xf32, #tpu.memory_space<vmem>>) attributes {dimension_semantics = [#tpu.dimension_semantics<arbitrary>], iteration_bounds = array<i64: 25>, scalar_prefetch = 0 : i64, scratch_operands = 0 : i64, tpu.core_type = #tpu.core_type<tc>, window_params = [{transform_indices = @transform_0, window_bounds = array<i64: 2, 400, 128>}, {transform_indices = @transform_1, window_bounds = array<i64: 400, 128>}, {transform_indices = @transform_2, window_bounds = array<i64: 400, 128>}, {pipeline_mode = #tpu.pipeline_mode<synchronous>, transform_indices = @transform_3, window_bounds = array<i64: 1, 1>}, {pipeline_mode = #tpu.pipeline_mode<synchronous>, transform_indices = @transform_4, window_bounds = array<i64: 1, 128>}, {pipeline_mode = #tpu.pipeline_mode<synchronous>, transform_indices = @transform_5, window_bounds = array<i64: 128, 128>}, {transform_indices = @transform_6, window_bounds = array<i64: 400, 128>}, {transform_indices = @transform_7, window_bounds = array<i64: 400, 128>}]} {
    %get3A = arith.constant 0 : index
    %get3A_0 = arith.constant 0 : index
    %get3A_1 = vector.load %arg2[%get3A, %get3A_0] : memref<400x128xf32, #tpu.memory_space<vmem>>, vector<400x128xf32>
    %get3A_2 = arith.constant 0 : index
    %get3A_3 = arith.constant 0 : index
    %get3A_4 = arith.constant 0 : index
    %get3A_5 = vector.load %arg1[%get3A_2, %get3A_3, %get3A_4] : memref<2x400x128xf32, #tpu.memory_space<vmem>>, vector<1x400x128xf32>
    %get3A_6 = vector.shape_cast %get3A_5 : vector<1x400x128xf32> to vector<400x128xf32>
    %get3A_7 = arith.constant 1 : index
    %get3A_8 = arith.constant 0 : index
    %get3A_9 = arith.constant 0 : index
    %get3A_10 = vector.load %arg1[%get3A_7, %get3A_8, %get3A_9] : memref<2x400x128xf32, #tpu.memory_space<vmem>>, vector<1x400x128xf32>
    %get3A_11 = vector.shape_cast %get3A_10 : vector<1x400x128xf32> to vector<400x128xf32>
    %add3A = arith.addf %get3A_6, %get3A_11 : vector<400x128xf32>
    %mul3A = arith.mulf %add3A, %get3A_1 : vector<400x128xf32>
    %get3A_12 = arith.constant 0 : index
    %get3A_13 = arith.constant 0 : index
    %get3A_14 = vector.load %arg5[%get3A_12, %get3A_13] : memref<1x128xf32, #tpu.memory_space<vmem>>, vector<1x128xf32>
    %add3A_15 = vector.broadcast %get3A_14 : vector<1x128xf32> to vector<400x128xf32>
    %add3A_16 = arith.addf %mul3A, %add3A_15 : vector<400x128xf32>
    %max3A = arith.constant 0.000000e+00 : f32
    %max3A_17 = vector.broadcast %max3A : f32 to vector<400x128xf32>
    %max3A_18 = arith.maximumf %add3A_16, %max3A_17 : vector<400x128xf32>
    %get3A_19 = arith.constant 0 : index
    %get3A_20 = arith.constant 0 : index
    %get3A_21 = vector.load %arg4[%get3A_19, %get3A_20] : memref<1x1xf32, #tpu.memory_space<vmem>>, vector<1x1xf32>
    %get3A_22 = vector.extract %get3A_21[0, 0] : f32 from vector<1x1xf32>
    %get3A_23 = arith.constant 0 : index
    %get3A_24 = arith.constant 0 : index
    %get3A_25 = vector.load %arg3[%get3A_23, %get3A_24] : memref<400x128xf32, #tpu.memory_space<vmem>>, vector<400x128xf32>
    %mul3A_26 = vector.broadcast %get3A_22 : f32 to vector<400x128xf32>
    %mul3A_27 = arith.mulf %mul3A_26, %get3A_25 : vector<400x128xf32>
    %sub3A = arith.constant 1.000000e+00 : f32
    %sub3A_28 = arith.subf %sub3A, %get3A_22 : f32
    %mul3A_29 = vector.broadcast %sub3A_28 : f32 to vector<400x128xf32>
    %mul3A_30 = arith.mulf %mul3A_29, %max3A_18 : vector<400x128xf32>
    %add3A_31 = arith.addf %mul3A_27, %mul3A_30 : vector<400x128xf32>
    %swap3A = arith.constant 0 : index
    %swap3A_32 = arith.constant 0 : index
    %swap3A_33 = vector.load %arg7[%swap3A, %swap3A_32] : memref<400x128xf32, #tpu.memory_space<vmem>>, vector<400x128xf32>
    tpu.vector_store %arg7[%swap3A, %swap3A_32], %add3A_31 {strides = array<i32>} : memref<400x128xf32, #tpu.memory_space<vmem>>, vector<400x128xf32>,
    %get3A_34 = arith.constant 0 : index
    %get3A_35 = arith.constant 0 : index
    %get3A_36 = vector.load %arg6[%get3A_34, %get3A_35] : memref<128x128xf32, #tpu.memory_space<vmem>>, vector<128x128xf32>
    %dot_general3A = arith.constant dense<0.000000e+00> : vector<400x128xf32>
    %dot_general3A_37 = tpu.matmul %add3A_31, %get3A_36, %dot_general3A {dimension_numbers = #tpu.dot_dimension_numbers<[1], [0], [0], [1], [0, 0, 1, 1], [], []>, transpose_lhs_hint = false} : vector<400x128xf32>, vector<128x128xf32>, vector<400x128xf32> -> vector<400x128xf32>
    %mul3A_38 = arith.mulf %dot_general3A_37, %get3A_1 : vector<400x128xf32>
    %swap3A_39 = arith.constant 0 : index
    %swap3A_40 = arith.constant 0 : index
    %swap3A_41 = vector.load %arg8[%swap3A_39, %swap3A_40] : memref<400x128xf32, #tpu.memory_space<vmem>>, vector<400x128xf32>
    tpu.vector_store %arg8[%swap3A_39, %swap3A_40], %mul3A_38 {strides = array<i32>} : memref<400x128xf32, #tpu.memory_space<vmem>>, vector<400x128xf32>,
    return
  }
  func.func @transform_0(%arg0: i32) -> (i32, i32, i32) {
    %c0_i32 = arith.constant 0 : i32
    %c0_i32_0 = arith.constant 0 : i32
    %c0_i32_1 = arith.constant 0 : i32
    return %c0_i32, %arg0, %c0_i32_0 : i32, i32, i32
  }
  func.func @transform_1(%arg0: i32) -> (i32, i32) {
    %c0_i32 = arith.constant 0 : i32
    %c0_i32_0 = arith.constant 0 : i32
    return %arg0, %c0_i32 : i32, i32
  }
  func.func @transform_2(%arg0: i32) -> (i32, i32) {
    %c0_i32 = arith.constant 0 : i32
    %c0_i32_0 = arith.constant 0 : i32
    return %arg0, %c0_i32 : i32, i32
  }
  func.func @transform_3(%arg0: i32) -> (i32, i32) {
    %c0_i32 = arith.constant 0 : i32
    %c0_i32_0 = arith.constant 0 : i32
    %c0_i32_1 = arith.constant 0 : i32
    return %c0_i32, %c0_i32_0 : i32, i32
  }
  func.func @transform_4(%arg0: i32) -> (i32, i32) {
    %c0_i32 = arith.constant 0 : i32
    %c0_i32_0 = arith.constant 0 : i32
    %c0_i32_1 = arith.constant 0 : i32
    return %c0_i32, %c0_i32_0 : i32, i32
  }
  func.func @transform_5(%arg0: i32) -> (i32, i32) {
    %c0_i32 = arith.constant 0 : i32
    %c0_i32_0 = arith.constant 0 : i32
    %c0_i32_1 = arith.constant 0 : i32
    return %c0_i32, %c0_i32_0 : i32, i32
  }
  func.func @transform_6(%arg0: i32) -> (i32, i32) {
    %c0_i32 = arith.constant 0 : i32
    %c0_i32_0 = arith.constant 0 : i32
    return %arg0, %c0_i32 : i32, i32
  }
  func.func @transform_7(%arg0: i32) -> (i32, i32) {
    %c0_i32 = arith.constant 0 : i32
    %c0_i32_0 = arith.constant 0 : i32
    return %arg0, %c0_i32 : i32, i32
  }
}

module attributes {stable_mosaic.version = 14 : i64} {
  func.func @_comb_body(%arg0: i32, %arg1: memref<2x400x128xf32, #tpu.memory_space<vmem>>, %arg2: memref<400x128xf32, #tpu.memory_space<vmem>>, %arg3: memref<400x128xf32, #tpu.memory_space<vmem>>, %arg4: memref<1x1xf32, #tpu.memory_space<vmem>>, %arg5: memref<1x128xf32, #tpu.memory_space<vmem>>, %arg6: memref<400x128xf32, #tpu.memory_space<vmem>>) attributes {dimension_semantics = [#tpu.dimension_semantics<arbitrary>], iteration_bounds = array<i64: 25>, scalar_prefetch = 0 : i64, scratch_operands = 0 : i64, tpu.core_type = #tpu.core_type<tc>, window_params = [{transform_indices = @transform_0, window_bounds = array<i64: 2, 400, 128>}, {transform_indices = @transform_1, window_bounds = array<i64: 400, 128>}, {transform_indices = @transform_2, window_bounds = array<i64: 400, 128>}, {pipeline_mode = #tpu.pipeline_mode<synchronous>, transform_indices = @transform_3, window_bounds = array<i64: 1, 1>}, {pipeline_mode = #tpu.pipeline_mode<synchronous>, transform_indices = @transform_4, window_bounds = array<i64: 1, 128>}, {transform_indices = @transform_5, window_bounds = array<i64: 400, 128>}]} {
    %get3A = arith.constant 0 : index
    %get3A_0 = arith.constant 0 : index
    %get3A_1 = vector.load %arg2[%get3A, %get3A_0] : memref<400x128xf32, #tpu.memory_space<vmem>>, vector<400x128xf32>
    %get3A_2 = arith.constant 0 : index
    %get3A_3 = arith.constant 0 : index
    %get3A_4 = arith.constant 0 : index
    %get3A_5 = vector.load %arg1[%get3A_2, %get3A_3, %get3A_4] : memref<2x400x128xf32, #tpu.memory_space<vmem>>, vector<1x400x128xf32>
    %get3A_6 = vector.shape_cast %get3A_5 : vector<1x400x128xf32> to vector<400x128xf32>
    %get3A_7 = arith.constant 1 : index
    %get3A_8 = arith.constant 0 : index
    %get3A_9 = arith.constant 0 : index
    %get3A_10 = vector.load %arg1[%get3A_7, %get3A_8, %get3A_9] : memref<2x400x128xf32, #tpu.memory_space<vmem>>, vector<1x400x128xf32>
    %get3A_11 = vector.shape_cast %get3A_10 : vector<1x400x128xf32> to vector<400x128xf32>
    %add3A = arith.addf %get3A_6, %get3A_11 : vector<400x128xf32>
    %mul3A = arith.mulf %add3A, %get3A_1 : vector<400x128xf32>
    %get3A_12 = arith.constant 0 : index
    %get3A_13 = arith.constant 0 : index
    %get3A_14 = vector.load %arg5[%get3A_12, %get3A_13] : memref<1x128xf32, #tpu.memory_space<vmem>>, vector<1x128xf32>
    %add3A_15 = vector.broadcast %get3A_14 : vector<1x128xf32> to vector<400x128xf32>
    %add3A_16 = arith.addf %mul3A, %add3A_15 : vector<400x128xf32>
    %max3A = arith.constant 0.000000e+00 : f32
    %max3A_17 = vector.broadcast %max3A : f32 to vector<400x128xf32>
    %max3A_18 = arith.maximumf %add3A_16, %max3A_17 : vector<400x128xf32>
    %get3A_19 = arith.constant 0 : index
    %get3A_20 = arith.constant 0 : index
    %get3A_21 = vector.load %arg4[%get3A_19, %get3A_20] : memref<1x1xf32, #tpu.memory_space<vmem>>, vector<1x1xf32>
    %get3A_22 = vector.extract %get3A_21[0, 0] : f32 from vector<1x1xf32>
    %get3A_23 = arith.constant 0 : index
    %get3A_24 = arith.constant 0 : index
    %get3A_25 = vector.load %arg3[%get3A_23, %get3A_24] : memref<400x128xf32, #tpu.memory_space<vmem>>, vector<400x128xf32>
    %mul3A_26 = vector.broadcast %get3A_22 : f32 to vector<400x128xf32>
    %mul3A_27 = arith.mulf %mul3A_26, %get3A_25 : vector<400x128xf32>
    %sub3A = arith.constant 1.000000e+00 : f32
    %sub3A_28 = arith.subf %sub3A, %get3A_22 : f32
    %mul3A_29 = vector.broadcast %sub3A_28 : f32 to vector<400x128xf32>
    %mul3A_30 = arith.mulf %mul3A_29, %max3A_18 : vector<400x128xf32>
    %add3A_31 = arith.addf %mul3A_27, %mul3A_30 : vector<400x128xf32>
    %swap3A = arith.constant 0 : index
    %swap3A_32 = arith.constant 0 : index
    %swap3A_33 = vector.load %arg6[%swap3A, %swap3A_32] : memref<400x128xf32, #tpu.memory_space<vmem>>, vector<400x128xf32>
    tpu.vector_store %arg6[%swap3A, %swap3A_32], %add3A_31 {strides = array<i32>} : memref<400x128xf32, #tpu.memory_space<vmem>>, vector<400x128xf32>,
    return
  }
  func.func @transform_0(%arg0: i32) -> (i32, i32, i32) {
    %c0_i32 = arith.constant 0 : i32
    %c0_i32_0 = arith.constant 0 : i32
    %c0_i32_1 = arith.constant 0 : i32
    return %c0_i32, %arg0, %c0_i32_0 : i32, i32, i32
  }
  func.func @transform_1(%arg0: i32) -> (i32, i32) {
    %c0_i32 = arith.constant 0 : i32
    %c0_i32_0 = arith.constant 0 : i32
    return %arg0, %c0_i32 : i32, i32
  }
  func.func @transform_2(%arg0: i32) -> (i32, i32) {
    %c0_i32 = arith.constant 0 : i32
    %c0_i32_0 = arith.constant 0 : i32
    return %arg0, %c0_i32 : i32, i32
  }
  func.func @transform_3(%arg0: i32) -> (i32, i32) {
    %c0_i32 = arith.constant 0 : i32
    %c0_i32_0 = arith.constant 0 : i32
    %c0_i32_1 = arith.constant 0 : i32
    return %c0_i32, %c0_i32_0 : i32, i32
  }
  func.func @transform_4(%arg0: i32) -> (i32, i32) {
    %c0_i32 = arith.constant 0 : i32
    %c0_i32_0 = arith.constant 0 : i32
    %c0_i32_1 = arith.constant 0 : i32
    return %c0_i32, %c0_i32_0 : i32, i32
  }
  func.func @transform_5(%arg0: i32) -> (i32, i32) {
    %c0_i32 = arith.constant 0 : i32
    %c0_i32_0 = arith.constant 0 : i32
    return %arg0, %c0_i32 : i32, i32
  }
}

</mosaic_0001>

<sc_bundles>
// kernel: kernel.12.cloned.1.call-start
scs
__scs_entry_jumppad:
0x0: {  	(pc) =	sbr.rel $0x88, $3  }
0x1: {  	(tag) =	ssettag $0x0;
	lr =	simm.s32 $0x1  }
0x2: {  	[smem:$0x3F98] =	sst lr;
	_ =	strace $0xD0000000  }
0x3: {  	_ = 	snop  }
0x4: {  	_ = 	snop  }
0x5: {  	_ = 	snop  }
0x6: {  	_ = 	snop  }
0x7: {  	_ = 	snop  }
__scs_overlays_trampoline_lowered:
0x8: {  	[smem:$0x3FA7] =	sst s0  }
0x9: {  	[smem:$0x3FA8] =	sst s1  }
0xa: {  	[smem:$0x3FA9] =	sst s2  }
0xb: {  	[smem:$0x3FAA] =	sst s3  }
0xc: {  	[smem:$0x3FAB] =	sst s4  }
0xd: {  	[smem:$0x3FAC] =	sst s5  }
0xe: {  	[smem:$0x3FAD] =	sst s6  }
0xf: {  	[smem:$0x3FAE] =	sst s7  }
0x10: {  	[smem:$0x3FAF] =	sst s8  }
0x11: {  	[smem:$0x3FB0] =	sst s9;
	s0 =	simm.s32 @!p0 $0x0  }
0x12: {  	s1 =	sld [smem:$0x3F96];
	s0 =	simm.s32 @p0 $0x1  }
0x13: {  	[smem:$0x3FB1] =	sst s0;
	s0 =	simm.s32 @!p1 $0x0  }
0x14: {  	s2 =	sld [smem:$0x3F95];
	s0 =	simm.s32 @p1 $0x1  }
0x15: {  	[smem:$0x3FB2] =	sst s0;
	s0 =	simm.s32 @!p2 $0x0  }
0x16: {  	s3 =	sld [smem:$0x3FDB];
	s0 =	simm.s32 @p2 $0x1  }
0x17: {  	s4 =	simm.s32 $0x1BF5;
	[smem:$0x3FB4] =	sst s0  }
0x18: {  	s0 =	sld [smem:$0x3F97];
	_ =	swait.ge [sflag:s4], $0x0  }
0x19: {  	s7 =	sld [smem:$0x3F98]  }
0x1a: {  	s8 =	sadd.s32 $0xFFFFE003, lr  }
0x1b: {  	s9 =	sadd.s32 $0xFFFFFEF7, lr;
	s5 =	simm.s32 $0xFFFFFFFF;
	p2 =	slt.u32 s8, $0xFFFFF086  }
0x1c: {  	p1 =	slt.u32 s9, $0xF7A;
	s5 =	simm.s32 @!p2 $0x0  }
0x1d: {  	s5 =	simm.s32 @p1 $0x1;
	p0 =	seq.s32 s7, s2  }
0x1e: {  	s7 =	smul.u32 @!p0 $0xF7A, s2;
	p2 =	seq.s32 @!p0 s5, $0x0  }
0x1f: {  	s9 =	smul.u32 $0xF7A, s1;
	s8 =	simm.s32 @!p0 $0x1BF5;
	p2 =	por !p2, p0  }
0x20: {  	[sflag:s8] =	ssyncset.s32 @!p0 $0xFFFFF086;
	s6 =	sadd.s32 @!p0 s3, s7;
	s7 =	simm.s32 @!p0 $0x108  }
0x21: {  	s3 =	sadd.s32 s3, s9;
	s6 =	sadd.s32 @!p0 $0x88, s6;
	s7 =	simm.s32 @p2 $0x1082  }
0x22: {  	[simem:s7], [sflag:s8] =	dma.local @!p0 [hbm:s6], $0xF7A  }
0x23: {  	s9 =	sor.u32 $0xD0000000, s2;
	s6 =	simm.s32 $0x108;
	_ =	swait.ge @!p0 [sflag:s8], $0x0  }
0x24: {  	s3 =	sadd.s32 $0x88, s3;
	s6 =	simm.s32 @!p1 $0x1082;
	[sflag:s4] =	ssyncset.s32 $0xFFFFF086  }
0x25: {  	[simem:s6], [sflag:s4] =	dma.local [hbm:s3], $0xF7A  }
0x26: {  	[smem:$0x3F98] =	sst s1;
	(tag) =	ssettag s2;
	_ =	strace s9  }
0x27: {  	s1 =	sld [smem:$0x3FA8]  }
0x28: {  	s2 =	sld [smem:$0x3FA9]  }
0x29: {  	s4 =	sld [smem:$0x3FAB]  }
0x2a: {  	p0 =	seq.s32 s5, $0x0;
	s5 =	sld [smem:$0x3FAC]  }
0x2b: {  	s6 =	sld [smem:$0x3FAD]  }
0x2c: {  	s7 =	sld [smem:$0x3FAE]  }
0x2d: {  	s3 =	simm.s32 $0x108;
	s8 =	sld [smem:$0x3FAF]  }
0x2e: {  	s3 =	simm.s32 @!p0 $0x1082;
	s9 =	sld [smem:$0x3FB0]  }
0x2f: {  	lr =	sadd.s32 s0, s3;
	s0 =	sld [smem:$0x3FA7]  }
0x30: {  	s3 =	sld [smem:$0x3FAA]  }
0x31: {  	[smem:$0x3FB3] =	sst s10  }
0x32: {  	s10 =	sld [smem:$0x3FB1];
	_ =	sdelay $0x3  }
0x33: {  	p0 =	seq.s32 s10, $0x1;
	s10 =	sld [smem:$0x3FB3];
	_ =	sdelay $0x3  }
0x34: {  	[smem:$0x3FB3] =	sst s10  }
0x35: {  	s10 =	sld [smem:$0x3FB2];
	_ =	sdelay $0x3  }
0x36: {  	p1 =	seq.s32 s10, $0x1;
	s10 =	sld [smem:$0x3FB3];
	_ =	sdelay $0x3  }
0x37: {  	[smem:$0x3FB3] =	sst s10  }
0x38: {  	s10 =	sld [smem:$0x3FB4]  }
0x39: {  	_ = 	snop;
	(pc) =	sbr.ind lr, $3  }
0x3a: {  	_ = 	snop  }
0x3b: {  	_ = 	snop  }
0x3c: {  	p2 =	seq.s32 s10, $0x1;
	s10 =	sld [smem:$0x3FB3]  }
0x3d: {  	_ =	shalt  }
0x3e: {  	_ =	shalt  }
0x3f: {  	_ =	shalt  }
0x40: {  	_ =	shalt  }
0x41: {  	_ =	shalt  }
0x42: {  	_ =	shalt  }
0x43: {  	_ =	shalt  }
0x44: {  	_ =	shalt  }
0x45: {  	_ =	shalt  }
0x46: {  	_ =	shalt  }
0x47: {  	_ =	shalt  }
0x48: {  	_ =	shalt  }
0x49: {  	_ =	shalt  }
0x4a: {  	_ =	shalt  }
0x4b: {  	_ =	shalt  }
0x4c: {  	_ =	shalt  }
0x4d: {  	_ =	shalt  }
0x4e: {  	_ =	shalt  }
0x4f: {  	_ =	shalt  }
0x50: {  	_ =	shalt  }
0x51: {  	_ =	shalt  }
0x52: {  	_ =	shalt  }
0x53: {  	_ =	shalt  }
0x54: {  	_ =	shalt  }
0x55: {  	_ =	shalt  }
0x56: {  	_ =	shalt  }
0x57: {  	_ =	shalt  }
0x58: {  	_ =	shalt  }
0x59: {  	_ =	shalt  }
0x5a: {  	_ =	shalt  }
0x5b: {  	_ =	shalt  }
0x5c: {  	_ =	shalt  }
0x5d: {  	_ =	shalt  }
0x5e: {  	_ =	shalt  }
0x5f: {  	_ =	shalt  }
0x60: {  	_ =	shalt  }
0x61: {  	_ =	shalt  }
0x62: {  	_ =	shalt  }
0x63: {  	_ =	shalt  }
0x64: {  	_ =	shalt  }
0x65: {  	_ =	shalt  }
0x66: {  	_ =	shalt  }
0x67: {  	_ =	shalt  }
0x68: {  	_ =	shalt  }
0x69: {  	_ =	shalt  }
0x6a: {  	_ =	shalt  }
0x6b: {  	_ =	shalt  }
0x6c: {  	_ =	shalt  }
0x6d: {  	_ =	shalt  }
0x6e: {  	_ =	shalt  }
0x6f: {  	_ =	shalt  }
0x70: {  	_ =	shalt  }
0x71: {  	_ =	shalt  }
0x72: {  	_ =	shalt  }
0x73: {  	_ =	shalt  }
0x74: {  	_ =	shalt  }
0x75: {  	_ =	shalt  }
0x76: {  	_ =	shalt  }
0x77: {  	_ =	shalt  }
0x78: {  	_ =	shalt  }
0x79: {  	_ =	shalt  }
0x7a: {  	_ =	shalt  }
0x7b: {  	_ =	shalt  }
0x7c: {  	_ =	shalt  }
0x7d: {  	_ =	shalt  }
0x7e: {  	_ =	shalt  }
0x7f: {  	_ =	shalt  }
0x80: {  	_ =	shalt  }
0x81: {  	_ =	shalt  }
0x82: {  	_ =	shalt  }
0x83: {  	_ =	shalt  }
0x84: {  	_ =	shalt  }
0x85: {  	_ =	shalt  }
0x86: {  	_ =	shalt  }
0x87: {  	_ =	shalt  }
.Lfunc_end0:
.L_simem_size_0:
called_computation.1_lowered:
.L_overlay_start_0:
0x88: {  	s2 =	sld [smem:$0x3FD9]  }
0x89: {  	s3 =	sld [smem:$0x3FFE];
	_ =	sdelay $0x1  }
0x8a: {  	s1 =	srdreg.scid  }
0x8b: {  	s0 =	sand.u32 $0x1, s1  }
0x8c: {  	s14 =	sshll.u32 s0, $0xA;
	s2 =	sadd.s32 s3, s2  }
0x8d: {  	s2 =	sadd.s32 s2, s14  }
0x8e: {  	[smem:$0x3FBF] =	sst s2  }
0x8f: {  	_ = 	snop  }
0x90: {  	s2 =	sld [smem:$0x3FD0];
	_ =	sdelay $0x2  }
0x91: {  	s15 =	simm.s32 $0xA;
	s4 =	simm.s32 $0x10  }
0x92: {  	[smem:s4], [sflag:s15] =	dma.local [hbm:s2], $0x1  }
0x93: {  	_ =	swait.eq [sflag:s15], $0x1  }
0x94: {  	[sflag:s15] =	ssyncset.done $0x0  }
0x95: {  	[sflag:s15] =	ssyncadd.s32 $0xFFFFFFFF  }
0x96: {  	s16 =	sld [smem:$0x11];
	(tm) =	ssettm $0x1  }
0x97: {  	s17 =	sld [smem:$0x3FFB];
	_ =	sdelay $0x3  }
0x98: {  	_ =	strace s17  }
0x99: {  	s3 =	sld [smem:$0x3FFC];
	_ =	sdelay $0x3  }
0x9a: {  	_ =	strace s3  }
0x9b: {  	s3 =	sld [smem:$0x3FFD];
	_ =	sdelay $0x3  }
0x9c: {  	_ =	strace s3  }
0x9d: {  	_ =	strace $0x8FFFFFFF  }
0x9e: {  	s18 =	sld [smem:$0x3FDB];
	_ =	sdelay $0x1  }
0x9f: {  	s19 =	simm.s32 $_scs_section_size  }
0xa0: {  	s5 =	simm.s32 $_size__tile_overlayer_lowered;
	s6 =	simm.s32 $_tile_overlayer_lowered  }
0xa1: {  	s22 =	simm.s32 $0x1BFF;
	s21 =	sshll.u32 s6, $0x1;
	s3 =	sadd.s32 s19, s18  }
0xa2: {  	s7 =	simm.s32 $0x0;
	s20 =	sshll.u32 s5, $0x1;
	s5 =	sadd.s32 s21, s3  }
0xa3: {  	[timem:s7], [sflag:s22] =	dma.local [hbm:s5], s20  }
0xa4: {  	_ =	swait.ge [sflag:s22], s20  }
0xa5: {  	s4 =	ssub.s32 $0x0, s20;
	[sflag:s22] =	ssyncset.done $0x0  }
0xa6: {  	[sflag:s22] =	ssyncadd.s32 s4;
	_ =	sdelay $0x1  }
0xa7: {  	s23 =	simm.s32 $0x1B8B  }
0xa8: {  	_ =	swait.ge [sflag:s23], $0x1  }
0xa9: {  	[sflag:s23] =	ssyncset.done $0x0  }
0xaa: {  	s25 =	simm.s32 $0x1B8E;
	s24 =	sld [smem:$0x3FFE];
	[sflag:s23] =	ssyncadd.s32 $0xFFFFFFFF  }
0xab: {  	s26 =	simm.s32 $execute0_lowered;
	[smem:$0x3FD2] =	sst s25  }
0xac: {  	s5 =	sshll.u32 s26, $0x1;
	_ =	strace $0x80000049;
	[dreg:$0x1] =	wrdreg $0xFFFFFFFF  }
0xad: {  	s28 =	simm.s32 $_size_execute0_lowered;
	s3 =	sadd.s32 s3, s5;
	[dreg:$0x0] =	wrdreg $0x0  }
0xae: {  	s5 =	sshll.u32 s28, $0x1;
	[dreg:$0x2] =	wrdreg s3  }
0xaf: {  	[dreg:$0x3] =	wrdreg s5  }
0xb0: {  	[dreg:$0x4] =	wrdreg $0xC0  }
0xb1: {  	_ =	task [dreg:s7], $0x5FFFF  }
0xb2: {  	[dreg:$0x1] =	wrdreg $0xFFFFFFFF  }
0xb3: {  	[dreg:$0x0] =	wrdreg $0x60  }
0xb4: {  	[dreg:$0x2] =	wrdreg s16  }
0xb5: {  	[dreg:$0x3] =	wrdreg s24  }
0xb6: {  	[dreg:$0x4] =	wrdreg $0x94000  }
0xb7: {  	[dreg:$0x5] =	wrdreg $0x9  }
0xb8: {  	_ =	task.clear_ibuf [dreg:s7], $0x6FFFF;
	_ =	strace $0x90000049  }
0xb9: {  	s29 =	simm.s32 $0x9;
	_ =	strace $0x8000004B  }
0xba: {  	_ =	swait.ge [sflag:s29], $0x1  }
0xbb: {  	[sflag:s29] =	ssyncadd.s32 $0xFFFFFFFF  }
0xbc: {  	_ =	strace $0x9000004B  }
0xbd: {  	_ =	sfence  }
0xbe: {  	s30 =	sld [smem:$0x0];
	_ =	sdelay $0x2  }
0xbf: {  	s31 =	sshll.u32 s1, $0xD;
	s1 =	sshrl.u32 s1, $0x2  }
0xc0: {  	s3 =	sand.u32 $0x4000, s31;
	s1 =	sadd.s32 s1, s30  }
0xc1: {  	s0 =	sor.u32 s3, s0;
	s1 =	sshll.u32 s1, $0x11  }
0xc2: {  	s0 =	sor.u32 s1, s0  }
0xc3: {  	s0 =	sadd.s32 $0x8F2B, s0  }
0xc4: {  	[sflag:s0] =	ssyncadd.remote.s32 $0x1  }
0xc5: {  	_ =	sfence.sel $0xFFFF  }
0xc6: {  	[dreg:$0x0] =	wrdreg $0xFFFFFFFF;
	(pc) =	sbr.abs _section_cstart, $3  }
0xc7: {  	[dreg:$0x1] =	wrdreg $0xFFFFFFFF  }
0xc8: {  	_ =	task.clear_ibuf [dreg:s7], $0x2FFFF;
	_ =	strace $0x9FFFFFFF  }
0xc9: {  	(tm) =	ssettm $0x7FFFFFFF  }
tec
execute0_lowered:
.L_overlay_start_1:
0x0: {  	(tag) =	ssettag $0x1  }
0x1: {  	s2 =	rddreg [dreg:$0x0]  }
0x2: {  	s0 =	rddreg [dreg:$0x1]  }
0x3: {  	s3 =	rddreg [dreg:$0x2];
	s10 =	stileid.u32  }
0x4: {  	s1 =	srdreg.scid;
	s4 =	simm.s32 $0x0;
	s28 =	simm.s32 $0x8  }
0x5: {  	s29 =	simm.s32 $0x100;
	s30 =	simm.s32 $0x200;
	s5 =	smul.u32 $0x13C00, s10  }
0x6: {  	s31 =	simm.s32 $0x300;
	s1 =	sand.u32 $0x1, s1;
	s19 =	smul.u32 $0x4F000, s10  }
0x7: {  	[smem:$0x7FF] =	sst s4;
	s11 =	sadd.s32 $0x79600, s0;
	s22 =	smul.u32 $0x6C00, s10  }
0x8: {  	s21 =	sshll.u32 s10, $0x6;
	s6 =	smul.u32 $0x13C000, s1;
	_ =	strace $0x8000004A  }
0x9: {  	s8 =	sshll.u32 s1, $0x4;
	s20 =	ssub.s32 $0x2, s1;
	s1 =	smul.u32 $0x6C000, s1  }
0xa: {  	s18 =	sor.u32 $0x1C08, s21;
	s7 =	sshrl.u32 s5, $0x3;
	s8 =	sor.u32 s10, s8  }
0xb: {  	s9 =	sshrl.u32 s20, $0x1;
	[dreg:$0x6] =	wrdreg s18;
	s7 =	sadd.s32 s7, s0  }
0xc: {  	s5 =	sadd.s32 s5, s6;
	s6 =	sshrl.u32 s19, $0x2;
	s8 =	smul.u32 $0x6C00, s8  }
0xd: {  	s1 =	sadd.s32 s22, s1;
	s5 =	sshrl.u32 s5, $0x3;
	s6 =	sadd.s32 s6, s3  }
0xe: {  	s7 =	sadd.s32 $0x2E00, s7;
	s25 =	sadd.s32 $0xF00, s1;
	s26 =	sadd.s32 $0xE00, s1  }
0xf: {  	s10 =	sadd.s32 $0xB00, s1;
	s12 =	sadd.s32 $0xA00, s1;
	s15 =	sadd.s32 $0xC00, s1  }
0x10: {  	s17 =	sadd.s32 $0x900, s1;
	s19 =	sadd.s32 $0x800, s1;
	s0 =	sadd.s32 s5, s0  }
0x11: {  	s5 =	ssub.s32 s20, s9;
	[dreg:$0x4] =	wrdreg s6;
	s8 =	sshrl.u32 s8, $0x3  }
0x12: {  	[dreg:$0x5] =	wrdreg s7;
	s6 =	sshrl.u32 s26, $0x3;
	s9 =	sadd.s32 $0xD00, s1  }
0x13: {  	s13 =	sshrl.u32 s10, $0x3;
	s14 =	sshrl.u32 s12, $0x3;
	[dreg:$0xf] =	wrdreg s15  }
0x14: {  	s20 =	sadd.s32 $0x700, s1;
	s10 =	simm.s32 $0x3400;
	s12 =	simm.s32 $0x3  }
0x15: {  	s15 =	simm.s32 $0x380;
	s7 =	sadd.s32 s11, s8;
	s0 =	sadd.s32 $0x2A600, s0  }
0x16: {  	s5 =	smax.u32 s5, $0x1;
	s8 =	sadd.s32 s6, s11;
	[dreg:$0xa] =	wrdreg s0  }
0x17: {  	s16 =	sadd.s32 s14, s11;
	s6 =	sshrl.u32 s20, $0x3;
	[dreg:$0xb] =	wrdreg s5  }
0x18: {  	s14 =	simm.s32 $0x280;
	s23 =	sadd.s32 $0x20, s7;
	[dreg:$0xd] =	wrdreg s8  }
0x19: {  	s24 =	sadd.s32 $0x40, s7;
	s0 =	sshrl.u32 s25, $0x3;
	[dreg:$0x11] =	wrdreg s16  }
0x1a: {  	s5 =	sshrl.u32 s19, $0x3;
	s22 =	sadd.s32 s6, s11;
	[dreg:$0x7] =	wrdreg s7  }
0x1b: {  	s26 =	sadd.s32 $0x60, s7;
	s6 =	simm.s32 $0x400;
	[dreg:$0x8] =	wrdreg s23  }
0x1c: {  	s7 =	simm.s32 $0x2;
	s8 =	simm.s32 $0x180;
	[dreg:$0x9] =	wrdreg s24  }
0x1d: {  	s19 =	simm.s32 $0x0;
	s0 =	sadd.s32 s0, s11;
	[dreg:$0x14] =	wrdreg s22  }
0x1e: {  	s21 =	sadd.s32 s5, s11;
	s23 =	sadd.s32 $0x600, s1;
	[dreg:$0x17] =	wrdreg s26  }
0x1f: {  	s24 =	sadd.s32 $0x500, s1;
	s1 =	sadd.s32 $0x400, s1;
	[dreg:$0xc] =	wrdreg s0  }
0x20: {  	s26 =	simm.s32 $0x4;
	s0 =	sshrl.u32 s9, $0x3;
	[dreg:$0x13] =	wrdreg s21  }
0x21: {  	s5 =	sshrl.u32 s24, $0x3;
	s1 =	sshrl.u32 s1, $0x3;
	s24 =	smov.u32 s11  }
0x22: {  	s9 =	simm.s32 $0x6;
	s0 =	sadd.s32 s0, s11;
	s25 =	sadd.s32 s5, s11  }
0x23: {  	s5 =	simm.s32 $0x7;
	[dreg:$0xe] =	wrdreg s0;
	s0 =	sadd.s32 s13, s11  }
.Ltmp0:
0x24: {  	[dreg:$0x10] =	wrdreg s0;
	s0 =	sshrl.u32 s17, $0x3;
	(pc) =	sbr.rel .LBB2_1-.Ltmp0, $4  }
0x25: {  	[dreg:$0x16] =	wrdreg s25;
	s25 =	sadd.s32 s1, s11;
	s0 =	sadd.s32 s0, s11  }
0x26: {  	s1 =	simm.s32 $0x60;
	[dreg:$0x12] =	wrdreg s0;
	s0 =	sshrl.u32 s23, $0x3  }
0x27: {  	s13 =	simm.s32 $0x6400;
	s17 =	simm.s32 $0x80;
	s0 =	sadd.s32 s0, s11  }
0x28: {  	s11 =	simm.s32 $0x5;
	[dreg:$0x15] =	wrdreg s0;
	s0 =	simm.s32 $0x1  }
.LBB2_4:
0x29: {  	[bflag:$0x0] =	sbarrier.arrive $0xFFFF  }
0x2a: {  	s18 =	rddreg [dreg:$0x6]  }
0x2b: {  	s16 =	rddreg [dreg:$0xa]  }
0x2c: {  	s19 =	rddreg [dreg:$0x19]  }
0x2d: {  	[hbm:s16], [sflag:s18] =	dma.local [spmem:s19], $0x2780  }
0x2e: {  	_ =	swait.ge [sflag:s28], $0x2780  }
0x2f: {  	s22 =	rddreg [dreg:$0x18]  }
0x30: {  	s23 =	rddreg [dreg:$0xb];
	s19 =	sadd.s32 $0x1, s22  }
0x31: {  	p0 =	sne.s32 s19, s23  }
.Ltmp1:
0x32: {  	_ = 	snop;
	(pc) =	sbr.rel @!p0 .LBB2_5-.Ltmp1, $3  }
0x33: {  	_ =	sdelay $0x1  }
0x34: {  	[sflag:s28] =	ssyncset.done $0x0  }
0x35: {  	[sflag:s28] =	ssyncadd.s32 $0xFFFFD880  }
.LBB2_1:
0x36: {  	[dreg:$0x18] =	wrdreg s19  }
0x37: {  	s16 =	rddreg [dreg:$0x4]  }
0x38: {  	s23 =	rddreg [dreg:$0x5];
	s22 =	sshrl.u32 s16, $0x3  }
0x39: {  	[dreg:$0x19] =	wrdreg s22  }
0x3a: {  	[spmem:s22], [sflag:s18] =	dma.local [hbm:s23], $0x2780  }
0x3b: {  	_ =	swait.ge [sflag:s28], $0x2780  }
0x3c: {  	[sflag:s28] =	ssyncset.done $0x0  }
0x3d: {  	s20 =	rddreg [dreg:$0x7];
	[sflag:s28] =	ssyncadd.s32 $0xFFFFD880  }
0x3e: {  	[tilespmem:s4], [sflag:$0x1] =	stream.linear.gather [hbm4b:s20+s4], $0x100, $0x38;
	[tilespmem:$0x1D000] =	vst v63  }
0x3f: {  	s21 =	rddreg [dreg:$0x8]  }
0x40: {  	[tilespmem:s29], [sflag:$0x2] =	stream.linear.gather [hbm4b:s21+s4], $0x100, $0x38;
	[tilespmem:$0x1D000] =	vst v63  }
0x41: {  	s22 =	rddreg [dreg:$0x9]  }
0x42: {  	[tilespmem:s30], [sflag:$0x3] =	stream.linear.gather [hbm4b:s22+s4], $0x100, $0x38;
	[tilespmem:$0x1D000] =	vst v63  }
0x43: {  	s23 =	rddreg [dreg:$0x17]  }
0x44: {  	[tilespmem:s31], [sflag:$0x4] =	stream.linear.gather [hbm4b:s23+s4], $0x100, $0x38;
	[tilespmem:$0x1D000] =	vst v63  }
0x45: {  	_ =	swait.ge [sflag:s0], $0x100  }
0x46: {  	[sflag:s0] =	ssyncset.done $0x0  }
0x47: {  	[sflag:s0] =	ssyncadd.s32 $0xFFFFFF00  }
0x48: {  	[tilespmem:s6], [sflag:$0x5] =	stream.indirect.gather [hbm4b:s2+s1], $0x80, s4, s1, $0xb8;
	[tilespmem:$0x1D000] =	vst v63  }
0x49: {  	_ =	swait.ge [sflag:s7], $0x100  }
0x4a: {  	[sflag:s7] =	ssyncset.done $0x0  }
0x4b: {  	[sflag:s7] =	ssyncadd.s32 $0xFFFFFF00  }
0x4c: {  	[tilespmem:s10], [sflag:$0x6] =	stream.indirect.gather [hbm4b:s2+s1], $0x80, s29, s1, $0xb8;
	[tilespmem:$0x1D000] =	vst v63  }
0x4d: {  	[bflag:$0x0] =	sbarrier.arrive $0xFFFF  }
0x4e: {  	s18 =	simm.s32 $0x0;
	s16 =	rddreg [dreg:$0xf]  }
.LBB2_2:
0x4f: {  	_ =	swait.ge [sflag:s11], $0x3000  }
0x50: {  	[sflag:s11] =	ssyncset.done $0x0  }
0x51: {  	[sflag:s11] =	ssyncadd.s32 $0xFFFFD000  }
0x52: {  	_ =	swait.ge [sflag:s12], $0x100  }
0x53: {  	[sflag:s12] =	ssyncset.done $0x0  }
0x54: {  	[sflag:s12] =	ssyncadd.s32 $0xFFFFFF00  }
0x55: {  	[tilespmem:s13], [sflag:$0x7] =	stream.indirect.gather [hbm4b:s2+s1], $0x80, s30, s1, $0xb8;
	[tilespmem:$0x1D000] =	vst v63  }
0x56: {  	_ = 	snop  }
0x57: {  	[spmem:s3] =	stream.indirect.scatter.add.f32 [tilespmem:s6], [sflag:$0x8], $0x80, s17, s1, $0xb8;
	[tilespmem:$0x1D000] =	vst v63  }
0x58: {  	_ =	swait.ge [sflag:s28], $0x3000  }
0x59: {  	[sflag:s28] =	ssyncset.done $0x0  }
0x5a: {  	s19 =	sadd.s32 s18, s25;
	[sflag:s28] =	ssyncadd.s32 $0xFFFFD000  }
0x5b: {  	[tilespmem:s4], [sflag:$0x1] =	stream.linear.gather [hbm4b:s19+s4], $0x100, $0x38;
	[tilespmem:$0x1D000] =	vst v63  }
0x5c: {  	_ =	swait.ge [sflag:s9], $0x3000  }
0x5d: {  	[sflag:s9] =	ssyncset.done $0x0  }
0x5e: {  	[sflag:s9] =	ssyncadd.s32 $0xFFFFD000  }
0x5f: {  	_ =	swait.ge [sflag:s26], $0x100  }
0x60: {  	[sflag:s26] =	ssyncset.done $0x0  }
0x61: {  	[sflag:s26] =	ssyncadd.s32 $0xFFFFFF00  }
0x62: {  	[tilespmem:s6], [sflag:$0x5] =	stream.indirect.gather [hbm4b:s2+s1], $0x80, s31, s1, $0xb8;
	[tilespmem:$0x1D000] =	vst v63  }
0x63: {  	_ = 	snop  }
0x64: {  	[spmem:s3] =	stream.indirect.scatter.add.f32 [tilespmem:s10], [sflag:$0x8], $0x80, s8, s1, $0xb8;
	[tilespmem:$0x1D000] =	vst v63  }
0x65: {  	_ =	swait.ge [sflag:s28], $0x3000  }
0x66: {  	[sflag:s28] =	ssyncset.done $0x0;
	s21 =	rddreg [dreg:$0x16]  }
0x67: {  	[sflag:s28] =	ssyncadd.s32 $0xFFFFD000;
	s19 =	sadd.s32 s18, s21  }
0x68: {  	[tilespmem:s29], [sflag:$0x2] =	stream.linear.gather [hbm4b:s19+s4], $0x100, $0x38;
	[tilespmem:$0x1D000] =	vst v63  }
0x69: {  	_ =	swait.ge [sflag:s5], $0x3000  }
0x6a: {  	[sflag:s5] =	ssyncset.done $0x0  }
0x6b: {  	[sflag:s5] =	ssyncadd.s32 $0xFFFFD000  }
0x6c: {  	_ =	swait.ge [sflag:s0], $0x100  }
0x6d: {  	[sflag:s0] =	ssyncset.done $0x0  }
0x6e: {  	[sflag:s0] =	ssyncadd.s32 $0xFFFFFF00  }
0x6f: {  	[tilespmem:s10], [sflag:$0x6] =	stream.indirect.gather [hbm4b:s2+s1], $0x80, s4, s1, $0xb8;
	[tilespmem:$0x1D000] =	vst v63  }
0x70: {  	_ = 	snop  }
0x71: {  	[spmem:s3] =	stream.indirect.scatter.add.f32 [tilespmem:s13], [sflag:$0x8], $0x80, s14, s1, $0xb8;
	[tilespmem:$0x1D000] =	vst v63  }
0x72: {  	_ =	swait.ge [sflag:s28], $0x3000  }
0x73: {  	[sflag:s28] =	ssyncset.done $0x0;
	s22 =	rddreg [dreg:$0x15]  }
0x74: {  	[sflag:s28] =	ssyncadd.s32 $0xFFFFD000;
	s19 =	sadd.s32 s18, s22  }
0x75: {  	[tilespmem:s30], [sflag:$0x3] =	stream.linear.gather [hbm4b:s19+s4], $0x100, $0x38;
	[tilespmem:$0x1D000] =	vst v63  }
0x76: {  	_ =	swait.ge [sflag:s11], $0x3000  }
0x77: {  	[sflag:s11] =	ssyncset.done $0x0  }
0x78: {  	[sflag:s11] =	ssyncadd.s32 $0xFFFFD000  }
0x79: {  	_ =	swait.ge [sflag:s7], $0x100  }
0x7a: {  	[sflag:s7] =	ssyncset.done $0x0  }
0x7b: {  	[sflag:s7] =	ssyncadd.s32 $0xFFFFFF00  }
0x7c: {  	[tilespmem:s13], [sflag:$0x7] =	stream.indirect.gather [hbm4b:s2+s1], $0x80, s29, s1, $0xb8;
	[tilespmem:$0x1D000] =	vst v63  }
0x7d: {  	_ = 	snop  }
0x7e: {  	[spmem:s3] =	stream.indirect.scatter.add.f32 [tilespmem:s6], [sflag:$0x8], $0x80, s15, s1, $0xb8;
	[tilespmem:$0x1D000] =	vst v63  }
0x7f: {  	_ =	swait.ge [sflag:s28], $0x3000  }
0x80: {  	[sflag:s28] =	ssyncset.done $0x0;
	s23 =	rddreg [dreg:$0x14]  }
0x81: {  	[sflag:s28] =	ssyncadd.s32 $0xFFFFD000;
	s19 =	sadd.s32 s18, s23  }
0x82: {  	[tilespmem:s31], [sflag:$0x4] =	stream.linear.gather [hbm4b:s19+s4], $0x100, $0x38;
	[tilespmem:$0x1D000] =	vst v63  }
0x83: {  	_ =	swait.ge [sflag:s9], $0x3000  }
0x84: {  	[sflag:s9] =	ssyncset.done $0x0  }
0x85: {  	[sflag:s9] =	ssyncadd.s32 $0xFFFFD000  }
0x86: {  	_ =	swait.ge [sflag:s12], $0x100  }
0x87: {  	[sflag:s12] =	ssyncset.done $0x0  }
0x88: {  	[sflag:s12] =	ssyncadd.s32 $0xFFFFFF00  }
0x89: {  	[tilespmem:s6], [sflag:$0x5] =	stream.indirect.gather [hbm4b:s2+s1], $0x80, s30, s1, $0xb8;
	[tilespmem:$0x1D000] =	vst v63  }
0x8a: {  	_ = 	snop  }
0x8b: {  	[spmem:s3] =	stream.indirect.scatter.add.f32 [tilespmem:s10], [sflag:$0x8], $0x80, s17, s1, $0xb8;
	[tilespmem:$0x1D000] =	vst v63  }
0x8c: {  	_ =	swait.ge [sflag:s28], $0x3000  }
0x8d: {  	[sflag:s28] =	ssyncset.done $0x0;
	s20 =	rddreg [dreg:$0x13]  }
0x8e: {  	[sflag:s28] =	ssyncadd.s32 $0xFFFFD000;
	s19 =	sadd.s32 s18, s20  }
0x8f: {  	[tilespmem:s4], [sflag:$0x1] =	stream.linear.gather [hbm4b:s19+s4], $0x100, $0x38;
	[tilespmem:$0x1D000] =	vst v63  }
0x90: {  	_ =	swait.ge [sflag:s5], $0x3000  }
0x91: {  	[sflag:s5] =	ssyncset.done $0x0  }
0x92: {  	[sflag:s5] =	ssyncadd.s32 $0xFFFFD000  }
0x93: {  	_ =	swait.ge [sflag:s26], $0x100  }
0x94: {  	[sflag:s26] =	ssyncset.done $0x0  }
0x95: {  	[sflag:s26] =	ssyncadd.s32 $0xFFFFFF00  }
0x96: {  	[tilespmem:s10], [sflag:$0x6] =	stream.indirect.gather [hbm4b:s2+s1], $0x80, s31, s1, $0xb8;
	[tilespmem:$0x1D000] =	vst v63  }
0x97: {  	_ = 	snop  }
0x98: {  	[spmem:s3] =	stream.indirect.scatter.add.f32 [tilespmem:s13], [sflag:$0x8], $0x80, s8, s1, $0xb8;
	[tilespmem:$0x1D000] =	vst v63  }
0x99: {  	_ =	swait.ge [sflag:s28], $0x3000  }
0x9a: {  	[sflag:s28] =	ssyncset.done $0x0;
	s21 =	rddreg [dreg:$0x12]  }
0x9b: {  	[sflag:s28] =	ssyncadd.s32 $0xFFFFD000;
	s19 =	sadd.s32 s18, s21  }
0x9c: {  	[tilespmem:s29], [sflag:$0x2] =	stream.linear.gather [hbm4b:s19+s4], $0x100, $0x38;
	[tilespmem:$0x1D000] =	vst v63  }
0x9d: {  	_ =	swait.ge [sflag:s11], $0x3000  }
0x9e: {  	[sflag:s11] =	ssyncset.done $0x0  }
0x9f: {  	[sflag:s11] =	ssyncadd.s32 $0xFFFFD000  }
0xa0: {  	_ =	swait.ge [sflag:s0], $0x100  }
0xa1: {  	[sflag:s0] =	ssyncset.done $0x0  }
0xa2: {  	[sflag:s0] =	ssyncadd.s32 $0xFFFFFF00  }
0xa3: {  	[tilespmem:s13], [sflag:$0x7] =	stream.indirect.gather [hbm4b:s2+s1], $0x80, s4, s1, $0xb8;
	[tilespmem:$0x1D000] =	vst v63  }
0xa4: {  	_ = 	snop  }
0xa5: {  	[spmem:s3] =	stream.indirect.scatter.add.f32 [tilespmem:s6], [sflag:$0x8], $0x80, s14, s1, $0xb8;
	[tilespmem:$0x1D000] =	vst v63  }
0xa6: {  	_ =	swait.ge [sflag:s28], $0x3000  }
0xa7: {  	[sflag:s28] =	ssyncset.done $0x0;
	s22 =	rddreg [dreg:$0x11]  }
0xa8: {  	[sflag:s28] =	ssyncadd.s32 $0xFFFFD000;
	s19 =	sadd.s32 s18, s22  }
0xa9: {  	[tilespmem:s30], [sflag:$0x3] =	stream.linear.gather [hbm4b:s19+s4], $0x100, $0x38;
	[tilespmem:$0x1D000] =	vst v63  }
0xaa: {  	_ =	swait.ge [sflag:s9], $0x3000  }
0xab: {  	[sflag:s9] =	ssyncset.done $0x0  }
0xac: {  	[sflag:s9] =	ssyncadd.s32 $0xFFFFD000  }
0xad: {  	_ =	swait.ge [sflag:s7], $0x100  }
0xae: {  	[sflag:s7] =	ssyncset.done $0x0  }
0xaf: {  	[sflag:s7] =	ssyncadd.s32 $0xFFFFFF00  }
0xb0: {  	[tilespmem:s6], [sflag:$0x5] =	stream.indirect.gather [hbm4b:s2+s1], $0x80, s29, s1, $0xb8;
	[tilespmem:$0x1D000] =	vst v63  }
0xb1: {  	_ = 	snop  }
0xb2: {  	[spmem:s3] =	stream.indirect.scatter.add.f32 [tilespmem:s10], [sflag:$0x8], $0x80, s15, s1, $0xb8;
	[tilespmem:$0x1D000] =	vst v63  }
0xb3: {  	_ =	swait.ge [sflag:s28], $0x3000  }
0xb4: {  	[sflag:s28] =	ssyncset.done $0x0;
	s23 =	rddreg [dreg:$0x10]  }
0xb5: {  	[sflag:s28] =	ssyncadd.s32 $0xFFFFD000;
	s19 =	sadd.s32 s18, s23  }
0xb6: {  	[tilespmem:s31], [sflag:$0x4] =	stream.linear.gather [hbm4b:s19+s4], $0x100, $0x38;
	[tilespmem:$0x1D000] =	vst v63  }
0xb7: {  	_ =	swait.ge [sflag:s5], $0x3000  }
0xb8: {  	[sflag:s5] =	ssyncset.done $0x0  }
0xb9: {  	[sflag:s5] =	ssyncadd.s32 $0xFFFFD000  }
0xba: {  	_ =	swait.ge [sflag:s12], $0x100  }
0xbb: {  	[sflag:s12] =	ssyncset.done $0x0  }
0xbc: {  	[sflag:s12] =	ssyncadd.s32 $0xFFFFFF00  }
0xbd: {  	[tilespmem:s10], [sflag:$0x6] =	stream.indirect.gather [hbm4b:s2+s1], $0x80, s30, s1, $0xb8;
	[tilespmem:$0x1D000] =	vst v63  }
0xbe: {  	_ = 	snop  }
0xbf: {  	[spmem:s3] =	stream.indirect.scatter.add.f32 [tilespmem:s13], [sflag:$0x8], $0x80, s17, s1, $0xb8;
	[tilespmem:$0x1D000] =	vst v63  }
0xc0: {  	p0 =	seq.s32 s18, $0xC00;
	_ =	swait.ge [sflag:s28], $0x3000  }
0xc1: {  	s19 =	sshrl.u32 @!p0 s16, $0x3;
	[sflag:s28] =	ssyncset.done $0x0  }
0xc2: {  	s20 =	simm.s32 @!p0 $0x0;
	s19 =	sadd.s32 @!p0 s24, s19;
	[sflag:s28] =	ssyncadd.s32 $0xFFFFD000  }
0xc3: {  	[tilespmem:s20], [sflag:$0x1] =	stream.linear.gather @!p0 [hbm4b:s19+s20], $0x100, $0x38;
	[tilespmem:$0x1D000] =	vst v63  }
0xc4: {  	_ =	swait.ge [sflag:s11], $0x3000  }
0xc5: {  	[sflag:s11] =	ssyncset.done $0x0  }
0xc6: {  	[sflag:s11] =	ssyncadd.s32 $0xFFFFD000  }
0xc7: {  	_ =	swait.ge [sflag:s26], $0x100  }
0xc8: {  	[sflag:s26] =	ssyncset.done $0x0  }
0xc9: {  	[sflag:s26] =	ssyncadd.s32 $0xFFFFFF00  }
0xca: {  	[tilespmem:s13], [sflag:$0x7] =	stream.indirect.gather [hbm4b:s2+s1], $0x80, s31, s1, $0xb8;
	[tilespmem:$0x1D000] =	vst v63  }
0xcb: {  	_ = 	snop  }
0xcc: {  	[spmem:s3] =	stream.indirect.scatter.add.f32 [tilespmem:s6], [sflag:$0x8], $0x80, s8, s1, $0xb8;
	[tilespmem:$0x1D000] =	vst v63  }
0xcd: {  	p1 =	sne.s32 s18, $0xC00;
	_ =	swait.ge [sflag:s28], $0x3000  }
0xce: {  	s21 =	simm.s32 @p1 $0x100;
	[sflag:s28] =	ssyncset.done $0x0;
	s19 =	rddreg [dreg:$0xe]  }
0xcf: {  	s20 =	simm.s32 @p1 $0x0;
	[sflag:s28] =	ssyncadd.s32 $0xFFFFD000;
	s19 =	sadd.s32 @p1 s18, s19  }
0xd0: {  	[tilespmem:s21], [sflag:$0x2] =	stream.linear.gather @p1 [hbm4b:s19+s20], $0x100, $0x38;
	[tilespmem:$0x1D000] =	vst v63  }
0xd1: {  	s19 =	simm.s32 @p1 $0x6  }
0xd2: {  	_ =	swait.ge @p1 [sflag:s19], $0x3000  }
0xd3: {  	[sflag:s19] =	ssyncset.done @p1 $0x0  }
0xd4: {  	[sflag:s19] =	ssyncadd.s32 @p1 $0xFFFFD000;
	s19 =	simm.s32 @p1 $0x1  }
0xd5: {  	_ =	swait.ge @p1 [sflag:s19], $0x100  }
0xd6: {  	[sflag:s19] =	ssyncset.done @p1 $0x0  }
0xd7: {  	s22 =	simm.s32 @p1 $0x400;
	[sflag:s19] =	ssyncadd.s32 @p1 $0xFFFFFF00;
	s19 =	simm.s32 @p1 $0x60  }
0xd8: {  	[tilespmem:s22], [sflag:$0x5] =	stream.indirect.gather @p1 [hbm4b:s2+s19], $0x80, s20, s19, $0xb8;
	[tilespmem:$0x1D000] =	vst v63  }
0xd9: {  	s22 =	simm.s32 @!p1 $0x6  }
0xda: {  	_ =	swait.ge @!p1 [sflag:s22], $0x3000  }
0xdb: {  	[sflag:s22] =	ssyncset.done @!p1 $0x0  }
0xdc: {  	[sflag:s22] =	ssyncadd.s32 @!p1 $0xFFFFD000  }
0xdd: {  	[spmem:s3] =	stream.indirect.scatter.add.f32 [tilespmem:s10], [sflag:$0x8], $0x80, s14, s1, $0xb8;
	[tilespmem:$0x1D000] =	vst v63  }
0xde: {  	_ =	swait.ge [sflag:s28], $0x3000  }
0xdf: {  	[sflag:s28] =	ssyncset.done $0x0;
	s22 =	rddreg [dreg:$0xd]  }
0xe0: {  	s23 =	simm.s32 @p1 $0x200;
	[sflag:s28] =	ssyncadd.s32 $0xFFFFD000;
	s22 =	sadd.s32 @p1 s18, s22  }
0xe1: {  	[tilespmem:s23], [sflag:$0x3] =	stream.linear.gather @p1 [hbm4b:s22+s20], $0x100, $0x38;
	[tilespmem:$0x1D000] =	vst v63  }
0xe2: {  	s20 =	simm.s32 @p1 $0x7  }
0xe3: {  	_ =	swait.ge @p1 [sflag:s20], $0x3000  }
0xe4: {  	[sflag:s20] =	ssyncset.done @p1 $0x0  }
0xe5: {  	[sflag:s20] =	ssyncadd.s32 @p1 $0xFFFFD000;
	s20 =	simm.s32 @p1 $0x2  }
0xe6: {  	_ =	swait.ge @p1 [sflag:s20], $0x100  }
0xe7: {  	[sflag:s20] =	ssyncset.done @p1 $0x0  }
0xe8: {  	[sflag:s20] =	ssyncadd.s32 @p1 $0xFFFFFF00;
	s20 =	simm.s32 @p1 $0x3400  }
0xe9: {  	[tilespmem:s20], [sflag:$0x6] =	stream.indirect.gather @p1 [hbm4b:s2+s19], $0x80, s21, s19, $0xb8;
	[tilespmem:$0x1D000] =	vst v63  }
0xea: {  	s19 =	simm.s32 @!p1 $0x7  }
0xeb: {  	_ =	swait.ge @!p1 [sflag:s19], $0x3000  }
0xec: {  	[sflag:s19] =	ssyncset.done @!p1 $0x0  }
.Ltmp2:
0xed: {  	[sflag:s19] =	ssyncadd.s32 @!p1 $0xFFFFD000;
	(pc) =	sbr.rel @p0 .LBB2_4-.Ltmp2, $4  }
0xee: {  	[spmem:s3] =	stream.indirect.scatter.add.f32 [tilespmem:s13], [sflag:$0x8], $0x80, s15, s1, $0xb8;
	[tilespmem:$0x1D000] =	vst v63  }
0xef: {  	_ =	swait.ge [sflag:s28], $0x3000  }
0xf0: {  	[sflag:s28] =	ssyncset.done $0x0  }
0xf1: {  	[sflag:s28] =	ssyncadd.s32 $0xFFFFD000  }
.Ltmp3:
0xf2: {  	(pc) =	sbr.rel .LBB2_2-.Ltmp3, $4  }
0xf3: {  	_ = 	snop  }
0xf4: {  	s19 =	rddreg [dreg:$0xc]  }
0xf5: {  	s16 =	sadd.s32 $0xC00, s16;
	s19 =	sadd.s32 s18, s19;
	s18 =	sadd.s32 $0x180, s18  }
0xf6: {  	[tilespmem:s31], [sflag:$0x4] =	stream.linear.gather [hbm4b:s19+s4], $0x100, $0x38;
	[tilespmem:$0x1D000] =	vst v63  }
.LBB2_5:
0xf7: {  	_ =	sfence.sel $0x180000  }
0xf8: {  	[bflag:$0x0] =	sbarrier.arrive $0xFFFF  }
0xf9: {  	_ =	strace $0x9000004A  }
0xfa: {  	s0 =	stileid.u32;
	[bflag:$0x2] =	sbarrier.arrive $0xFFFF  }
0xfb: {  	p0 =	sne.s32 s0, $0x0;
	s0 =	rddreg [dreg:$0x3]  }
0xfc: {  	s0 =	sadd.s32 @!p0 $0x100000, s0  }
0xfd: {  	[sflag:s0] =	ssyncadd.tile.s32 @!p0 $0x1;
	_ =	shalt  }
.Lfunc_end2:
_tile_overlayer_lowered:
.L_overlay_start_2:
0xfe: {  	(tag) =	ssettag $0x2  }
0xff: {  	s0 =	rddreg [dreg:$0x0];
	s2 =	stileid.u32  }
0x100: {  	s1 =	rddreg [dreg:$0x1];
	p0 =	sne.s32 s2, $0x0  }
0x101: {  	s3 =	rddreg [dreg:$0x2];
	[bflag:$0x3] =	sbarrier.arrive $0xFFFF;
	s2 =	simm.s32 @!p0 $0x1C08  }
0x102: {  	[timem:s3], [sflag:s2] =	dma.local @!p0 [hbm:s0], s1  }
0x103: {  	s0 =	simm.s32 @!p0 $0x8  }
0x104: {  	_ =	swait.ge @!p0 [sflag:s0], s1  }
0x105: {  	s1 =	ssub.s32 @!p0 $0x0, s1;
	[sflag:s0] =	ssyncset.done @!p0 $0x0  }
0x106: {  	[sflag:s0] =	ssyncadd.s32 @!p0 s1  }
0x107: {  	[bflag:$0x3] =	sbarrier.arrive $0xFFFF  }
0x108: {  	_ =	shalt  }

// kernel: kernel.15.cloned.1.call-start
scs
__scs_entry_jumppad:
0x0: {  	(pc) =	sbr.rel $0x88, $3  }
0x1: {  	(tag) =	ssettag $0x0;
	lr =	simm.s32 $0x1  }
0x2: {  	[smem:$0x3F98] =	sst lr;
	_ =	strace $0xD0000000  }
0x3: {  	_ = 	snop  }
0x4: {  	_ = 	snop  }
0x5: {  	_ = 	snop  }
0x6: {  	_ = 	snop  }
0x7: {  	_ = 	snop  }
__scs_overlays_trampoline_lowered:
0x8: {  	[smem:$0x3FA7] =	sst s0  }
0x9: {  	[smem:$0x3FA8] =	sst s1  }
0xa: {  	[smem:$0x3FA9] =	sst s2  }
0xb: {  	[smem:$0x3FAA] =	sst s3  }
0xc: {  	[smem:$0x3FAB] =	sst s4  }
0xd: {  	[smem:$0x3FAC] =	sst s5  }
0xe: {  	[smem:$0x3FAD] =	sst s6  }
0xf: {  	[smem:$0x3FAE] =	sst s7  }
0x10: {  	[smem:$0x3FAF] =	sst s8  }
0x11: {  	[smem:$0x3FB0] =	sst s9;
	s0 =	simm.s32 @!p0 $0x0  }
0x12: {  	s1 =	sld [smem:$0x3F96];
	s0 =	simm.s32 @p0 $0x1  }
0x13: {  	[smem:$0x3FB1] =	sst s0;
	s0 =	simm.s32 @!p1 $0x0  }
0x14: {  	s2 =	sld [smem:$0x3F95];
	s0 =	simm.s32 @p1 $0x1  }
0x15: {  	[smem:$0x3FB2] =	sst s0;
	s0 =	simm.s32 @!p2 $0x0  }
0x16: {  	s3 =	sld [smem:$0x3FDB];
	s0 =	simm.s32 @p2 $0x1  }
0x17: {  	s4 =	simm.s32 $0x1BF5;
	[smem:$0x3FB4] =	sst s0  }
0x18: {  	s0 =	sld [smem:$0x3F97];
	_ =	swait.ge [sflag:s4], $0x0  }
0x19: {  	s7 =	sld [smem:$0x3F98]  }
0x1a: {  	s8 =	sadd.s32 $0xFFFFE003, lr  }
0x1b: {  	s9 =	sadd.s32 $0xFFFFFEF7, lr;
	s5 =	simm.s32 $0xFFFFFFFF;
	p2 =	slt.u32 s8, $0xFFFFF086  }
0x1c: {  	p1 =	slt.u32 s9, $0xF7A;
	s5 =	simm.s32 @!p2 $0x0  }
0x1d: {  	s5 =	simm.s32 @p1 $0x1;
	p0 =	seq.s32 s7, s2  }
0x1e: {  	s7 =	smul.u32 @!p0 $0xF7A, s2;
	p2 =	seq.s32 @!p0 s5, $0x0  }
0x1f: {  	s9 =	smul.u32 $0xF7A, s1;
	s8 =	simm.s32 @!p0 $0x1BF5;
	p2 =	por !p2, p0  }
0x20: {  	[sflag:s8] =	ssyncset.s32 @!p0 $0xFFFFF086;
	s6 =	sadd.s32 @!p0 s3, s7;
	s7 =	simm.s32 @!p0 $0x108  }
0x21: {  	s3 =	sadd.s32 s3, s9;
	s6 =	sadd.s32 @!p0 $0x88, s6;
	s7 =	simm.s32 @p2 $0x1082  }
0x22: {  	[simem:s7], [sflag:s8] =	dma.local @!p0 [hbm:s6], $0xF7A  }
0x23: {  	s9 =	sor.u32 $0xD0000000, s2;
	s6 =	simm.s32 $0x108;
	_ =	swait.ge @!p0 [sflag:s8], $0x0  }
0x24: {  	s3 =	sadd.s32 $0x88, s3;
	s6 =	simm.s32 @!p1 $0x1082;
	[sflag:s4] =	ssyncset.s32 $0xFFFFF086  }
0x25: {  	[simem:s6], [sflag:s4] =	dma.local [hbm:s3], $0xF7A  }
0x26: {  	[smem:$0x3F98] =	sst s1;
	(tag) =	ssettag s2;
	_ =	strace s9  }
0x27: {  	s1 =	sld [smem:$0x3FA8]  }
0x28: {  	s2 =	sld [smem:$0x3FA9]  }
0x29: {  	s4 =	sld [smem:$0x3FAB]  }
0x2a: {  	p0 =	seq.s32 s5, $0x0;
	s5 =	sld [smem:$0x3FAC]  }
0x2b: {  	s6 =	sld [smem:$0x3FAD]  }
0x2c: {  	s7 =	sld [smem:$0x3FAE]  }
0x2d: {  	s3 =	simm.s32 $0x108;
	s8 =	sld [smem:$0x3FAF]  }
0x2e: {  	s3 =	simm.s32 @!p0 $0x1082;
	s9 =	sld [smem:$0x3FB0]  }
0x2f: {  	lr =	sadd.s32 s0, s3;
	s0 =	sld [smem:$0x3FA7]  }
0x30: {  	s3 =	sld [smem:$0x3FAA]  }
0x31: {  	[smem:$0x3FB3] =	sst s10  }
0x32: {  	s10 =	sld [smem:$0x3FB1];
	_ =	sdelay $0x3  }
0x33: {  	p0 =	seq.s32 s10, $0x1;
	s10 =	sld [smem:$0x3FB3];
	_ =	sdelay $0x3  }
0x34: {  	[smem:$0x3FB3] =	sst s10  }
0x35: {  	s10 =	sld [smem:$0x3FB2];
	_ =	sdelay $0x3  }
0x36: {  	p1 =	seq.s32 s10, $0x1;
	s10 =	sld [smem:$0x3FB3];
	_ =	sdelay $0x3  }
0x37: {  	[smem:$0x3FB3] =	sst s10  }
0x38: {  	s10 =	sld [smem:$0x3FB4]  }
0x39: {  	_ = 	snop;
	(pc) =	sbr.ind lr, $3  }
0x3a: {  	_ = 	snop  }
0x3b: {  	_ = 	snop  }
0x3c: {  	p2 =	seq.s32 s10, $0x1;
	s10 =	sld [smem:$0x3FB3]  }
0x3d: {  	_ =	shalt  }
0x3e: {  	_ =	shalt  }
0x3f: {  	_ =	shalt  }
0x40: {  	_ =	shalt  }
0x41: {  	_ =	shalt  }
0x42: {  	_ =	shalt  }
0x43: {  	_ =	shalt  }
0x44: {  	_ =	shalt  }
0x45: {  	_ =	shalt  }
0x46: {  	_ =	shalt  }
0x47: {  	_ =	shalt  }
0x48: {  	_ =	shalt  }
0x49: {  	_ =	shalt  }
0x4a: {  	_ =	shalt  }
0x4b: {  	_ =	shalt  }
0x4c: {  	_ =	shalt  }
0x4d: {  	_ =	shalt  }
0x4e: {  	_ =	shalt  }
0x4f: {  	_ =	shalt  }
0x50: {  	_ =	shalt  }
0x51: {  	_ =	shalt  }
0x52: {  	_ =	shalt  }
0x53: {  	_ =	shalt  }
0x54: {  	_ =	shalt  }
0x55: {  	_ =	shalt  }
0x56: {  	_ =	shalt  }
0x57: {  	_ =	shalt  }
0x58: {  	_ =	shalt  }
0x59: {  	_ =	shalt  }
0x5a: {  	_ =	shalt  }
0x5b: {  	_ =	shalt  }
0x5c: {  	_ =	shalt  }
0x5d: {  	_ =	shalt  }
0x5e: {  	_ =	shalt  }
0x5f: {  	_ =	shalt  }
0x60: {  	_ =	shalt  }
0x61: {  	_ =	shalt  }
0x62: {  	_ =	shalt  }
0x63: {  	_ =	shalt  }
0x64: {  	_ =	shalt  }
0x65: {  	_ =	shalt  }
0x66: {  	_ =	shalt  }
0x67: {  	_ =	shalt  }
0x68: {  	_ =	shalt  }
0x69: {  	_ =	shalt  }
0x6a: {  	_ =	shalt  }
0x6b: {  	_ =	shalt  }
0x6c: {  	_ =	shalt  }
0x6d: {  	_ =	shalt  }
0x6e: {  	_ =	shalt  }
0x6f: {  	_ =	shalt  }
0x70: {  	_ =	shalt  }
0x71: {  	_ =	shalt  }
0x72: {  	_ =	shalt  }
0x73: {  	_ =	shalt  }
0x74: {  	_ =	shalt  }
0x75: {  	_ =	shalt  }
0x76: {  	_ =	shalt  }
0x77: {  	_ =	shalt  }
0x78: {  	_ =	shalt  }
0x79: {  	_ =	shalt  }
0x7a: {  	_ =	shalt  }
0x7b: {  	_ =	shalt  }
0x7c: {  	_ =	shalt  }
0x7d: {  	_ =	shalt  }
0x7e: {  	_ =	shalt  }
0x7f: {  	_ =	shalt  }
0x80: {  	_ =	shalt  }
0x81: {  	_ =	shalt  }
0x82: {  	_ =	shalt  }
0x83: {  	_ =	shalt  }
0x84: {  	_ =	shalt  }
0x85: {  	_ =	shalt  }
0x86: {  	_ =	shalt  }
0x87: {  	_ =	shalt  }
.Lfunc_end0:
.L_simem_size_0:
called_computation.2_lowered:
.L_overlay_start_0:
0x88: {  	s2 =	sld [smem:$0x3FD9]  }
0x89: {  	s3 =	sld [smem:$0x3FFE];
	_ =	sdelay $0x1  }
0x8a: {  	s1 =	srdreg.scid  }
0x8b: {  	s0 =	sand.u32 $0x1, s1  }
0x8c: {  	s14 =	sshll.u32 s0, $0xA;
	s2 =	sadd.s32 s3, s2  }
0x8d: {  	s2 =	sadd.s32 s2, s14  }
0x8e: {  	[smem:$0x3FBF] =	sst s2  }
0x8f: {  	_ = 	snop  }
0x90: {  	s2 =	sld [smem:$0x3FD0];
	_ =	sdelay $0x2  }
0x91: {  	s15 =	simm.s32 $0xA;
	s4 =	simm.s32 $0x10  }
0x92: {  	[smem:s4], [sflag:s15] =	dma.local [hbm:s2], $0x1  }
0x93: {  	_ =	swait.eq [sflag:s15], $0x1  }
0x94: {  	[sflag:s15] =	ssyncset.done $0x0  }
0x95: {  	[sflag:s15] =	ssyncadd.s32 $0xFFFFFFFF  }
0x96: {  	s16 =	sld [smem:$0x11];
	(tm) =	ssettm $0x1  }
0x97: {  	s17 =	sld [smem:$0x3FFB];
	_ =	sdelay $0x3  }
0x98: {  	_ =	strace s17  }
0x99: {  	s3 =	sld [smem:$0x3FFC];
	_ =	sdelay $0x3  }
0x9a: {  	_ =	strace s3  }
0x9b: {  	s3 =	sld [smem:$0x3FFD];
	_ =	sdelay $0x3  }
0x9c: {  	_ =	strace s3  }
0x9d: {  	_ =	strace $0x8FFFFFFF  }
0x9e: {  	s18 =	sld [smem:$0x3FDB];
	_ =	sdelay $0x1  }
0x9f: {  	s19 =	simm.s32 $_scs_section_size  }
0xa0: {  	s5 =	simm.s32 $_size__tile_overlayer_lowered;
	s6 =	simm.s32 $_tile_overlayer_lowered  }
0xa1: {  	s22 =	simm.s32 $0x1BFF;
	s21 =	sshll.u32 s6, $0x1;
	s3 =	sadd.s32 s19, s18  }
0xa2: {  	s7 =	simm.s32 $0x0;
	s20 =	sshll.u32 s5, $0x1;
	s5 =	sadd.s32 s21, s3  }
0xa3: {  	[timem:s7], [sflag:s22] =	dma.local [hbm:s5], s20  }
0xa4: {  	_ =	swait.ge [sflag:s22], s20  }
0xa5: {  	s4 =	ssub.s32 $0x0, s20;
	[sflag:s22] =	ssyncset.done $0x0  }
0xa6: {  	[sflag:s22] =	ssyncadd.s32 s4;
	_ =	sdelay $0x1  }
0xa7: {  	s23 =	simm.s32 $0x1B8B  }
0xa8: {  	_ =	swait.ge [sflag:s23], $0x1  }
0xa9: {  	[sflag:s23] =	ssyncset.done $0x0  }
0xaa: {  	s25 =	simm.s32 $0x1B8E;
	s24 =	sld [smem:$0x3FFE];
	[sflag:s23] =	ssyncadd.s32 $0xFFFFFFFF  }
0xab: {  	s26 =	simm.s32 $execute0_lowered;
	[smem:$0x3FD2] =	sst s25  }
0xac: {  	s5 =	sshll.u32 s26, $0x1;
	_ =	strace $0x8000004C;
	[dreg:$0x1] =	wrdreg $0xFFFFFFFF  }
0xad: {  	s28 =	simm.s32 $_size_execute0_lowered;
	s3 =	sadd.s32 s3, s5;
	[dreg:$0x0] =	wrdreg $0x0  }
0xae: {  	s5 =	sshll.u32 s28, $0x1;
	[dreg:$0x2] =	wrdreg s3  }
0xaf: {  	[dreg:$0x3] =	wrdreg s5  }
0xb0: {  	[dreg:$0x4] =	wrdreg $0xC0  }
0xb1: {  	_ =	task [dreg:s7], $0x5FFFF  }
0xb2: {  	[dreg:$0x1] =	wrdreg $0xFFFFFFFF  }
0xb3: {  	[dreg:$0x0] =	wrdreg $0x60  }
0xb4: {  	[dreg:$0x2] =	wrdreg s16  }
0xb5: {  	[dreg:$0x3] =	wrdreg s24  }
0xb6: {  	[dreg:$0x4] =	wrdreg $0x94000  }
0xb7: {  	[dreg:$0x5] =	wrdreg $0x9  }
0xb8: {  	_ =	task.clear_ibuf [dreg:s7], $0x6FFFF;
	_ =	strace $0x9000004C  }
0xb9: {  	s29 =	simm.s32 $0x9;
	_ =	strace $0x8000004E  }
0xba: {  	_ =	swait.ge [sflag:s29], $0x1  }
0xbb: {  	[sflag:s29] =	ssyncadd.s32 $0xFFFFFFFF  }
0xbc: {  	_ =	strace $0x9000004E  }
0xbd: {  	_ =	sfence  }
0xbe: {  	s30 =	sld [smem:$0x0];
	_ =	sdelay $0x2  }
0xbf: {  	s31 =	sshll.u32 s1, $0xD;
	s1 =	sshrl.u32 s1, $0x2  }
0xc0: {  	s3 =	sand.u32 $0x4000, s31;
	s1 =	sadd.s32 s1, s30  }
0xc1: {  	s0 =	sor.u32 s3, s0;
	s1 =	sshll.u32 s1, $0x11  }
0xc2: {  	s0 =	sor.u32 s1, s0  }
0xc3: {  	s0 =	sadd.s32 $0x8F2B, s0  }
0xc4: {  	[sflag:s0] =	ssyncadd.remote.s32 $0x1  }
0xc5: {  	_ =	sfence.sel $0xFFFF  }
0xc6: {  	[dreg:$0x0] =	wrdreg $0xFFFFFFFF;
	(pc) =	sbr.abs _section_cstart, $3  }
0xc7: {  	[dreg:$0x1] =	wrdreg $0xFFFFFFFF  }
0xc8: {  	_ =	task.clear_ibuf [dreg:s7], $0x2FFFF;
	_ =	strace $0x9FFFFFFF  }
0xc9: {  	(tm) =	ssettm $0x7FFFFFFF  }
tec
execute0_lowered:
.L_overlay_start_1:
0x0: {  	(tag) =	ssettag $0x1  }
0x1: {  	s2 =	rddreg [dreg:$0x0]  }
0x2: {  	s0 =	rddreg [dreg:$0x1]  }
0x3: {  	s3 =	rddreg [dreg:$0x2];
	s10 =	stileid.u32  }
0x4: {  	s1 =	srdreg.scid;
	s4 =	simm.s32 $0x0;
	s28 =	simm.s32 $0x8  }
0x5: {  	s29 =	simm.s32 $0x100;
	s30 =	simm.s32 $0x200;
	s5 =	smul.u32 $0x13C00, s10  }
0x6: {  	s31 =	simm.s32 $0x300;
	s1 =	sand.u32 $0x1, s1;
	s19 =	smul.u32 $0x4F000, s10  }
0x7: {  	[smem:$0x7FF] =	sst s4;
	s11 =	sadd.s32 $0x79600, s0;
	s22 =	smul.u32 $0x6C00, s10  }
0x8: {  	s21 =	sshll.u32 s10, $0x6;
	s6 =	smul.u32 $0x13C000, s1;
	_ =	strace $0x8000004D  }
0x9: {  	s8 =	sshll.u32 s1, $0x4;
	s20 =	ssub.s32 $0x2, s1;
	s1 =	smul.u32 $0x6C000, s1  }
0xa: {  	s18 =	sor.u32 $0x1C08, s21;
	s7 =	sshrl.u32 s5, $0x3;
	s8 =	sor.u32 s10, s8  }
0xb: {  	s9 =	sshrl.u32 s20, $0x1;
	[dreg:$0x6] =	wrdreg s18;
	s7 =	sadd.s32 s7, s0  }
0xc: {  	s5 =	sadd.s32 s5, s6;
	s6 =	sshrl.u32 s19, $0x2;
	s8 =	smul.u32 $0x6C00, s8  }
0xd: {  	s1 =	sadd.s32 s22, s1;
	s5 =	sshrl.u32 s5, $0x3;
	s6 =	sadd.s32 s6, s3  }
0xe: {  	s7 =	sadd.s32 $0x2E00, s7;
	s25 =	sadd.s32 $0xF00, s1;
	s26 =	sadd.s32 $0xE00, s1  }
0xf: {  	s10 =	sadd.s32 $0xB00, s1;
	s12 =	sadd.s32 $0xA00, s1;
	s15 =	sadd.s32 $0xC00, s1  }
0x10: {  	s17 =	sadd.s32 $0x900, s1;
	s19 =	sadd.s32 $0x800, s1;
	s0 =	sadd.s32 s5, s0  }
0x11: {  	s5 =	ssub.s32 s20, s9;
	[dreg:$0x4] =	wrdreg s6;
	s8 =	sshrl.u32 s8, $0x3  }
0x12: {  	[dreg:$0x5] =	wrdreg s7;
	s6 =	sshrl.u32 s26, $0x3;
	s9 =	sadd.s32 $0xD00, s1  }
0x13: {  	s13 =	sshrl.u32 s10, $0x3;
	s14 =	sshrl.u32 s12, $0x3;
	[dreg:$0xf] =	wrdreg s15  }
0x14: {  	s20 =	sadd.s32 $0x700, s1;
	s10 =	simm.s32 $0x3400;
	s12 =	simm.s32 $0x3  }
0x15: {  	s15 =	simm.s32 $0x380;
	s7 =	sadd.s32 s11, s8;
	s0 =	sadd.s32 $0x2A600, s0  }
0x16: {  	s5 =	smax.u32 s5, $0x1;
	s8 =	sadd.s32 s6, s11;
	[dreg:$0xa] =	wrdreg s0  }
0x17: {  	s16 =	sadd.s32 s14, s11;
	s6 =	sshrl.u32 s20, $0x3;
	[dreg:$0xb] =	wrdreg s5  }
0x18: {  	s14 =	simm.s32 $0x280;
	s23 =	sadd.s32 $0x20, s7;
	[dreg:$0xd] =	wrdreg s8  }
0x19: {  	s24 =	sadd.s32 $0x40, s7;
	s0 =	sshrl.u32 s25, $0x3;
	[dreg:$0x11] =	wrdreg s16  }
0x1a: {  	s5 =	sshrl.u32 s19, $0x3;
	s22 =	sadd.s32 s6, s11;
	[dreg:$0x7] =	wrdreg s7  }
0x1b: {  	s26 =	sadd.s32 $0x60, s7;
	s6 =	simm.s32 $0x400;
	[dreg:$0x8] =	wrdreg s23  }
0x1c: {  	s7 =	simm.s32 $0x2;
	s8 =	simm.s32 $0x180;
	[dreg:$0x9] =	wrdreg s24  }
0x1d: {  	s19 =	simm.s32 $0x0;
	s0 =	sadd.s32 s0, s11;
	[dreg:$0x14] =	wrdreg s22  }
0x1e: {  	s21 =	sadd.s32 s5, s11;
	s23 =	sadd.s32 $0x600, s1;
	[dreg:$0x17] =	wrdreg s26  }
0x1f: {  	s24 =	sadd.s32 $0x500, s1;
	s1 =	sadd.s32 $0x400, s1;
	[dreg:$0xc] =	wrdreg s0  }
0x20: {  	s26 =	simm.s32 $0x4;
	s0 =	sshrl.u32 s9, $0x3;
	[dreg:$0x13] =	wrdreg s21  }
0x21: {  	s5 =	sshrl.u32 s24, $0x3;
	s1 =	sshrl.u32 s1, $0x3;
	s24 =	smov.u32 s11  }
0x22: {  	s9 =	simm.s32 $0x6;
	s0 =	sadd.s32 s0, s11;
	s25 =	sadd.s32 s5, s11  }
0x23: {  	s5 =	simm.s32 $0x7;
	[dreg:$0xe] =	wrdreg s0;
	s0 =	sadd.s32 s13, s11  }
.Ltmp0:
0x24: {  	[dreg:$0x10] =	wrdreg s0;
	s0 =	sshrl.u32 s17, $0x3;
	(pc) =	sbr.rel .LBB2_1-.Ltmp0, $4  }
0x25: {  	[dreg:$0x16] =	wrdreg s25;
	s25 =	sadd.s32 s1, s11;
	s0 =	sadd.s32 s0, s11  }
0x26: {  	s1 =	simm.s32 $0x60;
	[dreg:$0x12] =	wrdreg s0;
	s0 =	sshrl.u32 s23, $0x3  }
0x27: {  	s13 =	simm.s32 $0x6400;
	s17 =	simm.s32 $0x80;
	s0 =	sadd.s32 s0, s11  }
0x28: {  	s11 =	simm.s32 $0x5;
	[dreg:$0x15] =	wrdreg s0;
	s0 =	simm.s32 $0x1  }
.LBB2_4:
0x29: {  	[bflag:$0x0] =	sbarrier.arrive $0xFFFF  }
0x2a: {  	s18 =	rddreg [dreg:$0x6]  }
0x2b: {  	s16 =	rddreg [dreg:$0xa]  }
0x2c: {  	s19 =	rddreg [dreg:$0x19]  }
0x2d: {  	[hbm:s16], [sflag:s18] =	dma.local [spmem:s19], $0x2780  }
0x2e: {  	_ =	swait.ge [sflag:s28], $0x2780  }
0x2f: {  	s22 =	rddreg [dreg:$0x18]  }
0x30: {  	s23 =	rddreg [dreg:$0xb];
	s19 =	sadd.s32 $0x1, s22  }
0x31: {  	p0 =	sne.s32 s19, s23  }
.Ltmp1:
0x32: {  	_ = 	snop;
	(pc) =	sbr.rel @!p0 .LBB2_5-.Ltmp1, $3  }
0x33: {  	_ =	sdelay $0x1  }
0x34: {  	[sflag:s28] =	ssyncset.done $0x0  }
0x35: {  	[sflag:s28] =	ssyncadd.s32 $0xFFFFD880  }
.LBB2_1:
0x36: {  	[dreg:$0x18] =	wrdreg s19  }
0x37: {  	s16 =	rddreg [dreg:$0x4]  }
0x38: {  	s23 =	rddreg [dreg:$0x5];
	s22 =	sshrl.u32 s16, $0x3  }
0x39: {  	[dreg:$0x19] =	wrdreg s22  }
0x3a: {  	[spmem:s22], [sflag:s18] =	dma.local [hbm:s23], $0x2780  }
0x3b: {  	_ =	swait.ge [sflag:s28], $0x2780  }
0x3c: {  	[sflag:s28] =	ssyncset.done $0x0  }
0x3d: {  	s20 =	rddreg [dreg:$0x7];
	[sflag:s28] =	ssyncadd.s32 $0xFFFFD880  }
0x3e: {  	[tilespmem:s4], [sflag:$0x1] =	stream.linear.gather [hbm4b:s20+s4], $0x100, $0x38;
	[tilespmem:$0x1D000] =	vst v63  }
0x3f: {  	s21 =	rddreg [dreg:$0x8]  }
0x40: {  	[tilespmem:s29], [sflag:$0x2] =	stream.linear.gather [hbm4b:s21+s4], $0x100, $0x38;
	[tilespmem:$0x1D000] =	vst v63  }
0x41: {  	s22 =	rddreg [dreg:$0x9]  }
0x42: {  	[tilespmem:s30], [sflag:$0x3] =	stream.linear.gather [hbm4b:s22+s4], $0x100, $0x38;
	[tilespmem:$0x1D000] =	vst v63  }
0x43: {  	s23 =	rddreg [dreg:$0x17]  }
0x44: {  	[tilespmem:s31], [sflag:$0x4] =	stream.linear.gather [hbm4b:s23+s4], $0x100, $0x38;
	[tilespmem:$0x1D000] =	vst v63  }
0x45: {  	_ =	swait.ge [sflag:s0], $0x100  }
0x46: {  	[sflag:s0] =	ssyncset.done $0x0  }
0x47: {  	[sflag:s0] =	ssyncadd.s32 $0xFFFFFF00  }
0x48: {  	[tilespmem:s6], [sflag:$0x5] =	stream.indirect.gather [hbm4b:s2+s1], $0x80, s4, s1, $0xb8;
	[tilespmem:$0x1D000] =	vst v63  }
0x49: {  	_ =	swait.ge [sflag:s7], $0x100  }
0x4a: {  	[sflag:s7] =	ssyncset.done $0x0  }
0x4b: {  	[sflag:s7] =	ssyncadd.s32 $0xFFFFFF00  }
0x4c: {  	[tilespmem:s10], [sflag:$0x6] =	stream.indirect.gather [hbm4b:s2+s1], $0x80, s29, s1, $0xb8;
	[tilespmem:$0x1D000] =	vst v63  }
0x4d: {  	[bflag:$0x0] =	sbarrier.arrive $0xFFFF  }
0x4e: {  	s18 =	simm.s32 $0x0;
	s16 =	rddreg [dreg:$0xf]  }
.LBB2_2:
0x4f: {  	_ =	swait.ge [sflag:s11], $0x3000  }
0x50: {  	[sflag:s11] =	ssyncset.done $0x0  }
0x51: {  	[sflag:s11] =	ssyncadd.s32 $0xFFFFD000  }
0x52: {  	_ =	swait.ge [sflag:s12], $0x100  }
0x53: {  	[sflag:s12] =	ssyncset.done $0x0  }
0x54: {  	[sflag:s12] =	ssyncadd.s32 $0xFFFFFF00  }
0x55: {  	[tilespmem:s13], [sflag:$0x7] =	stream.indirect.gather [hbm4b:s2+s1], $0x80, s30, s1, $0xb8;
	[tilespmem:$0x1D000] =	vst v63  }
0x56: {  	_ = 	snop  }
0x57: {  	[spmem:s3] =	stream.indirect.scatter.add.f32 [tilespmem:s6], [sflag:$0x8], $0x80, s17, s1, $0xb8;
	[tilespmem:$0x1D000] =	vst v63  }
0x58: {  	_ =	swait.ge [sflag:s28], $0x3000  }
0x59: {  	[sflag:s28] =	ssyncset.done $0x0  }
0x5a: {  	s19 =	sadd.s32 s18, s25;
	[sflag:s28] =	ssyncadd.s32 $0xFFFFD000  }
0x5b: {  	[tilespmem:s4], [sflag:$0x1] =	stream.linear.gather [hbm4b:s19+s4], $0x100, $0x38;
	[tilespmem:$0x1D000] =	vst v63  }
0x5c: {  	_ =	swait.ge [sflag:s9], $0x3000  }
0x5d: {  	[sflag:s9] =	ssyncset.done $0x0  }
0x5e: {  	[sflag:s9] =	ssyncadd.s32 $0xFFFFD000  }
0x5f: {  	_ =	swait.ge [sflag:s26], $0x100  }
0x60: {  	[sflag:s26] =	ssyncset.done $0x0  }
0x61: {  	[sflag:s26] =	ssyncadd.s32 $0xFFFFFF00  }
0x62: {  	[tilespmem:s6], [sflag:$0x5] =	stream.indirect.gather [hbm4b:s2+s1], $0x80, s31, s1, $0xb8;
	[tilespmem:$0x1D000] =	vst v63  }
0x63: {  	_ = 	snop  }
0x64: {  	[spmem:s3] =	stream.indirect.scatter.add.f32 [tilespmem:s10], [sflag:$0x8], $0x80, s8, s1, $0xb8;
	[tilespmem:$0x1D000] =	vst v63  }
0x65: {  	_ =	swait.ge [sflag:s28], $0x3000  }
0x66: {  	[sflag:s28] =	ssyncset.done $0x0;
	s21 =	rddreg [dreg:$0x16]  }
0x67: {  	[sflag:s28] =	ssyncadd.s32 $0xFFFFD000;
	s19 =	sadd.s32 s18, s21  }
0x68: {  	[tilespmem:s29], [sflag:$0x2] =	stream.linear.gather [hbm4b:s19+s4], $0x100, $0x38;
	[tilespmem:$0x1D000] =	vst v63  }
0x69: {  	_ =	swait.ge [sflag:s5], $0x3000  }
0x6a: {  	[sflag:s5] =	ssyncset.done $0x0  }
0x6b: {  	[sflag:s5] =	ssyncadd.s32 $0xFFFFD000  }
0x6c: {  	_ =	swait.ge [sflag:s0], $0x100  }
0x6d: {  	[sflag:s0] =	ssyncset.done $0x0  }
0x6e: {  	[sflag:s0] =	ssyncadd.s32 $0xFFFFFF00  }
0x6f: {  	[tilespmem:s10], [sflag:$0x6] =	stream.indirect.gather [hbm4b:s2+s1], $0x80, s4, s1, $0xb8;
	[tilespmem:$0x1D000] =	vst v63  }
0x70: {  	_ = 	snop  }
0x71: {  	[spmem:s3] =	stream.indirect.scatter.add.f32 [tilespmem:s13], [sflag:$0x8], $0x80, s14, s1, $0xb8;
	[tilespmem:$0x1D000] =	vst v63  }
0x72: {  	_ =	swait.ge [sflag:s28], $0x3000  }
0x73: {  	[sflag:s28] =	ssyncset.done $0x0;
	s22 =	rddreg [dreg:$0x15]  }
0x74: {  	[sflag:s28] =	ssyncadd.s32 $0xFFFFD000;
	s19 =	sadd.s32 s18, s22  }
0x75: {  	[tilespmem:s30], [sflag:$0x3] =	stream.linear.gather [hbm4b:s19+s4], $0x100, $0x38;
	[tilespmem:$0x1D000] =	vst v63  }
0x76: {  	_ =	swait.ge [sflag:s11], $0x3000  }
0x77: {  	[sflag:s11] =	ssyncset.done $0x0  }
0x78: {  	[sflag:s11] =	ssyncadd.s32 $0xFFFFD000  }
0x79: {  	_ =	swait.ge [sflag:s7], $0x100  }
0x7a: {  	[sflag:s7] =	ssyncset.done $0x0  }
0x7b: {  	[sflag:s7] =	ssyncadd.s32 $0xFFFFFF00  }
0x7c: {  	[tilespmem:s13], [sflag:$0x7] =	stream.indirect.gather [hbm4b:s2+s1], $0x80, s29, s1, $0xb8;
	[tilespmem:$0x1D000] =	vst v63  }
0x7d: {  	_ = 	snop  }
0x7e: {  	[spmem:s3] =	stream.indirect.scatter.add.f32 [tilespmem:s6], [sflag:$0x8], $0x80, s15, s1, $0xb8;
	[tilespmem:$0x1D000] =	vst v63  }
0x7f: {  	_ =	swait.ge [sflag:s28], $0x3000  }
0x80: {  	[sflag:s28] =	ssyncset.done $0x0;
	s23 =	rddreg [dreg:$0x14]  }
0x81: {  	[sflag:s28] =	ssyncadd.s32 $0xFFFFD000;
	s19 =	sadd.s32 s18, s23  }
0x82: {  	[tilespmem:s31], [sflag:$0x4] =	stream.linear.gather [hbm4b:s19+s4], $0x100, $0x38;
	[tilespmem:$0x1D000] =	vst v63  }
0x83: {  	_ =	swait.ge [sflag:s9], $0x3000  }
0x84: {  	[sflag:s9] =	ssyncset.done $0x0  }
0x85: {  	[sflag:s9] =	ssyncadd.s32 $0xFFFFD000  }
0x86: {  	_ =	swait.ge [sflag:s12], $0x100  }
0x87: {  	[sflag:s12] =	ssyncset.done $0x0  }
0x88: {  	[sflag:s12] =	ssyncadd.s32 $0xFFFFFF00  }
0x89: {  	[tilespmem:s6], [sflag:$0x5] =	stream.indirect.gather [hbm4b:s2+s1], $0x80, s30, s1, $0xb8;
	[tilespmem:$0x1D000] =	vst v63  }
0x8a: {  	_ = 	snop  }
0x8b: {  	[spmem:s3] =	stream.indirect.scatter.add.f32 [tilespmem:s10], [sflag:$0x8], $0x80, s17, s1, $0xb8;
	[tilespmem:$0x1D000] =	vst v63  }
0x8c: {  	_ =	swait.ge [sflag:s28], $0x3000  }
0x8d: {  	[sflag:s28] =	ssyncset.done $0x0;
	s20 =	rddreg [dreg:$0x13]  }
0x8e: {  	[sflag:s28] =	ssyncadd.s32 $0xFFFFD000;
	s19 =	sadd.s32 s18, s20  }
0x8f: {  	[tilespmem:s4], [sflag:$0x1] =	stream.linear.gather [hbm4b:s19+s4], $0x100, $0x38;
	[tilespmem:$0x1D000] =	vst v63  }
0x90: {  	_ =	swait.ge [sflag:s5], $0x3000  }
0x91: {  	[sflag:s5] =	ssyncset.done $0x0  }
0x92: {  	[sflag:s5] =	ssyncadd.s32 $0xFFFFD000  }
0x93: {  	_ =	swait.ge [sflag:s26], $0x100  }
0x94: {  	[sflag:s26] =	ssyncset.done $0x0  }
0x95: {  	[sflag:s26] =	ssyncadd.s32 $0xFFFFFF00  }
0x96: {  	[tilespmem:s10], [sflag:$0x6] =	stream.indirect.gather [hbm4b:s2+s1], $0x80, s31, s1, $0xb8;
	[tilespmem:$0x1D000] =	vst v63  }
0x97: {  	_ = 	snop  }
0x98: {  	[spmem:s3] =	stream.indirect.scatter.add.f32 [tilespmem:s13], [sflag:$0x8], $0x80, s8, s1, $0xb8;
	[tilespmem:$0x1D000] =	vst v63  }
0x99: {  	_ =	swait.ge [sflag:s28], $0x3000  }
0x9a: {  	[sflag:s28] =	ssyncset.done $0x0;
	s21 =	rddreg [dreg:$0x12]  }
0x9b: {  	[sflag:s28] =	ssyncadd.s32 $0xFFFFD000;
	s19 =	sadd.s32 s18, s21  }
0x9c: {  	[tilespmem:s29], [sflag:$0x2] =	stream.linear.gather [hbm4b:s19+s4], $0x100, $0x38;
	[tilespmem:$0x1D000] =	vst v63  }
0x9d: {  	_ =	swait.ge [sflag:s11], $0x3000  }
0x9e: {  	[sflag:s11] =	ssyncset.done $0x0  }
0x9f: {  	[sflag:s11] =	ssyncadd.s32 $0xFFFFD000  }
0xa0: {  	_ =	swait.ge [sflag:s0], $0x100  }
0xa1: {  	[sflag:s0] =	ssyncset.done $0x0  }
0xa2: {  	[sflag:s0] =	ssyncadd.s32 $0xFFFFFF00  }
0xa3: {  	[tilespmem:s13], [sflag:$0x7] =	stream.indirect.gather [hbm4b:s2+s1], $0x80, s4, s1, $0xb8;
	[tilespmem:$0x1D000] =	vst v63  }
0xa4: {  	_ = 	snop  }
0xa5: {  	[spmem:s3] =	stream.indirect.scatter.add.f32 [tilespmem:s6], [sflag:$0x8], $0x80, s14, s1, $0xb8;
	[tilespmem:$0x1D000] =	vst v63  }
0xa6: {  	_ =	swait.ge [sflag:s28], $0x3000  }
0xa7: {  	[sflag:s28] =	ssyncset.done $0x0;
	s22 =	rddreg [dreg:$0x11]  }
0xa8: {  	[sflag:s28] =	ssyncadd.s32 $0xFFFFD000;
	s19 =	sadd.s32 s18, s22  }
0xa9: {  	[tilespmem:s30], [sflag:$0x3] =	stream.linear.gather [hbm4b:s19+s4], $0x100, $0x38;
	[tilespmem:$0x1D000] =	vst v63  }
0xaa: {  	_ =	swait.ge [sflag:s9], $0x3000  }
0xab: {  	[sflag:s9] =	ssyncset.done $0x0  }
0xac: {  	[sflag:s9] =	ssyncadd.s32 $0xFFFFD000  }
0xad: {  	_ =	swait.ge [sflag:s7], $0x100  }
0xae: {  	[sflag:s7] =	ssyncset.done $0x0  }
0xaf: {  	[sflag:s7] =	ssyncadd.s32 $0xFFFFFF00  }
0xb0: {  	[tilespmem:s6], [sflag:$0x5] =	stream.indirect.gather [hbm4b:s2+s1], $0x80, s29, s1, $0xb8;
	[tilespmem:$0x1D000] =	vst v63  }
0xb1: {  	_ = 	snop  }
0xb2: {  	[spmem:s3] =	stream.indirect.scatter.add.f32 [tilespmem:s10], [sflag:$0x8], $0x80, s15, s1, $0xb8;
	[tilespmem:$0x1D000] =	vst v63  }
0xb3: {  	_ =	swait.ge [sflag:s28], $0x3000  }
0xb4: {  	[sflag:s28] =	ssyncset.done $0x0;
	s23 =	rddreg [dreg:$0x10]  }
0xb5: {  	[sflag:s28] =	ssyncadd.s32 $0xFFFFD000;
	s19 =	sadd.s32 s18, s23  }
0xb6: {  	[tilespmem:s31], [sflag:$0x4] =	stream.linear.gather [hbm4b:s19+s4], $0x100, $0x38;
	[tilespmem:$0x1D000] =	vst v63  }
0xb7: {  	_ =	swait.ge [sflag:s5], $0x3000  }
0xb8: {  	[sflag:s5] =	ssyncset.done $0x0  }
0xb9: {  	[sflag:s5] =	ssyncadd.s32 $0xFFFFD000  }
0xba: {  	_ =	swait.ge [sflag:s12], $0x100  }
0xbb: {  	[sflag:s12] =	ssyncset.done $0x0  }
0xbc: {  	[sflag:s12] =	ssyncadd.s32 $0xFFFFFF00  }
0xbd: {  	[tilespmem:s10], [sflag:$0x6] =	stream.indirect.gather [hbm4b:s2+s1], $0x80, s30, s1, $0xb8;
	[tilespmem:$0x1D000] =	vst v63  }
0xbe: {  	_ = 	snop  }
0xbf: {  	[spmem:s3] =	stream.indirect.scatter.add.f32 [tilespmem:s13], [sflag:$0x8], $0x80, s17, s1, $0xb8;
	[tilespmem:$0x1D000] =	vst v63  }
0xc0: {  	p0 =	seq.s32 s18, $0xC00;
	_ =	swait.ge [sflag:s28], $0x3000  }
0xc1: {  	s19 =	sshrl.u32 @!p0 s16, $0x3;
	[sflag:s28] =	ssyncset.done $0x0  }
0xc2: {  	s20 =	simm.s32 @!p0 $0x0;
	s19 =	sadd.s32 @!p0 s24, s19;
	[sflag:s28] =	ssyncadd.s32 $0xFFFFD000  }
0xc3: {  	[tilespmem:s20], [sflag:$0x1] =	stream.linear.gather @!p0 [hbm4b:s19+s20], $0x100, $0x38;
	[tilespmem:$0x1D000] =	vst v63  }
0xc4: {  	_ =	swait.ge [sflag:s11], $0x3000  }
0xc5: {  	[sflag:s11] =	ssyncset.done $0x0  }
0xc6: {  	[sflag:s11] =	ssyncadd.s32 $0xFFFFD000  }
0xc7: {  	_ =	swait.ge [sflag:s26], $0x100  }
0xc8: {  	[sflag:s26] =	ssyncset.done $0x0  }
0xc9: {  	[sflag:s26] =	ssyncadd.s32 $0xFFFFFF00  }
0xca: {  	[tilespmem:s13], [sflag:$0x7] =	stream.indirect.gather [hbm4b:s2+s1], $0x80, s31, s1, $0xb8;
	[tilespmem:$0x1D000] =	vst v63  }
0xcb: {  	_ = 	snop  }
0xcc: {  	[spmem:s3] =	stream.indirect.scatter.add.f32 [tilespmem:s6], [sflag:$0x8], $0x80, s8, s1, $0xb8;
	[tilespmem:$0x1D000] =	vst v63  }
0xcd: {  	p1 =	sne.s32 s18, $0xC00;
	_ =	swait.ge [sflag:s28], $0x3000  }
0xce: {  	s21 =	simm.s32 @p1 $0x100;
	[sflag:s28] =	ssyncset.done $0x0;
	s19 =	rddreg [dreg:$0xe]  }
0xcf: {  	s20 =	simm.s32 @p1 $0x0;
	[sflag:s28] =	ssyncadd.s32 $0xFFFFD000;
	s19 =	sadd.s32 @p1 s18, s19  }
0xd0: {  	[tilespmem:s21], [sflag:$0x2] =	stream.linear.gather @p1 [hbm4b:s19+s20], $0x100, $0x38;
	[tilespmem:$0x1D000] =	vst v63  }
0xd1: {  	s19 =	simm.s32 @p1 $0x6  }
0xd2: {  	_ =	swait.ge @p1 [sflag:s19], $0x3000  }
0xd3: {  	[sflag:s19] =	ssyncset.done @p1 $0x0  }
0xd4: {  	[sflag:s19] =	ssyncadd.s32 @p1 $0xFFFFD000;
	s19 =	simm.s32 @p1 $0x1  }
0xd5: {  	_ =	swait.ge @p1 [sflag:s19], $0x100  }
0xd6: {  	[sflag:s19] =	ssyncset.done @p1 $0x0  }
0xd7: {  	s22 =	simm.s32 @p1 $0x400;
	[sflag:s19] =	ssyncadd.s32 @p1 $0xFFFFFF00;
	s19 =	simm.s32 @p1 $0x60  }
0xd8: {  	[tilespmem:s22], [sflag:$0x5] =	stream.indirect.gather @p1 [hbm4b:s2+s19], $0x80, s20, s19, $0xb8;
	[tilespmem:$0x1D000] =	vst v63  }
0xd9: {  	s22 =	simm.s32 @!p1 $0x6  }
0xda: {  	_ =	swait.ge @!p1 [sflag:s22], $0x3000  }
0xdb: {  	[sflag:s22] =	ssyncset.done @!p1 $0x0  }
0xdc: {  	[sflag:s22] =	ssyncadd.s32 @!p1 $0xFFFFD000  }
0xdd: {  	[spmem:s3] =	stream.indirect.scatter.add.f32 [tilespmem:s10], [sflag:$0x8], $0x80, s14, s1, $0xb8;
	[tilespmem:$0x1D000] =	vst v63  }
0xde: {  	_ =	swait.ge [sflag:s28], $0x3000  }
0xdf: {  	[sflag:s28] =	ssyncset.done $0x0;
	s22 =	rddreg [dreg:$0xd]  }
0xe0: {  	s23 =	simm.s32 @p1 $0x200;
	[sflag:s28] =	ssyncadd.s32 $0xFFFFD000;
	s22 =	sadd.s32 @p1 s18, s22  }
0xe1: {  	[tilespmem:s23], [sflag:$0x3] =	stream.linear.gather @p1 [hbm4b:s22+s20], $0x100, $0x38;
	[tilespmem:$0x1D000] =	vst v63  }
0xe2: {  	s20 =	simm.s32 @p1 $0x7  }
0xe3: {  	_ =	swait.ge @p1 [sflag:s20], $0x3000  }
0xe4: {  	[sflag:s20] =	ssyncset.done @p1 $0x0  }
0xe5: {  	[sflag:s20] =	ssyncadd.s32 @p1 $0xFFFFD000;
	s20 =	simm.s32 @p1 $0x2  }
0xe6: {  	_ =	swait.ge @p1 [sflag:s20], $0x100  }
0xe7: {  	[sflag:s20] =	ssyncset.done @p1 $0x0  }
0xe8: {  	[sflag:s20] =	ssyncadd.s32 @p1 $0xFFFFFF00;
	s20 =	simm.s32 @p1 $0x3400  }
0xe9: {  	[tilespmem:s20], [sflag:$0x6] =	stream.indirect.gather @p1 [hbm4b:s2+s19], $0x80, s21, s19, $0xb8;
	[tilespmem:$0x1D000] =	vst v63  }
0xea: {  	s19 =	simm.s32 @!p1 $0x7  }
0xeb: {  	_ =	swait.ge @!p1 [sflag:s19], $0x3000  }
0xec: {  	[sflag:s19] =	ssyncset.done @!p1 $0x0  }
.Ltmp2:
0xed: {  	[sflag:s19] =	ssyncadd.s32 @!p1 $0xFFFFD000;
	(pc) =	sbr.rel @p0 .LBB2_4-.Ltmp2, $4  }
0xee: {  	[spmem:s3] =	stream.indirect.scatter.add.f32 [tilespmem:s13], [sflag:$0x8], $0x80, s15, s1, $0xb8;
	[tilespmem:$0x1D000] =	vst v63  }
0xef: {  	_ =	swait.ge [sflag:s28], $0x3000  }
0xf0: {  	[sflag:s28] =	ssyncset.done $0x0  }
0xf1: {  	[sflag:s28] =	ssyncadd.s32 $0xFFFFD000  }
.Ltmp3:
0xf2: {  	(pc) =	sbr.rel .LBB2_2-.Ltmp3, $4  }
0xf3: {  	_ = 	snop  }
0xf4: {  	s19 =	rddreg [dreg:$0xc]  }
0xf5: {  	s16 =	sadd.s32 $0xC00, s16;
	s19 =	sadd.s32 s18, s19;
	s18 =	sadd.s32 $0x180, s18  }
0xf6: {  	[tilespmem:s31], [sflag:$0x4] =	stream.linear.gather [hbm4b:s19+s4], $0x100, $0x38;
	[tilespmem:$0x1D000] =	vst v63  }
.LBB2_5:
0xf7: {  	_ =	sfence.sel $0x180000  }
0xf8: {  	[bflag:$0x0] =	sbarrier.arrive $0xFFFF  }
0xf9: {  	_ =	strace $0x9000004D  }
0xfa: {  	s0 =	stileid.u32;
	[bflag:$0x2] =	sbarrier.arrive $0xFFFF  }
0xfb: {  	p0 =	sne.s32 s0, $0x0;
	s0 =	rddreg [dreg:$0x3]  }
0xfc: {  	s0 =	sadd.s32 @!p0 $0x100000, s0  }
0xfd: {  	[sflag:s0] =	ssyncadd.tile.s32 @!p0 $0x1;
	_ =	shalt  }
.Lfunc_end2:
_tile_overlayer_lowered:
.L_overlay_start_2:
0xfe: {  	(tag) =	ssettag $0x2  }
0xff: {  	s0 =	rddreg [dreg:$0x0];
	s2 =	stileid.u32  }
0x100: {  	s1 =	rddreg [dreg:$0x1];
	p0 =	sne.s32 s2, $0x0  }
0x101: {  	s3 =	rddreg [dreg:$0x2];
	[bflag:$0x3] =	sbarrier.arrive $0xFFFF;
	s2 =	simm.s32 @!p0 $0x1C08  }
0x102: {  	[timem:s3], [sflag:s2] =	dma.local @!p0 [hbm:s0], s1  }
0x103: {  	s0 =	simm.s32 @!p0 $0x8  }
0x104: {  	_ =	swait.ge @!p0 [sflag:s0], s1  }
0x105: {  	s1 =	ssub.s32 @!p0 $0x0, s1;
	[sflag:s0] =	ssyncset.done @!p0 $0x0  }
0x106: {  	[sflag:s0] =	ssyncadd.s32 @!p0 s1  }
0x107: {  	[bflag:$0x3] =	sbarrier.arrive $0xFFFF  }
0x108: {  	_ =	shalt  }

// kernel: kernel.9.cloned.1.call-start
scs
__scs_entry_jumppad:
0x0: {  	(pc) =	sbr.rel $0x88, $3  }
0x1: {  	(tag) =	ssettag $0x0;
	lr =	simm.s32 $0x1  }
0x2: {  	[smem:$0x3F98] =	sst lr;
	_ =	strace $0xD0000000  }
0x3: {  	_ = 	snop  }
0x4: {  	_ = 	snop  }
0x5: {  	_ = 	snop  }
0x6: {  	_ = 	snop  }
0x7: {  	_ = 	snop  }
__scs_overlays_trampoline_lowered:
0x8: {  	[smem:$0x3FA7] =	sst s0  }
0x9: {  	[smem:$0x3FA8] =	sst s1  }
0xa: {  	[smem:$0x3FA9] =	sst s2  }
0xb: {  	[smem:$0x3FAA] =	sst s3  }
0xc: {  	[smem:$0x3FAB] =	sst s4  }
0xd: {  	[smem:$0x3FAC] =	sst s5  }
0xe: {  	[smem:$0x3FAD] =	sst s6  }
0xf: {  	[smem:$0x3FAE] =	sst s7  }
0x10: {  	[smem:$0x3FAF] =	sst s8  }
0x11: {  	[smem:$0x3FB0] =	sst s9;
	s0 =	simm.s32 @!p0 $0x0  }
0x12: {  	s1 =	sld [smem:$0x3F96];
	s0 =	simm.s32 @p0 $0x1  }
0x13: {  	[smem:$0x3FB1] =	sst s0;
	s0 =	simm.s32 @!p1 $0x0  }
0x14: {  	s2 =	sld [smem:$0x3F95];
	s0 =	simm.s32 @p1 $0x1  }
0x15: {  	[smem:$0x3FB2] =	sst s0;
	s0 =	simm.s32 @!p2 $0x0  }
0x16: {  	s3 =	sld [smem:$0x3FDB];
	s0 =	simm.s32 @p2 $0x1  }
0x17: {  	s4 =	simm.s32 $0x1BF5;
	[smem:$0x3FB4] =	sst s0  }
0x18: {  	s0 =	sld [smem:$0x3F97];
	_ =	swait.ge [sflag:s4], $0x0  }
0x19: {  	s7 =	sld [smem:$0x3F98]  }
0x1a: {  	s8 =	sadd.s32 $0xFFFFE003, lr  }
0x1b: {  	s9 =	sadd.s32 $0xFFFFFEF7, lr;
	s5 =	simm.s32 $0xFFFFFFFF;
	p2 =	slt.u32 s8, $0xFFFFF086  }
0x1c: {  	p1 =	slt.u32 s9, $0xF7A;
	s5 =	simm.s32 @!p2 $0x0  }
0x1d: {  	s5 =	simm.s32 @p1 $0x1;
	p0 =	seq.s32 s7, s2  }
0x1e: {  	s7 =	smul.u32 @!p0 $0xF7A, s2;
	p2 =	seq.s32 @!p0 s5, $0x0  }
0x1f: {  	s9 =	smul.u32 $0xF7A, s1;
	s8 =	simm.s32 @!p0 $0x1BF5;
	p2 =	por !p2, p0  }
0x20: {  	[sflag:s8] =	ssyncset.s32 @!p0 $0xFFFFF086;
	s6 =	sadd.s32 @!p0 s3, s7;
	s7 =	simm.s32 @!p0 $0x108  }
0x21: {  	s3 =	sadd.s32 s3, s9;
	s6 =	sadd.s32 @!p0 $0x88, s6;
	s7 =	simm.s32 @p2 $0x1082  }
0x22: {  	[simem:s7], [sflag:s8] =	dma.local @!p0 [hbm:s6], $0xF7A  }
0x23: {  	s9 =	sor.u32 $0xD0000000, s2;
	s6 =	simm.s32 $0x108;
	_ =	swait.ge @!p0 [sflag:s8], $0x0  }
0x24: {  	s3 =	sadd.s32 $0x88, s3;
	s6 =	simm.s32 @!p1 $0x1082;
	[sflag:s4] =	ssyncset.s32 $0xFFFFF086  }
0x25: {  	[simem:s6], [sflag:s4] =	dma.local [hbm:s3], $0xF7A  }
0x26: {  	[smem:$0x3F98] =	sst s1;
	(tag) =	ssettag s2;
	_ =	strace s9  }
0x27: {  	s1 =	sld [smem:$0x3FA8]  }
0x28: {  	s2 =	sld [smem:$0x3FA9]  }
0x29: {  	s4 =	sld [smem:$0x3FAB]  }
0x2a: {  	p0 =	seq.s32 s5, $0x0;
	s5 =	sld [smem:$0x3FAC]  }
0x2b: {  	s6 =	sld [smem:$0x3FAD]  }
0x2c: {  	s7 =	sld [smem:$0x3FAE]  }
0x2d: {  	s3 =	simm.s32 $0x108;
	s8 =	sld [smem:$0x3FAF]  }
0x2e: {  	s3 =	simm.s32 @!p0 $0x1082;
	s9 =	sld [smem:$0x3FB0]  }
0x2f: {  	lr =	sadd.s32 s0, s3;
	s0 =	sld [smem:$0x3FA7]  }
0x30: {  	s3 =	sld [smem:$0x3FAA]  }
0x31: {  	[smem:$0x3FB3] =	sst s10  }
0x32: {  	s10 =	sld [smem:$0x3FB1];
	_ =	sdelay $0x3  }
0x33: {  	p0 =	seq.s32 s10, $0x1;
	s10 =	sld [smem:$0x3FB3];
	_ =	sdelay $0x3  }
0x34: {  	[smem:$0x3FB3] =	sst s10  }
0x35: {  	s10 =	sld [smem:$0x3FB2];
	_ =	sdelay $0x3  }
0x36: {  	p1 =	seq.s32 s10, $0x1;
	s10 =	sld [smem:$0x3FB3];
	_ =	sdelay $0x3  }
0x37: {  	[smem:$0x3FB3] =	sst s10  }
0x38: {  	s10 =	sld [smem:$0x3FB4]  }
0x39: {  	_ = 	snop;
	(pc) =	sbr.ind lr, $3  }
0x3a: {  	_ = 	snop  }
0x3b: {  	_ = 	snop  }
0x3c: {  	p2 =	seq.s32 s10, $0x1;
	s10 =	sld [smem:$0x3FB3]  }
0x3d: {  	_ =	shalt  }
0x3e: {  	_ =	shalt  }
0x3f: {  	_ =	shalt  }
0x40: {  	_ =	shalt  }
0x41: {  	_ =	shalt  }
0x42: {  	_ =	shalt  }
0x43: {  	_ =	shalt  }
0x44: {  	_ =	shalt  }
0x45: {  	_ =	shalt  }
0x46: {  	_ =	shalt  }
0x47: {  	_ =	shalt  }
0x48: {  	_ =	shalt  }
0x49: {  	_ =	shalt  }
0x4a: {  	_ =	shalt  }
0x4b: {  	_ =	shalt  }
0x4c: {  	_ =	shalt  }
0x4d: {  	_ =	shalt  }
0x4e: {  	_ =	shalt  }
0x4f: {  	_ =	shalt  }
0x50: {  	_ =	shalt  }
0x51: {  	_ =	shalt  }
0x52: {  	_ =	shalt  }
0x53: {  	_ =	shalt  }
0x54: {  	_ =	shalt  }
0x55: {  	_ =	shalt  }
0x56: {  	_ =	shalt  }
0x57: {  	_ =	shalt  }
0x58: {  	_ =	shalt  }
0x59: {  	_ =	shalt  }
0x5a: {  	_ =	shalt  }
0x5b: {  	_ =	shalt  }
0x5c: {  	_ =	shalt  }
0x5d: {  	_ =	shalt  }
0x5e: {  	_ =	shalt  }
0x5f: {  	_ =	shalt  }
0x60: {  	_ =	shalt  }
0x61: {  	_ =	shalt  }
0x62: {  	_ =	shalt  }
0x63: {  	_ =	shalt  }
0x64: {  	_ =	shalt  }
0x65: {  	_ =	shalt  }
0x66: {  	_ =	shalt  }
0x67: {  	_ =	shalt  }
0x68: {  	_ =	shalt  }
0x69: {  	_ =	shalt  }
0x6a: {  	_ =	shalt  }
0x6b: {  	_ =	shalt  }
0x6c: {  	_ =	shalt  }
0x6d: {  	_ =	shalt  }
0x6e: {  	_ =	shalt  }
0x6f: {  	_ =	shalt  }
0x70: {  	_ =	shalt  }
0x71: {  	_ =	shalt  }
0x72: {  	_ =	shalt  }
0x73: {  	_ =	shalt  }
0x74: {  	_ =	shalt  }
0x75: {  	_ =	shalt  }
0x76: {  	_ =	shalt  }
0x77: {  	_ =	shalt  }
0x78: {  	_ =	shalt  }
0x79: {  	_ =	shalt  }
0x7a: {  	_ =	shalt  }
0x7b: {  	_ =	shalt  }
0x7c: {  	_ =	shalt  }
0x7d: {  	_ =	shalt  }
0x7e: {  	_ =	shalt  }
0x7f: {  	_ =	shalt  }
0x80: {  	_ =	shalt  }
0x81: {  	_ =	shalt  }
0x82: {  	_ =	shalt  }
0x83: {  	_ =	shalt  }
0x84: {  	_ =	shalt  }
0x85: {  	_ =	shalt  }
0x86: {  	_ =	shalt  }
0x87: {  	_ =	shalt  }
.Lfunc_end0:
.L_simem_size_0:
called_computation_lowered:
.L_overlay_start_0:
0x88: {  	s2 =	sld [smem:$0x3FD9]  }
0x89: {  	s3 =	sld [smem:$0x3FFE];
	_ =	sdelay $0x1  }
0x8a: {  	s1 =	srdreg.scid  }
0x8b: {  	s0 =	sand.u32 $0x1, s1  }
0x8c: {  	s14 =	sshll.u32 s0, $0xA;
	s2 =	sadd.s32 s3, s2  }
0x8d: {  	s2 =	sadd.s32 s2, s14  }
0x8e: {  	[smem:$0x3FBF] =	sst s2  }
0x8f: {  	_ = 	snop  }
0x90: {  	s2 =	sld [smem:$0x3FD0];
	_ =	sdelay $0x2  }
0x91: {  	s15 =	simm.s32 $0xA;
	s4 =	simm.s32 $0x10  }
0x92: {  	[smem:s4], [sflag:s15] =	dma.local [hbm:s2], $0x1  }
0x93: {  	_ =	swait.eq [sflag:s15], $0x1  }
0x94: {  	[sflag:s15] =	ssyncset.done $0x0  }
0x95: {  	s16 =	sld [smem:$0x10];
	[sflag:s15] =	ssyncadd.s32 $0xFFFFFFFF  }
0x96: {  	s17 =	sld [smem:$0x11];
	(tm) =	ssettm $0x1  }
0x97: {  	s18 =	sld [smem:$0x3FFB];
	_ =	sdelay $0x3  }
0x98: {  	_ =	strace s18  }
0x99: {  	s4 =	sld [smem:$0x3FFC];
	_ =	sdelay $0x3  }
0x9a: {  	_ =	strace s4  }
0x9b: {  	s4 =	sld [smem:$0x3FFD];
	_ =	sdelay $0x3  }
0x9c: {  	_ =	strace s4  }
0x9d: {  	_ =	strace $0x8FFFFFFF  }
0x9e: {  	s19 =	sld [smem:$0x3FDB];
	_ =	sdelay $0x1  }
0x9f: {  	s5 =	simm.s32 $_scs_section_size  }
0xa0: {  	s6 =	simm.s32 $_size__tile_overlayer_lowered;
	s7 =	simm.s32 $_tile_overlayer_lowered  }
0xa1: {  	s22 =	simm.s32 $0x1BFF;
	s21 =	sshll.u32 s7, $0x1;
	s4 =	sadd.s32 s5, s19  }
0xa2: {  	s8 =	simm.s32 $0x0;
	s20 =	sshll.u32 s6, $0x1;
	s6 =	sadd.s32 s21, s4  }
0xa3: {  	[timem:s8], [sflag:s22] =	dma.local [hbm:s6], s20  }
0xa4: {  	_ =	swait.ge [sflag:s22], s20  }
0xa5: {  	s5 =	ssub.s32 $0x0, s20;
	[sflag:s22] =	ssyncset.done $0x0  }
0xa6: {  	[sflag:s22] =	ssyncadd.s32 s5;
	_ =	sdelay $0x1  }
0xa7: {  	s23 =	simm.s32 $0x1B8B  }
0xa8: {  	_ =	swait.ge [sflag:s23], $0x1  }
0xa9: {  	[sflag:s23] =	ssyncset.done $0x0  }
0xaa: {  	s25 =	simm.s32 $0x1B8E;
	s24 =	sld [smem:$0x3FFE];
	[sflag:s23] =	ssyncadd.s32 $0xFFFFFFFF  }
0xab: {  	s26 =	simm.s32 $execute0_lowered;
	[smem:$0x3FD2] =	sst s25  }
0xac: {  	s6 =	sshll.u32 s26, $0x1;
	_ =	strace $0x80000046;
	[dreg:$0x1] =	wrdreg $0xFFFFFFFF  }
0xad: {  	s28 =	simm.s32 $_size_execute0_lowered;
	s4 =	sadd.s32 s4, s6;
	[dreg:$0x0] =	wrdreg $0x0  }
0xae: {  	s6 =	sshll.u32 s28, $0x1;
	[dreg:$0x2] =	wrdreg s4  }
0xaf: {  	[dreg:$0x3] =	wrdreg s6  }
0xb0: {  	[dreg:$0x4] =	wrdreg $0xC0  }
0xb1: {  	_ =	task [dreg:s8], $0x5FFFF  }
0xb2: {  	[dreg:$0x1] =	wrdreg $0xFFFFFFFF  }
0xb3: {  	[dreg:$0x0] =	wrdreg $0x60  }
0xb4: {  	[dreg:$0x2] =	wrdreg s17  }
0xb5: {  	[dreg:$0x3] =	wrdreg s24  }
0xb6: {  	[dreg:$0x4] =	wrdreg s16  }
0xb7: {  	[dreg:$0x5] =	wrdreg $0x68000  }
0xb8: {  	[dreg:$0x6] =	wrdreg $0x9  }
0xb9: {  	_ =	task.clear_ibuf [dreg:s8], $0x7FFFF;
	_ =	strace $0x90000046  }
0xba: {  	s29 =	simm.s32 $0x9;
	_ =	strace $0x80000048  }
0xbb: {  	_ =	swait.ge [sflag:s29], $0x1  }
0xbc: {  	[sflag:s29] =	ssyncadd.s32 $0xFFFFFFFF  }
0xbd: {  	_ =	strace $0x90000048  }
0xbe: {  	_ =	sfence  }
0xbf: {  	s30 =	sld [smem:$0x0];
	_ =	sdelay $0x2  }
0xc0: {  	s31 =	sshll.u32 s1, $0xD;
	s1 =	sshrl.u32 s1, $0x2  }
0xc1: {  	s3 =	sand.u32 $0x4000, s31;
	s1 =	sadd.s32 s1, s30  }
0xc2: {  	s0 =	sor.u32 s3, s0;
	s1 =	sshll.u32 s1, $0x11  }
0xc3: {  	s0 =	sor.u32 s1, s0  }
0xc4: {  	s0 =	sadd.s32 $0x8F2B, s0  }
0xc5: {  	[sflag:s0] =	ssyncadd.remote.s32 $0x1  }
0xc6: {  	_ =	sfence.sel $0xFFFF  }
0xc7: {  	[dreg:$0x0] =	wrdreg $0xFFFFFFFF;
	(pc) =	sbr.abs _section_cstart, $3  }
0xc8: {  	[dreg:$0x1] =	wrdreg $0xFFFFFFFF  }
0xc9: {  	_ =	task.clear_ibuf [dreg:s8], $0x2FFFF;
	_ =	strace $0x9FFFFFFF  }
0xca: {  	(tm) =	ssettm $0x7FFFFFFF  }
0xcb: {  	_ =	shalt  }
tec
execute0_lowered:
.L_overlay_start_1:
0x0: {  	(tag) =	ssettag $0x1  }
0x1: {  	s7 =	rddreg [dreg:$0x0]  }
0x2: {  	s5 =	rddreg [dreg:$0x1];
	s0 =	stileid.u32  }
0x3: {  	s1 =	srdreg.scid;
	s2 =	rddreg [dreg:$0x2]  }
0x4: {  	s3 =	rddreg [dreg:$0x3];
	s4 =	simm.s32 $0x0;
	s13 =	simm.s32 $0x60  }
0x5: {  	s14 =	simm.s32 $0x80;
	s15 =	simm.s32 $0x1;
	s16 =	simm.s32 $0x2  }
0x6: {  	s6 =	smul.u32 $0x13C00, s0;
	s8 =	sand.u32 $0x1, s1;
	s1 =	rddreg [dreg:$0x4]  }
0x7: {  	s17 =	simm.s32 $0x0;
	[smem:$0x7FF] =	sst s4;
	s11 =	smul.u32 $0x4F000, s0  }
0x8: {  	s31 =	sshll.u32 s0, $0x6;
	s9 =	smul.u32 $0x13C000, s8;
	_ =	strace $0x80000047  }
0x9: {  	s26 =	ssub.s32 $0x2, s8;
	s8 =	sshll.u32 s8, $0x4;
	s10 =	sshrl.u32 s6, $0x3  }
0xa: {  	s28 =	sshrl.u32 s26, $0x1;
	s29 =	sor.u32 s0, s8;
	s30 =	sshrl.u32 s11, $0x2  }
0xb: {  	s6 =	sadd.s32 s6, s9;
	s25 =	sadd.s32 s10, s5;
	s10 =	ssub.s32 s26, s28  }
0xc: {  	s8 =	smul.u32 $0x700, s29;
	s11 =	sadd.s32 s30, s3;
	s6 =	sshrl.u32 s6, $0x3  }
0xd: {  	s9 =	smax.u32 s10, $0x1;
	s10 =	sshrl.u32 s11, $0x3;
	s11 =	simm.s32 $0x3  }
0xe: {  	s12 =	sadd.s32 s6, s5;
	s5 =	sadd.s32 $0x2E00, s25;
	s6 =	sor.u32 $0x1C03, s31  }
0xf: {  	s7 =	sadd.s32 s7, s8;
	s8 =	sadd.s32 $0x2A600, s12;
	s12 =	simm.s32 $0x3800  }
.LBB2_1:
0x10: {  	[spmem:s10], [sflag:s6] =	dma.local [hbm:s5], $0x2780  }
0x11: {  	_ =	swait.ge [sflag:s11], $0x2780  }
0x12: {  	[sflag:s11] =	ssyncset.done $0x0  }
0x13: {  	[sflag:s11] =	ssyncadd.s32 $0xFFFFD880  }
0x14: {  	[tilespmem:s12], [sflag:$0x3] =	stream.linear.gather [hbm4b:s2+s4], $0x3000, $0x38;
	[tilespmem:$0x1A400] =	vst v63  }
0x15: {  	_ =	swait.ge [sflag:s11], $0x3000  }
0x16: {  	[sflag:s11] =	ssyncset.done $0x0  }
0x17: {  	[sflag:s11] =	ssyncadd.s32 $0xFFFFD000  }
0x18: {  	[tilespmem:s4], [sflag:$0x3] =	stream.linear.gather [hbm4b:s7+s4], $0x3600, $0x38;
	[tilespmem:$0x1A400] =	vst v63  }
0x19: {  	_ =	swait.ge [sflag:s11], $0x3600  }
0x1a: {  	[sflag:s11] =	ssyncset.done $0x0  }
0x1b: {  	[sflag:s11] =	ssyncadd.s32 $0xFFFFCA00  }
0x1c: {  	[bflag:$0x0] =	sbarrier.arrive $0xFFFF  }
0x1d: {  	[spmem:s3] =	stream.indirect.scatter.add.f32 [tilespmem:s12], [sflag:$0x1], $0x80, s4, s13, $0xb8;
	[tilespmem:$0x1A400] =	vst v63  }
0x1e: {  	_ = 	snop  }
0x1f: {  	[spmem:s3] =	stream.indirect.scatter.add.f32 [tilespmem:s12], [sflag:$0x2], $0x80, s14, s13, $0xb8;
	[tilespmem:$0x1A400] =	vst v63  }
0x20: {  	_ =	swait.ge [sflag:s15], $0x3000  }
0x21: {  	[sflag:s15] =	ssyncset.done $0x0  }
0x22: {  	s18 =	simm.s32 $0x100;
	[sflag:s15] =	ssyncadd.s32 $0xFFFFD000  }
0x23: {  	[spmem:s3] =	stream.indirect.scatter.add.f32 [tilespmem:s12], [sflag:$0x1], $0x80, s18, s13, $0xb8;
	[tilespmem:$0x1A400] =	vst v63  }
0x24: {  	_ =	swait.ge [sflag:s16], $0x3000  }
0x25: {  	[sflag:s16] =	ssyncset.done $0x0  }
0x26: {  	s19 =	simm.s32 $0x180;
	s18 =	simm.s32 $0xFFFF3000;
	[sflag:s16] =	ssyncadd.s32 $0xFFFFD000  }
.LBB2_2:
0x27: {  	[spmem:s3] =	stream.indirect.scatter.add.f32 [tilespmem:s12], [sflag:$0x2], $0x80, s19, s13, $0xb8;
	[tilespmem:$0x1A400] =	vst v63  }
0x28: {  	s19 =	smov.u32 s18  }
0x29: {  	p0 =	sne.s32 s18, $0xFFFFFC00;
	s18 =	sadd.s32 $0x400, s18;
	_ =	swait.ge [sflag:s15], $0x3000  }
0x2a: {  	s19 =	sshra.s32 s19, $0x2;
	[sflag:s15] =	ssyncset.done $0x0  }
.Ltmp0:
0x2b: {  	s20 =	sadd.s32 $0x3600, s19;
	[sflag:s15] =	ssyncadd.s32 $0xFFFFD000;
	(pc) =	sbr.rel @p0 .LBB2_2-.Ltmp0, $4  }
0x2c: {  	[spmem:s3] =	stream.indirect.scatter.add.f32 [tilespmem:s12], [sflag:$0x1], $0x80, s20, s13, $0xb8;
	[tilespmem:$0x1A400] =	vst v63  }
0x2d: {  	_ =	swait.ge [sflag:s16], $0x3000  }
0x2e: {  	[sflag:s16] =	ssyncset.done $0x0  }
0x2f: {  	s19 =	sadd.s32 $0x3680, s19;
	[sflag:s16] =	ssyncadd.s32 $0xFFFFD000  }
0x30: {  	[spmem:s3] =	stream.indirect.scatter.add.f32 [tilespmem:s12], [sflag:$0x2], $0x80, s19, s13, $0xb8;
	[tilespmem:$0x1A400] =	vst v63  }
0x31: {  	_ =	swait.ge [sflag:s15], $0x3000  }
0x32: {  	[sflag:s15] =	ssyncset.done $0x0  }
0x33: {  	[sflag:s15] =	ssyncadd.s32 $0xFFFFD000  }
0x34: {  	_ =	swait.ge [sflag:s16], $0x3000  }
0x35: {  	s17 =	sadd.s32 $0x1, s17;
	[sflag:s16] =	ssyncset.done $0x0  }
0x36: {  	p0 =	sne.s32 s17, s9;
	[sflag:s16] =	ssyncadd.s32 $0xFFFFD000  }
.Ltmp1:
0x37: {  	[bflag:$0x0] =	sbarrier.arrive $0xFFFF;
	(pc) =	sbr.rel @p0 .LBB2_1-.Ltmp1, $4  }
0x38: {  	[hbm:s8], [sflag:s6] =	dma.local [spmem:s10], $0x2780  }
0x39: {  	_ =	swait.ge [sflag:s11], $0x2780  }
0x3a: {  	[sflag:s11] =	ssyncset.done $0x0  }
0x3b: {  	[sflag:s11] =	ssyncadd.s32 $0xFFFFD880  }
0x3c: {  	_ =	sfence.sel $0x180000  }
0x3d: {  	[bflag:$0x0] =	sbarrier.arrive $0xFFFF  }
0x3e: {  	p0 =	sne.s32 s0, $0x0;
	_ =	strace $0x90000047  }
0x3f: {  	s0 =	sadd.s32 @!p0 $0x100000, s1;
	[bflag:$0x2] =	sbarrier.arrive $0xFFFF  }
0x40: {  	[sflag:s0] =	ssyncadd.tile.s32 @!p0 $0x1;
	_ =	shalt  }
.Lfunc_end2:
_tile_overlayer_lowered:
.L_overlay_start_2:
0x41: {  	(tag) =	ssettag $0x2  }
0x42: {  	s0 =	rddreg [dreg:$0x0];
	s2 =	stileid.u32  }
0x43: {  	s1 =	rddreg [dreg:$0x1];
	p0 =	sne.s32 s2, $0x0  }
0x44: {  	s3 =	rddreg [dreg:$0x2];
	[bflag:$0x3] =	sbarrier.arrive $0xFFFF;
	s2 =	simm.s32 @!p0 $0x1C03  }
0x45: {  	[timem:s3], [sflag:s2] =	dma.local @!p0 [hbm:s0], s1  }
0x46: {  	s0 =	simm.s32 @!p0 $0x3  }
0x47: {  	_ =	swait.ge @!p0 [sflag:s0], s1  }
0x48: {  	s1 =	ssub.s32 @!p0 $0x0, s1;
	[sflag:s0] =	ssyncset.done @!p0 $0x0  }
0x49: {  	[sflag:s0] =	ssyncadd.s32 @!p0 s1  }
0x4a: {  	[bflag:$0x3] =	sbarrier.arrive $0xFFFF  }
0x4b: {  	_ =	shalt  }

</sc_bundles>
